<compile_context>
chip_gen: v7x
topology: tpu7x:2x2x1
jax: 0.10.2.dev20260603
libtpu: 0.0.44.dev20260713+nightly
codegen_flags: <defaults>
</compile_context>

<pallas_src>
import functools

import jax
import jax.numpy as jnp
from jax import lax
from jax.experimental import pallas as pl
from jax.experimental.pallas import tpu as pltpu
from jax.experimental.pallas import tpu_sc as plsc

NC = 2
NS = 16
NW = NC * NS
L = 16

B, S, E = 1024, 512, 64
N = B * S
CH = 256
NCH = N // NW // CH
GI = 128
NG = CH // GI
EV = E // L
SG = 4
EPS = 1e-12
INV_E = 1.0 / E


def _rsqrt(w):
    i = lax.bitcast_convert_type(w, jnp.int32)
    i = 0x5F3759DF - lax.shift_right_arithmetic(i, 1)
    y = lax.bitcast_convert_type(i, jnp.float32)
    h = w * 0.5
    y = y * (1.5 - h * y * y)
    y = y * (1.5 - h * y * y)
    return y


def _body(ids_hbm, tids_hbm, tok_hbm, pos_hbm, type_hbm, gam_hbm, bet_hbm,
          out_hbm, idsb, tidb, tfl, tb, pos0, dbuf, gbuf, bbuf, rows,
          obuf, sbuf, qbuf, gsem, osem):
    wid = lax.axis_index("s") * NC + lax.axis_index("c")
    wbase = wid * (NCH * CH)
    wrow = wid * (NCH * CH // GI)

    pltpu.sync_copy(pos_hbm, pos0)
    pltpu.sync_copy(type_hbm, tb)
    pltpu.sync_copy(gam_hbm, gbuf)
    pltpu.sync_copy(bet_hbm, bbuf)

    for k in range(EV):
        dbuf[pl.ds(k * L, L)] = tb[1, pl.ds(k * L, L)] - tb[0, pl.ds(k * L, L)]

    def _preadd(s, _):
        for k in range(EV):
            pos0[s, pl.ds(k * L, L)] = (pos0[s, pl.ds(k * L, L)]
                                        + tb[0, pl.ds(k * L, L)])
        return ()

    lax.fori_loop(0, S, _preadd, (), unroll=4)

    d = [dbuf[pl.ds(k * L, L)] for k in range(EV)]
    gm = [gbuf[pl.ds(k * L, L)] for k in range(EV)]
    bt = [bbuf[pl.ds(k * L, L)] for k in range(EV)]
    lanes = lax.iota(jnp.int32, L)

    def _splat(v, j):
        return v.at[jnp.full((L,), j, jnp.int32)].get(mode="promise_in_bounds")

    def _stage(g, b):
        pltpu.sync_copy(ids_hbm.at[pl.ds(wrow + g * NG, NG)], idsb[b])
        pltpu.sync_copy(tids_hbm.at[pl.ds(wrow + g * NG, NG)], tidb[b])

    def _gather(g, b, start):
        for j in range(NG):
            c = pltpu.make_async_copy(
                tok_hbm.at[idsb[b].at[j]],
                rows[b].at[pl.ds(j * GI, GI)], gsem[b])
            if start:
                c.start()
            else:
                c.wait()

    def _outcopy(g, b, start):
        c = pltpu.make_async_copy(
            obuf[b], out_hbm.at[pl.ds((wbase + g * CH) // 2, CH // 2)],
            osem[b])
        if start:
            c.start()
        else:
            c.wait()

    def _compute(g, b, poff):
        for j in range(NG):
            def _cvt_row(i, _, j=j):
                tfl[pl.ds(j * GI + i * L, L)] = (
                    tidb[b][j, pl.ds(i * L, L)].astype(jnp.float32))
                return ()
            lax.fori_loop(0, GI // L, _cvt_row, (), unroll=4)

        lastmask = lanes == (L - 1)

        def _group(g2, _):
            t0 = g2 * SG
            tfv = tfl[pl.ds(t0, L)]
            xs = []
            for tt in range(SG):
                t = t0 + tt
                tf = _splat(tfv, tt)
                x = [rows[b][t, pl.ds(k * L, L)]
                     + pos0[poff + t, pl.ds(k * L, L)]
                     + tf * d[k] for k in range(EV)]
                xs.append(x)
                s = (x[0] + x[1]) + (x[2] + x[3])
                q = x[0] * x[0] + x[1] * x[1] + x[2] * x[2] + x[3] * x[3]
                plsc.store_compressed(sbuf.at[pl.ds(t, L)],
                                      plsc.cumsum(s), mask=lastmask)
                plsc.store_compressed(qbuf.at[pl.ds(t, L)],
                                      plsc.cumsum(q), mask=lastmask)

            sv = sbuf[pl.ds(t0, L)]
            qv = qbuf[pl.ds(t0, L)]
            meanv = sv * INV_E
            varv = qv * INV_E - meanv * meanv
            invv = _rsqrt(varv + EPS)

            th = g2 * (SG // 2)
            for tt in range(SG):
                m = _splat(meanv, tt)
                iv = _splat(invv, tt)
                for k in range(EV):
                    obuf[b][th + tt // 2, pl.ds((tt % 2) * E + k * L, L)] = (
                        (xs[tt][k] - m) * (iv * gm[k]) + bt[k])

        plsc.parallel_loop(0, CH // SG, 1, unroll=2)(
            lambda g2: _group(g2, ()))

    _stage(0, 0)
    _gather(0, 0, start=True)

    def _iter(i, _):
        for h in range(2):
            g = i * 2 + h
            bb = h
            nb = 1 - h

            @pl.when(g < NCH - 1)
            def _():
                _stage(g + 1, nb)
                _gather(g + 1, nb, start=True)

            _gather(g, bb, start=False)

            @pl.when(g >= 2)
            def _():
                _outcopy(g - 2, bb, start=False)

            _compute(g, bb, poff=(h * CH) % S)
            _outcopy(g, bb, start=True)
        return ()

    lax.fori_loop(0, NCH // 2, _iter, ())
    _outcopy(NCH - 2, 0, start=False)
    _outcopy(NCH - 1, 1, start=False)


@jax.jit
def _run(ids, tids, tok, pos, typ, gam, bet):
    mesh = plsc.VectorSubcoreMesh(core_axis_name="c", subcore_axis_name="s")
    f = functools.partial(
        pl.kernel,
        out_type=jax.ShapeDtypeStruct((N // 2, 2 * E), jnp.float32),
        mesh=mesh,
        scratch_types=[
            [pltpu.VMEM((NG, GI), jnp.int32) for _ in range(2)],
            [pltpu.VMEM((NG, GI), jnp.int32) for _ in range(2)],
            pltpu.VMEM((CH + L,), jnp.float32),
            pltpu.VMEM((2, E), jnp.float32),
            pltpu.VMEM((S, E), jnp.float32),
            pltpu.VMEM((E,), jnp.float32),
            pltpu.VMEM((E,), jnp.float32),
            pltpu.VMEM((E,), jnp.float32),
            [pltpu.VMEM((CH, E), jnp.float32) for _ in range(2)],
            [pltpu.VMEM((CH // 2, 2 * E), jnp.float32)
             for _ in range(2)],
            pltpu.VMEM((CH + L,), jnp.float32),
            pltpu.VMEM((CH + L,), jnp.float32),
            [pltpu.SemaphoreType.DMA for _ in range(2)],
            [pltpu.SemaphoreType.DMA for _ in range(2)],
        ],
        compiler_params=pltpu.CompilerParams(needs_layout_passes=False,
                                             use_tc_tiling_on_sc=False),
    )(_body)
    return f(ids, tids, tok, pos, typ, gam, bet)


def kernel(input_ids, token_type_ids, token_table, pos_table, type_table,
           ln_gamma, ln_beta):
    ids = input_ids.reshape(N // GI, GI).astype(jnp.int32)
    tids = token_type_ids.reshape(N // GI, GI).astype(jnp.int32)
    out = _run(ids, tids, token_table, pos_table, type_table,
               ln_gamma, ln_beta)
    return out.reshape(B, S, E)

# --- scband reference (transcript-rebuilt; emitter-appended) ---
"""Pipeline reference for scband-bert-style-embedding-73151882986035 (READ-ONLY COPY).

The authoritative reference and input builder live on the scoring server;
editing this copy changes nothing except your own understanding.
"""

import jax, jax.numpy as jnp
import numpy as np

VOCAB = 100000
EMBED = 64
MAX_POS = 512
B = 1024
S = 512
EPS = 1e-12


def setup_inputs(seed: int = 0) -> dict:
    key = jax.random.key(seed)
    k_ids, k_tt, k_tok, k_pos, k_type, k_g, k_b = jax.random.split(key, 7)
    input_ids = jax.random.randint(k_ids, (B, S), 0, VOCAB, dtype=jnp.int64)
    token_type_ids = jax.random.randint(k_tt, (B, S), 0, 2, dtype=jnp.int64)
    token_table = jax.random.normal(k_tok, (VOCAB, EMBED), dtype=jnp.float32) * 0.02
    pos_table = jax.random.normal(k_pos, (MAX_POS, EMBED), dtype=jnp.float32) * 0.02
    type_table = jax.random.normal(k_type, (2, EMBED), dtype=jnp.float32) * 0.02
    ln_gamma = jnp.ones((EMBED,), dtype=jnp.float32)
    ln_beta = jnp.zeros((EMBED,), dtype=jnp.float32)
    return {
        "input_ids": input_ids,
        "token_type_ids": token_type_ids,
        "token_table": token_table,
        "pos_table": pos_table,
        "type_table": type_table,
        "ln_gamma": ln_gamma,
        "ln_beta": ln_beta,
    }


def reference(input_ids, token_type_ids, token_table, pos_table, type_table, ln_gamma, ln_beta):
    seq_length = input_ids.shape[1]
    # token embedding lookup (gather)
    token_embeddings = jnp.take(token_table, input_ids, axis=0)
    # position ids: arange expanded to [B, S]
    position_ids = jnp.arange(seq_length, dtype=jnp.int32)
    position_ids = jnp.broadcast_to(position_ids[None, :], input_ids.shape)
    position_embeddings = jnp.take(pos_table, position_ids, axis=0)
    embeddings = token_embeddings + position_embeddings
    # token type embedding lookup
    token_type_embeddings = jnp.take(type_table, token_type_ids, axis=0)
    embeddings = embeddings + token_type_embeddings
    # LayerNorm over last dim, eps=1e-12
    mean = jnp.mean(embeddings, axis=-1, keepdims=True)
    var = jnp.mean(jnp.square(embeddings - mean), axis=-1, keepdims=True)
    normed = (embeddings - mean) / jnp.sqrt(var + EPS)
    out = normed * ln_gamma + ln_beta
    return out

if __name__ == "__main__":
    import jax
    _d = setup_inputs()
    print(jax.jit(kernel)(*tuple(_d.values())))

</pallas_src>

<mosaic_0001>
#map = affine_map<(d0, d1) -> (0, 0)>
#map1 = affine_map<(d0, d1) -> (0)>
module attributes {stable_mosaic.version = 14 : i64} {
  func.func @_body(%arg0: i32, %arg1: i32, %arg2: memref<4096x128xi32, #tpu.memory_space<hbm>>, %arg3: memref<4096x128xi32, #tpu.memory_space<hbm>>, %arg4: memref<100000x64xf32, #tpu.memory_space<hbm>>, %arg5: memref<512x64xf32, #tpu.memory_space<hbm>>, %arg6: memref<2x64xf32, #tpu.memory_space<hbm>>, %arg7: memref<64xf32, #tpu.memory_space<hbm>>, %arg8: memref<64xf32, #tpu.memory_space<hbm>>, %arg9: memref<262144x128xf32, #tpu.memory_space<hbm>>, %arg10: memref<2x128xi32, #tpu.memory_space<vmem>>, %arg11: memref<2x128xi32, #tpu.memory_space<vmem>>, %arg12: memref<2x128xi32, #tpu.memory_space<vmem>>, %arg13: memref<2x128xi32, #tpu.memory_space<vmem>>, %arg14: memref<272xf32, #tpu.memory_space<vmem>>, %arg15: memref<2x64xf32, #tpu.memory_space<vmem>>, %arg16: memref<512x64xf32, #tpu.memory_space<vmem>>, %arg17: memref<64xf32, #tpu.memory_space<vmem>>, %arg18: memref<64xf32, #tpu.memory_space<vmem>>, %arg19: memref<64xf32, #tpu.memory_space<vmem>>, %arg20: memref<256x64xf32, #tpu.memory_space<vmem>>, %arg21: memref<256x64xf32, #tpu.memory_space<vmem>>, %arg22: memref<128x128xf32, #tpu.memory_space<vmem>>, %arg23: memref<128x128xf32, #tpu.memory_space<vmem>>, %arg24: memref<272xf32, #tpu.memory_space<vmem>>, %arg25: memref<272xf32, #tpu.memory_space<vmem>>, %arg26: memref<!tpu.dma_semaphore, #tpu.memory_space<semaphore_mem>>, %arg27: memref<!tpu.dma_semaphore, #tpu.memory_space<semaphore_mem>>, %arg28: memref<!tpu.dma_semaphore, #tpu.memory_space<semaphore_mem>>, %arg29: memref<!tpu.dma_semaphore, #tpu.memory_space<semaphore_mem>>) attributes {dimension_semantics = [#tpu.dimension_semantics<core_parallel>, #tpu.dimension_semantics<subcore_parallel>], iteration_bounds = array<i64: 2, 16>, scalar_prefetch = 0 : i64, scratch_operands = 20 : i64, tpu.core_type = #tpu.core_type<sc_vector_subcore>, window_params = [{transform_indices = #map}, {transform_indices = #map}, {transform_indices = #map}, {transform_indices = #map}, {transform_indices = #map}, {transform_indices = #map1}, {transform_indices = #map1}, {transform_indices = #map}]} {
    %mul3A = arith.constant 2 : i32
    %mul3A_0 = arith.muli %arg1, %mul3A : i32
    %add3A = arith.addi %mul3A_0, %arg0 : i32
    %mul3A_1 = arith.constant 16384 : i32
    %mul3A_2 = arith.muli %add3A, %mul3A_1 : i32
    %mul3A_3 = arith.constant 128 : i32
    %mul3A_4 = arith.muli %add3A, %mul3A_3 : i32
    "tpu.region"() ({
      %run_scoped3A = tpu.sem_alloc : memref<!tpu.dma_semaphore, #tpu.memory_space<semaphore_mem>>
      tpu.enqueue_dma source(%arg5 : memref<512x64xf32, #tpu.memory_space<hbm>>) target(%arg16 : memref<512x64xf32, #tpu.memory_space<vmem>>) target_semaphore(%run_scoped3A : memref<!tpu.dma_semaphore, #tpu.memory_space<semaphore_mem>>)
      tpu.wait_dma2 semaphore(%run_scoped3A : memref<!tpu.dma_semaphore, #tpu.memory_space<semaphore_mem>>) src(%arg5 : memref<512x64xf32, #tpu.memory_space<hbm>>) dst(%arg16 : memref<512x64xf32, #tpu.memory_space<vmem>>)
      tpu.yield
    }) : () -> ()
    "tpu.region"() ({
      %run_scoped3A = tpu.sem_alloc : memref<!tpu.dma_semaphore, #tpu.memory_space<semaphore_mem>>
      tpu.enqueue_dma source(%arg6 : memref<2x64xf32, #tpu.memory_space<hbm>>) target(%arg15 : memref<2x64xf32, #tpu.memory_space<vmem>>) target_semaphore(%run_scoped3A : memref<!tpu.dma_semaphore, #tpu.memory_space<semaphore_mem>>)
      tpu.wait_dma2 semaphore(%run_scoped3A : memref<!tpu.dma_semaphore, #tpu.memory_space<semaphore_mem>>) src(%arg6 : memref<2x64xf32, #tpu.memory_space<hbm>>) dst(%arg15 : memref<2x64xf32, #tpu.memory_space<vmem>>)
      tpu.yield
    }) : () -> ()
    "tpu.region"() ({
      %run_scoped3A = tpu.sem_alloc : memref<!tpu.dma_semaphore, #tpu.memory_space<semaphore_mem>>
      tpu.enqueue_dma source(%arg7 : memref<64xf32, #tpu.memory_space<hbm>>) target(%arg18 : memref<64xf32, #tpu.memory_space<vmem>>) target_semaphore(%run_scoped3A : memref<!tpu.dma_semaphore, #tpu.memory_space<semaphore_mem>>)
      tpu.wait_dma2 semaphore(%run_scoped3A : memref<!tpu.dma_semaphore, #tpu.memory_space<semaphore_mem>>) src(%arg7 : memref<64xf32, #tpu.memory_space<hbm>>) dst(%arg18 : memref<64xf32, #tpu.memory_space<vmem>>)
      tpu.yield
    }) : () -> ()
    "tpu.region"() ({
      %run_scoped3A = tpu.sem_alloc : memref<!tpu.dma_semaphore, #tpu.memory_space<semaphore_mem>>
      tpu.enqueue_dma source(%arg8 : memref<64xf32, #tpu.memory_space<hbm>>) target(%arg19 : memref<64xf32, #tpu.memory_space<vmem>>) target_semaphore(%run_scoped3A : memref<!tpu.dma_semaphore, #tpu.memory_space<semaphore_mem>>)
      tpu.wait_dma2 semaphore(%run_scoped3A : memref<!tpu.dma_semaphore, #tpu.memory_space<semaphore_mem>>) src(%arg8 : memref<64xf32, #tpu.memory_space<hbm>>) dst(%arg19 : memref<64xf32, #tpu.memory_space<vmem>>)
      tpu.yield
    }) : () -> ()
    %get3A = arith.constant 1 : i32
    %get3A_5 = arith.index_cast %get3A : i32 to index
    %get3A_6 = arith.constant 0 : index
    %get3A_7 = tpu.vector_load %arg15[%get3A_5, %get3A_6] {strides = array<i32>} : memref<2x64xf32, #tpu.memory_space<vmem>>, vector<16xf32>,
    %get3A_8 = arith.constant 0 : i32
    %get3A_9 = arith.index_cast %get3A_8 : i32 to index
    %get3A_10 = arith.constant 0 : index
    %get3A_11 = tpu.vector_load %arg15[%get3A_9, %get3A_10] {strides = array<i32>} : memref<2x64xf32, #tpu.memory_space<vmem>>, vector<16xf32>,
    %sub3A = arith.subf %get3A_7, %get3A_11 : vector<16xf32>
    %swap3A = arith.constant 0 : index
    %swap3A_12 = tpu.vector_load %arg17[%swap3A] {strides = array<i32>} : memref<64xf32, #tpu.memory_space<vmem>>, vector<16xf32>,
    tpu.vector_store %arg17[%swap3A], %sub3A {strides = array<i32>} : memref<64xf32, #tpu.memory_space<vmem>>, vector<16xf32>,
    %get3A_13 = arith.constant 1 : i32
    %get3A_14 = arith.index_cast %get3A_13 : i32 to index
    %get3A_15 = arith.constant 16 : index
    %get3A_16 = tpu.vector_load %arg15[%get3A_14, %get3A_15] {strides = array<i32>} : memref<2x64xf32, #tpu.memory_space<vmem>>, vector<16xf32>,
    %get3A_17 = arith.constant 0 : i32
    %get3A_18 = arith.index_cast %get3A_17 : i32 to index
    %get3A_19 = arith.constant 16 : index
    %get3A_20 = tpu.vector_load %arg15[%get3A_18, %get3A_19] {strides = array<i32>} : memref<2x64xf32, #tpu.memory_space<vmem>>, vector<16xf32>,
    %sub3A_21 = arith.subf %get3A_16, %get3A_20 : vector<16xf32>
    %swap3A_22 = arith.constant 16 : index
    %swap3A_23 = tpu.vector_load %arg17[%swap3A_22] {strides = array<i32>} : memref<64xf32, #tpu.memory_space<vmem>>, vector<16xf32>,
    tpu.vector_store %arg17[%swap3A_22], %sub3A_21 {strides = array<i32>} : memref<64xf32, #tpu.memory_space<vmem>>, vector<16xf32>,
    %get3A_24 = arith.constant 1 : i32
    %get3A_25 = arith.index_cast %get3A_24 : i32 to index
    %get3A_26 = arith.constant 32 : index
    %get3A_27 = tpu.vector_load %arg15[%get3A_25, %get3A_26] {strides = array<i32>} : memref<2x64xf32, #tpu.memory_space<vmem>>, vector<16xf32>,
    %get3A_28 = arith.constant 0 : i32
    %get3A_29 = arith.index_cast %get3A_28 : i32 to index
    %get3A_30 = arith.constant 32 : index
    %get3A_31 = tpu.vector_load %arg15[%get3A_29, %get3A_30] {strides = array<i32>} : memref<2x64xf32, #tpu.memory_space<vmem>>, vector<16xf32>,
    %sub3A_32 = arith.subf %get3A_27, %get3A_31 : vector<16xf32>
    %swap3A_33 = arith.constant 32 : index
    %swap3A_34 = tpu.vector_load %arg17[%swap3A_33] {strides = array<i32>} : memref<64xf32, #tpu.memory_space<vmem>>, vector<16xf32>,
    tpu.vector_store %arg17[%swap3A_33], %sub3A_32 {strides = array<i32>} : memref<64xf32, #tpu.memory_space<vmem>>, vector<16xf32>,
    %get3A_35 = arith.constant 1 : i32
    %get3A_36 = arith.index_cast %get3A_35 : i32 to index
    %get3A_37 = arith.constant 48 : index
    %get3A_38 = tpu.vector_load %arg15[%get3A_36, %get3A_37] {strides = array<i32>} : memref<2x64xf32, #tpu.memory_space<vmem>>, vector<16xf32>,
    %get3A_39 = arith.constant 0 : i32
    %get3A_40 = arith.index_cast %get3A_39 : i32 to index
    %get3A_41 = arith.constant 48 : index
    %get3A_42 = tpu.vector_load %arg15[%get3A_40, %get3A_41] {strides = array<i32>} : memref<2x64xf32, #tpu.memory_space<vmem>>, vector<16xf32>,
    %sub3A_43 = arith.subf %get3A_38, %get3A_42 : vector<16xf32>
    %swap3A_44 = arith.constant 48 : index
    %swap3A_45 = tpu.vector_load %arg17[%swap3A_44] {strides = array<i32>} : memref<64xf32, #tpu.memory_space<vmem>>, vector<16xf32>,
    tpu.vector_store %arg17[%swap3A_44], %sub3A_43 {strides = array<i32>} : memref<64xf32, #tpu.memory_space<vmem>>, vector<16xf32>,
    %scan3A = arith.constant 0 : i32
    %scan3A_46 = arith.constant 512 : i32
    %scan3A_47 = arith.addi %scan3A, %scan3A_46 : i32
    %scan3A_48 = arith.constant 4 : i32
    scf.for %scan3A_154 = %scan3A to %scan3A_47 step %scan3A_48  : i32 {
      %get3A_155 = arith.index_cast %scan3A_154 : i32 to index
      %get3A_156 = arith.constant 0 : index
      %get3A_157 = tpu.vector_load %arg16[%get3A_155, %get3A_156] {strides = array<i32>} : memref<512x64xf32, #tpu.memory_space<vmem>>, vector<16xf32>,
      %get3A_158 = arith.constant 0 : i32
      %get3A_159 = arith.index_cast %get3A_158 : i32 to index
      %get3A_160 = arith.constant 0 : index
      %get3A_161 = tpu.vector_load %arg15[%get3A_159, %get3A_160] {strides = array<i32>} : memref<2x64xf32, #tpu.memory_space<vmem>>, vector<16xf32>,
      %add3A_162 = arith.addf %get3A_157, %get3A_161 : vector<16xf32>
      %swap3A_163 = arith.index_cast %scan3A_154 : i32 to index
      %swap3A_164 = arith.constant 0 : index
      %swap3A_165 = tpu.vector_load %arg16[%swap3A_163, %swap3A_164] {strides = array<i32>} : memref<512x64xf32, #tpu.memory_space<vmem>>, vector<16xf32>,
      tpu.vector_store %arg16[%swap3A_163, %swap3A_164], %add3A_162 {strides = array<i32>} : memref<512x64xf32, #tpu.memory_space<vmem>>, vector<16xf32>,
      %get3A_166 = arith.index_cast %scan3A_154 : i32 to index
      %get3A_167 = arith.constant 16 : index
      %get3A_168 = tpu.vector_load %arg16[%get3A_166, %get3A_167] {strides = array<i32>} : memref<512x64xf32, #tpu.memory_space<vmem>>, vector<16xf32>,
      %get3A_169 = arith.constant 0 : i32
      %get3A_170 = arith.index_cast %get3A_169 : i32 to index
      %get3A_171 = arith.constant 16 : index
      %get3A_172 = tpu.vector_load %arg15[%get3A_170, %get3A_171] {strides = array<i32>} : memref<2x64xf32, #tpu.memory_space<vmem>>, vector<16xf32>,
      %add3A_173 = arith.addf %get3A_168, %get3A_172 : vector<16xf32>
      %swap3A_174 = arith.index_cast %scan3A_154 : i32 to index
      %swap3A_175 = arith.constant 16 : index
      %swap3A_176 = tpu.vector_load %arg16[%swap3A_174, %swap3A_175] {strides = array<i32>} : memref<512x64xf32, #tpu.memory_space<vmem>>, vector<16xf32>,
      tpu.vector_store %arg16[%swap3A_174, %swap3A_175], %add3A_173 {strides = array<i32>} : memref<512x64xf32, #tpu.memory_space<vmem>>, vector<16xf32>,
      %get3A_177 = arith.index_cast %scan3A_154 : i32 to index
      %get3A_178 = arith.constant 32 : index
      %get3A_179 = tpu.vector_load %arg16[%get3A_177, %get3A_178] {strides = array<i32>} : memref<512x64xf32, #tpu.memory_space<vmem>>, vector<16xf32>,
      %get3A_180 = arith.constant 0 : i32
      %get3A_181 = arith.index_cast %get3A_180 : i32 to index
      %get3A_182 = arith.constant 32 : index
      %get3A_183 = tpu.vector_load %arg15[%get3A_181, %get3A_182] {strides = array<i32>} : memref<2x64xf32, #tpu.memory_space<vmem>>, vector<16xf32>,
      %add3A_184 = arith.addf %get3A_179, %get3A_183 : vector<16xf32>
      %swap3A_185 = arith.index_cast %scan3A_154 : i32 to index
      %swap3A_186 = arith.constant 32 : index
      %swap3A_187 = tpu.vector_load %arg16[%swap3A_185, %swap3A_186] {strides = array<i32>} : memref<512x64xf32, #tpu.memory_space<vmem>>, vector<16xf32>,
      tpu.vector_store %arg16[%swap3A_185, %swap3A_186], %add3A_184 {strides = array<i32>} : memref<512x64xf32, #tpu.memory_space<vmem>>, vector<16xf32>,
      %get3A_188 = arith.index_cast %scan3A_154 : i32 to index
      %get3A_189 = arith.constant 48 : index
      %get3A_190 = tpu.vector_load %arg16[%get3A_188, %get3A_189] {strides = array<i32>} : memref<512x64xf32, #tpu.memory_space<vmem>>, vector<16xf32>,
      %get3A_191 = arith.constant 0 : i32
      %get3A_192 = arith.index_cast %get3A_191 : i32 to index
      %get3A_193 = arith.constant 48 : index
      %get3A_194 = tpu.vector_load %arg15[%get3A_192, %get3A_193] {strides = array<i32>} : memref<2x64xf32, #tpu.memory_space<vmem>>, vector<16xf32>,
      %add3A_195 = arith.addf %get3A_190, %get3A_194 : vector<16xf32>
      %swap3A_196 = arith.index_cast %scan3A_154 : i32 to index
      %swap3A_197 = arith.constant 48 : index
      %swap3A_198 = tpu.vector_load %arg16[%swap3A_196, %swap3A_197] {strides = array<i32>} : memref<512x64xf32, #tpu.memory_space<vmem>>, vector<16xf32>,
      tpu.vector_store %arg16[%swap3A_196, %swap3A_197], %add3A_195 {strides = array<i32>} : memref<512x64xf32, #tpu.memory_space<vmem>>, vector<16xf32>,
      %scan3A_199 = arith.constant 1 : i32
      %scan3A_200 = arith.addi %scan3A_154, %scan3A_199 : i32
      %get3A_201 = arith.index_cast %scan3A_200 : i32 to index
      %get3A_202 = arith.constant 0 : index
      %get3A_203 = tpu.vector_load %arg16[%get3A_201, %get3A_202] {strides = array<i32>} : memref<512x64xf32, #tpu.memory_space<vmem>>, vector<16xf32>,
      %get3A_204 = arith.constant 0 : i32
      %get3A_205 = arith.index_cast %get3A_204 : i32 to index
      %get3A_206 = arith.constant 0 : index
      %get3A_207 = tpu.vector_load %arg15[%get3A_205, %get3A_206] {strides = array<i32>} : memref<2x64xf32, #tpu.memory_space<vmem>>, vector<16xf32>,
      %add3A_208 = arith.addf %get3A_203, %get3A_207 : vector<16xf32>
      %swap3A_209 = arith.index_cast %scan3A_200 : i32 to index
      %swap3A_210 = arith.constant 0 : index
      %swap3A_211 = tpu.vector_load %arg16[%swap3A_209, %swap3A_210] {strides = array<i32>} : memref<512x64xf32, #tpu.memory_space<vmem>>, vector<16xf32>,
      tpu.vector_store %arg16[%swap3A_209, %swap3A_210], %add3A_208 {strides = array<i32>} : memref<512x64xf32, #tpu.memory_space<vmem>>, vector<16xf32>,
      %get3A_212 = arith.index_cast %scan3A_200 : i32 to index
      %get3A_213 = arith.constant 16 : index
      %get3A_214 = tpu.vector_load %arg16[%get3A_212, %get3A_213] {strides = array<i32>} : memref<512x64xf32, #tpu.memory_space<vmem>>, vector<16xf32>,
      %get3A_215 = arith.constant 0 : i32
      %get3A_216 = arith.index_cast %get3A_215 : i32 to index
      %get3A_217 = arith.constant 16 : index
      %get3A_218 = tpu.vector_load %arg15[%get3A_216, %get3A_217] {strides = array<i32>} : memref<2x64xf32, #tpu.memory_space<vmem>>, vector<16xf32>,
      %add3A_219 = arith.addf %get3A_214, %get3A_218 : vector<16xf32>
      %swap3A_220 = arith.index_cast %scan3A_200 : i32 to index
      %swap3A_221 = arith.constant 16 : index
      %swap3A_222 = tpu.vector_load %arg16[%swap3A_220, %swap3A_221] {strides = array<i32>} : memref<512x64xf32, #tpu.memory_space<vmem>>, vector<16xf32>,
      tpu.vector_store %arg16[%swap3A_220, %swap3A_221], %add3A_219 {strides = array<i32>} : memref<512x64xf32, #tpu.memory_space<vmem>>, vector<16xf32>,
      %get3A_223 = arith.index_cast %scan3A_200 : i32 to index
      %get3A_224 = arith.constant 32 : index
      %get3A_225 = tpu.vector_load %arg16[%get3A_223, %get3A_224] {strides = array<i32>} : memref<512x64xf32, #tpu.memory_space<vmem>>, vector<16xf32>,
      %get3A_226 = arith.constant 0 : i32
      %get3A_227 = arith.index_cast %get3A_226 : i32 to index
      %get3A_228 = arith.constant 32 : index
      %get3A_229 = tpu.vector_load %arg15[%get3A_227, %get3A_228] {strides = array<i32>} : memref<2x64xf32, #tpu.memory_space<vmem>>, vector<16xf32>,
      %add3A_230 = arith.addf %get3A_225, %get3A_229 : vector<16xf32>
      %swap3A_231 = arith.index_cast %scan3A_200 : i32 to index
      %swap3A_232 = arith.constant 32 : index
      %swap3A_233 = tpu.vector_load %arg16[%swap3A_231, %swap3A_232] {strides = array<i32>} : memref<512x64xf32, #tpu.memory_space<vmem>>, vector<16xf32>,
      tpu.vector_store %arg16[%swap3A_231, %swap3A_232], %add3A_230 {strides = array<i32>} : memref<512x64xf32, #tpu.memory_space<vmem>>, vector<16xf32>,
      %get3A_234 = arith.index_cast %scan3A_200 : i32 to index
      %get3A_235 = arith.constant 48 : index
      %get3A_236 = tpu.vector_load %arg16[%get3A_234, %get3A_235] {strides = array<i32>} : memref<512x64xf32, #tpu.memory_space<vmem>>, vector<16xf32>,
      %get3A_237 = arith.constant 0 : i32
      %get3A_238 = arith.index_cast %get3A_237 : i32 to index
      %get3A_239 = arith.constant 48 : index
      %get3A_240 = tpu.vector_load %arg15[%get3A_238, %get3A_239] {strides = array<i32>} : memref<2x64xf32, #tpu.memory_space<vmem>>, vector<16xf32>,
      %add3A_241 = arith.addf %get3A_236, %get3A_240 : vector<16xf32>
      %swap3A_242 = arith.index_cast %scan3A_200 : i32 to index
      %swap3A_243 = arith.constant 48 : index
      %swap3A_244 = tpu.vector_load %arg16[%swap3A_242, %swap3A_243] {strides = array<i32>} : memref<512x64xf32, #tpu.memory_space<vmem>>, vector<16xf32>,
      tpu.vector_store %arg16[%swap3A_242, %swap3A_243], %add3A_241 {strides = array<i32>} : memref<512x64xf32, #tpu.memory_space<vmem>>, vector<16xf32>,
      %scan3A_245 = arith.constant 2 : i32
      %scan3A_246 = arith.addi %scan3A_154, %scan3A_245 : i32
      %get3A_247 = arith.index_cast %scan3A_246 : i32 to index
      %get3A_248 = arith.constant 0 : index
      %get3A_249 = tpu.vector_load %arg16[%get3A_247, %get3A_248] {strides = array<i32>} : memref<512x64xf32, #tpu.memory_space<vmem>>, vector<16xf32>,
      %get3A_250 = arith.constant 0 : i32
      %get3A_251 = arith.index_cast %get3A_250 : i32 to index
      %get3A_252 = arith.constant 0 : index
      %get3A_253 = tpu.vector_load %arg15[%get3A_251, %get3A_252] {strides = array<i32>} : memref<2x64xf32, #tpu.memory_space<vmem>>, vector<16xf32>,
      %add3A_254 = arith.addf %get3A_249, %get3A_253 : vector<16xf32>
      %swap3A_255 = arith.index_cast %scan3A_246 : i32 to index
      %swap3A_256 = arith.constant 0 : index
      %swap3A_257 = tpu.vector_load %arg16[%swap3A_255, %swap3A_256] {strides = array<i32>} : memref<512x64xf32, #tpu.memory_space<vmem>>, vector<16xf32>,
      tpu.vector_store %arg16[%swap3A_255, %swap3A_256], %add3A_254 {strides = array<i32>} : memref<512x64xf32, #tpu.memory_space<vmem>>, vector<16xf32>,
      %get3A_258 = arith.index_cast %scan3A_246 : i32 to index
      %get3A_259 = arith.constant 16 : index
      %get3A_260 = tpu.vector_load %arg16[%get3A_258, %get3A_259] {strides = array<i32>} : memref<512x64xf32, #tpu.memory_space<vmem>>, vector<16xf32>,
      %get3A_261 = arith.constant 0 : i32
      %get3A_262 = arith.index_cast %get3A_261 : i32 to index
      %get3A_263 = arith.constant 16 : index
      %get3A_264 = tpu.vector_load %arg15[%get3A_262, %get3A_263] {strides = array<i32>} : memref<2x64xf32, #tpu.memory_space<vmem>>, vector<16xf32>,
      %add3A_265 = arith.addf %get3A_260, %get3A_264 : vector<16xf32>
      %swap3A_266 = arith.index_cast %scan3A_246 : i32 to index
      %swap3A_267 = arith.constant 16 : index
      %swap3A_268 = tpu.vector_load %arg16[%swap3A_266, %swap3A_267] {strides = array<i32>} : memref<512x64xf32, #tpu.memory_space<vmem>>, vector<16xf32>,
      tpu.vector_store %arg16[%swap3A_266, %swap3A_267], %add3A_265 {strides = array<i32>} : memref<512x64xf32, #tpu.memory_space<vmem>>, vector<16xf32>,
      %get3A_269 = arith.index_cast %scan3A_246 : i32 to index
      %get3A_270 = arith.constant 32 : index
      %get3A_271 = tpu.vector_load %arg16[%get3A_269, %get3A_270] {strides = array<i32>} : memref<512x64xf32, #tpu.memory_space<vmem>>, vector<16xf32>,
      %get3A_272 = arith.constant 0 : i32
      %get3A_273 = arith.index_cast %get3A_272 : i32 to index
      %get3A_274 = arith.constant 32 : index
      %get3A_275 = tpu.vector_load %arg15[%get3A_273, %get3A_274] {strides = array<i32>} : memref<2x64xf32, #tpu.memory_space<vmem>>, vector<16xf32>,
      %add3A_276 = arith.addf %get3A_271, %get3A_275 : vector<16xf32>
      %swap3A_277 = arith.index_cast %scan3A_246 : i32 to index
      %swap3A_278 = arith.constant 32 : index
      %swap3A_279 = tpu.vector_load %arg16[%swap3A_277, %swap3A_278] {strides = array<i32>} : memref<512x64xf32, #tpu.memory_space<vmem>>, vector<16xf32>,
      tpu.vector_store %arg16[%swap3A_277, %swap3A_278], %add3A_276 {strides = array<i32>} : memref<512x64xf32, #tpu.memory_space<vmem>>, vector<16xf32>,
      %get3A_280 = arith.index_cast %scan3A_246 : i32 to index
      %get3A_281 = arith.constant 48 : index
      %get3A_282 = tpu.vector_load %arg16[%get3A_280, %get3A_281] {strides = array<i32>} : memref<512x64xf32, #tpu.memory_space<vmem>>, vector<16xf32>,
      %get3A_283 = arith.constant 0 : i32
      %get3A_284 = arith.index_cast %get3A_283 : i32 to index
      %get3A_285 = arith.constant 48 : index
      %get3A_286 = tpu.vector_load %arg15[%get3A_284, %get3A_285] {strides = array<i32>} : memref<2x64xf32, #tpu.memory_space<vmem>>, vector<16xf32>,
      %add3A_287 = arith.addf %get3A_282, %get3A_286 : vector<16xf32>
      %swap3A_288 = arith.index_cast %scan3A_246 : i32 to index
      %swap3A_289 = arith.constant 48 : index
      %swap3A_290 = tpu.vector_load %arg16[%swap3A_288, %swap3A_289] {strides = array<i32>} : memref<512x64xf32, #tpu.memory_space<vmem>>, vector<16xf32>,
      tpu.vector_store %arg16[%swap3A_288, %swap3A_289], %add3A_287 {strides = array<i32>} : memref<512x64xf32, #tpu.memory_space<vmem>>, vector<16xf32>,
      %scan3A_291 = arith.constant 3 : i32
      %scan3A_292 = arith.addi %scan3A_154, %scan3A_291 : i32
      %get3A_293 = arith.index_cast %scan3A_292 : i32 to index
      %get3A_294 = arith.constant 0 : index
      %get3A_295 = tpu.vector_load %arg16[%get3A_293, %get3A_294] {strides = array<i32>} : memref<512x64xf32, #tpu.memory_space<vmem>>, vector<16xf32>,
      %get3A_296 = arith.constant 0 : i32
      %get3A_297 = arith.index_cast %get3A_296 : i32 to index
      %get3A_298 = arith.constant 0 : index
      %get3A_299 = tpu.vector_load %arg15[%get3A_297, %get3A_298] {strides = array<i32>} : memref<2x64xf32, #tpu.memory_space<vmem>>, vector<16xf32>,
      %add3A_300 = arith.addf %get3A_295, %get3A_299 : vector<16xf32>
      %swap3A_301 = arith.index_cast %scan3A_292 : i32 to index
      %swap3A_302 = arith.constant 0 : index
      %swap3A_303 = tpu.vector_load %arg16[%swap3A_301, %swap3A_302] {strides = array<i32>} : memref<512x64xf32, #tpu.memory_space<vmem>>, vector<16xf32>,
      tpu.vector_store %arg16[%swap3A_301, %swap3A_302], %add3A_300 {strides = array<i32>} : memref<512x64xf32, #tpu.memory_space<vmem>>, vector<16xf32>,
      %get3A_304 = arith.index_cast %scan3A_292 : i32 to index
      %get3A_305 = arith.constant 16 : index
      %get3A_306 = tpu.vector_load %arg16[%get3A_304, %get3A_305] {strides = array<i32>} : memref<512x64xf32, #tpu.memory_space<vmem>>, vector<16xf32>,
      %get3A_307 = arith.constant 0 : i32
      %get3A_308 = arith.index_cast %get3A_307 : i32 to index
      %get3A_309 = arith.constant 16 : index
      %get3A_310 = tpu.vector_load %arg15[%get3A_308, %get3A_309] {strides = array<i32>} : memref<2x64xf32, #tpu.memory_space<vmem>>, vector<16xf32>,
      %add3A_311 = arith.addf %get3A_306, %get3A_310 : vector<16xf32>
      %swap3A_312 = arith.index_cast %scan3A_292 : i32 to index
      %swap3A_313 = arith.constant 16 : index
      %swap3A_314 = tpu.vector_load %arg16[%swap3A_312, %swap3A_313] {strides = array<i32>} : memref<512x64xf32, #tpu.memory_space<vmem>>, vector<16xf32>,
      tpu.vector_store %arg16[%swap3A_312, %swap3A_313], %add3A_311 {strides = array<i32>} : memref<512x64xf32, #tpu.memory_space<vmem>>, vector<16xf32>,
      %get3A_315 = arith.index_cast %scan3A_292 : i32 to index
      %get3A_316 = arith.constant 32 : index
      %get3A_317 = tpu.vector_load %arg16[%get3A_315, %get3A_316] {strides = array<i32>} : memref<512x64xf32, #tpu.memory_space<vmem>>, vector<16xf32>,
      %get3A_318 = arith.constant 0 : i32
      %get3A_319 = arith.index_cast %get3A_318 : i32 to index
      %get3A_320 = arith.constant 32 : index
      %get3A_321 = tpu.vector_load %arg15[%get3A_319, %get3A_320] {strides = array<i32>} : memref<2x64xf32, #tpu.memory_space<vmem>>, vector<16xf32>,
      %add3A_322 = arith.addf %get3A_317, %get3A_321 : vector<16xf32>
      %swap3A_323 = arith.index_cast %scan3A_292 : i32 to index
      %swap3A_324 = arith.constant 32 : index
      %swap3A_325 = tpu.vector_load %arg16[%swap3A_323, %swap3A_324] {strides = array<i32>} : memref<512x64xf32, #tpu.memory_space<vmem>>, vector<16xf32>,
      tpu.vector_store %arg16[%swap3A_323, %swap3A_324], %add3A_322 {strides = array<i32>} : memref<512x64xf32, #tpu.memory_space<vmem>>, vector<16xf32>,
      %get3A_326 = arith.index_cast %scan3A_292 : i32 to index
      %get3A_327 = arith.constant 48 : index
      %get3A_328 = tpu.vector_load %arg16[%get3A_326, %get3A_327] {strides = array<i32>} : memref<512x64xf32, #tpu.memory_space<vmem>>, vector<16xf32>,
      %get3A_329 = arith.constant 0 : i32
      %get3A_330 = arith.index_cast %get3A_329 : i32 to index
      %get3A_331 = arith.constant 48 : index
      %get3A_332 = tpu.vector_load %arg15[%get3A_330, %get3A_331] {strides = array<i32>} : memref<2x64xf32, #tpu.memory_space<vmem>>, vector<16xf32>,
      %add3A_333 = arith.addf %get3A_328, %get3A_332 : vector<16xf32>
      %swap3A_334 = arith.index_cast %scan3A_292 : i32 to index
      %swap3A_335 = arith.constant 48 : index
      %swap3A_336 = tpu.vector_load %arg16[%swap3A_334, %swap3A_335] {strides = array<i32>} : memref<512x64xf32, #tpu.memory_space<vmem>>, vector<16xf32>,
      tpu.vector_store %arg16[%swap3A_334, %swap3A_335], %add3A_333 {strides = array<i32>} : memref<512x64xf32, #tpu.memory_space<vmem>>, vector<16xf32>,
    }
    %scan3A_49 = arith.constant 512 : i32
    %get3A_50 = arith.constant 0 : index
    %get3A_51 = tpu.vector_load %arg17[%get3A_50] {strides = array<i32>} : memref<64xf32, #tpu.memory_space<vmem>>, vector<16xf32>,
    %get3A_52 = arith.constant 16 : index
    %get3A_53 = tpu.vector_load %arg17[%get3A_52] {strides = array<i32>} : memref<64xf32, #tpu.memory_space<vmem>>, vector<16xf32>,
    %get3A_54 = arith.constant 32 : index
    %get3A_55 = tpu.vector_load %arg17[%get3A_54] {strides = array<i32>} : memref<64xf32, #tpu.memory_space<vmem>>, vector<16xf32>,
    %get3A_56 = arith.constant 48 : index
    %get3A_57 = tpu.vector_load %arg17[%get3A_56] {strides = array<i32>} : memref<64xf32, #tpu.memory_space<vmem>>, vector<16xf32>,
    %get3A_58 = arith.constant 0 : index
    %get3A_59 = tpu.vector_load %arg18[%get3A_58] {strides = array<i32>} : memref<64xf32, #tpu.memory_space<vmem>>, vector<16xf32>,
    %get3A_60 = arith.constant 16 : index
    %get3A_61 = tpu.vector_load %arg18[%get3A_60] {strides = array<i32>} : memref<64xf32, #tpu.memory_space<vmem>>, vector<16xf32>,
    %get3A_62 = arith.constant 32 : index
    %get3A_63 = tpu.vector_load %arg18[%get3A_62] {strides = array<i32>} : memref<64xf32, #tpu.memory_space<vmem>>, vector<16xf32>,
    %get3A_64 = arith.constant 48 : index
    %get3A_65 = tpu.vector_load %arg18[%get3A_64] {strides = array<i32>} : memref<64xf32, #tpu.memory_space<vmem>>, vector<16xf32>,
    %get3A_66 = arith.constant 0 : index
    %get3A_67 = tpu.vector_load %arg19[%get3A_66] {strides = array<i32>} : memref<64xf32, #tpu.memory_space<vmem>>, vector<16xf32>,
    %get3A_68 = arith.constant 16 : index
    %get3A_69 = tpu.vector_load %arg19[%get3A_68] {strides = array<i32>} : memref<64xf32, #tpu.memory_space<vmem>>, vector<16xf32>,
    %get3A_70 = arith.constant 32 : index
    %get3A_71 = tpu.vector_load %arg19[%get3A_70] {strides = array<i32>} : memref<64xf32, #tpu.memory_space<vmem>>, vector<16xf32>,
    %get3A_72 = arith.constant 48 : index
    %get3A_73 = tpu.vector_load %arg19[%get3A_72] {strides = array<i32>} : memref<64xf32, #tpu.memory_space<vmem>>, vector<16xf32>,
    %iota3A = tpu.iota {dimensions = array<i32: 0>} : vector<16xi32>
    %add3A_74 = arith.constant 0 : i32
    %add3A_75 = arith.addi %mul3A_4, %add3A_74 : i32
    "tpu.region"() ({
      %run_scoped3A = tpu.sem_alloc : memref<!tpu.dma_semaphore, #tpu.memory_space<semaphore_mem>>
      %dma_start3A_154 = arith.constant 0 : i32
      %dma_start3A_155 = tpu.memref_slice %arg2[%add3A_75, %dma_start3A_154] : memref<4096x128xi32, #tpu.memory_space<hbm>> -> memref<2x128xi32, #tpu.memory_space<hbm>>
      %dma_start3A_156 = arith.constant 0 : i32
      %dma_start3A_157 = tpu.memref_slice %arg2[%add3A_75, %dma_start3A_156] : memref<4096x128xi32, #tpu.memory_space<hbm>> -> memref<2x128xi32, #tpu.memory_space<hbm>>
      tpu.enqueue_dma source(%dma_start3A_157 : memref<2x128xi32, #tpu.memory_space<hbm>>) target(%arg10 : memref<2x128xi32, #tpu.memory_space<vmem>>) target_semaphore(%run_scoped3A : memref<!tpu.dma_semaphore, #tpu.memory_space<semaphore_mem>>)
      %dma_wait3A_158 = arith.constant 0 : i32
      %dma_wait3A_159 = tpu.memref_slice %arg2[%add3A_75, %dma_wait3A_158] : memref<4096x128xi32, #tpu.memory_space<hbm>> -> memref<2x128xi32, #tpu.memory_space<hbm>>
      %dma_wait3A_160 = arith.constant 0 : i32
      %dma_wait3A_161 = tpu.memref_slice %arg2[%add3A_75, %dma_wait3A_160] : memref<4096x128xi32, #tpu.memory_space<hbm>> -> memref<2x128xi32, #tpu.memory_space<hbm>>
      tpu.wait_dma2 semaphore(%run_scoped3A : memref<!tpu.dma_semaphore, #tpu.memory_space<semaphore_mem>>) src(%dma_wait3A_161 : memref<2x128xi32, #tpu.memory_space<hbm>>) dst(%arg10 : memref<2x128xi32, #tpu.memory_space<vmem>>)
      tpu.yield
    }) : () -> ()
    %add3A_76 = arith.constant 0 : i32
    %add3A_77 = arith.addi %mul3A_4, %add3A_76 : i32
    "tpu.region"() ({
      %run_scoped3A = tpu.sem_alloc : memref<!tpu.dma_semaphore, #tpu.memory_space<semaphore_mem>>
      %dma_start3A_154 = arith.constant 0 : i32
      %dma_start3A_155 = tpu.memref_slice %arg3[%add3A_77, %dma_start3A_154] : memref<4096x128xi32, #tpu.memory_space<hbm>> -> memref<2x128xi32, #tpu.memory_space<hbm>>
      %dma_start3A_156 = arith.constant 0 : i32
      %dma_start3A_157 = tpu.memref_slice %arg3[%add3A_77, %dma_start3A_156] : memref<4096x128xi32, #tpu.memory_space<hbm>> -> memref<2x128xi32, #tpu.memory_space<hbm>>
      tpu.enqueue_dma source(%dma_start3A_157 : memref<2x128xi32, #tpu.memory_space<hbm>>) target(%arg12 : memref<2x128xi32, #tpu.memory_space<vmem>>) target_semaphore(%run_scoped3A : memref<!tpu.dma_semaphore, #tpu.memory_space<semaphore_mem>>)
      %dma_wait3A_158 = arith.constant 0 : i32
      %dma_wait3A_159 = tpu.memref_slice %arg3[%add3A_77, %dma_wait3A_158] : memref<4096x128xi32, #tpu.memory_space<hbm>> -> memref<2x128xi32, #tpu.memory_space<hbm>>
      %dma_wait3A_160 = arith.constant 0 : i32
      %dma_wait3A_161 = tpu.memref_slice %arg3[%add3A_77, %dma_wait3A_160] : memref<4096x128xi32, #tpu.memory_space<hbm>> -> memref<2x128xi32, #tpu.memory_space<hbm>>
      tpu.wait_dma2 semaphore(%run_scoped3A : memref<!tpu.dma_semaphore, #tpu.memory_space<semaphore_mem>>) src(%dma_wait3A_161 : memref<2x128xi32, #tpu.memory_space<hbm>>) dst(%arg12 : memref<2x128xi32, #tpu.memory_space<vmem>>)
      tpu.yield
    }) : () -> ()
    %dma_start3A = arith.constant 0 : i32
    %dma_start3A_78 = arith.constant 0 : i32
    %dma_start3A_79 = arith.constant 0 : i32
    %dma_start3A_80 = tpu.memref_slice %arg20[%dma_start3A_78, %dma_start3A_79] : memref<256x64xf32, #tpu.memory_space<vmem>> -> memref<128x64xf32, #tpu.memory_space<vmem>>
    %dma_start3A_81 = arith.constant 0 : i32
    %dma_start3A_82 = tpu.memref_slice %arg10[%dma_start3A, %dma_start3A_81] : memref<2x128xi32, #tpu.memory_space<vmem>> -> memref<1x128xi32, #tpu.memory_space<vmem>>
    %dma_start3A_83 = tpu.memref_squeeze %dma_start3A_82 : memref<1x128xi32, #tpu.memory_space<vmem>> -> memref<128xi32, #tpu.memory_space<vmem>>
    %dma_start3A_84 = arith.constant 0 : i32
    %dma_start3A_85 = arith.constant 0 : i32
    %dma_start3A_86 = tpu.memref_slice %arg4[%dma_start3A_84, %dma_start3A_85] : memref<100000x64xf32, #tpu.memory_space<hbm>> -> memref<100000x64xf32, #tpu.memory_space<hbm>>
    tpu.enqueue_indirect_dma source(%dma_start3A_86 : memref<100000x64xf32, #tpu.memory_space<hbm>>) target(%dma_start3A_80 : memref<128x64xf32, #tpu.memory_space<vmem>>) offsets(%dma_start3A_83 : memref<128xi32, #tpu.memory_space<vmem>>) semaphore(%arg26 : memref<!tpu.dma_semaphore, #tpu.memory_space<semaphore_mem>>)
    %dma_start3A_87 = arith.constant 1 : i32
    %dma_start3A_88 = arith.constant 128 : i32
    %dma_start3A_89 = arith.constant 0 : i32
    %dma_start3A_90 = tpu.memref_slice %arg20[%dma_start3A_88, %dma_start3A_89] : memref<256x64xf32, #tpu.memory_space<vmem>> -> memref<128x64xf32, #tpu.memory_space<vmem>>
    %dma_start3A_91 = arith.constant 0 : i32
    %dma_start3A_92 = tpu.memref_slice %arg10[%dma_start3A_87, %dma_start3A_91] : memref<2x128xi32, #tpu.memory_space<vmem>> -> memref<1x128xi32, #tpu.memory_space<vmem>>
    %dma_start3A_93 = tpu.memref_squeeze %dma_start3A_92 : memref<1x128xi32, #tpu.memory_space<vmem>> -> memref<128xi32, #tpu.memory_space<vmem>>
    %dma_start3A_94 = arith.constant 0 : i32
    %dma_start3A_95 = arith.constant 0 : i32
    %dma_start3A_96 = tpu.memref_slice %arg4[%dma_start3A_94, %dma_start3A_95] : memref<100000x64xf32, #tpu.memory_space<hbm>> -> memref<100000x64xf32, #tpu.memory_space<hbm>>
    tpu.enqueue_indirect_dma source(%dma_start3A_96 : memref<100000x64xf32, #tpu.memory_space<hbm>>) target(%dma_start3A_90 : memref<128x64xf32, #tpu.memory_space<vmem>>) offsets(%dma_start3A_93 : memref<128xi32, #tpu.memory_space<vmem>>) semaphore(%arg26 : memref<!tpu.dma_semaphore, #tpu.memory_space<semaphore_mem>>)
    %scan3A_97 = arith.constant 0 : i32
    %scan3A_98 = arith.constant 32 : i32
    %scan3A_99 = arith.addi %scan3A_97, %scan3A_98 : i32
    %scan3A_100 = arith.constant 1 : i32
    scf.for %scan3A_154 = %scan3A_97 to %scan3A_99 step %scan3A_100  : i32 {
      %mul3A_155 = arith.constant 2 : i32
      %mul3A_156 = arith.muli %scan3A_154, %mul3A_155 : i32
      %add3A_157 = arith.constant 0 : i32
      %add3A_158 = arith.addi %mul3A_156, %add3A_157 : i32
      %lt3A = arith.constant 63 : i32
      %lt3A_159 = arith.cmpi slt, %add3A_158, %lt3A : i32
      %convert_element_type3A = arith.extui %lt3A_159 : i1 to i32
      %cond3A = arith.constant 0 : i32
      %cond3A_160 = arith.cmpi ne, %convert_element_type3A, %cond3A : i32
      scf.if %cond3A_160 {
        %add3A_311 = arith.constant 1 : i32
        %add3A_312 = arith.addi %add3A_158, %add3A_311 : i32
        %mul3A_313 = arith.constant 2 : i32
        %mul3A_314 = arith.muli %add3A_312, %mul3A_313 : i32
        %add3A_315 = arith.addi %mul3A_4, %mul3A_314 : i32
        "tpu.region"() ({
          %run_scoped3A = tpu.sem_alloc : memref<!tpu.dma_semaphore, #tpu.memory_space<semaphore_mem>>
          %dma_start3A_341 = arith.constant 0 : i32
          %dma_start3A_342 = tpu.memref_slice %arg2[%add3A_315, %dma_start3A_341] : memref<4096x128xi32, #tpu.memory_space<hbm>> -> memref<2x128xi32, #tpu.memory_space<hbm>>
          %dma_start3A_343 = arith.constant 0 : i32
          %dma_start3A_344 = tpu.memref_slice %arg2[%add3A_315, %dma_start3A_343] : memref<4096x128xi32, #tpu.memory_space<hbm>> -> memref<2x128xi32, #tpu.memory_space<hbm>>
          tpu.enqueue_dma source(%dma_start3A_344 : memref<2x128xi32, #tpu.memory_space<hbm>>) target(%arg11 : memref<2x128xi32, #tpu.memory_space<vmem>>) target_semaphore(%run_scoped3A : memref<!tpu.dma_semaphore, #tpu.memory_space<semaphore_mem>>)
          %dma_wait3A_345 = arith.constant 0 : i32
          %dma_wait3A_346 = tpu.memref_slice %arg2[%add3A_315, %dma_wait3A_345] : memref<4096x128xi32, #tpu.memory_space<hbm>> -> memref<2x128xi32, #tpu.memory_space<hbm>>
          %dma_wait3A_347 = arith.constant 0 : i32
          %dma_wait3A_348 = tpu.memref_slice %arg2[%add3A_315, %dma_wait3A_347] : memref<4096x128xi32, #tpu.memory_space<hbm>> -> memref<2x128xi32, #tpu.memory_space<hbm>>
          tpu.wait_dma2 semaphore(%run_scoped3A : memref<!tpu.dma_semaphore, #tpu.memory_space<semaphore_mem>>) src(%dma_wait3A_348 : memref<2x128xi32, #tpu.memory_space<hbm>>) dst(%arg11 : memref<2x128xi32, #tpu.memory_space<vmem>>)
          tpu.yield
        }) : () -> ()
        %mul3A_316 = arith.constant 2 : i32
        %mul3A_317 = arith.muli %add3A_312, %mul3A_316 : i32
        %add3A_318 = arith.addi %mul3A_4, %mul3A_317 : i32
        "tpu.region"() ({
          %run_scoped3A = tpu.sem_alloc : memref<!tpu.dma_semaphore, #tpu.memory_space<semaphore_mem>>
          %dma_start3A_341 = arith.constant 0 : i32
          %dma_start3A_342 = tpu.memref_slice %arg3[%add3A_318, %dma_start3A_341] : memref<4096x128xi32, #tpu.memory_space<hbm>> -> memref<2x128xi32, #tpu.memory_space<hbm>>
          %dma_start3A_343 = arith.constant 0 : i32
          %dma_start3A_344 = tpu.memref_slice %arg3[%add3A_318, %dma_start3A_343] : memref<4096x128xi32, #tpu.memory_space<hbm>> -> memref<2x128xi32, #tpu.memory_space<hbm>>
          tpu.enqueue_dma source(%dma_start3A_344 : memref<2x128xi32, #tpu.memory_space<hbm>>) target(%arg13 : memref<2x128xi32, #tpu.memory_space<vmem>>) target_semaphore(%run_scoped3A : memref<!tpu.dma_semaphore, #tpu.memory_space<semaphore_mem>>)
          %dma_wait3A_345 = arith.constant 0 : i32
          %dma_wait3A_346 = tpu.memref_slice %arg3[%add3A_318, %dma_wait3A_345] : memref<4096x128xi32, #tpu.memory_space<hbm>> -> memref<2x128xi32, #tpu.memory_space<hbm>>
          %dma_wait3A_347 = arith.constant 0 : i32
          %dma_wait3A_348 = tpu.memref_slice %arg3[%add3A_318, %dma_wait3A_347] : memref<4096x128xi32, #tpu.memory_space<hbm>> -> memref<2x128xi32, #tpu.memory_space<hbm>>
          tpu.wait_dma2 semaphore(%run_scoped3A : memref<!tpu.dma_semaphore, #tpu.memory_space<semaphore_mem>>) src(%dma_wait3A_348 : memref<2x128xi32, #tpu.memory_space<hbm>>) dst(%arg13 : memref<2x128xi32, #tpu.memory_space<vmem>>)
          tpu.yield
        }) : () -> ()
        %add3A_319 = arith.constant 1 : i32
        %add3A_320 = arith.addi %add3A_158, %add3A_319 : i32
        %dma_start3A_321 = arith.constant 0 : i32
        %dma_start3A_322 = arith.constant 0 : i32
        %dma_start3A_323 = arith.constant 0 : i32
        %dma_start3A_324 = tpu.memref_slice %arg21[%dma_start3A_322, %dma_start3A_323] : memref<256x64xf32, #tpu.memory_space<vmem>> -> memref<128x64xf32, #tpu.memory_space<vmem>>
        %dma_start3A_325 = arith.constant 0 : i32
        %dma_start3A_326 = tpu.memref_slice %arg11[%dma_start3A_321, %dma_start3A_325] : memref<2x128xi32, #tpu.memory_space<vmem>> -> memref<1x128xi32, #tpu.memory_space<vmem>>
        %dma_start3A_327 = tpu.memref_squeeze %dma_start3A_326 : memref<1x128xi32, #tpu.memory_space<vmem>> -> memref<128xi32, #tpu.memory_space<vmem>>
        %dma_start3A_328 = arith.constant 0 : i32
        %dma_start3A_329 = arith.constant 0 : i32
        %dma_start3A_330 = tpu.memref_slice %arg4[%dma_start3A_328, %dma_start3A_329] : memref<100000x64xf32, #tpu.memory_space<hbm>> -> memref<100000x64xf32, #tpu.memory_space<hbm>>
        tpu.enqueue_indirect_dma source(%dma_start3A_330 : memref<100000x64xf32, #tpu.memory_space<hbm>>) target(%dma_start3A_324 : memref<128x64xf32, #tpu.memory_space<vmem>>) offsets(%dma_start3A_327 : memref<128xi32, #tpu.memory_space<vmem>>) semaphore(%arg27 : memref<!tpu.dma_semaphore, #tpu.memory_space<semaphore_mem>>)
        %dma_start3A_331 = arith.constant 1 : i32
        %dma_start3A_332 = arith.constant 128 : i32
        %dma_start3A_333 = arith.constant 0 : i32
        %dma_start3A_334 = tpu.memref_slice %arg21[%dma_start3A_332, %dma_start3A_333] : memref<256x64xf32, #tpu.memory_space<vmem>> -> memref<128x64xf32, #tpu.memory_space<vmem>>
        %dma_start3A_335 = arith.constant 0 : i32
        %dma_start3A_336 = tpu.memref_slice %arg11[%dma_start3A_331, %dma_start3A_335] : memref<2x128xi32, #tpu.memory_space<vmem>> -> memref<1x128xi32, #tpu.memory_space<vmem>>
        %dma_start3A_337 = tpu.memref_squeeze %dma_start3A_336 : memref<1x128xi32, #tpu.memory_space<vmem>> -> memref<128xi32, #tpu.memory_space<vmem>>
        %dma_start3A_338 = arith.constant 0 : i32
        %dma_start3A_339 = arith.constant 0 : i32
        %dma_start3A_340 = tpu.memref_slice %arg4[%dma_start3A_338, %dma_start3A_339] : memref<100000x64xf32, #tpu.memory_space<hbm>> -> memref<100000x64xf32, #tpu.memory_space<hbm>>
        tpu.enqueue_indirect_dma source(%dma_start3A_340 : memref<100000x64xf32, #tpu.memory_space<hbm>>) target(%dma_start3A_334 : memref<128x64xf32, #tpu.memory_space<vmem>>) offsets(%dma_start3A_337 : memref<128xi32, #tpu.memory_space<vmem>>) semaphore(%arg27 : memref<!tpu.dma_semaphore, #tpu.memory_space<semaphore_mem>>)
      } else {
      }
      %dma_wait3A_161 = arith.constant 0 : i32
      %dma_wait3A_162 = arith.constant 0 : i32
      %dma_wait3A_163 = arith.constant 0 : i32
      %dma_wait3A_164 = tpu.memref_slice %arg20[%dma_wait3A_162, %dma_wait3A_163] : memref<256x64xf32, #tpu.memory_space<vmem>> -> memref<128x64xf32, #tpu.memory_space<vmem>>
      %dma_wait3A_165 = arith.constant 0 : i32
      %dma_wait3A_166 = tpu.memref_slice %arg10[%dma_wait3A_161, %dma_wait3A_165] : memref<2x128xi32, #tpu.memory_space<vmem>> -> memref<1x128xi32, #tpu.memory_space<vmem>>
      %dma_wait3A_167 = tpu.memref_squeeze %dma_wait3A_166 : memref<1x128xi32, #tpu.memory_space<vmem>> -> memref<128xi32, #tpu.memory_space<vmem>>
      %dma_wait3A_168 = arith.constant 0 : i32
      %dma_wait3A_169 = arith.constant 0 : i32
      %dma_wait3A_170 = tpu.memref_slice %arg4[%dma_wait3A_168, %dma_wait3A_169] : memref<100000x64xf32, #tpu.memory_space<hbm>> -> memref<100000x64xf32, #tpu.memory_space<hbm>>
      tpu.wait_indirect_dma semaphore(%arg26 : memref<!tpu.dma_semaphore, #tpu.memory_space<semaphore_mem>>) src(%dma_wait3A_170 : memref<100000x64xf32, #tpu.memory_space<hbm>>) dst(%dma_wait3A_164 : memref<128x64xf32, #tpu.memory_space<vmem>>)
      %dma_wait3A_171 = arith.constant 1 : i32
      %dma_wait3A_172 = arith.constant 128 : i32
      %dma_wait3A_173 = arith.constant 0 : i32
      %dma_wait3A_174 = tpu.memref_slice %arg20[%dma_wait3A_172, %dma_wait3A_173] : memref<256x64xf32, #tpu.memory_space<vmem>> -> memref<128x64xf32, #tpu.memory_space<vmem>>
      %dma_wait3A_175 = arith.constant 0 : i32
      %dma_wait3A_176 = tpu.memref_slice %arg10[%dma_wait3A_171, %dma_wait3A_175] : memref<2x128xi32, #tpu.memory_space<vmem>> -> memref<1x128xi32, #tpu.memory_space<vmem>>
      %dma_wait3A_177 = tpu.memref_squeeze %dma_wait3A_176 : memref<1x128xi32, #tpu.memory_space<vmem>> -> memref<128xi32, #tpu.memory_space<vmem>>
      %dma_wait3A_178 = arith.constant 0 : i32
      %dma_wait3A_179 = arith.constant 0 : i32
      %dma_wait3A_180 = tpu.memref_slice %arg4[%dma_wait3A_178, %dma_wait3A_179] : memref<100000x64xf32, #tpu.memory_space<hbm>> -> memref<100000x64xf32, #tpu.memory_space<hbm>>
      tpu.wait_indirect_dma semaphore(%arg26 : memref<!tpu.dma_semaphore, #tpu.memory_space<semaphore_mem>>) src(%dma_wait3A_180 : memref<100000x64xf32, #tpu.memory_space<hbm>>) dst(%dma_wait3A_174 : memref<128x64xf32, #tpu.memory_space<vmem>>)
      %ge3A = arith.constant 2 : i32
      %ge3A_181 = arith.cmpi sge, %add3A_158, %ge3A : i32
      %convert_element_type3A_182 = arith.extui %ge3A_181 : i1 to i32
      %cond3A_183 = arith.constant 0 : i32
      %cond3A_184 = arith.cmpi ne, %convert_element_type3A_182, %cond3A_183 : i32
      scf.if %cond3A_184 {
        %sub3A_311 = arith.constant 2 : i32
        %sub3A_312 = arith.subi %add3A_158, %sub3A_311 : i32
        %mul3A_313 = arith.constant 256 : i32
        %mul3A_314 = arith.muli %sub3A_312, %mul3A_313 : i32
        %add3A_315 = arith.addi %mul3A_2, %mul3A_314 : i32
        %jit3A_316 = arith.constant 2 : i32
        %div3A_317 = arith.divsi %add3A_315, %jit3A_316 : i32
        %sign3A_318 = arith.constant 0 : i32
        %sign3A_319 = arith.cmpi sgt, %add3A_315, %sign3A_318 : i32
        %sign3A_320 = arith.extui %sign3A_319 : i1 to i32
        %sign3A_321 = arith.constant 0 : i32
        %sign3A_322 = arith.cmpi slt, %add3A_315, %sign3A_321 : i32
        %sign3A_323 = arith.extui %sign3A_322 : i1 to i32
        %sign3A_324 = arith.subi %sign3A_320, %sign3A_323 : i32
        %sign3A_325 = arith.constant 0 : i32
        %sign3A_326 = arith.cmpi sgt, %jit3A_316, %sign3A_325 : i32
        %sign3A_327 = arith.extui %sign3A_326 : i1 to i32
        %sign3A_328 = arith.constant 0 : i32
        %sign3A_329 = arith.cmpi slt, %jit3A_316, %sign3A_328 : i32
        %sign3A_330 = arith.extui %sign3A_329 : i1 to i32
        %sign3A_331 = arith.subi %sign3A_327, %sign3A_330 : i32
        %ne3A_332 = arith.cmpi ne, %sign3A_324, %sign3A_331 : i32
        %rem3A_333 = arith.remsi %add3A_315, %jit3A_316 : i32
        %ne3A_334 = arith.constant 0 : i32
        %ne3A_335 = arith.cmpi ne, %rem3A_333, %ne3A_334 : i32
        %and3A_336 = arith.andi %ne3A_332, %ne3A_335 : i1
        %sub3A_337 = arith.constant 1 : i32
        %sub3A_338 = arith.subi %div3A_317, %sub3A_337 : i32
        %select_n3A_339 = arith.select %and3A_336, %sub3A_338, %div3A_317 : i32
        %dma_wait3A_340 = arith.constant 0 : i32
        %dma_wait3A_341 = tpu.memref_slice %arg9[%select_n3A_339, %dma_wait3A_340] : memref<262144x128xf32, #tpu.memory_space<hbm>> -> memref<128x128xf32, #tpu.memory_space<hbm>>
        %dma_wait3A_342 = arith.constant 0 : i32
        %dma_wait3A_343 = tpu.memref_slice %arg9[%select_n3A_339, %dma_wait3A_342] : memref<262144x128xf32, #tpu.memory_space<hbm>> -> memref<128x128xf32, #tpu.memory_space<hbm>>
        tpu.wait_dma2 semaphore(%arg28 : memref<!tpu.dma_semaphore, #tpu.memory_space<semaphore_mem>>) src(%arg22 : memref<128x128xf32, #tpu.memory_space<vmem>>) dst(%dma_wait3A_343 : memref<128x128xf32, #tpu.memory_space<hbm>>)
      } else {
      }
      %scan3A_185 = arith.constant 0 : i32
      %scan3A_186 = arith.constant 8 : i32
      %scan3A_187 = arith.addi %scan3A_185, %scan3A_186 : i32
      %scan3A_188 = arith.constant 4 : i32
      scf.for %scan3A_311 = %scan3A_185 to %scan3A_187 step %scan3A_188  : i32 {
        %mul3A_312 = arith.constant 16 : i32
        %mul3A_313 = arith.muli %scan3A_311, %mul3A_312 : i32
        %get3A_314 = arith.constant 0 : i32
        %get3A_315 = arith.index_cast %get3A_314 : i32 to index
        %get3A_316 = arith.index_cast %mul3A_313 : i32 to index
        %get3A_317 = tpu.vector_load %arg12[%get3A_315, %get3A_316] {strides = array<i32>} : memref<2x128xi32, #tpu.memory_space<vmem>>, vector<16xi32>,
        %convert_element_type3A_318 = arith.sitofp %get3A_317 : vector<16xi32> to vector<16xf32>
        %mul3A_319 = arith.constant 16 : i32
        %mul3A_320 = arith.muli %scan3A_311, %mul3A_319 : i32
        %add3A_321 = arith.constant 0 : i32
        %add3A_322 = arith.addi %add3A_321, %mul3A_320 : i32
        %swap3A_323 = arith.index_cast %add3A_322 : i32 to index
        %swap3A_324 = tpu.vector_load %arg14[%swap3A_323] {strides = array<i32>} : memref<272xf32, #tpu.memory_space<vmem>>, vector<16xf32>,
        tpu.vector_store %arg14[%swap3A_323], %convert_element_type3A_318 {strides = array<i32>} : memref<272xf32, #tpu.memory_space<vmem>>, vector<16xf32>,
        %scan3A_325 = arith.constant 1 : i32
        %scan3A_326 = arith.addi %scan3A_311, %scan3A_325 : i32
        %mul3A_327 = arith.constant 16 : i32
        %mul3A_328 = arith.muli %scan3A_326, %mul3A_327 : i32
        %get3A_329 = arith.constant 0 : i32
        %get3A_330 = arith.index_cast %get3A_329 : i32 to index
        %get3A_331 = arith.index_cast %mul3A_328 : i32 to index
        %get3A_332 = tpu.vector_load %arg12[%get3A_330, %get3A_331] {strides = array<i32>} : memref<2x128xi32, #tpu.memory_space<vmem>>, vector<16xi32>,
        %convert_element_type3A_333 = arith.sitofp %get3A_332 : vector<16xi32> to vector<16xf32>
        %mul3A_334 = arith.constant 16 : i32
        %mul3A_335 = arith.muli %scan3A_326, %mul3A_334 : i32
        %add3A_336 = arith.constant 0 : i32
        %add3A_337 = arith.addi %add3A_336, %mul3A_335 : i32
        %swap3A_338 = arith.index_cast %add3A_337 : i32 to index
        %swap3A_339 = tpu.vector_load %arg14[%swap3A_338] {strides = array<i32>} : memref<272xf32, #tpu.memory_space<vmem>>, vector<16xf32>,
        tpu.vector_store %arg14[%swap3A_338], %convert_element_type3A_333 {strides = array<i32>} : memref<272xf32, #tpu.memory_space<vmem>>, vector<16xf32>,
        %scan3A_340 = arith.constant 2 : i32
        %scan3A_341 = arith.addi %scan3A_311, %scan3A_340 : i32
        %mul3A_342 = arith.constant 16 : i32
        %mul3A_343 = arith.muli %scan3A_341, %mul3A_342 : i32
        %get3A_344 = arith.constant 0 : i32
        %get3A_345 = arith.index_cast %get3A_344 : i32 to index
        %get3A_346 = arith.index_cast %mul3A_343 : i32 to index
        %get3A_347 = tpu.vector_load %arg12[%get3A_345, %get3A_346] {strides = array<i32>} : memref<2x128xi32, #tpu.memory_space<vmem>>, vector<16xi32>,
        %convert_element_type3A_348 = arith.sitofp %get3A_347 : vector<16xi32> to vector<16xf32>
        %mul3A_349 = arith.constant 16 : i32
        %mul3A_350 = arith.muli %scan3A_341, %mul3A_349 : i32
        %add3A_351 = arith.constant 0 : i32
        %add3A_352 = arith.addi %add3A_351, %mul3A_350 : i32
        %swap3A_353 = arith.index_cast %add3A_352 : i32 to index
        %swap3A_354 = tpu.vector_load %arg14[%swap3A_353] {strides = array<i32>} : memref<272xf32, #tpu.memory_space<vmem>>, vector<16xf32>,
        tpu.vector_store %arg14[%swap3A_353], %convert_element_type3A_348 {strides = array<i32>} : memref<272xf32, #tpu.memory_space<vmem>>, vector<16xf32>,
        %scan3A_355 = arith.constant 3 : i32
        %scan3A_356 = arith.addi %scan3A_311, %scan3A_355 : i32
        %mul3A_357 = arith.constant 16 : i32
        %mul3A_358 = arith.muli %scan3A_356, %mul3A_357 : i32
        %get3A_359 = arith.constant 0 : i32
        %get3A_360 = arith.index_cast %get3A_359 : i32 to index
        %get3A_361 = arith.index_cast %mul3A_358 : i32 to index
        %get3A_362 = tpu.vector_load %arg12[%get3A_360, %get3A_361] {strides = array<i32>} : memref<2x128xi32, #tpu.memory_space<vmem>>, vector<16xi32>,
        %convert_element_type3A_363 = arith.sitofp %get3A_362 : vector<16xi32> to vector<16xf32>
        %mul3A_364 = arith.constant 16 : i32
        %mul3A_365 = arith.muli %scan3A_356, %mul3A_364 : i32
        %add3A_366 = arith.constant 0 : i32
        %add3A_367 = arith.addi %add3A_366, %mul3A_365 : i32
        %swap3A_368 = arith.index_cast %add3A_367 : i32 to index
        %swap3A_369 = tpu.vector_load %arg14[%swap3A_368] {strides = array<i32>} : memref<272xf32, #tpu.memory_space<vmem>>, vector<16xf32>,
        tpu.vector_store %arg14[%swap3A_368], %convert_element_type3A_363 {strides = array<i32>} : memref<272xf32, #tpu.memory_space<vmem>>, vector<16xf32>,
      }
      %scan3A_189 = arith.constant 8 : i32
      %scan3A_190 = arith.constant 0 : i32
      %scan3A_191 = arith.constant 8 : i32
      %scan3A_192 = arith.addi %scan3A_190, %scan3A_191 : i32
      %scan3A_193 = arith.constant 4 : i32
      scf.for %scan3A_311 = %scan3A_190 to %scan3A_192 step %scan3A_193  : i32 {
        %mul3A_312 = arith.constant 16 : i32
        %mul3A_313 = arith.muli %scan3A_311, %mul3A_312 : i32
        %get3A_314 = arith.constant 1 : i32
        %get3A_315 = arith.index_cast %get3A_314 : i32 to index
        %get3A_316 = arith.index_cast %mul3A_313 : i32 to index
        %get3A_317 = tpu.vector_load %arg12[%get3A_315, %get3A_316] {strides = array<i32>} : memref<2x128xi32, #tpu.memory_space<vmem>>, vector<16xi32>,
        %convert_element_type3A_318 = arith.sitofp %get3A_317 : vector<16xi32> to vector<16xf32>
        %mul3A_319 = arith.constant 16 : i32
        %mul3A_320 = arith.muli %scan3A_311, %mul3A_319 : i32
        %add3A_321 = arith.constant 128 : i32
        %add3A_322 = arith.addi %add3A_321, %mul3A_320 : i32
        %swap3A_323 = arith.index_cast %add3A_322 : i32 to index
        %swap3A_324 = tpu.vector_load %arg14[%swap3A_323] {strides = array<i32>} : memref<272xf32, #tpu.memory_space<vmem>>, vector<16xf32>,
        tpu.vector_store %arg14[%swap3A_323], %convert_element_type3A_318 {strides = array<i32>} : memref<272xf32, #tpu.memory_space<vmem>>, vector<16xf32>,
        %scan3A_325 = arith.constant 1 : i32
        %scan3A_326 = arith.addi %scan3A_311, %scan3A_325 : i32
        %mul3A_327 = arith.constant 16 : i32
        %mul3A_328 = arith.muli %scan3A_326, %mul3A_327 : i32
        %get3A_329 = arith.constant 1 : i32
        %get3A_330 = arith.index_cast %get3A_329 : i32 to index
        %get3A_331 = arith.index_cast %mul3A_328 : i32 to index
        %get3A_332 = tpu.vector_load %arg12[%get3A_330, %get3A_331] {strides = array<i32>} : memref<2x128xi32, #tpu.memory_space<vmem>>, vector<16xi32>,
        %convert_element_type3A_333 = arith.sitofp %get3A_332 : vector<16xi32> to vector<16xf32>
        %mul3A_334 = arith.constant 16 : i32
        %mul3A_335 = arith.muli %scan3A_326, %mul3A_334 : i32
        %add3A_336 = arith.constant 128 : i32
        %add3A_337 = arith.addi %add3A_336, %mul3A_335 : i32
        %swap3A_338 = arith.index_cast %add3A_337 : i32 to index
        %swap3A_339 = tpu.vector_load %arg14[%swap3A_338] {strides = array<i32>} : memref<272xf32, #tpu.memory_space<vmem>>, vector<16xf32>,
        tpu.vector_store %arg14[%swap3A_338], %convert_element_type3A_333 {strides = array<i32>} : memref<272xf32, #tpu.memory_space<vmem>>, vector<16xf32>,
        %scan3A_340 = arith.constant 2 : i32
        %scan3A_341 = arith.addi %scan3A_311, %scan3A_340 : i32
        %mul3A_342 = arith.constant 16 : i32
        %mul3A_343 = arith.muli %scan3A_341, %mul3A_342 : i32
        %get3A_344 = arith.constant 1 : i32
        %get3A_345 = arith.index_cast %get3A_344 : i32 to index
        %get3A_346 = arith.index_cast %mul3A_343 : i32 to index
        %get3A_347 = tpu.vector_load %arg12[%get3A_345, %get3A_346] {strides = array<i32>} : memref<2x128xi32, #tpu.memory_space<vmem>>, vector<16xi32>,
        %convert_element_type3A_348 = arith.sitofp %get3A_347 : vector<16xi32> to vector<16xf32>
        %mul3A_349 = arith.constant 16 : i32
        %mul3A_350 = arith.muli %scan3A_341, %mul3A_349 : i32
        %add3A_351 = arith.constant 128 : i32
        %add3A_352 = arith.addi %add3A_351, %mul3A_350 : i32
        %swap3A_353 = arith.index_cast %add3A_352 : i32 to index
        %swap3A_354 = tpu.vector_load %arg14[%swap3A_353] {strides = array<i32>} : memref<272xf32, #tpu.memory_space<vmem>>, vector<16xf32>,
        tpu.vector_store %arg14[%swap3A_353], %convert_element_type3A_348 {strides = array<i32>} : memref<272xf32, #tpu.memory_space<vmem>>, vector<16xf32>,
        %scan3A_355 = arith.constant 3 : i32
        %scan3A_356 = arith.addi %scan3A_311, %scan3A_355 : i32
        %mul3A_357 = arith.constant 16 : i32
        %mul3A_358 = arith.muli %scan3A_356, %mul3A_357 : i32
        %get3A_359 = arith.constant 1 : i32
        %get3A_360 = arith.index_cast %get3A_359 : i32 to index
        %get3A_361 = arith.index_cast %mul3A_358 : i32 to index
        %get3A_362 = tpu.vector_load %arg12[%get3A_360, %get3A_361] {strides = array<i32>} : memref<2x128xi32, #tpu.memory_space<vmem>>, vector<16xi32>,
        %convert_element_type3A_363 = arith.sitofp %get3A_362 : vector<16xi32> to vector<16xf32>
        %mul3A_364 = arith.constant 16 : i32
        %mul3A_365 = arith.muli %scan3A_356, %mul3A_364 : i32
        %add3A_366 = arith.constant 128 : i32
        %add3A_367 = arith.addi %add3A_366, %mul3A_365 : i32
        %swap3A_368 = arith.index_cast %add3A_367 : i32 to index
        %swap3A_369 = tpu.vector_load %arg14[%swap3A_368] {strides = array<i32>} : memref<272xf32, #tpu.memory_space<vmem>>, vector<16xf32>,
        tpu.vector_store %arg14[%swap3A_368], %convert_element_type3A_363 {strides = array<i32>} : memref<272xf32, #tpu.memory_space<vmem>>, vector<16xf32>,
      }
      %scan3A_194 = arith.constant 8 : i32
      %eq3A = arith.constant 15 : i32
      %eq3A_195 = vector.broadcast %eq3A : i32 to vector<16xi32>
      %eq3A_196 = arith.cmpi eq, %iota3A, %eq3A_195 : vector<16xi32>
      %parallel_loop3A = arith.constant 0 : i32
      %parallel_loop3A_197 = arith.constant 64 : i32
      %parallel_loop3A_198 = arith.constant 1 : i32
      scf.for %parallel_loop3A_311 = %parallel_loop3A to %parallel_loop3A_197 step %parallel_loop3A_198  : i32 {
        %parallel_loop3A_312 = arith.constant 4 : i32
        %parallel_loop3A_313 = arith.muli %parallel_loop3A_311, %parallel_loop3A_312 : i32
        %parallel_loop3A_314 = arith.index_cast %parallel_loop3A_313 : i32 to index
        %parallel_loop3A_315 = tpu.vector_load %arg14[%parallel_loop3A_314] {strides = array<i32>} : memref<272xf32, #tpu.memory_space<vmem>>, vector<16xf32>,
        %parallel_loop3A_316 = arith.constant 0 : i32
        %parallel_loop3A_317 = arith.addi %parallel_loop3A_313, %parallel_loop3A_316 : i32
        %parallel_loop3A_318 = arith.constant 0 : i32
        %parallel_loop3A_319 = vector.broadcast %parallel_loop3A_318 : i32 to vector<16xi32>
        %parallel_loop3A_320 = arith.constant 0 : i32
        %parallel_loop3A_321 = vector.broadcast %parallel_loop3A_320 : i32 to vector<16xi32>
        %parallel_loop3A_322 = arith.cmpi slt, %parallel_loop3A_319, %parallel_loop3A_321 : vector<16xi32>
        %parallel_loop3A_323 = arith.constant 16 : i32
        %parallel_loop3A_324 = vector.broadcast %parallel_loop3A_323 : i32 to vector<16xi32>
        %parallel_loop3A_325 = arith.addi %parallel_loop3A_319, %parallel_loop3A_324 : vector<16xi32>
        %parallel_loop3A_326 = arith.select %parallel_loop3A_322, %parallel_loop3A_325, %parallel_loop3A_319 : vector<16xi1>, vector<16xi32>
        %parallel_loop3A_327 = vector.shape_cast %parallel_loop3A_326 : vector<16xi32> to vector<16x1xi32>
        %parallel_loop3A_328 = vector.shape_cast %parallel_loop3A_327 : vector<16x1xi32> to vector<16xi32>
        %parallel_loop3A_329 = tpu.dynamic_gather %parallel_loop3A_315[%parallel_loop3A_328] in [0] : vector<16xf32>, vector<16xi32> -> vector<16xf32>
        %parallel_loop3A_330 = arith.index_cast %parallel_loop3A_317 : i32 to index
        %parallel_loop3A_331 = arith.constant 0 : index
        %parallel_loop3A_332 = tpu.vector_load %arg20[%parallel_loop3A_330, %parallel_loop3A_331] {strides = array<i32>} : memref<256x64xf32, #tpu.memory_space<vmem>>, vector<16xf32>,
        %parallel_loop3A_333 = arith.constant 0 : i32
        %parallel_loop3A_334 = arith.addi %parallel_loop3A_333, %parallel_loop3A_317 : i32
        %parallel_loop3A_335 = arith.index_cast %parallel_loop3A_334 : i32 to index
        %parallel_loop3A_336 = arith.constant 0 : index
        %parallel_loop3A_337 = tpu.vector_load %arg16[%parallel_loop3A_335, %parallel_loop3A_336] {strides = array<i32>} : memref<512x64xf32, #tpu.memory_space<vmem>>, vector<16xf32>,
        %parallel_loop3A_338 = arith.addf %parallel_loop3A_332, %parallel_loop3A_337 : vector<16xf32>
        %parallel_loop3A_339 = arith.mulf %parallel_loop3A_329, %get3A_51 : vector<16xf32>
        %parallel_loop3A_340 = arith.addf %parallel_loop3A_338, %parallel_loop3A_339 : vector<16xf32>
        %parallel_loop3A_341 = arith.index_cast %parallel_loop3A_317 : i32 to index
        %parallel_loop3A_342 = arith.constant 16 : index
        %parallel_loop3A_343 = tpu.vector_load %arg20[%parallel_loop3A_341, %parallel_loop3A_342] {strides = array<i32>} : memref<256x64xf32, #tpu.memory_space<vmem>>, vector<16xf32>,
        %parallel_loop3A_344 = arith.constant 0 : i32
        %parallel_loop3A_345 = arith.addi %parallel_loop3A_344, %parallel_loop3A_317 : i32
        %parallel_loop3A_346 = arith.index_cast %parallel_loop3A_345 : i32 to index
        %parallel_loop3A_347 = arith.constant 16 : index
        %parallel_loop3A_348 = tpu.vector_load %arg16[%parallel_loop3A_346, %parallel_loop3A_347] {strides = array<i32>} : memref<512x64xf32, #tpu.memory_space<vmem>>, vector<16xf32>,
        %parallel_loop3A_349 = arith.addf %parallel_loop3A_343, %parallel_loop3A_348 : vector<16xf32>
        %parallel_loop3A_350 = arith.mulf %parallel_loop3A_329, %get3A_53 : vector<16xf32>
        %parallel_loop3A_351 = arith.addf %parallel_loop3A_349, %parallel_loop3A_350 : vector<16xf32>
        %parallel_loop3A_352 = arith.index_cast %parallel_loop3A_317 : i32 to index
        %parallel_loop3A_353 = arith.constant 32 : index
        %parallel_loop3A_354 = tpu.vector_load %arg20[%parallel_loop3A_352, %parallel_loop3A_353] {strides = array<i32>} : memref<256x64xf32, #tpu.memory_space<vmem>>, vector<16xf32>,
        %parallel_loop3A_355 = arith.constant 0 : i32
        %parallel_loop3A_356 = arith.addi %parallel_loop3A_355, %parallel_loop3A_317 : i32
        %parallel_loop3A_357 = arith.index_cast %parallel_loop3A_356 : i32 to index
        %parallel_loop3A_358 = arith.constant 32 : index
        %parallel_loop3A_359 = tpu.vector_load %arg16[%parallel_loop3A_357, %parallel_loop3A_358] {strides = array<i32>} : memref<512x64xf32, #tpu.memory_space<vmem>>, vector<16xf32>,
        %parallel_loop3A_360 = arith.addf %parallel_loop3A_354, %parallel_loop3A_359 : vector<16xf32>
        %parallel_loop3A_361 = arith.mulf %parallel_loop3A_329, %get3A_55 : vector<16xf32>
        %parallel_loop3A_362 = arith.addf %parallel_loop3A_360, %parallel_loop3A_361 : vector<16xf32>
        %parallel_loop3A_363 = arith.index_cast %parallel_loop3A_317 : i32 to index
        %parallel_loop3A_364 = arith.constant 48 : index
        %parallel_loop3A_365 = tpu.vector_load %arg20[%parallel_loop3A_363, %parallel_loop3A_364] {strides = array<i32>} : memref<256x64xf32, #tpu.memory_space<vmem>>, vector<16xf32>,
        %parallel_loop3A_366 = arith.constant 0 : i32
        %parallel_loop3A_367 = arith.addi %parallel_loop3A_366, %parallel_loop3A_317 : i32
        %parallel_loop3A_368 = arith.index_cast %parallel_loop3A_367 : i32 to index
        %parallel_loop3A_369 = arith.constant 48 : index
        %parallel_loop3A_370 = tpu.vector_load %arg16[%parallel_loop3A_368, %parallel_loop3A_369] {strides = array<i32>} : memref<512x64xf32, #tpu.memory_space<vmem>>, vector<16xf32>,
        %parallel_loop3A_371 = arith.addf %parallel_loop3A_365, %parallel_loop3A_370 : vector<16xf32>
        %parallel_loop3A_372 = arith.mulf %parallel_loop3A_329, %get3A_57 : vector<16xf32>
        %parallel_loop3A_373 = arith.addf %parallel_loop3A_371, %parallel_loop3A_372 : vector<16xf32>
        %parallel_loop3A_374 = arith.addf %parallel_loop3A_340, %parallel_loop3A_351 : vector<16xf32>
        %parallel_loop3A_375 = arith.addf %parallel_loop3A_362, %parallel_loop3A_373 : vector<16xf32>
        %parallel_loop3A_376 = arith.addf %parallel_loop3A_374, %parallel_loop3A_375 : vector<16xf32>
        %parallel_loop3A_377 = arith.mulf %parallel_loop3A_340, %parallel_loop3A_340 : vector<16xf32>
        %parallel_loop3A_378 = arith.mulf %parallel_loop3A_351, %parallel_loop3A_351 : vector<16xf32>
        %parallel_loop3A_379 = arith.addf %parallel_loop3A_377, %parallel_loop3A_378 : vector<16xf32>
        %parallel_loop3A_380 = arith.mulf %parallel_loop3A_362, %parallel_loop3A_362 : vector<16xf32>
        %parallel_loop3A_381 = arith.addf %parallel_loop3A_379, %parallel_loop3A_380 : vector<16xf32>
        %parallel_loop3A_382 = arith.mulf %parallel_loop3A_373, %parallel_loop3A_373 : vector<16xf32>
        %parallel_loop3A_383 = arith.addf %parallel_loop3A_381, %parallel_loop3A_382 : vector<16xf32>
        %parallel_loop3A_384 = arith.constant true
        %parallel_loop3A_385 = vector.broadcast %parallel_loop3A_384 : i1 to vector<16xi1>
        %parallel_loop3A_386 = tpu.scan <sum>, %parallel_loop3A_376 masked %parallel_loop3A_385 : vector<16xf32>, vector<16xi1> -> vector<16xf32>
        %parallel_loop3A_387 = arith.index_cast %parallel_loop3A_317 : i32 to index
        %parallel_loop3A_388 = tpu.vector_load %arg24[%parallel_loop3A_387] masked %eq3A_196 {strides = array<i32>} : memref<272xf32, #tpu.memory_space<vmem>>, vector<16xf32>, vector<16xi1>
        tpu.vector_store %arg24[%parallel_loop3A_387], %parallel_loop3A_386 masked %eq3A_196 {strides = array<i32>} : memref<272xf32, #tpu.memory_space<vmem>>, vector<16xf32>, vector<16xi1>
        %parallel_loop3A_389 = arith.constant true
        %parallel_loop3A_390 = vector.broadcast %parallel_loop3A_389 : i1 to vector<16xi1>
        %parallel_loop3A_391 = tpu.scan <sum>, %parallel_loop3A_383 masked %parallel_loop3A_390 : vector<16xf32>, vector<16xi1> -> vector<16xf32>
        %parallel_loop3A_392 = arith.index_cast %parallel_loop3A_317 : i32 to index
        %parallel_loop3A_393 = tpu.vector_load %arg25[%parallel_loop3A_392] masked %eq3A_196 {strides = array<i32>} : memref<272xf32, #tpu.memory_space<vmem>>, vector<16xf32>, vector<16xi1>
        tpu.vector_store %arg25[%parallel_loop3A_392], %parallel_loop3A_391 masked %eq3A_196 {strides = array<i32>} : memref<272xf32, #tpu.memory_space<vmem>>, vector<16xf32>, vector<16xi1>
        %parallel_loop3A_394 = arith.constant 1 : i32
        %parallel_loop3A_395 = arith.addi %parallel_loop3A_313, %parallel_loop3A_394 : i32
        %parallel_loop3A_396 = arith.constant 1 : i32
        %parallel_loop3A_397 = vector.broadcast %parallel_loop3A_396 : i32 to vector<16xi32>
        %parallel_loop3A_398 = arith.constant 0 : i32
        %parallel_loop3A_399 = vector.broadcast %parallel_loop3A_398 : i32 to vector<16xi32>
        %parallel_loop3A_400 = arith.cmpi slt, %parallel_loop3A_397, %parallel_loop3A_399 : vector<16xi32>
        %parallel_loop3A_401 = arith.constant 16 : i32
        %parallel_loop3A_402 = vector.broadcast %parallel_loop3A_401 : i32 to vector<16xi32>
        %parallel_loop3A_403 = arith.addi %parallel_loop3A_397, %parallel_loop3A_402 : vector<16xi32>
        %parallel_loop3A_404 = arith.select %parallel_loop3A_400, %parallel_loop3A_403, %parallel_loop3A_397 : vector<16xi1>, vector<16xi32>
        %parallel_loop3A_405 = vector.shape_cast %parallel_loop3A_404 : vector<16xi32> to vector<16x1xi32>
        %parallel_loop3A_406 = vector.shape_cast %parallel_loop3A_405 : vector<16x1xi32> to vector<16xi32>
        %parallel_loop3A_407 = tpu.dynamic_gather %parallel_loop3A_315[%parallel_loop3A_406] in [0] : vector<16xf32>, vector<16xi32> -> vector<16xf32>
        %parallel_loop3A_408 = arith.index_cast %parallel_loop3A_395 : i32 to index
        %parallel_loop3A_409 = arith.constant 0 : index
        %parallel_loop3A_410 = tpu.vector_load %arg20[%parallel_loop3A_408, %parallel_loop3A_409] {strides = array<i32>} : memref<256x64xf32, #tpu.memory_space<vmem>>, vector<16xf32>,
        %parallel_loop3A_411 = arith.constant 0 : i32
        %parallel_loop3A_412 = arith.addi %parallel_loop3A_411, %parallel_loop3A_395 : i32
        %parallel_loop3A_413 = arith.index_cast %parallel_loop3A_412 : i32 to index
        %parallel_loop3A_414 = arith.constant 0 : index
        %parallel_loop3A_415 = tpu.vector_load %arg16[%parallel_loop3A_413, %parallel_loop3A_414] {strides = array<i32>} : memref<512x64xf32, #tpu.memory_space<vmem>>, vector<16xf32>,
        %parallel_loop3A_416 = arith.addf %parallel_loop3A_410, %parallel_loop3A_415 : vector<16xf32>
        %parallel_loop3A_417 = arith.mulf %parallel_loop3A_407, %get3A_51 : vector<16xf32>
        %parallel_loop3A_418 = arith.addf %parallel_loop3A_416, %parallel_loop3A_417 : vector<16xf32>
        %parallel_loop3A_419 = arith.index_cast %parallel_loop3A_395 : i32 to index
        %parallel_loop3A_420 = arith.constant 16 : index
        %parallel_loop3A_421 = tpu.vector_load %arg20[%parallel_loop3A_419, %parallel_loop3A_420] {strides = array<i32>} : memref<256x64xf32, #tpu.memory_space<vmem>>, vector<16xf32>,
        %parallel_loop3A_422 = arith.constant 0 : i32
        %parallel_loop3A_423 = arith.addi %parallel_loop3A_422, %parallel_loop3A_395 : i32
        %parallel_loop3A_424 = arith.index_cast %parallel_loop3A_423 : i32 to index
        %parallel_loop3A_425 = arith.constant 16 : index
        %parallel_loop3A_426 = tpu.vector_load %arg16[%parallel_loop3A_424, %parallel_loop3A_425] {strides = array<i32>} : memref<512x64xf32, #tpu.memory_space<vmem>>, vector<16xf32>,
        %parallel_loop3A_427 = arith.addf %parallel_loop3A_421, %parallel_loop3A_426 : vector<16xf32>
        %parallel_loop3A_428 = arith.mulf %parallel_loop3A_407, %get3A_53 : vector<16xf32>
        %parallel_loop3A_429 = arith.addf %parallel_loop3A_427, %parallel_loop3A_428 : vector<16xf32>
        %parallel_loop3A_430 = arith.index_cast %parallel_loop3A_395 : i32 to index
        %parallel_loop3A_431 = arith.constant 32 : index
        %parallel_loop3A_432 = tpu.vector_load %arg20[%parallel_loop3A_430, %parallel_loop3A_431] {strides = array<i32>} : memref<256x64xf32, #tpu.memory_space<vmem>>, vector<16xf32>,
        %parallel_loop3A_433 = arith.constant 0 : i32
        %parallel_loop3A_434 = arith.addi %parallel_loop3A_433, %parallel_loop3A_395 : i32
        %parallel_loop3A_435 = arith.index_cast %parallel_loop3A_434 : i32 to index
        %parallel_loop3A_436 = arith.constant 32 : index
        %parallel_loop3A_437 = tpu.vector_load %arg16[%parallel_loop3A_435, %parallel_loop3A_436] {strides = array<i32>} : memref<512x64xf32, #tpu.memory_space<vmem>>, vector<16xf32>,
        %parallel_loop3A_438 = arith.addf %parallel_loop3A_432, %parallel_loop3A_437 : vector<16xf32>
        %parallel_loop3A_439 = arith.mulf %parallel_loop3A_407, %get3A_55 : vector<16xf32>
        %parallel_loop3A_440 = arith.addf %parallel_loop3A_438, %parallel_loop3A_439 : vector<16xf32>
        %parallel_loop3A_441 = arith.index_cast %parallel_loop3A_395 : i32 to index
        %parallel_loop3A_442 = arith.constant 48 : index
        %parallel_loop3A_443 = tpu.vector_load %arg20[%parallel_loop3A_441, %parallel_loop3A_442] {strides = array<i32>} : memref<256x64xf32, #tpu.memory_space<vmem>>, vector<16xf32>,
        %parallel_loop3A_444 = arith.constant 0 : i32
        %parallel_loop3A_445 = arith.addi %parallel_loop3A_444, %parallel_loop3A_395 : i32
        %parallel_loop3A_446 = arith.index_cast %parallel_loop3A_445 : i32 to index
        %parallel_loop3A_447 = arith.constant 48 : index
        %parallel_loop3A_448 = tpu.vector_load %arg16[%parallel_loop3A_446, %parallel_loop3A_447] {strides = array<i32>} : memref<512x64xf32, #tpu.memory_space<vmem>>, vector<16xf32>,
        %parallel_loop3A_449 = arith.addf %parallel_loop3A_443, %parallel_loop3A_448 : vector<16xf32>
        %parallel_loop3A_450 = arith.mulf %parallel_loop3A_407, %get3A_57 : vector<16xf32>
        %parallel_loop3A_451 = arith.addf %parallel_loop3A_449, %parallel_loop3A_450 : vector<16xf32>
        %parallel_loop3A_452 = arith.addf %parallel_loop3A_418, %parallel_loop3A_429 : vector<16xf32>
        %parallel_loop3A_453 = arith.addf %parallel_loop3A_440, %parallel_loop3A_451 : vector<16xf32>
        %parallel_loop3A_454 = arith.addf %parallel_loop3A_452, %parallel_loop3A_453 : vector<16xf32>
        %parallel_loop3A_455 = arith.mulf %parallel_loop3A_418, %parallel_loop3A_418 : vector<16xf32>
        %parallel_loop3A_456 = arith.mulf %parallel_loop3A_429, %parallel_loop3A_429 : vector<16xf32>
        %parallel_loop3A_457 = arith.addf %parallel_loop3A_455, %parallel_loop3A_456 : vector<16xf32>
        %parallel_loop3A_458 = arith.mulf %parallel_loop3A_440, %parallel_loop3A_440 : vector<16xf32>
        %parallel_loop3A_459 = arith.addf %parallel_loop3A_457, %parallel_loop3A_458 : vector<16xf32>
        %parallel_loop3A_460 = arith.mulf %parallel_loop3A_451, %parallel_loop3A_451 : vector<16xf32>
        %parallel_loop3A_461 = arith.addf %parallel_loop3A_459, %parallel_loop3A_460 : vector<16xf32>
        %parallel_loop3A_462 = arith.constant true
        %parallel_loop3A_463 = vector.broadcast %parallel_loop3A_462 : i1 to vector<16xi1>
        %parallel_loop3A_464 = tpu.scan <sum>, %parallel_loop3A_454 masked %parallel_loop3A_463 : vector<16xf32>, vector<16xi1> -> vector<16xf32>
        %parallel_loop3A_465 = arith.index_cast %parallel_loop3A_395 : i32 to index
        %parallel_loop3A_466 = tpu.vector_load %arg24[%parallel_loop3A_465] masked %eq3A_196 {strides = array<i32>} : memref<272xf32, #tpu.memory_space<vmem>>, vector<16xf32>, vector<16xi1>
        tpu.vector_store %arg24[%parallel_loop3A_465], %parallel_loop3A_464 masked %eq3A_196 {strides = array<i32>} : memref<272xf32, #tpu.memory_space<vmem>>, vector<16xf32>, vector<16xi1>
        %parallel_loop3A_467 = arith.constant true
        %parallel_loop3A_468 = vector.broadcast %parallel_loop3A_467 : i1 to vector<16xi1>
        %parallel_loop3A_469 = tpu.scan <sum>, %parallel_loop3A_461 masked %parallel_loop3A_468 : vector<16xf32>, vector<16xi1> -> vector<16xf32>
        %parallel_loop3A_470 = arith.index_cast %parallel_loop3A_395 : i32 to index
        %parallel_loop3A_471 = tpu.vector_load %arg25[%parallel_loop3A_470] masked %eq3A_196 {strides = array<i32>} : memref<272xf32, #tpu.memory_space<vmem>>, vector<16xf32>, vector<16xi1>
        tpu.vector_store %arg25[%parallel_loop3A_470], %parallel_loop3A_469 masked %eq3A_196 {strides = array<i32>} : memref<272xf32, #tpu.memory_space<vmem>>, vector<16xf32>, vector<16xi1>
        %parallel_loop3A_472 = arith.constant 2 : i32
        %parallel_loop3A_473 = arith.addi %parallel_loop3A_313, %parallel_loop3A_472 : i32
        %parallel_loop3A_474 = arith.constant 2 : i32
        %parallel_loop3A_475 = vector.broadcast %parallel_loop3A_474 : i32 to vector<16xi32>
        %parallel_loop3A_476 = arith.constant 0 : i32
        %parallel_loop3A_477 = vector.broadcast %parallel_loop3A_476 : i32 to vector<16xi32>
        %parallel_loop3A_478 = arith.cmpi slt, %parallel_loop3A_475, %parallel_loop3A_477 : vector<16xi32>
        %parallel_loop3A_479 = arith.constant 16 : i32
        %parallel_loop3A_480 = vector.broadcast %parallel_loop3A_479 : i32 to vector<16xi32>
        %parallel_loop3A_481 = arith.addi %parallel_loop3A_475, %parallel_loop3A_480 : vector<16xi32>
        %parallel_loop3A_482 = arith.select %parallel_loop3A_478, %parallel_loop3A_481, %parallel_loop3A_475 : vector<16xi1>, vector<16xi32>
        %parallel_loop3A_483 = vector.shape_cast %parallel_loop3A_482 : vector<16xi32> to vector<16x1xi32>
        %parallel_loop3A_484 = vector.shape_cast %parallel_loop3A_483 : vector<16x1xi32> to vector<16xi32>
        %parallel_loop3A_485 = tpu.dynamic_gather %parallel_loop3A_315[%parallel_loop3A_484] in [0] : vector<16xf32>, vector<16xi32> -> vector<16xf32>
        %parallel_loop3A_486 = arith.index_cast %parallel_loop3A_473 : i32 to index
        %parallel_loop3A_487 = arith.constant 0 : index
        %parallel_loop3A_488 = tpu.vector_load %arg20[%parallel_loop3A_486, %parallel_loop3A_487] {strides = array<i32>} : memref<256x64xf32, #tpu.memory_space<vmem>>, vector<16xf32>,
        %parallel_loop3A_489 = arith.constant 0 : i32
        %parallel_loop3A_490 = arith.addi %parallel_loop3A_489, %parallel_loop3A_473 : i32
        %parallel_loop3A_491 = arith.index_cast %parallel_loop3A_490 : i32 to index
        %parallel_loop3A_492 = arith.constant 0 : index
        %parallel_loop3A_493 = tpu.vector_load %arg16[%parallel_loop3A_491, %parallel_loop3A_492] {strides = array<i32>} : memref<512x64xf32, #tpu.memory_space<vmem>>, vector<16xf32>,
        %parallel_loop3A_494 = arith.addf %parallel_loop3A_488, %parallel_loop3A_493 : vector<16xf32>
        %parallel_loop3A_495 = arith.mulf %parallel_loop3A_485, %get3A_51 : vector<16xf32>
        %parallel_loop3A_496 = arith.addf %parallel_loop3A_494, %parallel_loop3A_495 : vector<16xf32>
        %parallel_loop3A_497 = arith.index_cast %parallel_loop3A_473 : i32 to index
        %parallel_loop3A_498 = arith.constant 16 : index
        %parallel_loop3A_499 = tpu.vector_load %arg20[%parallel_loop3A_497, %parallel_loop3A_498] {strides = array<i32>} : memref<256x64xf32, #tpu.memory_space<vmem>>, vector<16xf32>,
        %parallel_loop3A_500 = arith.constant 0 : i32
        %parallel_loop3A_501 = arith.addi %parallel_loop3A_500, %parallel_loop3A_473 : i32
        %parallel_loop3A_502 = arith.index_cast %parallel_loop3A_501 : i32 to index
        %parallel_loop3A_503 = arith.constant 16 : index
        %parallel_loop3A_504 = tpu.vector_load %arg16[%parallel_loop3A_502, %parallel_loop3A_503] {strides = array<i32>} : memref<512x64xf32, #tpu.memory_space<vmem>>, vector<16xf32>,
        %parallel_loop3A_505 = arith.addf %parallel_loop3A_499, %parallel_loop3A_504 : vector<16xf32>
        %parallel_loop3A_506 = arith.mulf %parallel_loop3A_485, %get3A_53 : vector<16xf32>
        %parallel_loop3A_507 = arith.addf %parallel_loop3A_505, %parallel_loop3A_506 : vector<16xf32>
        %parallel_loop3A_508 = arith.index_cast %parallel_loop3A_473 : i32 to index
        %parallel_loop3A_509 = arith.constant 32 : index
        %parallel_loop3A_510 = tpu.vector_load %arg20[%parallel_loop3A_508, %parallel_loop3A_509] {strides = array<i32>} : memref<256x64xf32, #tpu.memory_space<vmem>>, vector<16xf32>,
        %parallel_loop3A_511 = arith.constant 0 : i32
        %parallel_loop3A_512 = arith.addi %parallel_loop3A_511, %parallel_loop3A_473 : i32
        %parallel_loop3A_513 = arith.index_cast %parallel_loop3A_512 : i32 to index
        %parallel_loop3A_514 = arith.constant 32 : index
        %parallel_loop3A_515 = tpu.vector_load %arg16[%parallel_loop3A_513, %parallel_loop3A_514] {strides = array<i32>} : memref<512x64xf32, #tpu.memory_space<vmem>>, vector<16xf32>,
        %parallel_loop3A_516 = arith.addf %parallel_loop3A_510, %parallel_loop3A_515 : vector<16xf32>
        %parallel_loop3A_517 = arith.mulf %parallel_loop3A_485, %get3A_55 : vector<16xf32>
        %parallel_loop3A_518 = arith.addf %parallel_loop3A_516, %parallel_loop3A_517 : vector<16xf32>
        %parallel_loop3A_519 = arith.index_cast %parallel_loop3A_473 : i32 to index
        %parallel_loop3A_520 = arith.constant 48 : index
        %parallel_loop3A_521 = tpu.vector_load %arg20[%parallel_loop3A_519, %parallel_loop3A_520] {strides = array<i32>} : memref<256x64xf32, #tpu.memory_space<vmem>>, vector<16xf32>,
        %parallel_loop3A_522 = arith.constant 0 : i32
        %parallel_loop3A_523 = arith.addi %parallel_loop3A_522, %parallel_loop3A_473 : i32
        %parallel_loop3A_524 = arith.index_cast %parallel_loop3A_523 : i32 to index
        %parallel_loop3A_525 = arith.constant 48 : index
        %parallel_loop3A_526 = tpu.vector_load %arg16[%parallel_loop3A_524, %parallel_loop3A_525] {strides = array<i32>} : memref<512x64xf32, #tpu.memory_space<vmem>>, vector<16xf32>,
        %parallel_loop3A_527 = arith.addf %parallel_loop3A_521, %parallel_loop3A_526 : vector<16xf32>
        %parallel_loop3A_528 = arith.mulf %parallel_loop3A_485, %get3A_57 : vector<16xf32>
        %parallel_loop3A_529 = arith.addf %parallel_loop3A_527, %parallel_loop3A_528 : vector<16xf32>
        %parallel_loop3A_530 = arith.addf %parallel_loop3A_496, %parallel_loop3A_507 : vector<16xf32>
        %parallel_loop3A_531 = arith.addf %parallel_loop3A_518, %parallel_loop3A_529 : vector<16xf32>
        %parallel_loop3A_532 = arith.addf %parallel_loop3A_530, %parallel_loop3A_531 : vector<16xf32>
        %parallel_loop3A_533 = arith.mulf %parallel_loop3A_496, %parallel_loop3A_496 : vector<16xf32>
        %parallel_loop3A_534 = arith.mulf %parallel_loop3A_507, %parallel_loop3A_507 : vector<16xf32>
        %parallel_loop3A_535 = arith.addf %parallel_loop3A_533, %parallel_loop3A_534 : vector<16xf32>
        %parallel_loop3A_536 = arith.mulf %parallel_loop3A_518, %parallel_loop3A_518 : vector<16xf32>
        %parallel_loop3A_537 = arith.addf %parallel_loop3A_535, %parallel_loop3A_536 : vector<16xf32>
        %parallel_loop3A_538 = arith.mulf %parallel_loop3A_529, %parallel_loop3A_529 : vector<16xf32>
        %parallel_loop3A_539 = arith.addf %parallel_loop3A_537, %parallel_loop3A_538 : vector<16xf32>
        %parallel_loop3A_540 = arith.constant true
        %parallel_loop3A_541 = vector.broadcast %parallel_loop3A_540 : i1 to vector<16xi1>
        %parallel_loop3A_542 = tpu.scan <sum>, %parallel_loop3A_532 masked %parallel_loop3A_541 : vector<16xf32>, vector<16xi1> -> vector<16xf32>
        %parallel_loop3A_543 = arith.index_cast %parallel_loop3A_473 : i32 to index
        %parallel_loop3A_544 = tpu.vector_load %arg24[%parallel_loop3A_543] masked %eq3A_196 {strides = array<i32>} : memref<272xf32, #tpu.memory_space<vmem>>, vector<16xf32>, vector<16xi1>
        tpu.vector_store %arg24[%parallel_loop3A_543], %parallel_loop3A_542 masked %eq3A_196 {strides = array<i32>} : memref<272xf32, #tpu.memory_space<vmem>>, vector<16xf32>, vector<16xi1>
        %parallel_loop3A_545 = arith.constant true
        %parallel_loop3A_546 = vector.broadcast %parallel_loop3A_545 : i1 to vector<16xi1>
        %parallel_loop3A_547 = tpu.scan <sum>, %parallel_loop3A_539 masked %parallel_loop3A_546 : vector<16xf32>, vector<16xi1> -> vector<16xf32>
        %parallel_loop3A_548 = arith.index_cast %parallel_loop3A_473 : i32 to index
        %parallel_loop3A_549 = tpu.vector_load %arg25[%parallel_loop3A_548] masked %eq3A_196 {strides = array<i32>} : memref<272xf32, #tpu.memory_space<vmem>>, vector<16xf32>, vector<16xi1>
        tpu.vector_store %arg25[%parallel_loop3A_548], %parallel_loop3A_547 masked %eq3A_196 {strides = array<i32>} : memref<272xf32, #tpu.memory_space<vmem>>, vector<16xf32>, vector<16xi1>
        %parallel_loop3A_550 = arith.constant 3 : i32
        %parallel_loop3A_551 = arith.addi %parallel_loop3A_313, %parallel_loop3A_550 : i32
        %parallel_loop3A_552 = arith.constant 3 : i32
        %parallel_loop3A_553 = vector.broadcast %parallel_loop3A_552 : i32 to vector<16xi32>
        %parallel_loop3A_554 = arith.constant 0 : i32
        %parallel_loop3A_555 = vector.broadcast %parallel_loop3A_554 : i32 to vector<16xi32>
        %parallel_loop3A_556 = arith.cmpi slt, %parallel_loop3A_553, %parallel_loop3A_555 : vector<16xi32>
        %parallel_loop3A_557 = arith.constant 16 : i32
        %parallel_loop3A_558 = vector.broadcast %parallel_loop3A_557 : i32 to vector<16xi32>
        %parallel_loop3A_559 = arith.addi %parallel_loop3A_553, %parallel_loop3A_558 : vector<16xi32>
        %parallel_loop3A_560 = arith.select %parallel_loop3A_556, %parallel_loop3A_559, %parallel_loop3A_553 : vector<16xi1>, vector<16xi32>
        %parallel_loop3A_561 = vector.shape_cast %parallel_loop3A_560 : vector<16xi32> to vector<16x1xi32>
        %parallel_loop3A_562 = vector.shape_cast %parallel_loop3A_561 : vector<16x1xi32> to vector<16xi32>
        %parallel_loop3A_563 = tpu.dynamic_gather %parallel_loop3A_315[%parallel_loop3A_562] in [0] : vector<16xf32>, vector<16xi32> -> vector<16xf32>
        %parallel_loop3A_564 = arith.index_cast %parallel_loop3A_551 : i32 to index
        %parallel_loop3A_565 = arith.constant 0 : index
        %parallel_loop3A_566 = tpu.vector_load %arg20[%parallel_loop3A_564, %parallel_loop3A_565] {strides = array<i32>} : memref<256x64xf32, #tpu.memory_space<vmem>>, vector<16xf32>,
        %parallel_loop3A_567 = arith.constant 0 : i32
        %parallel_loop3A_568 = arith.addi %parallel_loop3A_567, %parallel_loop3A_551 : i32
        %parallel_loop3A_569 = arith.index_cast %parallel_loop3A_568 : i32 to index
        %parallel_loop3A_570 = arith.constant 0 : index
        %parallel_loop3A_571 = tpu.vector_load %arg16[%parallel_loop3A_569, %parallel_loop3A_570] {strides = array<i32>} : memref<512x64xf32, #tpu.memory_space<vmem>>, vector<16xf32>,
        %parallel_loop3A_572 = arith.addf %parallel_loop3A_566, %parallel_loop3A_571 : vector<16xf32>
        %parallel_loop3A_573 = arith.mulf %parallel_loop3A_563, %get3A_51 : vector<16xf32>
        %parallel_loop3A_574 = arith.addf %parallel_loop3A_572, %parallel_loop3A_573 : vector<16xf32>
        %parallel_loop3A_575 = arith.index_cast %parallel_loop3A_551 : i32 to index
        %parallel_loop3A_576 = arith.constant 16 : index
        %parallel_loop3A_577 = tpu.vector_load %arg20[%parallel_loop3A_575, %parallel_loop3A_576] {strides = array<i32>} : memref<256x64xf32, #tpu.memory_space<vmem>>, vector<16xf32>,
        %parallel_loop3A_578 = arith.constant 0 : i32
        %parallel_loop3A_579 = arith.addi %parallel_loop3A_578, %parallel_loop3A_551 : i32
        %parallel_loop3A_580 = arith.index_cast %parallel_loop3A_579 : i32 to index
        %parallel_loop3A_581 = arith.constant 16 : index
        %parallel_loop3A_582 = tpu.vector_load %arg16[%parallel_loop3A_580, %parallel_loop3A_581] {strides = array<i32>} : memref<512x64xf32, #tpu.memory_space<vmem>>, vector<16xf32>,
        %parallel_loop3A_583 = arith.addf %parallel_loop3A_577, %parallel_loop3A_582 : vector<16xf32>
        %parallel_loop3A_584 = arith.mulf %parallel_loop3A_563, %get3A_53 : vector<16xf32>
        %parallel_loop3A_585 = arith.addf %parallel_loop3A_583, %parallel_loop3A_584 : vector<16xf32>
        %parallel_loop3A_586 = arith.index_cast %parallel_loop3A_551 : i32 to index
        %parallel_loop3A_587 = arith.constant 32 : index
        %parallel_loop3A_588 = tpu.vector_load %arg20[%parallel_loop3A_586, %parallel_loop3A_587] {strides = array<i32>} : memref<256x64xf32, #tpu.memory_space<vmem>>, vector<16xf32>,
        %parallel_loop3A_589 = arith.constant 0 : i32
        %parallel_loop3A_590 = arith.addi %parallel_loop3A_589, %parallel_loop3A_551 : i32
        %parallel_loop3A_591 = arith.index_cast %parallel_loop3A_590 : i32 to index
        %parallel_loop3A_592 = arith.constant 32 : index
        %parallel_loop3A_593 = tpu.vector_load %arg16[%parallel_loop3A_591, %parallel_loop3A_592] {strides = array<i32>} : memref<512x64xf32, #tpu.memory_space<vmem>>, vector<16xf32>,
        %parallel_loop3A_594 = arith.addf %parallel_loop3A_588, %parallel_loop3A_593 : vector<16xf32>
        %parallel_loop3A_595 = arith.mulf %parallel_loop3A_563, %get3A_55 : vector<16xf32>
        %parallel_loop3A_596 = arith.addf %parallel_loop3A_594, %parallel_loop3A_595 : vector<16xf32>
        %parallel_loop3A_597 = arith.index_cast %parallel_loop3A_551 : i32 to index
        %parallel_loop3A_598 = arith.constant 48 : index
        %parallel_loop3A_599 = tpu.vector_load %arg20[%parallel_loop3A_597, %parallel_loop3A_598] {strides = array<i32>} : memref<256x64xf32, #tpu.memory_space<vmem>>, vector<16xf32>,
        %parallel_loop3A_600 = arith.constant 0 : i32
        %parallel_loop3A_601 = arith.addi %parallel_loop3A_600, %parallel_loop3A_551 : i32
        %parallel_loop3A_602 = arith.index_cast %parallel_loop3A_601 : i32 to index
        %parallel_loop3A_603 = arith.constant 48 : index
        %parallel_loop3A_604 = tpu.vector_load %arg16[%parallel_loop3A_602, %parallel_loop3A_603] {strides = array<i32>} : memref<512x64xf32, #tpu.memory_space<vmem>>, vector<16xf32>,
        %parallel_loop3A_605 = arith.addf %parallel_loop3A_599, %parallel_loop3A_604 : vector<16xf32>
        %parallel_loop3A_606 = arith.mulf %parallel_loop3A_563, %get3A_57 : vector<16xf32>
        %parallel_loop3A_607 = arith.addf %parallel_loop3A_605, %parallel_loop3A_606 : vector<16xf32>
        %parallel_loop3A_608 = arith.addf %parallel_loop3A_574, %parallel_loop3A_585 : vector<16xf32>
        %parallel_loop3A_609 = arith.addf %parallel_loop3A_596, %parallel_loop3A_607 : vector<16xf32>
        %parallel_loop3A_610 = arith.addf %parallel_loop3A_608, %parallel_loop3A_609 : vector<16xf32>
        %parallel_loop3A_611 = arith.mulf %parallel_loop3A_574, %parallel_loop3A_574 : vector<16xf32>
        %parallel_loop3A_612 = arith.mulf %parallel_loop3A_585, %parallel_loop3A_585 : vector<16xf32>
        %parallel_loop3A_613 = arith.addf %parallel_loop3A_611, %parallel_loop3A_612 : vector<16xf32>
        %parallel_loop3A_614 = arith.mulf %parallel_loop3A_596, %parallel_loop3A_596 : vector<16xf32>
        %parallel_loop3A_615 = arith.addf %parallel_loop3A_613, %parallel_loop3A_614 : vector<16xf32>
        %parallel_loop3A_616 = arith.mulf %parallel_loop3A_607, %parallel_loop3A_607 : vector<16xf32>
        %parallel_loop3A_617 = arith.addf %parallel_loop3A_615, %parallel_loop3A_616 : vector<16xf32>
        %parallel_loop3A_618 = arith.constant true
        %parallel_loop3A_619 = vector.broadcast %parallel_loop3A_618 : i1 to vector<16xi1>
        %parallel_loop3A_620 = tpu.scan <sum>, %parallel_loop3A_610 masked %parallel_loop3A_619 : vector<16xf32>, vector<16xi1> -> vector<16xf32>
        %parallel_loop3A_621 = arith.index_cast %parallel_loop3A_551 : i32 to index
        %parallel_loop3A_622 = tpu.vector_load %arg24[%parallel_loop3A_621] masked %eq3A_196 {strides = array<i32>} : memref<272xf32, #tpu.memory_space<vmem>>, vector<16xf32>, vector<16xi1>
        tpu.vector_store %arg24[%parallel_loop3A_621], %parallel_loop3A_620 masked %eq3A_196 {strides = array<i32>} : memref<272xf32, #tpu.memory_space<vmem>>, vector<16xf32>, vector<16xi1>
        %parallel_loop3A_623 = arith.constant true
        %parallel_loop3A_624 = vector.broadcast %parallel_loop3A_623 : i1 to vector<16xi1>
        %parallel_loop3A_625 = tpu.scan <sum>, %parallel_loop3A_617 masked %parallel_loop3A_624 : vector<16xf32>, vector<16xi1> -> vector<16xf32>
        %parallel_loop3A_626 = arith.index_cast %parallel_loop3A_551 : i32 to index
        %parallel_loop3A_627 = tpu.vector_load %arg25[%parallel_loop3A_626] masked %eq3A_196 {strides = array<i32>} : memref<272xf32, #tpu.memory_space<vmem>>, vector<16xf32>, vector<16xi1>
        tpu.vector_store %arg25[%parallel_loop3A_626], %parallel_loop3A_625 masked %eq3A_196 {strides = array<i32>} : memref<272xf32, #tpu.memory_space<vmem>>, vector<16xf32>, vector<16xi1>
        %parallel_loop3A_628 = arith.index_cast %parallel_loop3A_313 : i32 to index
        %parallel_loop3A_629 = tpu.vector_load %arg24[%parallel_loop3A_628] {strides = array<i32>} : memref<272xf32, #tpu.memory_space<vmem>>, vector<16xf32>,
        %parallel_loop3A_630 = arith.index_cast %parallel_loop3A_313 : i32 to index
        %parallel_loop3A_631 = tpu.vector_load %arg25[%parallel_loop3A_630] {strides = array<i32>} : memref<272xf32, #tpu.memory_space<vmem>>, vector<16xf32>,
        %parallel_loop3A_632 = arith.constant 1.562500e-02 : f32
        %parallel_loop3A_633 = vector.broadcast %parallel_loop3A_632 : f32 to vector<16xf32>
        %parallel_loop3A_634 = arith.mulf %parallel_loop3A_629, %parallel_loop3A_633 : vector<16xf32>
        %parallel_loop3A_635 = arith.constant 1.562500e-02 : f32
        %parallel_loop3A_636 = vector.broadcast %parallel_loop3A_635 : f32 to vector<16xf32>
        %parallel_loop3A_637 = arith.mulf %parallel_loop3A_631, %parallel_loop3A_636 : vector<16xf32>
        %parallel_loop3A_638 = arith.mulf %parallel_loop3A_634, %parallel_loop3A_634 : vector<16xf32>
        %parallel_loop3A_639 = arith.subf %parallel_loop3A_637, %parallel_loop3A_638 : vector<16xf32>
        %parallel_loop3A_640 = arith.constant 9.99999996E-13 : f32
        %parallel_loop3A_641 = vector.broadcast %parallel_loop3A_640 : f32 to vector<16xf32>
        %parallel_loop3A_642 = arith.addf %parallel_loop3A_639, %parallel_loop3A_641 : vector<16xf32>
        %parallel_loop3A_643 = tpu.bitcast %parallel_loop3A_642 : vector<16xf32> -> vector<16xi32>
        %parallel_loop3A_644 = arith.constant 1 : i32
        %parallel_loop3A_645 = vector.broadcast %parallel_loop3A_644 : i32 to vector<16xi32>
        %parallel_loop3A_646 = arith.shrsi %parallel_loop3A_643, %parallel_loop3A_645 : vector<16xi32>
        %parallel_loop3A_647 = arith.constant 1597463007 : i32
        %parallel_loop3A_648 = vector.broadcast %parallel_loop3A_647 : i32 to vector<16xi32>
        %parallel_loop3A_649 = arith.subi %parallel_loop3A_648, %parallel_loop3A_646 : vector<16xi32>
        %parallel_loop3A_650 = tpu.bitcast %parallel_loop3A_649 : vector<16xi32> -> vector<16xf32>
        %parallel_loop3A_651 = arith.constant 5.000000e-01 : f32
        %parallel_loop3A_652 = vector.broadcast %parallel_loop3A_651 : f32 to vector<16xf32>
        %parallel_loop3A_653 = arith.mulf %parallel_loop3A_642, %parallel_loop3A_652 : vector<16xf32>
        %parallel_loop3A_654 = arith.mulf %parallel_loop3A_653, %parallel_loop3A_650 : vector<16xf32>
        %parallel_loop3A_655 = arith.mulf %parallel_loop3A_654, %parallel_loop3A_650 : vector<16xf32>
        %parallel_loop3A_656 = arith.constant 1.500000e+00 : f32
        %parallel_loop3A_657 = vector.broadcast %parallel_loop3A_656 : f32 to vector<16xf32>
        %parallel_loop3A_658 = arith.subf %parallel_loop3A_657, %parallel_loop3A_655 : vector<16xf32>
        %parallel_loop3A_659 = arith.mulf %parallel_loop3A_650, %parallel_loop3A_658 : vector<16xf32>
        %parallel_loop3A_660 = arith.mulf %parallel_loop3A_653, %parallel_loop3A_659 : vector<16xf32>
        %parallel_loop3A_661 = arith.mulf %parallel_loop3A_660, %parallel_loop3A_659 : vector<16xf32>
        %parallel_loop3A_662 = arith.constant 1.500000e+00 : f32
        %parallel_loop3A_663 = vector.broadcast %parallel_loop3A_662 : f32 to vector<16xf32>
        %parallel_loop3A_664 = arith.subf %parallel_loop3A_663, %parallel_loop3A_661 : vector<16xf32>
        %parallel_loop3A_665 = arith.mulf %parallel_loop3A_659, %parallel_loop3A_664 : vector<16xf32>
        %parallel_loop3A_666 = arith.constant 2 : i32
        %parallel_loop3A_667 = arith.muli %parallel_loop3A_311, %parallel_loop3A_666 : i32
        %parallel_loop3A_668 = arith.constant 0 : i32
        %parallel_loop3A_669 = vector.broadcast %parallel_loop3A_668 : i32 to vector<16xi32>
        %parallel_loop3A_670 = arith.constant 0 : i32
        %parallel_loop3A_671 = vector.broadcast %parallel_loop3A_670 : i32 to vector<16xi32>
        %parallel_loop3A_672 = arith.cmpi slt, %parallel_loop3A_669, %parallel_loop3A_671 : vector<16xi32>
        %parallel_loop3A_673 = arith.constant 16 : i32
        %parallel_loop3A_674 = vector.broadcast %parallel_loop3A_673 : i32 to vector<16xi32>
        %parallel_loop3A_675 = arith.addi %parallel_loop3A_669, %parallel_loop3A_674 : vector<16xi32>
        %parallel_loop3A_676 = arith.select %parallel_loop3A_672, %parallel_loop3A_675, %parallel_loop3A_669 : vector<16xi1>, vector<16xi32>
        %parallel_loop3A_677 = vector.shape_cast %parallel_loop3A_676 : vector<16xi32> to vector<16x1xi32>
        %parallel_loop3A_678 = vector.shape_cast %parallel_loop3A_677 : vector<16x1xi32> to vector<16xi32>
        %parallel_loop3A_679 = tpu.dynamic_gather %parallel_loop3A_634[%parallel_loop3A_678] in [0] : vector<16xf32>, vector<16xi32> -> vector<16xf32>
        %parallel_loop3A_680 = arith.constant 0 : i32
        %parallel_loop3A_681 = vector.broadcast %parallel_loop3A_680 : i32 to vector<16xi32>
        %parallel_loop3A_682 = arith.constant 0 : i32
        %parallel_loop3A_683 = vector.broadcast %parallel_loop3A_682 : i32 to vector<16xi32>
        %parallel_loop3A_684 = arith.cmpi slt, %parallel_loop3A_681, %parallel_loop3A_683 : vector<16xi32>
        %parallel_loop3A_685 = arith.constant 16 : i32
        %parallel_loop3A_686 = vector.broadcast %parallel_loop3A_685 : i32 to vector<16xi32>
        %parallel_loop3A_687 = arith.addi %parallel_loop3A_681, %parallel_loop3A_686 : vector<16xi32>
        %parallel_loop3A_688 = arith.select %parallel_loop3A_684, %parallel_loop3A_687, %parallel_loop3A_681 : vector<16xi1>, vector<16xi32>
        %parallel_loop3A_689 = vector.shape_cast %parallel_loop3A_688 : vector<16xi32> to vector<16x1xi32>
        %parallel_loop3A_690 = vector.shape_cast %parallel_loop3A_689 : vector<16x1xi32> to vector<16xi32>
        %parallel_loop3A_691 = tpu.dynamic_gather %parallel_loop3A_665[%parallel_loop3A_690] in [0] : vector<16xf32>, vector<16xi32> -> vector<16xf32>
        %parallel_loop3A_692 = arith.subf %parallel_loop3A_340, %parallel_loop3A_679 : vector<16xf32>
        %parallel_loop3A_693 = arith.mulf %parallel_loop3A_691, %get3A_59 : vector<16xf32>
        %parallel_loop3A_694 = arith.mulf %parallel_loop3A_692, %parallel_loop3A_693 : vector<16xf32>
        %parallel_loop3A_695 = arith.addf %parallel_loop3A_694, %get3A_67 : vector<16xf32>
        %parallel_loop3A_696 = arith.constant 0 : i32
        %parallel_loop3A_697 = arith.addi %parallel_loop3A_667, %parallel_loop3A_696 : i32
        %parallel_loop3A_698 = arith.index_cast %parallel_loop3A_697 : i32 to index
        %parallel_loop3A_699 = arith.constant 0 : index
        %parallel_loop3A_700 = tpu.vector_load %arg22[%parallel_loop3A_698, %parallel_loop3A_699] {strides = array<i32>} : memref<128x128xf32, #tpu.memory_space<vmem>>, vector<16xf32>,
        tpu.vector_store %arg22[%parallel_loop3A_698, %parallel_loop3A_699], %parallel_loop3A_695 {strides = array<i32>} : memref<128x128xf32, #tpu.memory_space<vmem>>, vector<16xf32>,
        %parallel_loop3A_701 = arith.subf %parallel_loop3A_351, %parallel_loop3A_679 : vector<16xf32>
        %parallel_loop3A_702 = arith.mulf %parallel_loop3A_691, %get3A_61 : vector<16xf32>
        %parallel_loop3A_703 = arith.mulf %parallel_loop3A_701, %parallel_loop3A_702 : vector<16xf32>
        %parallel_loop3A_704 = arith.addf %parallel_loop3A_703, %get3A_69 : vector<16xf32>
        %parallel_loop3A_705 = arith.constant 0 : i32
        %parallel_loop3A_706 = arith.addi %parallel_loop3A_667, %parallel_loop3A_705 : i32
        %parallel_loop3A_707 = arith.index_cast %parallel_loop3A_706 : i32 to index
        %parallel_loop3A_708 = arith.constant 16 : index
        %parallel_loop3A_709 = tpu.vector_load %arg22[%parallel_loop3A_707, %parallel_loop3A_708] {strides = array<i32>} : memref<128x128xf32, #tpu.memory_space<vmem>>, vector<16xf32>,
        tpu.vector_store %arg22[%parallel_loop3A_707, %parallel_loop3A_708], %parallel_loop3A_704 {strides = array<i32>} : memref<128x128xf32, #tpu.memory_space<vmem>>, vector<16xf32>,
        %parallel_loop3A_710 = arith.subf %parallel_loop3A_362, %parallel_loop3A_679 : vector<16xf32>
        %parallel_loop3A_711 = arith.mulf %parallel_loop3A_691, %get3A_63 : vector<16xf32>
        %parallel_loop3A_712 = arith.mulf %parallel_loop3A_710, %parallel_loop3A_711 : vector<16xf32>
        %parallel_loop3A_713 = arith.addf %parallel_loop3A_712, %get3A_71 : vector<16xf32>
        %parallel_loop3A_714 = arith.constant 0 : i32
        %parallel_loop3A_715 = arith.addi %parallel_loop3A_667, %parallel_loop3A_714 : i32
        %parallel_loop3A_716 = arith.index_cast %parallel_loop3A_715 : i32 to index
        %parallel_loop3A_717 = arith.constant 32 : index
        %parallel_loop3A_718 = tpu.vector_load %arg22[%parallel_loop3A_716, %parallel_loop3A_717] {strides = array<i32>} : memref<128x128xf32, #tpu.memory_space<vmem>>, vector<16xf32>,
        tpu.vector_store %arg22[%parallel_loop3A_716, %parallel_loop3A_717], %parallel_loop3A_713 {strides = array<i32>} : memref<128x128xf32, #tpu.memory_space<vmem>>, vector<16xf32>,
        %parallel_loop3A_719 = arith.subf %parallel_loop3A_373, %parallel_loop3A_679 : vector<16xf32>
        %parallel_loop3A_720 = arith.mulf %parallel_loop3A_691, %get3A_65 : vector<16xf32>
        %parallel_loop3A_721 = arith.mulf %parallel_loop3A_719, %parallel_loop3A_720 : vector<16xf32>
        %parallel_loop3A_722 = arith.addf %parallel_loop3A_721, %get3A_73 : vector<16xf32>
        %parallel_loop3A_723 = arith.constant 0 : i32
        %parallel_loop3A_724 = arith.addi %parallel_loop3A_667, %parallel_loop3A_723 : i32
        %parallel_loop3A_725 = arith.index_cast %parallel_loop3A_724 : i32 to index
        %parallel_loop3A_726 = arith.constant 48 : index
        %parallel_loop3A_727 = tpu.vector_load %arg22[%parallel_loop3A_725, %parallel_loop3A_726] {strides = array<i32>} : memref<128x128xf32, #tpu.memory_space<vmem>>, vector<16xf32>,
        tpu.vector_store %arg22[%parallel_loop3A_725, %parallel_loop3A_726], %parallel_loop3A_722 {strides = array<i32>} : memref<128x128xf32, #tpu.memory_space<vmem>>, vector<16xf32>,
        %parallel_loop3A_728 = arith.constant 1 : i32
        %parallel_loop3A_729 = vector.broadcast %parallel_loop3A_728 : i32 to vector<16xi32>
        %parallel_loop3A_730 = arith.constant 0 : i32
        %parallel_loop3A_731 = vector.broadcast %parallel_loop3A_730 : i32 to vector<16xi32>
        %parallel_loop3A_732 = arith.cmpi slt, %parallel_loop3A_729, %parallel_loop3A_731 : vector<16xi32>
        %parallel_loop3A_733 = arith.constant 16 : i32
        %parallel_loop3A_734 = vector.broadcast %parallel_loop3A_733 : i32 to vector<16xi32>
        %parallel_loop3A_735 = arith.addi %parallel_loop3A_729, %parallel_loop3A_734 : vector<16xi32>
        %parallel_loop3A_736 = arith.select %parallel_loop3A_732, %parallel_loop3A_735, %parallel_loop3A_729 : vector<16xi1>, vector<16xi32>
        %parallel_loop3A_737 = vector.shape_cast %parallel_loop3A_736 : vector<16xi32> to vector<16x1xi32>
        %parallel_loop3A_738 = vector.shape_cast %parallel_loop3A_737 : vector<16x1xi32> to vector<16xi32>
        %parallel_loop3A_739 = tpu.dynamic_gather %parallel_loop3A_634[%parallel_loop3A_738] in [0] : vector<16xf32>, vector<16xi32> -> vector<16xf32>
        %parallel_loop3A_740 = arith.constant 1 : i32
        %parallel_loop3A_741 = vector.broadcast %parallel_loop3A_740 : i32 to vector<16xi32>
        %parallel_loop3A_742 = arith.constant 0 : i32
        %parallel_loop3A_743 = vector.broadcast %parallel_loop3A_742 : i32 to vector<16xi32>
        %parallel_loop3A_744 = arith.cmpi slt, %parallel_loop3A_741, %parallel_loop3A_743 : vector<16xi32>
        %parallel_loop3A_745 = arith.constant 16 : i32
        %parallel_loop3A_746 = vector.broadcast %parallel_loop3A_745 : i32 to vector<16xi32>
        %parallel_loop3A_747 = arith.addi %parallel_loop3A_741, %parallel_loop3A_746 : vector<16xi32>
        %parallel_loop3A_748 = arith.select %parallel_loop3A_744, %parallel_loop3A_747, %parallel_loop3A_741 : vector<16xi1>, vector<16xi32>
        %parallel_loop3A_749 = vector.shape_cast %parallel_loop3A_748 : vector<16xi32> to vector<16x1xi32>
        %parallel_loop3A_750 = vector.shape_cast %parallel_loop3A_749 : vector<16x1xi32> to vector<16xi32>
        %parallel_loop3A_751 = tpu.dynamic_gather %parallel_loop3A_665[%parallel_loop3A_750] in [0] : vector<16xf32>, vector<16xi32> -> vector<16xf32>
        %parallel_loop3A_752 = arith.subf %parallel_loop3A_418, %parallel_loop3A_739 : vector<16xf32>
        %parallel_loop3A_753 = arith.mulf %parallel_loop3A_751, %get3A_59 : vector<16xf32>
        %parallel_loop3A_754 = arith.mulf %parallel_loop3A_752, %parallel_loop3A_753 : vector<16xf32>
        %parallel_loop3A_755 = arith.addf %parallel_loop3A_754, %get3A_67 : vector<16xf32>
        %parallel_loop3A_756 = arith.constant 0 : i32
        %parallel_loop3A_757 = arith.addi %parallel_loop3A_667, %parallel_loop3A_756 : i32
        %parallel_loop3A_758 = arith.index_cast %parallel_loop3A_757 : i32 to index
        %parallel_loop3A_759 = arith.constant 64 : index
        %parallel_loop3A_760 = tpu.vector_load %arg22[%parallel_loop3A_758, %parallel_loop3A_759] {strides = array<i32>} : memref<128x128xf32, #tpu.memory_space<vmem>>, vector<16xf32>,
        tpu.vector_store %arg22[%parallel_loop3A_758, %parallel_loop3A_759], %parallel_loop3A_755 {strides = array<i32>} : memref<128x128xf32, #tpu.memory_space<vmem>>, vector<16xf32>,
        %parallel_loop3A_761 = arith.subf %parallel_loop3A_429, %parallel_loop3A_739 : vector<16xf32>
        %parallel_loop3A_762 = arith.mulf %parallel_loop3A_751, %get3A_61 : vector<16xf32>
        %parallel_loop3A_763 = arith.mulf %parallel_loop3A_761, %parallel_loop3A_762 : vector<16xf32>
        %parallel_loop3A_764 = arith.addf %parallel_loop3A_763, %get3A_69 : vector<16xf32>
        %parallel_loop3A_765 = arith.constant 0 : i32
        %parallel_loop3A_766 = arith.addi %parallel_loop3A_667, %parallel_loop3A_765 : i32
        %parallel_loop3A_767 = arith.index_cast %parallel_loop3A_766 : i32 to index
        %parallel_loop3A_768 = arith.constant 80 : index
        %parallel_loop3A_769 = tpu.vector_load %arg22[%parallel_loop3A_767, %parallel_loop3A_768] {strides = array<i32>} : memref<128x128xf32, #tpu.memory_space<vmem>>, vector<16xf32>,
        tpu.vector_store %arg22[%parallel_loop3A_767, %parallel_loop3A_768], %parallel_loop3A_764 {strides = array<i32>} : memref<128x128xf32, #tpu.memory_space<vmem>>, vector<16xf32>,
        %parallel_loop3A_770 = arith.subf %parallel_loop3A_440, %parallel_loop3A_739 : vector<16xf32>
        %parallel_loop3A_771 = arith.mulf %parallel_loop3A_751, %get3A_63 : vector<16xf32>
        %parallel_loop3A_772 = arith.mulf %parallel_loop3A_770, %parallel_loop3A_771 : vector<16xf32>
        %parallel_loop3A_773 = arith.addf %parallel_loop3A_772, %get3A_71 : vector<16xf32>
        %parallel_loop3A_774 = arith.constant 0 : i32
        %parallel_loop3A_775 = arith.addi %parallel_loop3A_667, %parallel_loop3A_774 : i32
        %parallel_loop3A_776 = arith.index_cast %parallel_loop3A_775 : i32 to index
        %parallel_loop3A_777 = arith.constant 96 : index
        %parallel_loop3A_778 = tpu.vector_load %arg22[%parallel_loop3A_776, %parallel_loop3A_777] {strides = array<i32>} : memref<128x128xf32, #tpu.memory_space<vmem>>, vector<16xf32>,
        tpu.vector_store %arg22[%parallel_loop3A_776, %parallel_loop3A_777], %parallel_loop3A_773 {strides = array<i32>} : memref<128x128xf32, #tpu.memory_space<vmem>>, vector<16xf32>,
        %parallel_loop3A_779 = arith.subf %parallel_loop3A_451, %parallel_loop3A_739 : vector<16xf32>
        %parallel_loop3A_780 = arith.mulf %parallel_loop3A_751, %get3A_65 : vector<16xf32>
        %parallel_loop3A_781 = arith.mulf %parallel_loop3A_779, %parallel_loop3A_780 : vector<16xf32>
        %parallel_loop3A_782 = arith.addf %parallel_loop3A_781, %get3A_73 : vector<16xf32>
        %parallel_loop3A_783 = arith.constant 0 : i32
        %parallel_loop3A_784 = arith.addi %parallel_loop3A_667, %parallel_loop3A_783 : i32
        %parallel_loop3A_785 = arith.index_cast %parallel_loop3A_784 : i32 to index
        %parallel_loop3A_786 = arith.constant 112 : index
        %parallel_loop3A_787 = tpu.vector_load %arg22[%parallel_loop3A_785, %parallel_loop3A_786] {strides = array<i32>} : memref<128x128xf32, #tpu.memory_space<vmem>>, vector<16xf32>,
        tpu.vector_store %arg22[%parallel_loop3A_785, %parallel_loop3A_786], %parallel_loop3A_782 {strides = array<i32>} : memref<128x128xf32, #tpu.memory_space<vmem>>, vector<16xf32>,
        %parallel_loop3A_788 = arith.constant 2 : i32
        %parallel_loop3A_789 = vector.broadcast %parallel_loop3A_788 : i32 to vector<16xi32>
        %parallel_loop3A_790 = arith.constant 0 : i32
        %parallel_loop3A_791 = vector.broadcast %parallel_loop3A_790 : i32 to vector<16xi32>
        %parallel_loop3A_792 = arith.cmpi slt, %parallel_loop3A_789, %parallel_loop3A_791 : vector<16xi32>
        %parallel_loop3A_793 = arith.constant 16 : i32
        %parallel_loop3A_794 = vector.broadcast %parallel_loop3A_793 : i32 to vector<16xi32>
        %parallel_loop3A_795 = arith.addi %parallel_loop3A_789, %parallel_loop3A_794 : vector<16xi32>
        %parallel_loop3A_796 = arith.select %parallel_loop3A_792, %parallel_loop3A_795, %parallel_loop3A_789 : vector<16xi1>, vector<16xi32>
        %parallel_loop3A_797 = vector.shape_cast %parallel_loop3A_796 : vector<16xi32> to vector<16x1xi32>
        %parallel_loop3A_798 = vector.shape_cast %parallel_loop3A_797 : vector<16x1xi32> to vector<16xi32>
        %parallel_loop3A_799 = tpu.dynamic_gather %parallel_loop3A_634[%parallel_loop3A_798] in [0] : vector<16xf32>, vector<16xi32> -> vector<16xf32>
        %parallel_loop3A_800 = arith.constant 2 : i32
        %parallel_loop3A_801 = vector.broadcast %parallel_loop3A_800 : i32 to vector<16xi32>
        %parallel_loop3A_802 = arith.constant 0 : i32
        %parallel_loop3A_803 = vector.broadcast %parallel_loop3A_802 : i32 to vector<16xi32>
        %parallel_loop3A_804 = arith.cmpi slt, %parallel_loop3A_801, %parallel_loop3A_803 : vector<16xi32>
        %parallel_loop3A_805 = arith.constant 16 : i32
        %parallel_loop3A_806 = vector.broadcast %parallel_loop3A_805 : i32 to vector<16xi32>
        %parallel_loop3A_807 = arith.addi %parallel_loop3A_801, %parallel_loop3A_806 : vector<16xi32>
        %parallel_loop3A_808 = arith.select %parallel_loop3A_804, %parallel_loop3A_807, %parallel_loop3A_801 : vector<16xi1>, vector<16xi32>
        %parallel_loop3A_809 = vector.shape_cast %parallel_loop3A_808 : vector<16xi32> to vector<16x1xi32>
        %parallel_loop3A_810 = vector.shape_cast %parallel_loop3A_809 : vector<16x1xi32> to vector<16xi32>
        %parallel_loop3A_811 = tpu.dynamic_gather %parallel_loop3A_665[%parallel_loop3A_810] in [0] : vector<16xf32>, vector<16xi32> -> vector<16xf32>
        %parallel_loop3A_812 = arith.subf %parallel_loop3A_496, %parallel_loop3A_799 : vector<16xf32>
        %parallel_loop3A_813 = arith.mulf %parallel_loop3A_811, %get3A_59 : vector<16xf32>
        %parallel_loop3A_814 = arith.mulf %parallel_loop3A_812, %parallel_loop3A_813 : vector<16xf32>
        %parallel_loop3A_815 = arith.addf %parallel_loop3A_814, %get3A_67 : vector<16xf32>
        %parallel_loop3A_816 = arith.constant 1 : i32
        %parallel_loop3A_817 = arith.addi %parallel_loop3A_667, %parallel_loop3A_816 : i32
        %parallel_loop3A_818 = arith.index_cast %parallel_loop3A_817 : i32 to index
        %parallel_loop3A_819 = arith.constant 0 : index
        %parallel_loop3A_820 = tpu.vector_load %arg22[%parallel_loop3A_818, %parallel_loop3A_819] {strides = array<i32>} : memref<128x128xf32, #tpu.memory_space<vmem>>, vector<16xf32>,
        tpu.vector_store %arg22[%parallel_loop3A_818, %parallel_loop3A_819], %parallel_loop3A_815 {strides = array<i32>} : memref<128x128xf32, #tpu.memory_space<vmem>>, vector<16xf32>,
        %parallel_loop3A_821 = arith.subf %parallel_loop3A_507, %parallel_loop3A_799 : vector<16xf32>
        %parallel_loop3A_822 = arith.mulf %parallel_loop3A_811, %get3A_61 : vector<16xf32>
        %parallel_loop3A_823 = arith.mulf %parallel_loop3A_821, %parallel_loop3A_822 : vector<16xf32>
        %parallel_loop3A_824 = arith.addf %parallel_loop3A_823, %get3A_69 : vector<16xf32>
        %parallel_loop3A_825 = arith.constant 1 : i32
        %parallel_loop3A_826 = arith.addi %parallel_loop3A_667, %parallel_loop3A_825 : i32
        %parallel_loop3A_827 = arith.index_cast %parallel_loop3A_826 : i32 to index
        %parallel_loop3A_828 = arith.constant 16 : index
        %parallel_loop3A_829 = tpu.vector_load %arg22[%parallel_loop3A_827, %parallel_loop3A_828] {strides = array<i32>} : memref<128x128xf32, #tpu.memory_space<vmem>>, vector<16xf32>,
        tpu.vector_store %arg22[%parallel_loop3A_827, %parallel_loop3A_828], %parallel_loop3A_824 {strides = array<i32>} : memref<128x128xf32, #tpu.memory_space<vmem>>, vector<16xf32>,
        %parallel_loop3A_830 = arith.subf %parallel_loop3A_518, %parallel_loop3A_799 : vector<16xf32>
        %parallel_loop3A_831 = arith.mulf %parallel_loop3A_811, %get3A_63 : vector<16xf32>
        %parallel_loop3A_832 = arith.mulf %parallel_loop3A_830, %parallel_loop3A_831 : vector<16xf32>
        %parallel_loop3A_833 = arith.addf %parallel_loop3A_832, %get3A_71 : vector<16xf32>
        %parallel_loop3A_834 = arith.constant 1 : i32
        %parallel_loop3A_835 = arith.addi %parallel_loop3A_667, %parallel_loop3A_834 : i32
        %parallel_loop3A_836 = arith.index_cast %parallel_loop3A_835 : i32 to index
        %parallel_loop3A_837 = arith.constant 32 : index
        %parallel_loop3A_838 = tpu.vector_load %arg22[%parallel_loop3A_836, %parallel_loop3A_837] {strides = array<i32>} : memref<128x128xf32, #tpu.memory_space<vmem>>, vector<16xf32>,
        tpu.vector_store %arg22[%parallel_loop3A_836, %parallel_loop3A_837], %parallel_loop3A_833 {strides = array<i32>} : memref<128x128xf32, #tpu.memory_space<vmem>>, vector<16xf32>,
        %parallel_loop3A_839 = arith.subf %parallel_loop3A_529, %parallel_loop3A_799 : vector<16xf32>
        %parallel_loop3A_840 = arith.mulf %parallel_loop3A_811, %get3A_65 : vector<16xf32>
        %parallel_loop3A_841 = arith.mulf %parallel_loop3A_839, %parallel_loop3A_840 : vector<16xf32>
        %parallel_loop3A_842 = arith.addf %parallel_loop3A_841, %get3A_73 : vector<16xf32>
        %parallel_loop3A_843 = arith.constant 1 : i32
        %parallel_loop3A_844 = arith.addi %parallel_loop3A_667, %parallel_loop3A_843 : i32
        %parallel_loop3A_845 = arith.index_cast %parallel_loop3A_844 : i32 to index
        %parallel_loop3A_846 = arith.constant 48 : index
        %parallel_loop3A_847 = tpu.vector_load %arg22[%parallel_loop3A_845, %parallel_loop3A_846] {strides = array<i32>} : memref<128x128xf32, #tpu.memory_space<vmem>>, vector<16xf32>,
        tpu.vector_store %arg22[%parallel_loop3A_845, %parallel_loop3A_846], %parallel_loop3A_842 {strides = array<i32>} : memref<128x128xf32, #tpu.memory_space<vmem>>, vector<16xf32>,
        %parallel_loop3A_848 = arith.constant 3 : i32
        %parallel_loop3A_849 = vector.broadcast %parallel_loop3A_848 : i32 to vector<16xi32>
        %parallel_loop3A_850 = arith.constant 0 : i32
        %parallel_loop3A_851 = vector.broadcast %parallel_loop3A_850 : i32 to vector<16xi32>
        %parallel_loop3A_852 = arith.cmpi slt, %parallel_loop3A_849, %parallel_loop3A_851 : vector<16xi32>
        %parallel_loop3A_853 = arith.constant 16 : i32
        %parallel_loop3A_854 = vector.broadcast %parallel_loop3A_853 : i32 to vector<16xi32>
        %parallel_loop3A_855 = arith.addi %parallel_loop3A_849, %parallel_loop3A_854 : vector<16xi32>
        %parallel_loop3A_856 = arith.select %parallel_loop3A_852, %parallel_loop3A_855, %parallel_loop3A_849 : vector<16xi1>, vector<16xi32>
        %parallel_loop3A_857 = vector.shape_cast %parallel_loop3A_856 : vector<16xi32> to vector<16x1xi32>
        %parallel_loop3A_858 = vector.shape_cast %parallel_loop3A_857 : vector<16x1xi32> to vector<16xi32>
        %parallel_loop3A_859 = tpu.dynamic_gather %parallel_loop3A_634[%parallel_loop3A_858] in [0] : vector<16xf32>, vector<16xi32> -> vector<16xf32>
        %parallel_loop3A_860 = arith.constant 3 : i32
        %parallel_loop3A_861 = vector.broadcast %parallel_loop3A_860 : i32 to vector<16xi32>
        %parallel_loop3A_862 = arith.constant 0 : i32
        %parallel_loop3A_863 = vector.broadcast %parallel_loop3A_862 : i32 to vector<16xi32>
        %parallel_loop3A_864 = arith.cmpi slt, %parallel_loop3A_861, %parallel_loop3A_863 : vector<16xi32>
        %parallel_loop3A_865 = arith.constant 16 : i32
        %parallel_loop3A_866 = vector.broadcast %parallel_loop3A_865 : i32 to vector<16xi32>
        %parallel_loop3A_867 = arith.addi %parallel_loop3A_861, %parallel_loop3A_866 : vector<16xi32>
        %parallel_loop3A_868 = arith.select %parallel_loop3A_864, %parallel_loop3A_867, %parallel_loop3A_861 : vector<16xi1>, vector<16xi32>
        %parallel_loop3A_869 = vector.shape_cast %parallel_loop3A_868 : vector<16xi32> to vector<16x1xi32>
        %parallel_loop3A_870 = vector.shape_cast %parallel_loop3A_869 : vector<16x1xi32> to vector<16xi32>
        %parallel_loop3A_871 = tpu.dynamic_gather %parallel_loop3A_665[%parallel_loop3A_870] in [0] : vector<16xf32>, vector<16xi32> -> vector<16xf32>
        %parallel_loop3A_872 = arith.subf %parallel_loop3A_574, %parallel_loop3A_859 : vector<16xf32>
        %parallel_loop3A_873 = arith.mulf %parallel_loop3A_871, %get3A_59 : vector<16xf32>
        %parallel_loop3A_874 = arith.mulf %parallel_loop3A_872, %parallel_loop3A_873 : vector<16xf32>
        %parallel_loop3A_875 = arith.addf %parallel_loop3A_874, %get3A_67 : vector<16xf32>
        %parallel_loop3A_876 = arith.constant 1 : i32
        %parallel_loop3A_877 = arith.addi %parallel_loop3A_667, %parallel_loop3A_876 : i32
        %parallel_loop3A_878 = arith.index_cast %parallel_loop3A_877 : i32 to index
        %parallel_loop3A_879 = arith.constant 64 : index
        %parallel_loop3A_880 = tpu.vector_load %arg22[%parallel_loop3A_878, %parallel_loop3A_879] {strides = array<i32>} : memref<128x128xf32, #tpu.memory_space<vmem>>, vector<16xf32>,
        tpu.vector_store %arg22[%parallel_loop3A_878, %parallel_loop3A_879], %parallel_loop3A_875 {strides = array<i32>} : memref<128x128xf32, #tpu.memory_space<vmem>>, vector<16xf32>,
        %parallel_loop3A_881 = arith.subf %parallel_loop3A_585, %parallel_loop3A_859 : vector<16xf32>
        %parallel_loop3A_882 = arith.mulf %parallel_loop3A_871, %get3A_61 : vector<16xf32>
        %parallel_loop3A_883 = arith.mulf %parallel_loop3A_881, %parallel_loop3A_882 : vector<16xf32>
        %parallel_loop3A_884 = arith.addf %parallel_loop3A_883, %get3A_69 : vector<16xf32>
        %parallel_loop3A_885 = arith.constant 1 : i32
        %parallel_loop3A_886 = arith.addi %parallel_loop3A_667, %parallel_loop3A_885 : i32
        %parallel_loop3A_887 = arith.index_cast %parallel_loop3A_886 : i32 to index
        %parallel_loop3A_888 = arith.constant 80 : index
        %parallel_loop3A_889 = tpu.vector_load %arg22[%parallel_loop3A_887, %parallel_loop3A_888] {strides = array<i32>} : memref<128x128xf32, #tpu.memory_space<vmem>>, vector<16xf32>,
        tpu.vector_store %arg22[%parallel_loop3A_887, %parallel_loop3A_888], %parallel_loop3A_884 {strides = array<i32>} : memref<128x128xf32, #tpu.memory_space<vmem>>, vector<16xf32>,
        %parallel_loop3A_890 = arith.subf %parallel_loop3A_596, %parallel_loop3A_859 : vector<16xf32>
        %parallel_loop3A_891 = arith.mulf %parallel_loop3A_871, %get3A_63 : vector<16xf32>
        %parallel_loop3A_892 = arith.mulf %parallel_loop3A_890, %parallel_loop3A_891 : vector<16xf32>
        %parallel_loop3A_893 = arith.addf %parallel_loop3A_892, %get3A_71 : vector<16xf32>
        %parallel_loop3A_894 = arith.constant 1 : i32
        %parallel_loop3A_895 = arith.addi %parallel_loop3A_667, %parallel_loop3A_894 : i32
        %parallel_loop3A_896 = arith.index_cast %parallel_loop3A_895 : i32 to index
        %parallel_loop3A_897 = arith.constant 96 : index
        %parallel_loop3A_898 = tpu.vector_load %arg22[%parallel_loop3A_896, %parallel_loop3A_897] {strides = array<i32>} : memref<128x128xf32, #tpu.memory_space<vmem>>, vector<16xf32>,
        tpu.vector_store %arg22[%parallel_loop3A_896, %parallel_loop3A_897], %parallel_loop3A_893 {strides = array<i32>} : memref<128x128xf32, #tpu.memory_space<vmem>>, vector<16xf32>,
        %parallel_loop3A_899 = arith.subf %parallel_loop3A_607, %parallel_loop3A_859 : vector<16xf32>
        %parallel_loop3A_900 = arith.mulf %parallel_loop3A_871, %get3A_65 : vector<16xf32>
        %parallel_loop3A_901 = arith.mulf %parallel_loop3A_899, %parallel_loop3A_900 : vector<16xf32>
        %parallel_loop3A_902 = arith.addf %parallel_loop3A_901, %get3A_73 : vector<16xf32>
        %parallel_loop3A_903 = arith.constant 1 : i32
        %parallel_loop3A_904 = arith.addi %parallel_loop3A_667, %parallel_loop3A_903 : i32
        %parallel_loop3A_905 = arith.index_cast %parallel_loop3A_904 : i32 to index
        %parallel_loop3A_906 = arith.constant 112 : index
        %parallel_loop3A_907 = tpu.vector_load %arg22[%parallel_loop3A_905, %parallel_loop3A_906] {strides = array<i32>} : memref<128x128xf32, #tpu.memory_space<vmem>>, vector<16xf32>,
        tpu.vector_store %arg22[%parallel_loop3A_905, %parallel_loop3A_906], %parallel_loop3A_902 {strides = array<i32>} : memref<128x128xf32, #tpu.memory_space<vmem>>, vector<16xf32>,
      } {sc.loop_unroll_factor = 2 : i64, sc.parallel_access}
      %mul3A_199 = arith.constant 256 : i32
      %mul3A_200 = arith.muli %add3A_158, %mul3A_199 : i32
      %add3A_201 = arith.addi %mul3A_2, %mul3A_200 : i32
      %jit3A_202 = arith.constant 2 : i32
      %div3A_203 = arith.divsi %add3A_201, %jit3A_202 : i32
      %sign3A_204 = arith.constant 0 : i32
      %sign3A_205 = arith.cmpi sgt, %add3A_201, %sign3A_204 : i32
      %sign3A_206 = arith.extui %sign3A_205 : i1 to i32
      %sign3A_207 = arith.constant 0 : i32
      %sign3A_208 = arith.cmpi slt, %add3A_201, %sign3A_207 : i32
      %sign3A_209 = arith.extui %sign3A_208 : i1 to i32
      %sign3A_210 = arith.subi %sign3A_206, %sign3A_209 : i32
      %sign3A_211 = arith.constant 0 : i32
      %sign3A_212 = arith.cmpi sgt, %jit3A_202, %sign3A_211 : i32
      %sign3A_213 = arith.extui %sign3A_212 : i1 to i32
      %sign3A_214 = arith.constant 0 : i32
      %sign3A_215 = arith.cmpi slt, %jit3A_202, %sign3A_214 : i32
      %sign3A_216 = arith.extui %sign3A_215 : i1 to i32
      %sign3A_217 = arith.subi %sign3A_213, %sign3A_216 : i32
      %ne3A_218 = arith.cmpi ne, %sign3A_210, %sign3A_217 : i32
      %rem3A_219 = arith.remsi %add3A_201, %jit3A_202 : i32
      %ne3A_220 = arith.constant 0 : i32
      %ne3A_221 = arith.cmpi ne, %rem3A_219, %ne3A_220 : i32
      %and3A_222 = arith.andi %ne3A_218, %ne3A_221 : i1
      %sub3A_223 = arith.constant 1 : i32
      %sub3A_224 = arith.subi %div3A_203, %sub3A_223 : i32
      %select_n3A_225 = arith.select %and3A_222, %sub3A_224, %div3A_203 : i32
      %dma_start3A_226 = arith.constant 0 : i32
      %dma_start3A_227 = tpu.memref_slice %arg9[%select_n3A_225, %dma_start3A_226] : memref<262144x128xf32, #tpu.memory_space<hbm>> -> memref<128x128xf32, #tpu.memory_space<hbm>>
      %dma_start3A_228 = arith.constant 0 : i32
      %dma_start3A_229 = tpu.memref_slice %arg9[%select_n3A_225, %dma_start3A_228] : memref<262144x128xf32, #tpu.memory_space<hbm>> -> memref<128x128xf32, #tpu.memory_space<hbm>>
      tpu.enqueue_dma source(%arg22 : memref<128x128xf32, #tpu.memory_space<vmem>>) target(%dma_start3A_229 : memref<128x128xf32, #tpu.memory_space<hbm>>) target_semaphore(%arg28 : memref<!tpu.dma_semaphore, #tpu.memory_space<semaphore_mem>>)
      %mul3A_230 = arith.constant 2 : i32
      %mul3A_231 = arith.muli %scan3A_154, %mul3A_230 : i32
      %add3A_232 = arith.constant 1 : i32
      %add3A_233 = arith.addi %mul3A_231, %add3A_232 : i32
      %lt3A_234 = arith.constant 63 : i32
      %lt3A_235 = arith.cmpi slt, %add3A_233, %lt3A_234 : i32
      %convert_element_type3A_236 = arith.extui %lt3A_235 : i1 to i32
      %cond3A_237 = arith.constant 0 : i32
      %cond3A_238 = arith.cmpi ne, %convert_element_type3A_236, %cond3A_237 : i32
      scf.if %cond3A_238 {
        %add3A_311 = arith.constant 1 : i32
        %add3A_312 = arith.addi %add3A_233, %add3A_311 : i32
        %mul3A_313 = arith.constant 2 : i32
        %mul3A_314 = arith.muli %add3A_312, %mul3A_313 : i32
        %add3A_315 = arith.addi %mul3A_4, %mul3A_314 : i32
        "tpu.region"() ({
          %run_scoped3A = tpu.sem_alloc : memref<!tpu.dma_semaphore, #tpu.memory_space<semaphore_mem>>
          %dma_start3A_341 = arith.constant 0 : i32
          %dma_start3A_342 = tpu.memref_slice %arg2[%add3A_315, %dma_start3A_341] : memref<4096x128xi32, #tpu.memory_space<hbm>> -> memref<2x128xi32, #tpu.memory_space<hbm>>
          %dma_start3A_343 = arith.constant 0 : i32
          %dma_start3A_344 = tpu.memref_slice %arg2[%add3A_315, %dma_start3A_343] : memref<4096x128xi32, #tpu.memory_space<hbm>> -> memref<2x128xi32, #tpu.memory_space<hbm>>
          tpu.enqueue_dma source(%dma_start3A_344 : memref<2x128xi32, #tpu.memory_space<hbm>>) target(%arg10 : memref<2x128xi32, #tpu.memory_space<vmem>>) target_semaphore(%run_scoped3A : memref<!tpu.dma_semaphore, #tpu.memory_space<semaphore_mem>>)
          %dma_wait3A_345 = arith.constant 0 : i32
          %dma_wait3A_346 = tpu.memref_slice %arg2[%add3A_315, %dma_wait3A_345] : memref<4096x128xi32, #tpu.memory_space<hbm>> -> memref<2x128xi32, #tpu.memory_space<hbm>>
          %dma_wait3A_347 = arith.constant 0 : i32
          %dma_wait3A_348 = tpu.memref_slice %arg2[%add3A_315, %dma_wait3A_347] : memref<4096x128xi32, #tpu.memory_space<hbm>> -> memref<2x128xi32, #tpu.memory_space<hbm>>
          tpu.wait_dma2 semaphore(%run_scoped3A : memref<!tpu.dma_semaphore, #tpu.memory_space<semaphore_mem>>) src(%dma_wait3A_348 : memref<2x128xi32, #tpu.memory_space<hbm>>) dst(%arg10 : memref<2x128xi32, #tpu.memory_space<vmem>>)
          tpu.yield
        }) : () -> ()
        %mul3A_316 = arith.constant 2 : i32
        %mul3A_317 = arith.muli %add3A_312, %mul3A_316 : i32
        %add3A_318 = arith.addi %mul3A_4, %mul3A_317 : i32
        "tpu.region"() ({
          %run_scoped3A = tpu.sem_alloc : memref<!tpu.dma_semaphore, #tpu.memory_space<semaphore_mem>>
          %dma_start3A_341 = arith.constant 0 : i32
          %dma_start3A_342 = tpu.memref_slice %arg3[%add3A_318, %dma_start3A_341] : memref<4096x128xi32, #tpu.memory_space<hbm>> -> memref<2x128xi32, #tpu.memory_space<hbm>>
          %dma_start3A_343 = arith.constant 0 : i32
          %dma_start3A_344 = tpu.memref_slice %arg3[%add3A_318, %dma_start3A_343] : memref<4096x128xi32, #tpu.memory_space<hbm>> -> memref<2x128xi32, #tpu.memory_space<hbm>>
          tpu.enqueue_dma source(%dma_start3A_344 : memref<2x128xi32, #tpu.memory_space<hbm>>) target(%arg12 : memref<2x128xi32, #tpu.memory_space<vmem>>) target_semaphore(%run_scoped3A : memref<!tpu.dma_semaphore, #tpu.memory_space<semaphore_mem>>)
          %dma_wait3A_345 = arith.constant 0 : i32
          %dma_wait3A_346 = tpu.memref_slice %arg3[%add3A_318, %dma_wait3A_345] : memref<4096x128xi32, #tpu.memory_space<hbm>> -> memref<2x128xi32, #tpu.memory_space<hbm>>
          %dma_wait3A_347 = arith.constant 0 : i32
          %dma_wait3A_348 = tpu.memref_slice %arg3[%add3A_318, %dma_wait3A_347] : memref<4096x128xi32, #tpu.memory_space<hbm>> -> memref<2x128xi32, #tpu.memory_space<hbm>>
          tpu.wait_dma2 semaphore(%run_scoped3A : memref<!tpu.dma_semaphore, #tpu.memory_space<semaphore_mem>>) src(%dma_wait3A_348 : memref<2x128xi32, #tpu.memory_space<hbm>>) dst(%arg12 : memref<2x128xi32, #tpu.memory_space<vmem>>)
          tpu.yield
        }) : () -> ()
        %add3A_319 = arith.constant 1 : i32
        %add3A_320 = arith.addi %add3A_233, %add3A_319 : i32
        %dma_start3A_321 = arith.constant 0 : i32
        %dma_start3A_322 = arith.constant 0 : i32
        %dma_start3A_323 = arith.constant 0 : i32
        %dma_start3A_324 = tpu.memref_slice %arg20[%dma_start3A_322, %dma_start3A_323] : memref<256x64xf32, #tpu.memory_space<vmem>> -> memref<128x64xf32, #tpu.memory_space<vmem>>
        %dma_start3A_325 = arith.constant 0 : i32
        %dma_start3A_326 = tpu.memref_slice %arg10[%dma_start3A_321, %dma_start3A_325] : memref<2x128xi32, #tpu.memory_space<vmem>> -> memref<1x128xi32, #tpu.memory_space<vmem>>
        %dma_start3A_327 = tpu.memref_squeeze %dma_start3A_326 : memref<1x128xi32, #tpu.memory_space<vmem>> -> memref<128xi32, #tpu.memory_space<vmem>>
        %dma_start3A_328 = arith.constant 0 : i32
        %dma_start3A_329 = arith.constant 0 : i32
        %dma_start3A_330 = tpu.memref_slice %arg4[%dma_start3A_328, %dma_start3A_329] : memref<100000x64xf32, #tpu.memory_space<hbm>> -> memref<100000x64xf32, #tpu.memory_space<hbm>>
        tpu.enqueue_indirect_dma source(%dma_start3A_330 : memref<100000x64xf32, #tpu.memory_space<hbm>>) target(%dma_start3A_324 : memref<128x64xf32, #tpu.memory_space<vmem>>) offsets(%dma_start3A_327 : memref<128xi32, #tpu.memory_space<vmem>>) semaphore(%arg26 : memref<!tpu.dma_semaphore, #tpu.memory_space<semaphore_mem>>)
        %dma_start3A_331 = arith.constant 1 : i32
        %dma_start3A_332 = arith.constant 128 : i32
        %dma_start3A_333 = arith.constant 0 : i32
        %dma_start3A_334 = tpu.memref_slice %arg20[%dma_start3A_332, %dma_start3A_333] : memref<256x64xf32, #tpu.memory_space<vmem>> -> memref<128x64xf32, #tpu.memory_space<vmem>>
        %dma_start3A_335 = arith.constant 0 : i32
        %dma_start3A_336 = tpu.memref_slice %arg10[%dma_start3A_331, %dma_start3A_335] : memref<2x128xi32, #tpu.memory_space<vmem>> -> memref<1x128xi32, #tpu.memory_space<vmem>>
        %dma_start3A_337 = tpu.memref_squeeze %dma_start3A_336 : memref<1x128xi32, #tpu.memory_space<vmem>> -> memref<128xi32, #tpu.memory_space<vmem>>
        %dma_start3A_338 = arith.constant 0 : i32
        %dma_start3A_339 = arith.constant 0 : i32
        %dma_start3A_340 = tpu.memref_slice %arg4[%dma_start3A_338, %dma_start3A_339] : memref<100000x64xf32, #tpu.memory_space<hbm>> -> memref<100000x64xf32, #tpu.memory_space<hbm>>
        tpu.enqueue_indirect_dma source(%dma_start3A_340 : memref<100000x64xf32, #tpu.memory_space<hbm>>) target(%dma_start3A_334 : memref<128x64xf32, #tpu.memory_space<vmem>>) offsets(%dma_start3A_337 : memref<128xi32, #tpu.memory_space<vmem>>) semaphore(%arg26 : memref<!tpu.dma_semaphore, #tpu.memory_space<semaphore_mem>>)
      } else {
      }
      %dma_wait3A_239 = arith.constant 0 : i32
      %dma_wait3A_240 = arith.constant 0 : i32
      %dma_wait3A_241 = arith.constant 0 : i32
      %dma_wait3A_242 = tpu.memref_slice %arg21[%dma_wait3A_240, %dma_wait3A_241] : memref<256x64xf32, #tpu.memory_space<vmem>> -> memref<128x64xf32, #tpu.memory_space<vmem>>
      %dma_wait3A_243 = arith.constant 0 : i32
      %dma_wait3A_244 = tpu.memref_slice %arg11[%dma_wait3A_239, %dma_wait3A_243] : memref<2x128xi32, #tpu.memory_space<vmem>> -> memref<1x128xi32, #tpu.memory_space<vmem>>
      %dma_wait3A_245 = tpu.memref_squeeze %dma_wait3A_244 : memref<1x128xi32, #tpu.memory_space<vmem>> -> memref<128xi32, #tpu.memory_space<vmem>>
      %dma_wait3A_246 = arith.constant 0 : i32
      %dma_wait3A_247 = arith.constant 0 : i32
      %dma_wait3A_248 = tpu.memref_slice %arg4[%dma_wait3A_246, %dma_wait3A_247] : memref<100000x64xf32, #tpu.memory_space<hbm>> -> memref<100000x64xf32, #tpu.memory_space<hbm>>
      tpu.wait_indirect_dma semaphore(%arg27 : memref<!tpu.dma_semaphore, #tpu.memory_space<semaphore_mem>>) src(%dma_wait3A_248 : memref<100000x64xf32, #tpu.memory_space<hbm>>) dst(%dma_wait3A_242 : memref<128x64xf32, #tpu.memory_space<vmem>>)
      %dma_wait3A_249 = arith.constant 1 : i32
      %dma_wait3A_250 = arith.constant 128 : i32
      %dma_wait3A_251 = arith.constant 0 : i32
      %dma_wait3A_252 = tpu.memref_slice %arg21[%dma_wait3A_250, %dma_wait3A_251] : memref<256x64xf32, #tpu.memory_space<vmem>> -> memref<128x64xf32, #tpu.memory_space<vmem>>
      %dma_wait3A_253 = arith.constant 0 : i32
      %dma_wait3A_254 = tpu.memref_slice %arg11[%dma_wait3A_249, %dma_wait3A_253] : memref<2x128xi32, #tpu.memory_space<vmem>> -> memref<1x128xi32, #tpu.memory_space<vmem>>
      %dma_wait3A_255 = tpu.memref_squeeze %dma_wait3A_254 : memref<1x128xi32, #tpu.memory_space<vmem>> -> memref<128xi32, #tpu.memory_space<vmem>>
      %dma_wait3A_256 = arith.constant 0 : i32
      %dma_wait3A_257 = arith.constant 0 : i32
      %dma_wait3A_258 = tpu.memref_slice %arg4[%dma_wait3A_256, %dma_wait3A_257] : memref<100000x64xf32, #tpu.memory_space<hbm>> -> memref<100000x64xf32, #tpu.memory_space<hbm>>
      tpu.wait_indirect_dma semaphore(%arg27 : memref<!tpu.dma_semaphore, #tpu.memory_space<semaphore_mem>>) src(%dma_wait3A_258 : memref<100000x64xf32, #tpu.memory_space<hbm>>) dst(%dma_wait3A_252 : memref<128x64xf32, #tpu.memory_space<vmem>>)
      %ge3A_259 = arith.constant 2 : i32
      %ge3A_260 = arith.cmpi sge, %add3A_233, %ge3A_259 : i32
      %convert_element_type3A_261 = arith.extui %ge3A_260 : i1 to i32
      %cond3A_262 = arith.constant 0 : i32
      %cond3A_263 = arith.cmpi ne, %convert_element_type3A_261, %cond3A_262 : i32
      scf.if %cond3A_263 {
        %sub3A_311 = arith.constant 2 : i32
        %sub3A_312 = arith.subi %add3A_233, %sub3A_311 : i32
        %mul3A_313 = arith.constant 256 : i32
        %mul3A_314 = arith.muli %sub3A_312, %mul3A_313 : i32
        %add3A_315 = arith.addi %mul3A_2, %mul3A_314 : i32
        %jit3A_316 = arith.constant 2 : i32
        %div3A_317 = arith.divsi %add3A_315, %jit3A_316 : i32
        %sign3A_318 = arith.constant 0 : i32
        %sign3A_319 = arith.cmpi sgt, %add3A_315, %sign3A_318 : i32
        %sign3A_320 = arith.extui %sign3A_319 : i1 to i32
        %sign3A_321 = arith.constant 0 : i32
        %sign3A_322 = arith.cmpi slt, %add3A_315, %sign3A_321 : i32
        %sign3A_323 = arith.extui %sign3A_322 : i1 to i32
        %sign3A_324 = arith.subi %sign3A_320, %sign3A_323 : i32
        %sign3A_325 = arith.constant 0 : i32
        %sign3A_326 = arith.cmpi sgt, %jit3A_316, %sign3A_325 : i32
        %sign3A_327 = arith.extui %sign3A_326 : i1 to i32
        %sign3A_328 = arith.constant 0 : i32
        %sign3A_329 = arith.cmpi slt, %jit3A_316, %sign3A_328 : i32
        %sign3A_330 = arith.extui %sign3A_329 : i1 to i32
        %sign3A_331 = arith.subi %sign3A_327, %sign3A_330 : i32
        %ne3A_332 = arith.cmpi ne, %sign3A_324, %sign3A_331 : i32
        %rem3A_333 = arith.remsi %add3A_315, %jit3A_316 : i32
        %ne3A_334 = arith.constant 0 : i32
        %ne3A_335 = arith.cmpi ne, %rem3A_333, %ne3A_334 : i32
        %and3A_336 = arith.andi %ne3A_332, %ne3A_335 : i1
        %sub3A_337 = arith.constant 1 : i32
        %sub3A_338 = arith.subi %div3A_317, %sub3A_337 : i32
        %select_n3A_339 = arith.select %and3A_336, %sub3A_338, %div3A_317 : i32
        %dma_wait3A_340 = arith.constant 0 : i32
        %dma_wait3A_341 = tpu.memref_slice %arg9[%select_n3A_339, %dma_wait3A_340] : memref<262144x128xf32, #tpu.memory_space<hbm>> -> memref<128x128xf32, #tpu.memory_space<hbm>>
        %dma_wait3A_342 = arith.constant 0 : i32
        %dma_wait3A_343 = tpu.memref_slice %arg9[%select_n3A_339, %dma_wait3A_342] : memref<262144x128xf32, #tpu.memory_space<hbm>> -> memref<128x128xf32, #tpu.memory_space<hbm>>
        tpu.wait_dma2 semaphore(%arg29 : memref<!tpu.dma_semaphore, #tpu.memory_space<semaphore_mem>>) src(%arg23 : memref<128x128xf32, #tpu.memory_space<vmem>>) dst(%dma_wait3A_343 : memref<128x128xf32, #tpu.memory_space<hbm>>)
      } else {
      }
      %scan3A_264 = arith.constant 0 : i32
      %scan3A_265 = arith.constant 8 : i32
      %scan3A_266 = arith.addi %scan3A_264, %scan3A_265 : i32
      %scan3A_267 = arith.constant 4 : i32
      scf.for %scan3A_311 = %scan3A_264 to %scan3A_266 step %scan3A_267  : i32 {
        %mul3A_312 = arith.constant 16 : i32
        %mul3A_313 = arith.muli %scan3A_311, %mul3A_312 : i32
        %get3A_314 = arith.constant 0 : i32
        %get3A_315 = arith.index_cast %get3A_314 : i32 to index
        %get3A_316 = arith.index_cast %mul3A_313 : i32 to index
        %get3A_317 = tpu.vector_load %arg13[%get3A_315, %get3A_316] {strides = array<i32>} : memref<2x128xi32, #tpu.memory_space<vmem>>, vector<16xi32>,
        %convert_element_type3A_318 = arith.sitofp %get3A_317 : vector<16xi32> to vector<16xf32>
        %mul3A_319 = arith.constant 16 : i32
        %mul3A_320 = arith.muli %scan3A_311, %mul3A_319 : i32
        %add3A_321 = arith.constant 0 : i32
        %add3A_322 = arith.addi %add3A_321, %mul3A_320 : i32
        %swap3A_323 = arith.index_cast %add3A_322 : i32 to index
        %swap3A_324 = tpu.vector_load %arg14[%swap3A_323] {strides = array<i32>} : memref<272xf32, #tpu.memory_space<vmem>>, vector<16xf32>,
        tpu.vector_store %arg14[%swap3A_323], %convert_element_type3A_318 {strides = array<i32>} : memref<272xf32, #tpu.memory_space<vmem>>, vector<16xf32>,
        %scan3A_325 = arith.constant 1 : i32
        %scan3A_326 = arith.addi %scan3A_311, %scan3A_325 : i32
        %mul3A_327 = arith.constant 16 : i32
        %mul3A_328 = arith.muli %scan3A_326, %mul3A_327 : i32
        %get3A_329 = arith.constant 0 : i32
        %get3A_330 = arith.index_cast %get3A_329 : i32 to index
        %get3A_331 = arith.index_cast %mul3A_328 : i32 to index
        %get3A_332 = tpu.vector_load %arg13[%get3A_330, %get3A_331] {strides = array<i32>} : memref<2x128xi32, #tpu.memory_space<vmem>>, vector<16xi32>,
        %convert_element_type3A_333 = arith.sitofp %get3A_332 : vector<16xi32> to vector<16xf32>
        %mul3A_334 = arith.constant 16 : i32
        %mul3A_335 = arith.muli %scan3A_326, %mul3A_334 : i32
        %add3A_336 = arith.constant 0 : i32
        %add3A_337 = arith.addi %add3A_336, %mul3A_335 : i32
        %swap3A_338 = arith.index_cast %add3A_337 : i32 to index
        %swap3A_339 = tpu.vector_load %arg14[%swap3A_338] {strides = array<i32>} : memref<272xf32, #tpu.memory_space<vmem>>, vector<16xf32>,
        tpu.vector_store %arg14[%swap3A_338], %convert_element_type3A_333 {strides = array<i32>} : memref<272xf32, #tpu.memory_space<vmem>>, vector<16xf32>,
        %scan3A_340 = arith.constant 2 : i32
        %scan3A_341 = arith.addi %scan3A_311, %scan3A_340 : i32
        %mul3A_342 = arith.constant 16 : i32
        %mul3A_343 = arith.muli %scan3A_341, %mul3A_342 : i32
        %get3A_344 = arith.constant 0 : i32
        %get3A_345 = arith.index_cast %get3A_344 : i32 to index
        %get3A_346 = arith.index_cast %mul3A_343 : i32 to index
        %get3A_347 = tpu.vector_load %arg13[%get3A_345, %get3A_346] {strides = array<i32>} : memref<2x128xi32, #tpu.memory_space<vmem>>, vector<16xi32>,
        %convert_element_type3A_348 = arith.sitofp %get3A_347 : vector<16xi32> to vector<16xf32>
        %mul3A_349 = arith.constant 16 : i32
        %mul3A_350 = arith.muli %scan3A_341, %mul3A_349 : i32
        %add3A_351 = arith.constant 0 : i32
        %add3A_352 = arith.addi %add3A_351, %mul3A_350 : i32
        %swap3A_353 = arith.index_cast %add3A_352 : i32 to index
        %swap3A_354 = tpu.vector_load %arg14[%swap3A_353] {strides = array<i32>} : memref<272xf32, #tpu.memory_space<vmem>>, vector<16xf32>,
        tpu.vector_store %arg14[%swap3A_353], %convert_element_type3A_348 {strides = array<i32>} : memref<272xf32, #tpu.memory_space<vmem>>, vector<16xf32>,
        %scan3A_355 = arith.constant 3 : i32
        %scan3A_356 = arith.addi %scan3A_311, %scan3A_355 : i32
        %mul3A_357 = arith.constant 16 : i32
        %mul3A_358 = arith.muli %scan3A_356, %mul3A_357 : i32
        %get3A_359 = arith.constant 0 : i32
        %get3A_360 = arith.index_cast %get3A_359 : i32 to index
        %get3A_361 = arith.index_cast %mul3A_358 : i32 to index
        %get3A_362 = tpu.vector_load %arg13[%get3A_360, %get3A_361] {strides = array<i32>} : memref<2x128xi32, #tpu.memory_space<vmem>>, vector<16xi32>,
        %convert_element_type3A_363 = arith.sitofp %get3A_362 : vector<16xi32> to vector<16xf32>
        %mul3A_364 = arith.constant 16 : i32
        %mul3A_365 = arith.muli %scan3A_356, %mul3A_364 : i32
        %add3A_366 = arith.constant 0 : i32
        %add3A_367 = arith.addi %add3A_366, %mul3A_365 : i32
        %swap3A_368 = arith.index_cast %add3A_367 : i32 to index
        %swap3A_369 = tpu.vector_load %arg14[%swap3A_368] {strides = array<i32>} : memref<272xf32, #tpu.memory_space<vmem>>, vector<16xf32>,
        tpu.vector_store %arg14[%swap3A_368], %convert_element_type3A_363 {strides = array<i32>} : memref<272xf32, #tpu.memory_space<vmem>>, vector<16xf32>,
      }
      %scan3A_268 = arith.constant 8 : i32
      %scan3A_269 = arith.constant 0 : i32
      %scan3A_270 = arith.constant 8 : i32
      %scan3A_271 = arith.addi %scan3A_269, %scan3A_270 : i32
      %scan3A_272 = arith.constant 4 : i32
      scf.for %scan3A_311 = %scan3A_269 to %scan3A_271 step %scan3A_272  : i32 {
        %mul3A_312 = arith.constant 16 : i32
        %mul3A_313 = arith.muli %scan3A_311, %mul3A_312 : i32
        %get3A_314 = arith.constant 1 : i32
        %get3A_315 = arith.index_cast %get3A_314 : i32 to index
        %get3A_316 = arith.index_cast %mul3A_313 : i32 to index
        %get3A_317 = tpu.vector_load %arg13[%get3A_315, %get3A_316] {strides = array<i32>} : memref<2x128xi32, #tpu.memory_space<vmem>>, vector<16xi32>,
        %convert_element_type3A_318 = arith.sitofp %get3A_317 : vector<16xi32> to vector<16xf32>
        %mul3A_319 = arith.constant 16 : i32
        %mul3A_320 = arith.muli %scan3A_311, %mul3A_319 : i32
        %add3A_321 = arith.constant 128 : i32
        %add3A_322 = arith.addi %add3A_321, %mul3A_320 : i32
        %swap3A_323 = arith.index_cast %add3A_322 : i32 to index
        %swap3A_324 = tpu.vector_load %arg14[%swap3A_323] {strides = array<i32>} : memref<272xf32, #tpu.memory_space<vmem>>, vector<16xf32>,
        tpu.vector_store %arg14[%swap3A_323], %convert_element_type3A_318 {strides = array<i32>} : memref<272xf32, #tpu.memory_space<vmem>>, vector<16xf32>,
        %scan3A_325 = arith.constant 1 : i32
        %scan3A_326 = arith.addi %scan3A_311, %scan3A_325 : i32
        %mul3A_327 = arith.constant 16 : i32
        %mul3A_328 = arith.muli %scan3A_326, %mul3A_327 : i32
        %get3A_329 = arith.constant 1 : i32
        %get3A_330 = arith.index_cast %get3A_329 : i32 to index
        %get3A_331 = arith.index_cast %mul3A_328 : i32 to index
        %get3A_332 = tpu.vector_load %arg13[%get3A_330, %get3A_331] {strides = array<i32>} : memref<2x128xi32, #tpu.memory_space<vmem>>, vector<16xi32>,
        %convert_element_type3A_333 = arith.sitofp %get3A_332 : vector<16xi32> to vector<16xf32>
        %mul3A_334 = arith.constant 16 : i32
        %mul3A_335 = arith.muli %scan3A_326, %mul3A_334 : i32
        %add3A_336 = arith.constant 128 : i32
        %add3A_337 = arith.addi %add3A_336, %mul3A_335 : i32
        %swap3A_338 = arith.index_cast %add3A_337 : i32 to index
        %swap3A_339 = tpu.vector_load %arg14[%swap3A_338] {strides = array<i32>} : memref<272xf32, #tpu.memory_space<vmem>>, vector<16xf32>,
        tpu.vector_store %arg14[%swap3A_338], %convert_element_type3A_333 {strides = array<i32>} : memref<272xf32, #tpu.memory_space<vmem>>, vector<16xf32>,
        %scan3A_340 = arith.constant 2 : i32
        %scan3A_341 = arith.addi %scan3A_311, %scan3A_340 : i32
        %mul3A_342 = arith.constant 16 : i32
        %mul3A_343 = arith.muli %scan3A_341, %mul3A_342 : i32
        %get3A_344 = arith.constant 1 : i32
        %get3A_345 = arith.index_cast %get3A_344 : i32 to index
        %get3A_346 = arith.index_cast %mul3A_343 : i32 to index
        %get3A_347 = tpu.vector_load %arg13[%get3A_345, %get3A_346] {strides = array<i32>} : memref<2x128xi32, #tpu.memory_space<vmem>>, vector<16xi32>,
        %convert_element_type3A_348 = arith.sitofp %get3A_347 : vector<16xi32> to vector<16xf32>
        %mul3A_349 = arith.constant 16 : i32
        %mul3A_350 = arith.muli %scan3A_341, %mul3A_349 : i32
        %add3A_351 = arith.constant 128 : i32
        %add3A_352 = arith.addi %add3A_351, %mul3A_350 : i32
        %swap3A_353 = arith.index_cast %add3A_352 : i32 to index
        %swap3A_354 = tpu.vector_load %arg14[%swap3A_353] {strides = array<i32>} : memref<272xf32, #tpu.memory_space<vmem>>, vector<16xf32>,
        tpu.vector_store %arg14[%swap3A_353], %convert_element_type3A_348 {strides = array<i32>} : memref<272xf32, #tpu.memory_space<vmem>>, vector<16xf32>,
        %scan3A_355 = arith.constant 3 : i32
        %scan3A_356 = arith.addi %scan3A_311, %scan3A_355 : i32
        %mul3A_357 = arith.constant 16 : i32
        %mul3A_358 = arith.muli %scan3A_356, %mul3A_357 : i32
        %get3A_359 = arith.constant 1 : i32
        %get3A_360 = arith.index_cast %get3A_359 : i32 to index
        %get3A_361 = arith.index_cast %mul3A_358 : i32 to index
        %get3A_362 = tpu.vector_load %arg13[%get3A_360, %get3A_361] {strides = array<i32>} : memref<2x128xi32, #tpu.memory_space<vmem>>, vector<16xi32>,
        %convert_element_type3A_363 = arith.sitofp %get3A_362 : vector<16xi32> to vector<16xf32>
        %mul3A_364 = arith.constant 16 : i32
        %mul3A_365 = arith.muli %scan3A_356, %mul3A_364 : i32
        %add3A_366 = arith.constant 128 : i32
        %add3A_367 = arith.addi %add3A_366, %mul3A_365 : i32
        %swap3A_368 = arith.index_cast %add3A_367 : i32 to index
        %swap3A_369 = tpu.vector_load %arg14[%swap3A_368] {strides = array<i32>} : memref<272xf32, #tpu.memory_space<vmem>>, vector<16xf32>,
        tpu.vector_store %arg14[%swap3A_368], %convert_element_type3A_363 {strides = array<i32>} : memref<272xf32, #tpu.memory_space<vmem>>, vector<16xf32>,
      }
      %scan3A_273 = arith.constant 8 : i32
      %eq3A_274 = arith.constant 15 : i32
      %eq3A_275 = vector.broadcast %eq3A_274 : i32 to vector<16xi32>
      %eq3A_276 = arith.cmpi eq, %iota3A, %eq3A_275 : vector<16xi32>
      %parallel_loop3A_277 = arith.constant 0 : i32
      %parallel_loop3A_278 = arith.constant 64 : i32
      %parallel_loop3A_279 = arith.constant 1 : i32
      scf.for %parallel_loop3A_311 = %parallel_loop3A_277 to %parallel_loop3A_278 step %parallel_loop3A_279  : i32 {
        %parallel_loop3A_312 = arith.constant 4 : i32
        %parallel_loop3A_313 = arith.muli %parallel_loop3A_311, %parallel_loop3A_312 : i32
        %parallel_loop3A_314 = arith.index_cast %parallel_loop3A_313 : i32 to index
        %parallel_loop3A_315 = tpu.vector_load %arg14[%parallel_loop3A_314] {strides = array<i32>} : memref<272xf32, #tpu.memory_space<vmem>>, vector<16xf32>,
        %parallel_loop3A_316 = arith.constant 0 : i32
        %parallel_loop3A_317 = arith.addi %parallel_loop3A_313, %parallel_loop3A_316 : i32
        %parallel_loop3A_318 = arith.constant 0 : i32
        %parallel_loop3A_319 = vector.broadcast %parallel_loop3A_318 : i32 to vector<16xi32>
        %parallel_loop3A_320 = arith.constant 0 : i32
        %parallel_loop3A_321 = vector.broadcast %parallel_loop3A_320 : i32 to vector<16xi32>
        %parallel_loop3A_322 = arith.cmpi slt, %parallel_loop3A_319, %parallel_loop3A_321 : vector<16xi32>
        %parallel_loop3A_323 = arith.constant 16 : i32
        %parallel_loop3A_324 = vector.broadcast %parallel_loop3A_323 : i32 to vector<16xi32>
        %parallel_loop3A_325 = arith.addi %parallel_loop3A_319, %parallel_loop3A_324 : vector<16xi32>
        %parallel_loop3A_326 = arith.select %parallel_loop3A_322, %parallel_loop3A_325, %parallel_loop3A_319 : vector<16xi1>, vector<16xi32>
        %parallel_loop3A_327 = vector.shape_cast %parallel_loop3A_326 : vector<16xi32> to vector<16x1xi32>
        %parallel_loop3A_328 = vector.shape_cast %parallel_loop3A_327 : vector<16x1xi32> to vector<16xi32>
        %parallel_loop3A_329 = tpu.dynamic_gather %parallel_loop3A_315[%parallel_loop3A_328] in [0] : vector<16xf32>, vector<16xi32> -> vector<16xf32>
        %parallel_loop3A_330 = arith.index_cast %parallel_loop3A_317 : i32 to index
        %parallel_loop3A_331 = arith.constant 0 : index
        %parallel_loop3A_332 = tpu.vector_load %arg21[%parallel_loop3A_330, %parallel_loop3A_331] {strides = array<i32>} : memref<256x64xf32, #tpu.memory_space<vmem>>, vector<16xf32>,
        %parallel_loop3A_333 = arith.constant 256 : i32
        %parallel_loop3A_334 = arith.addi %parallel_loop3A_333, %parallel_loop3A_317 : i32
        %parallel_loop3A_335 = arith.index_cast %parallel_loop3A_334 : i32 to index
        %parallel_loop3A_336 = arith.constant 0 : index
        %parallel_loop3A_337 = tpu.vector_load %arg16[%parallel_loop3A_335, %parallel_loop3A_336] {strides = array<i32>} : memref<512x64xf32, #tpu.memory_space<vmem>>, vector<16xf32>,
        %parallel_loop3A_338 = arith.addf %parallel_loop3A_332, %parallel_loop3A_337 : vector<16xf32>
        %parallel_loop3A_339 = arith.mulf %parallel_loop3A_329, %get3A_51 : vector<16xf32>
        %parallel_loop3A_340 = arith.addf %parallel_loop3A_338, %parallel_loop3A_339 : vector<16xf32>
        %parallel_loop3A_341 = arith.index_cast %parallel_loop3A_317 : i32 to index
        %parallel_loop3A_342 = arith.constant 16 : index
        %parallel_loop3A_343 = tpu.vector_load %arg21[%parallel_loop3A_341, %parallel_loop3A_342] {strides = array<i32>} : memref<256x64xf32, #tpu.memory_space<vmem>>, vector<16xf32>,
        %parallel_loop3A_344 = arith.constant 256 : i32
        %parallel_loop3A_345 = arith.addi %parallel_loop3A_344, %parallel_loop3A_317 : i32
        %parallel_loop3A_346 = arith.index_cast %parallel_loop3A_345 : i32 to index
        %parallel_loop3A_347 = arith.constant 16 : index
        %parallel_loop3A_348 = tpu.vector_load %arg16[%parallel_loop3A_346, %parallel_loop3A_347] {strides = array<i32>} : memref<512x64xf32, #tpu.memory_space<vmem>>, vector<16xf32>,
        %parallel_loop3A_349 = arith.addf %parallel_loop3A_343, %parallel_loop3A_348 : vector<16xf32>
        %parallel_loop3A_350 = arith.mulf %parallel_loop3A_329, %get3A_53 : vector<16xf32>
        %parallel_loop3A_351 = arith.addf %parallel_loop3A_349, %parallel_loop3A_350 : vector<16xf32>
        %parallel_loop3A_352 = arith.index_cast %parallel_loop3A_317 : i32 to index
        %parallel_loop3A_353 = arith.constant 32 : index
        %parallel_loop3A_354 = tpu.vector_load %arg21[%parallel_loop3A_352, %parallel_loop3A_353] {strides = array<i32>} : memref<256x64xf32, #tpu.memory_space<vmem>>, vector<16xf32>,
        %parallel_loop3A_355 = arith.constant 256 : i32
        %parallel_loop3A_356 = arith.addi %parallel_loop3A_355, %parallel_loop3A_317 : i32
        %parallel_loop3A_357 = arith.index_cast %parallel_loop3A_356 : i32 to index
        %parallel_loop3A_358 = arith.constant 32 : index
        %parallel_loop3A_359 = tpu.vector_load %arg16[%parallel_loop3A_357, %parallel_loop3A_358] {strides = array<i32>} : memref<512x64xf32, #tpu.memory_space<vmem>>, vector<16xf32>,
        %parallel_loop3A_360 = arith.addf %parallel_loop3A_354, %parallel_loop3A_359 : vector<16xf32>
        %parallel_loop3A_361 = arith.mulf %parallel_loop3A_329, %get3A_55 : vector<16xf32>
        %parallel_loop3A_362 = arith.addf %parallel_loop3A_360, %parallel_loop3A_361 : vector<16xf32>
        %parallel_loop3A_363 = arith.index_cast %parallel_loop3A_317 : i32 to index
        %parallel_loop3A_364 = arith.constant 48 : index
        %parallel_loop3A_365 = tpu.vector_load %arg21[%parallel_loop3A_363, %parallel_loop3A_364] {strides = array<i32>} : memref<256x64xf32, #tpu.memory_space<vmem>>, vector<16xf32>,
        %parallel_loop3A_366 = arith.constant 256 : i32
        %parallel_loop3A_367 = arith.addi %parallel_loop3A_366, %parallel_loop3A_317 : i32
        %parallel_loop3A_368 = arith.index_cast %parallel_loop3A_367 : i32 to index
        %parallel_loop3A_369 = arith.constant 48 : index
        %parallel_loop3A_370 = tpu.vector_load %arg16[%parallel_loop3A_368, %parallel_loop3A_369] {strides = array<i32>} : memref<512x64xf32, #tpu.memory_space<vmem>>, vector<16xf32>,
        %parallel_loop3A_371 = arith.addf %parallel_loop3A_365, %parallel_loop3A_370 : vector<16xf32>
        %parallel_loop3A_372 = arith.mulf %parallel_loop3A_329, %get3A_57 : vector<16xf32>
        %parallel_loop3A_373 = arith.addf %parallel_loop3A_371, %parallel_loop3A_372 : vector<16xf32>
        %parallel_loop3A_374 = arith.addf %parallel_loop3A_340, %parallel_loop3A_351 : vector<16xf32>
        %parallel_loop3A_375 = arith.addf %parallel_loop3A_362, %parallel_loop3A_373 : vector<16xf32>
        %parallel_loop3A_376 = arith.addf %parallel_loop3A_374, %parallel_loop3A_375 : vector<16xf32>
        %parallel_loop3A_377 = arith.mulf %parallel_loop3A_340, %parallel_loop3A_340 : vector<16xf32>
        %parallel_loop3A_378 = arith.mulf %parallel_loop3A_351, %parallel_loop3A_351 : vector<16xf32>
        %parallel_loop3A_379 = arith.addf %parallel_loop3A_377, %parallel_loop3A_378 : vector<16xf32>
        %parallel_loop3A_380 = arith.mulf %parallel_loop3A_362, %parallel_loop3A_362 : vector<16xf32>
        %parallel_loop3A_381 = arith.addf %parallel_loop3A_379, %parallel_loop3A_380 : vector<16xf32>
        %parallel_loop3A_382 = arith.mulf %parallel_loop3A_373, %parallel_loop3A_373 : vector<16xf32>
        %parallel_loop3A_383 = arith.addf %parallel_loop3A_381, %parallel_loop3A_382 : vector<16xf32>
        %parallel_loop3A_384 = arith.constant true
        %parallel_loop3A_385 = vector.broadcast %parallel_loop3A_384 : i1 to vector<16xi1>
        %parallel_loop3A_386 = tpu.scan <sum>, %parallel_loop3A_376 masked %parallel_loop3A_385 : vector<16xf32>, vector<16xi1> -> vector<16xf32>
        %parallel_loop3A_387 = arith.index_cast %parallel_loop3A_317 : i32 to index
        %parallel_loop3A_388 = tpu.vector_load %arg24[%parallel_loop3A_387] masked %eq3A_276 {strides = array<i32>} : memref<272xf32, #tpu.memory_space<vmem>>, vector<16xf32>, vector<16xi1>
        tpu.vector_store %arg24[%parallel_loop3A_387], %parallel_loop3A_386 masked %eq3A_276 {strides = array<i32>} : memref<272xf32, #tpu.memory_space<vmem>>, vector<16xf32>, vector<16xi1>
        %parallel_loop3A_389 = arith.constant true
        %parallel_loop3A_390 = vector.broadcast %parallel_loop3A_389 : i1 to vector<16xi1>
        %parallel_loop3A_391 = tpu.scan <sum>, %parallel_loop3A_383 masked %parallel_loop3A_390 : vector<16xf32>, vector<16xi1> -> vector<16xf32>
        %parallel_loop3A_392 = arith.index_cast %parallel_loop3A_317 : i32 to index
        %parallel_loop3A_393 = tpu.vector_load %arg25[%parallel_loop3A_392] masked %eq3A_276 {strides = array<i32>} : memref<272xf32, #tpu.memory_space<vmem>>, vector<16xf32>, vector<16xi1>
        tpu.vector_store %arg25[%parallel_loop3A_392], %parallel_loop3A_391 masked %eq3A_276 {strides = array<i32>} : memref<272xf32, #tpu.memory_space<vmem>>, vector<16xf32>, vector<16xi1>
        %parallel_loop3A_394 = arith.constant 1 : i32
        %parallel_loop3A_395 = arith.addi %parallel_loop3A_313, %parallel_loop3A_394 : i32
        %parallel_loop3A_396 = arith.constant 1 : i32
        %parallel_loop3A_397 = vector.broadcast %parallel_loop3A_396 : i32 to vector<16xi32>
        %parallel_loop3A_398 = arith.constant 0 : i32
        %parallel_loop3A_399 = vector.broadcast %parallel_loop3A_398 : i32 to vector<16xi32>
        %parallel_loop3A_400 = arith.cmpi slt, %parallel_loop3A_397, %parallel_loop3A_399 : vector<16xi32>
        %parallel_loop3A_401 = arith.constant 16 : i32
        %parallel_loop3A_402 = vector.broadcast %parallel_loop3A_401 : i32 to vector<16xi32>
        %parallel_loop3A_403 = arith.addi %parallel_loop3A_397, %parallel_loop3A_402 : vector<16xi32>
        %parallel_loop3A_404 = arith.select %parallel_loop3A_400, %parallel_loop3A_403, %parallel_loop3A_397 : vector<16xi1>, vector<16xi32>
        %parallel_loop3A_405 = vector.shape_cast %parallel_loop3A_404 : vector<16xi32> to vector<16x1xi32>
        %parallel_loop3A_406 = vector.shape_cast %parallel_loop3A_405 : vector<16x1xi32> to vector<16xi32>
        %parallel_loop3A_407 = tpu.dynamic_gather %parallel_loop3A_315[%parallel_loop3A_406] in [0] : vector<16xf32>, vector<16xi32> -> vector<16xf32>
        %parallel_loop3A_408 = arith.index_cast %parallel_loop3A_395 : i32 to index
        %parallel_loop3A_409 = arith.constant 0 : index
        %parallel_loop3A_410 = tpu.vector_load %arg21[%parallel_loop3A_408, %parallel_loop3A_409] {strides = array<i32>} : memref<256x64xf32, #tpu.memory_space<vmem>>, vector<16xf32>,
        %parallel_loop3A_411 = arith.constant 256 : i32
        %parallel_loop3A_412 = arith.addi %parallel_loop3A_411, %parallel_loop3A_395 : i32
        %parallel_loop3A_413 = arith.index_cast %parallel_loop3A_412 : i32 to index
        %parallel_loop3A_414 = arith.constant 0 : index
        %parallel_loop3A_415 = tpu.vector_load %arg16[%parallel_loop3A_413, %parallel_loop3A_414] {strides = array<i32>} : memref<512x64xf32, #tpu.memory_space<vmem>>, vector<16xf32>,
        %parallel_loop3A_416 = arith.addf %parallel_loop3A_410, %parallel_loop3A_415 : vector<16xf32>
        %parallel_loop3A_417 = arith.mulf %parallel_loop3A_407, %get3A_51 : vector<16xf32>
        %parallel_loop3A_418 = arith.addf %parallel_loop3A_416, %parallel_loop3A_417 : vector<16xf32>
        %parallel_loop3A_419 = arith.index_cast %parallel_loop3A_395 : i32 to index
        %parallel_loop3A_420 = arith.constant 16 : index
        %parallel_loop3A_421 = tpu.vector_load %arg21[%parallel_loop3A_419, %parallel_loop3A_420] {strides = array<i32>} : memref<256x64xf32, #tpu.memory_space<vmem>>, vector<16xf32>,
        %parallel_loop3A_422 = arith.constant 256 : i32
        %parallel_loop3A_423 = arith.addi %parallel_loop3A_422, %parallel_loop3A_395 : i32
        %parallel_loop3A_424 = arith.index_cast %parallel_loop3A_423 : i32 to index
        %parallel_loop3A_425 = arith.constant 16 : index
        %parallel_loop3A_426 = tpu.vector_load %arg16[%parallel_loop3A_424, %parallel_loop3A_425] {strides = array<i32>} : memref<512x64xf32, #tpu.memory_space<vmem>>, vector<16xf32>,
        %parallel_loop3A_427 = arith.addf %parallel_loop3A_421, %parallel_loop3A_426 : vector<16xf32>
        %parallel_loop3A_428 = arith.mulf %parallel_loop3A_407, %get3A_53 : vector<16xf32>
        %parallel_loop3A_429 = arith.addf %parallel_loop3A_427, %parallel_loop3A_428 : vector<16xf32>
        %parallel_loop3A_430 = arith.index_cast %parallel_loop3A_395 : i32 to index
        %parallel_loop3A_431 = arith.constant 32 : index
        %parallel_loop3A_432 = tpu.vector_load %arg21[%parallel_loop3A_430, %parallel_loop3A_431] {strides = array<i32>} : memref<256x64xf32, #tpu.memory_space<vmem>>, vector<16xf32>,
        %parallel_loop3A_433 = arith.constant 256 : i32
        %parallel_loop3A_434 = arith.addi %parallel_loop3A_433, %parallel_loop3A_395 : i32
        %parallel_loop3A_435 = arith.index_cast %parallel_loop3A_434 : i32 to index
        %parallel_loop3A_436 = arith.constant 32 : index
        %parallel_loop3A_437 = tpu.vector_load %arg16[%parallel_loop3A_435, %parallel_loop3A_436] {strides = array<i32>} : memref<512x64xf32, #tpu.memory_space<vmem>>, vector<16xf32>,
        %parallel_loop3A_438 = arith.addf %parallel_loop3A_432, %parallel_loop3A_437 : vector<16xf32>
        %parallel_loop3A_439 = arith.mulf %parallel_loop3A_407, %get3A_55 : vector<16xf32>
        %parallel_loop3A_440 = arith.addf %parallel_loop3A_438, %parallel_loop3A_439 : vector<16xf32>
        %parallel_loop3A_441 = arith.index_cast %parallel_loop3A_395 : i32 to index
        %parallel_loop3A_442 = arith.constant 48 : index
        %parallel_loop3A_443 = tpu.vector_load %arg21[%parallel_loop3A_441, %parallel_loop3A_442] {strides = array<i32>} : memref<256x64xf32, #tpu.memory_space<vmem>>, vector<16xf32>,
        %parallel_loop3A_444 = arith.constant 256 : i32
        %parallel_loop3A_445 = arith.addi %parallel_loop3A_444, %parallel_loop3A_395 : i32
        %parallel_loop3A_446 = arith.index_cast %parallel_loop3A_445 : i32 to index
        %parallel_loop3A_447 = arith.constant 48 : index
        %parallel_loop3A_448 = tpu.vector_load %arg16[%parallel_loop3A_446, %parallel_loop3A_447] {strides = array<i32>} : memref<512x64xf32, #tpu.memory_space<vmem>>, vector<16xf32>,
        %parallel_loop3A_449 = arith.addf %parallel_loop3A_443, %parallel_loop3A_448 : vector<16xf32>
        %parallel_loop3A_450 = arith.mulf %parallel_loop3A_407, %get3A_57 : vector<16xf32>
        %parallel_loop3A_451 = arith.addf %parallel_loop3A_449, %parallel_loop3A_450 : vector<16xf32>
        %parallel_loop3A_452 = arith.addf %parallel_loop3A_418, %parallel_loop3A_429 : vector<16xf32>
        %parallel_loop3A_453 = arith.addf %parallel_loop3A_440, %parallel_loop3A_451 : vector<16xf32>
        %parallel_loop3A_454 = arith.addf %parallel_loop3A_452, %parallel_loop3A_453 : vector<16xf32>
        %parallel_loop3A_455 = arith.mulf %parallel_loop3A_418, %parallel_loop3A_418 : vector<16xf32>
        %parallel_loop3A_456 = arith.mulf %parallel_loop3A_429, %parallel_loop3A_429 : vector<16xf32>
        %parallel_loop3A_457 = arith.addf %parallel_loop3A_455, %parallel_loop3A_456 : vector<16xf32>
        %parallel_loop3A_458 = arith.mulf %parallel_loop3A_440, %parallel_loop3A_440 : vector<16xf32>
        %parallel_loop3A_459 = arith.addf %parallel_loop3A_457, %parallel_loop3A_458 : vector<16xf32>
        %parallel_loop3A_460 = arith.mulf %parallel_loop3A_451, %parallel_loop3A_451 : vector<16xf32>
        %parallel_loop3A_461 = arith.addf %parallel_loop3A_459, %parallel_loop3A_460 : vector<16xf32>
        %parallel_loop3A_462 = arith.constant true
        %parallel_loop3A_463 = vector.broadcast %parallel_loop3A_462 : i1 to vector<16xi1>
        %parallel_loop3A_464 = tpu.scan <sum>, %parallel_loop3A_454 masked %parallel_loop3A_463 : vector<16xf32>, vector<16xi1> -> vector<16xf32>
        %parallel_loop3A_465 = arith.index_cast %parallel_loop3A_395 : i32 to index
        %parallel_loop3A_466 = tpu.vector_load %arg24[%parallel_loop3A_465] masked %eq3A_276 {strides = array<i32>} : memref<272xf32, #tpu.memory_space<vmem>>, vector<16xf32>, vector<16xi1>
        tpu.vector_store %arg24[%parallel_loop3A_465], %parallel_loop3A_464 masked %eq3A_276 {strides = array<i32>} : memref<272xf32, #tpu.memory_space<vmem>>, vector<16xf32>, vector<16xi1>
        %parallel_loop3A_467 = arith.constant true
        %parallel_loop3A_468 = vector.broadcast %parallel_loop3A_467 : i1 to vector<16xi1>
        %parallel_loop3A_469 = tpu.scan <sum>, %parallel_loop3A_461 masked %parallel_loop3A_468 : vector<16xf32>, vector<16xi1> -> vector<16xf32>
        %parallel_loop3A_470 = arith.index_cast %parallel_loop3A_395 : i32 to index
        %parallel_loop3A_471 = tpu.vector_load %arg25[%parallel_loop3A_470] masked %eq3A_276 {strides = array<i32>} : memref<272xf32, #tpu.memory_space<vmem>>, vector<16xf32>, vector<16xi1>
        tpu.vector_store %arg25[%parallel_loop3A_470], %parallel_loop3A_469 masked %eq3A_276 {strides = array<i32>} : memref<272xf32, #tpu.memory_space<vmem>>, vector<16xf32>, vector<16xi1>
        %parallel_loop3A_472 = arith.constant 2 : i32
        %parallel_loop3A_473 = arith.addi %parallel_loop3A_313, %parallel_loop3A_472 : i32
        %parallel_loop3A_474 = arith.constant 2 : i32
        %parallel_loop3A_475 = vector.broadcast %parallel_loop3A_474 : i32 to vector<16xi32>
        %parallel_loop3A_476 = arith.constant 0 : i32
        %parallel_loop3A_477 = vector.broadcast %parallel_loop3A_476 : i32 to vector<16xi32>
        %parallel_loop3A_478 = arith.cmpi slt, %parallel_loop3A_475, %parallel_loop3A_477 : vector<16xi32>
        %parallel_loop3A_479 = arith.constant 16 : i32
        %parallel_loop3A_480 = vector.broadcast %parallel_loop3A_479 : i32 to vector<16xi32>
        %parallel_loop3A_481 = arith.addi %parallel_loop3A_475, %parallel_loop3A_480 : vector<16xi32>
        %parallel_loop3A_482 = arith.select %parallel_loop3A_478, %parallel_loop3A_481, %parallel_loop3A_475 : vector<16xi1>, vector<16xi32>
        %parallel_loop3A_483 = vector.shape_cast %parallel_loop3A_482 : vector<16xi32> to vector<16x1xi32>
        %parallel_loop3A_484 = vector.shape_cast %parallel_loop3A_483 : vector<16x1xi32> to vector<16xi32>
        %parallel_loop3A_485 = tpu.dynamic_gather %parallel_loop3A_315[%parallel_loop3A_484] in [0] : vector<16xf32>, vector<16xi32> -> vector<16xf32>
        %parallel_loop3A_486 = arith.index_cast %parallel_loop3A_473 : i32 to index
        %parallel_loop3A_487 = arith.constant 0 : index
        %parallel_loop3A_488 = tpu.vector_load %arg21[%parallel_loop3A_486, %parallel_loop3A_487] {strides = array<i32>} : memref<256x64xf32, #tpu.memory_space<vmem>>, vector<16xf32>,
        %parallel_loop3A_489 = arith.constant 256 : i32
        %parallel_loop3A_490 = arith.addi %parallel_loop3A_489, %parallel_loop3A_473 : i32
        %parallel_loop3A_491 = arith.index_cast %parallel_loop3A_490 : i32 to index
        %parallel_loop3A_492 = arith.constant 0 : index
        %parallel_loop3A_493 = tpu.vector_load %arg16[%parallel_loop3A_491, %parallel_loop3A_492] {strides = array<i32>} : memref<512x64xf32, #tpu.memory_space<vmem>>, vector<16xf32>,
        %parallel_loop3A_494 = arith.addf %parallel_loop3A_488, %parallel_loop3A_493 : vector<16xf32>
        %parallel_loop3A_495 = arith.mulf %parallel_loop3A_485, %get3A_51 : vector<16xf32>
        %parallel_loop3A_496 = arith.addf %parallel_loop3A_494, %parallel_loop3A_495 : vector<16xf32>
        %parallel_loop3A_497 = arith.index_cast %parallel_loop3A_473 : i32 to index
        %parallel_loop3A_498 = arith.constant 16 : index
        %parallel_loop3A_499 = tpu.vector_load %arg21[%parallel_loop3A_497, %parallel_loop3A_498] {strides = array<i32>} : memref<256x64xf32, #tpu.memory_space<vmem>>, vector<16xf32>,
        %parallel_loop3A_500 = arith.constant 256 : i32
        %parallel_loop3A_501 = arith.addi %parallel_loop3A_500, %parallel_loop3A_473 : i32
        %parallel_loop3A_502 = arith.index_cast %parallel_loop3A_501 : i32 to index
        %parallel_loop3A_503 = arith.constant 16 : index
        %parallel_loop3A_504 = tpu.vector_load %arg16[%parallel_loop3A_502, %parallel_loop3A_503] {strides = array<i32>} : memref<512x64xf32, #tpu.memory_space<vmem>>, vector<16xf32>,
        %parallel_loop3A_505 = arith.addf %parallel_loop3A_499, %parallel_loop3A_504 : vector<16xf32>
        %parallel_loop3A_506 = arith.mulf %parallel_loop3A_485, %get3A_53 : vector<16xf32>
        %parallel_loop3A_507 = arith.addf %parallel_loop3A_505, %parallel_loop3A_506 : vector<16xf32>
        %parallel_loop3A_508 = arith.index_cast %parallel_loop3A_473 : i32 to index
        %parallel_loop3A_509 = arith.constant 32 : index
        %parallel_loop3A_510 = tpu.vector_load %arg21[%parallel_loop3A_508, %parallel_loop3A_509] {strides = array<i32>} : memref<256x64xf32, #tpu.memory_space<vmem>>, vector<16xf32>,
        %parallel_loop3A_511 = arith.constant 256 : i32
        %parallel_loop3A_512 = arith.addi %parallel_loop3A_511, %parallel_loop3A_473 : i32
        %parallel_loop3A_513 = arith.index_cast %parallel_loop3A_512 : i32 to index
        %parallel_loop3A_514 = arith.constant 32 : index
        %parallel_loop3A_515 = tpu.vector_load %arg16[%parallel_loop3A_513, %parallel_loop3A_514] {strides = array<i32>} : memref<512x64xf32, #tpu.memory_space<vmem>>, vector<16xf32>,
        %parallel_loop3A_516 = arith.addf %parallel_loop3A_510, %parallel_loop3A_515 : vector<16xf32>
        %parallel_loop3A_517 = arith.mulf %parallel_loop3A_485, %get3A_55 : vector<16xf32>
        %parallel_loop3A_518 = arith.addf %parallel_loop3A_516, %parallel_loop3A_517 : vector<16xf32>
        %parallel_loop3A_519 = arith.index_cast %parallel_loop3A_473 : i32 to index
        %parallel_loop3A_520 = arith.constant 48 : index
        %parallel_loop3A_521 = tpu.vector_load %arg21[%parallel_loop3A_519, %parallel_loop3A_520] {strides = array<i32>} : memref<256x64xf32, #tpu.memory_space<vmem>>, vector<16xf32>,
        %parallel_loop3A_522 = arith.constant 256 : i32
        %parallel_loop3A_523 = arith.addi %parallel_loop3A_522, %parallel_loop3A_473 : i32
        %parallel_loop3A_524 = arith.index_cast %parallel_loop3A_523 : i32 to index
        %parallel_loop3A_525 = arith.constant 48 : index
        %parallel_loop3A_526 = tpu.vector_load %arg16[%parallel_loop3A_524, %parallel_loop3A_525] {strides = array<i32>} : memref<512x64xf32, #tpu.memory_space<vmem>>, vector<16xf32>,
        %parallel_loop3A_527 = arith.addf %parallel_loop3A_521, %parallel_loop3A_526 : vector<16xf32>
        %parallel_loop3A_528 = arith.mulf %parallel_loop3A_485, %get3A_57 : vector<16xf32>
        %parallel_loop3A_529 = arith.addf %parallel_loop3A_527, %parallel_loop3A_528 : vector<16xf32>
        %parallel_loop3A_530 = arith.addf %parallel_loop3A_496, %parallel_loop3A_507 : vector<16xf32>
        %parallel_loop3A_531 = arith.addf %parallel_loop3A_518, %parallel_loop3A_529 : vector<16xf32>
        %parallel_loop3A_532 = arith.addf %parallel_loop3A_530, %parallel_loop3A_531 : vector<16xf32>
        %parallel_loop3A_533 = arith.mulf %parallel_loop3A_496, %parallel_loop3A_496 : vector<16xf32>
        %parallel_loop3A_534 = arith.mulf %parallel_loop3A_507, %parallel_loop3A_507 : vector<16xf32>
        %parallel_loop3A_535 = arith.addf %parallel_loop3A_533, %parallel_loop3A_534 : vector<16xf32>
        %parallel_loop3A_536 = arith.mulf %parallel_loop3A_518, %parallel_loop3A_518 : vector<16xf32>
        %parallel_loop3A_537 = arith.addf %parallel_loop3A_535, %parallel_loop3A_536 : vector<16xf32>
        %parallel_loop3A_538 = arith.mulf %parallel_loop3A_529, %parallel_loop3A_529 : vector<16xf32>
        %parallel_loop3A_539 = arith.addf %parallel_loop3A_537, %parallel_loop3A_538 : vector<16xf32>
        %parallel_loop3A_540 = arith.constant true
        %parallel_loop3A_541 = vector.broadcast %parallel_loop3A_540 : i1 to vector<16xi1>
        %parallel_loop3A_542 = tpu.scan <sum>, %parallel_loop3A_532 masked %parallel_loop3A_541 : vector<16xf32>, vector<16xi1> -> vector<16xf32>
        %parallel_loop3A_543 = arith.index_cast %parallel_loop3A_473 : i32 to index
        %parallel_loop3A_544 = tpu.vector_load %arg24[%parallel_loop3A_543] masked %eq3A_276 {strides = array<i32>} : memref<272xf32, #tpu.memory_space<vmem>>, vector<16xf32>, vector<16xi1>
        tpu.vector_store %arg24[%parallel_loop3A_543], %parallel_loop3A_542 masked %eq3A_276 {strides = array<i32>} : memref<272xf32, #tpu.memory_space<vmem>>, vector<16xf32>, vector<16xi1>
        %parallel_loop3A_545 = arith.constant true
        %parallel_loop3A_546 = vector.broadcast %parallel_loop3A_545 : i1 to vector<16xi1>
        %parallel_loop3A_547 = tpu.scan <sum>, %parallel_loop3A_539 masked %parallel_loop3A_546 : vector<16xf32>, vector<16xi1> -> vector<16xf32>
        %parallel_loop3A_548 = arith.index_cast %parallel_loop3A_473 : i32 to index
        %parallel_loop3A_549 = tpu.vector_load %arg25[%parallel_loop3A_548] masked %eq3A_276 {strides = array<i32>} : memref<272xf32, #tpu.memory_space<vmem>>, vector<16xf32>, vector<16xi1>
        tpu.vector_store %arg25[%parallel_loop3A_548], %parallel_loop3A_547 masked %eq3A_276 {strides = array<i32>} : memref<272xf32, #tpu.memory_space<vmem>>, vector<16xf32>, vector<16xi1>
        %parallel_loop3A_550 = arith.constant 3 : i32
        %parallel_loop3A_551 = arith.addi %parallel_loop3A_313, %parallel_loop3A_550 : i32
        %parallel_loop3A_552 = arith.constant 3 : i32
        %parallel_loop3A_553 = vector.broadcast %parallel_loop3A_552 : i32 to vector<16xi32>
        %parallel_loop3A_554 = arith.constant 0 : i32
        %parallel_loop3A_555 = vector.broadcast %parallel_loop3A_554 : i32 to vector<16xi32>
        %parallel_loop3A_556 = arith.cmpi slt, %parallel_loop3A_553, %parallel_loop3A_555 : vector<16xi32>
        %parallel_loop3A_557 = arith.constant 16 : i32
        %parallel_loop3A_558 = vector.broadcast %parallel_loop3A_557 : i32 to vector<16xi32>
        %parallel_loop3A_559 = arith.addi %parallel_loop3A_553, %parallel_loop3A_558 : vector<16xi32>
        %parallel_loop3A_560 = arith.select %parallel_loop3A_556, %parallel_loop3A_559, %parallel_loop3A_553 : vector<16xi1>, vector<16xi32>
        %parallel_loop3A_561 = vector.shape_cast %parallel_loop3A_560 : vector<16xi32> to vector<16x1xi32>
        %parallel_loop3A_562 = vector.shape_cast %parallel_loop3A_561 : vector<16x1xi32> to vector<16xi32>
        %parallel_loop3A_563 = tpu.dynamic_gather %parallel_loop3A_315[%parallel_loop3A_562] in [0] : vector<16xf32>, vector<16xi32> -> vector<16xf32>
        %parallel_loop3A_564 = arith.index_cast %parallel_loop3A_551 : i32 to index
        %parallel_loop3A_565 = arith.constant 0 : index
        %parallel_loop3A_566 = tpu.vector_load %arg21[%parallel_loop3A_564, %parallel_loop3A_565] {strides = array<i32>} : memref<256x64xf32, #tpu.memory_space<vmem>>, vector<16xf32>,
        %parallel_loop3A_567 = arith.constant 256 : i32
        %parallel_loop3A_568 = arith.addi %parallel_loop3A_567, %parallel_loop3A_551 : i32
        %parallel_loop3A_569 = arith.index_cast %parallel_loop3A_568 : i32 to index
        %parallel_loop3A_570 = arith.constant 0 : index
        %parallel_loop3A_571 = tpu.vector_load %arg16[%parallel_loop3A_569, %parallel_loop3A_570] {strides = array<i32>} : memref<512x64xf32, #tpu.memory_space<vmem>>, vector<16xf32>,
        %parallel_loop3A_572 = arith.addf %parallel_loop3A_566, %parallel_loop3A_571 : vector<16xf32>
        %parallel_loop3A_573 = arith.mulf %parallel_loop3A_563, %get3A_51 : vector<16xf32>
        %parallel_loop3A_574 = arith.addf %parallel_loop3A_572, %parallel_loop3A_573 : vector<16xf32>
        %parallel_loop3A_575 = arith.index_cast %parallel_loop3A_551 : i32 to index
        %parallel_loop3A_576 = arith.constant 16 : index
        %parallel_loop3A_577 = tpu.vector_load %arg21[%parallel_loop3A_575, %parallel_loop3A_576] {strides = array<i32>} : memref<256x64xf32, #tpu.memory_space<vmem>>, vector<16xf32>,
        %parallel_loop3A_578 = arith.constant 256 : i32
        %parallel_loop3A_579 = arith.addi %parallel_loop3A_578, %parallel_loop3A_551 : i32
        %parallel_loop3A_580 = arith.index_cast %parallel_loop3A_579 : i32 to index
        %parallel_loop3A_581 = arith.constant 16 : index
        %parallel_loop3A_582 = tpu.vector_load %arg16[%parallel_loop3A_580, %parallel_loop3A_581] {strides = array<i32>} : memref<512x64xf32, #tpu.memory_space<vmem>>, vector<16xf32>,
        %parallel_loop3A_583 = arith.addf %parallel_loop3A_577, %parallel_loop3A_582 : vector<16xf32>
        %parallel_loop3A_584 = arith.mulf %parallel_loop3A_563, %get3A_53 : vector<16xf32>
        %parallel_loop3A_585 = arith.addf %parallel_loop3A_583, %parallel_loop3A_584 : vector<16xf32>
        %parallel_loop3A_586 = arith.index_cast %parallel_loop3A_551 : i32 to index
        %parallel_loop3A_587 = arith.constant 32 : index
        %parallel_loop3A_588 = tpu.vector_load %arg21[%parallel_loop3A_586, %parallel_loop3A_587] {strides = array<i32>} : memref<256x64xf32, #tpu.memory_space<vmem>>, vector<16xf32>,
        %parallel_loop3A_589 = arith.constant 256 : i32
        %parallel_loop3A_590 = arith.addi %parallel_loop3A_589, %parallel_loop3A_551 : i32
        %parallel_loop3A_591 = arith.index_cast %parallel_loop3A_590 : i32 to index
        %parallel_loop3A_592 = arith.constant 32 : index
        %parallel_loop3A_593 = tpu.vector_load %arg16[%parallel_loop3A_591, %parallel_loop3A_592] {strides = array<i32>} : memref<512x64xf32, #tpu.memory_space<vmem>>, vector<16xf32>,
        %parallel_loop3A_594 = arith.addf %parallel_loop3A_588, %parallel_loop3A_593 : vector<16xf32>
        %parallel_loop3A_595 = arith.mulf %parallel_loop3A_563, %get3A_55 : vector<16xf32>
        %parallel_loop3A_596 = arith.addf %parallel_loop3A_594, %parallel_loop3A_595 : vector<16xf32>
        %parallel_loop3A_597 = arith.index_cast %parallel_loop3A_551 : i32 to index
        %parallel_loop3A_598 = arith.constant 48 : index
        %parallel_loop3A_599 = tpu.vector_load %arg21[%parallel_loop3A_597, %parallel_loop3A_598] {strides = array<i32>} : memref<256x64xf32, #tpu.memory_space<vmem>>, vector<16xf32>,
        %parallel_loop3A_600 = arith.constant 256 : i32
        %parallel_loop3A_601 = arith.addi %parallel_loop3A_600, %parallel_loop3A_551 : i32
        %parallel_loop3A_602 = arith.index_cast %parallel_loop3A_601 : i32 to index
        %parallel_loop3A_603 = arith.constant 48 : index
        %parallel_loop3A_604 = tpu.vector_load %arg16[%parallel_loop3A_602, %parallel_loop3A_603] {strides = array<i32>} : memref<512x64xf32, #tpu.memory_space<vmem>>, vector<16xf32>,
        %parallel_loop3A_605 = arith.addf %parallel_loop3A_599, %parallel_loop3A_604 : vector<16xf32>
        %parallel_loop3A_606 = arith.mulf %parallel_loop3A_563, %get3A_57 : vector<16xf32>
        %parallel_loop3A_607 = arith.addf %parallel_loop3A_605, %parallel_loop3A_606 : vector<16xf32>
        %parallel_loop3A_608 = arith.addf %parallel_loop3A_574, %parallel_loop3A_585 : vector<16xf32>
        %parallel_loop3A_609 = arith.addf %parallel_loop3A_596, %parallel_loop3A_607 : vector<16xf32>
        %parallel_loop3A_610 = arith.addf %parallel_loop3A_608, %parallel_loop3A_609 : vector<16xf32>
        %parallel_loop3A_611 = arith.mulf %parallel_loop3A_574, %parallel_loop3A_574 : vector<16xf32>
        %parallel_loop3A_612 = arith.mulf %parallel_loop3A_585, %parallel_loop3A_585 : vector<16xf32>
        %parallel_loop3A_613 = arith.addf %parallel_loop3A_611, %parallel_loop3A_612 : vector<16xf32>
        %parallel_loop3A_614 = arith.mulf %parallel_loop3A_596, %parallel_loop3A_596 : vector<16xf32>
        %parallel_loop3A_615 = arith.addf %parallel_loop3A_613, %parallel_loop3A_614 : vector<16xf32>
        %parallel_loop3A_616 = arith.mulf %parallel_loop3A_607, %parallel_loop3A_607 : vector<16xf32>
        %parallel_loop3A_617 = arith.addf %parallel_loop3A_615, %parallel_loop3A_616 : vector<16xf32>
        %parallel_loop3A_618 = arith.constant true
        %parallel_loop3A_619 = vector.broadcast %parallel_loop3A_618 : i1 to vector<16xi1>
        %parallel_loop3A_620 = tpu.scan <sum>, %parallel_loop3A_610 masked %parallel_loop3A_619 : vector<16xf32>, vector<16xi1> -> vector<16xf32>
        %parallel_loop3A_621 = arith.index_cast %parallel_loop3A_551 : i32 to index
        %parallel_loop3A_622 = tpu.vector_load %arg24[%parallel_loop3A_621] masked %eq3A_276 {strides = array<i32>} : memref<272xf32, #tpu.memory_space<vmem>>, vector<16xf32>, vector<16xi1>
        tpu.vector_store %arg24[%parallel_loop3A_621], %parallel_loop3A_620 masked %eq3A_276 {strides = array<i32>} : memref<272xf32, #tpu.memory_space<vmem>>, vector<16xf32>, vector<16xi1>
        %parallel_loop3A_623 = arith.constant true
        %parallel_loop3A_624 = vector.broadcast %parallel_loop3A_623 : i1 to vector<16xi1>
        %parallel_loop3A_625 = tpu.scan <sum>, %parallel_loop3A_617 masked %parallel_loop3A_624 : vector<16xf32>, vector<16xi1> -> vector<16xf32>
        %parallel_loop3A_626 = arith.index_cast %parallel_loop3A_551 : i32 to index
        %parallel_loop3A_627 = tpu.vector_load %arg25[%parallel_loop3A_626] masked %eq3A_276 {strides = array<i32>} : memref<272xf32, #tpu.memory_space<vmem>>, vector<16xf32>, vector<16xi1>
        tpu.vector_store %arg25[%parallel_loop3A_626], %parallel_loop3A_625 masked %eq3A_276 {strides = array<i32>} : memref<272xf32, #tpu.memory_space<vmem>>, vector<16xf32>, vector<16xi1>
        %parallel_loop3A_628 = arith.index_cast %parallel_loop3A_313 : i32 to index
        %parallel_loop3A_629 = tpu.vector_load %arg24[%parallel_loop3A_628] {strides = array<i32>} : memref<272xf32, #tpu.memory_space<vmem>>, vector<16xf32>,
        %parallel_loop3A_630 = arith.index_cast %parallel_loop3A_313 : i32 to index
        %parallel_loop3A_631 = tpu.vector_load %arg25[%parallel_loop3A_630] {strides = array<i32>} : memref<272xf32, #tpu.memory_space<vmem>>, vector<16xf32>,
        %parallel_loop3A_632 = arith.constant 1.562500e-02 : f32
        %parallel_loop3A_633 = vector.broadcast %parallel_loop3A_632 : f32 to vector<16xf32>
        %parallel_loop3A_634 = arith.mulf %parallel_loop3A_629, %parallel_loop3A_633 : vector<16xf32>
        %parallel_loop3A_635 = arith.constant 1.562500e-02 : f32
        %parallel_loop3A_636 = vector.broadcast %parallel_loop3A_635 : f32 to vector<16xf32>
        %parallel_loop3A_637 = arith.mulf %parallel_loop3A_631, %parallel_loop3A_636 : vector<16xf32>
        %parallel_loop3A_638 = arith.mulf %parallel_loop3A_634, %parallel_loop3A_634 : vector<16xf32>
        %parallel_loop3A_639 = arith.subf %parallel_loop3A_637, %parallel_loop3A_638 : vector<16xf32>
        %parallel_loop3A_640 = arith.constant 9.99999996E-13 : f32
        %parallel_loop3A_641 = vector.broadcast %parallel_loop3A_640 : f32 to vector<16xf32>
        %parallel_loop3A_642 = arith.addf %parallel_loop3A_639, %parallel_loop3A_641 : vector<16xf32>
        %parallel_loop3A_643 = tpu.bitcast %parallel_loop3A_642 : vector<16xf32> -> vector<16xi32>
        %parallel_loop3A_644 = arith.constant 1 : i32
        %parallel_loop3A_645 = vector.broadcast %parallel_loop3A_644 : i32 to vector<16xi32>
        %parallel_loop3A_646 = arith.shrsi %parallel_loop3A_643, %parallel_loop3A_645 : vector<16xi32>
        %parallel_loop3A_647 = arith.constant 1597463007 : i32
        %parallel_loop3A_648 = vector.broadcast %parallel_loop3A_647 : i32 to vector<16xi32>
        %parallel_loop3A_649 = arith.subi %parallel_loop3A_648, %parallel_loop3A_646 : vector<16xi32>
        %parallel_loop3A_650 = tpu.bitcast %parallel_loop3A_649 : vector<16xi32> -> vector<16xf32>
        %parallel_loop3A_651 = arith.constant 5.000000e-01 : f32
        %parallel_loop3A_652 = vector.broadcast %parallel_loop3A_651 : f32 to vector<16xf32>
        %parallel_loop3A_653 = arith.mulf %parallel_loop3A_642, %parallel_loop3A_652 : vector<16xf32>
        %parallel_loop3A_654 = arith.mulf %parallel_loop3A_653, %parallel_loop3A_650 : vector<16xf32>
        %parallel_loop3A_655 = arith.mulf %parallel_loop3A_654, %parallel_loop3A_650 : vector<16xf32>
        %parallel_loop3A_656 = arith.constant 1.500000e+00 : f32
        %parallel_loop3A_657 = vector.broadcast %parallel_loop3A_656 : f32 to vector<16xf32>
        %parallel_loop3A_658 = arith.subf %parallel_loop3A_657, %parallel_loop3A_655 : vector<16xf32>
        %parallel_loop3A_659 = arith.mulf %parallel_loop3A_650, %parallel_loop3A_658 : vector<16xf32>
        %parallel_loop3A_660 = arith.mulf %parallel_loop3A_653, %parallel_loop3A_659 : vector<16xf32>
        %parallel_loop3A_661 = arith.mulf %parallel_loop3A_660, %parallel_loop3A_659 : vector<16xf32>
        %parallel_loop3A_662 = arith.constant 1.500000e+00 : f32
        %parallel_loop3A_663 = vector.broadcast %parallel_loop3A_662 : f32 to vector<16xf32>
        %parallel_loop3A_664 = arith.subf %parallel_loop3A_663, %parallel_loop3A_661 : vector<16xf32>
        %parallel_loop3A_665 = arith.mulf %parallel_loop3A_659, %parallel_loop3A_664 : vector<16xf32>
        %parallel_loop3A_666 = arith.constant 2 : i32
        %parallel_loop3A_667 = arith.muli %parallel_loop3A_311, %parallel_loop3A_666 : i32
        %parallel_loop3A_668 = arith.constant 0 : i32
        %parallel_loop3A_669 = vector.broadcast %parallel_loop3A_668 : i32 to vector<16xi32>
        %parallel_loop3A_670 = arith.constant 0 : i32
        %parallel_loop3A_671 = vector.broadcast %parallel_loop3A_670 : i32 to vector<16xi32>
        %parallel_loop3A_672 = arith.cmpi slt, %parallel_loop3A_669, %parallel_loop3A_671 : vector<16xi32>
        %parallel_loop3A_673 = arith.constant 16 : i32
        %parallel_loop3A_674 = vector.broadcast %parallel_loop3A_673 : i32 to vector<16xi32>
        %parallel_loop3A_675 = arith.addi %parallel_loop3A_669, %parallel_loop3A_674 : vector<16xi32>
        %parallel_loop3A_676 = arith.select %parallel_loop3A_672, %parallel_loop3A_675, %parallel_loop3A_669 : vector<16xi1>, vector<16xi32>
        %parallel_loop3A_677 = vector.shape_cast %parallel_loop3A_676 : vector<16xi32> to vector<16x1xi32>
        %parallel_loop3A_678 = vector.shape_cast %parallel_loop3A_677 : vector<16x1xi32> to vector<16xi32>
        %parallel_loop3A_679 = tpu.dynamic_gather %parallel_loop3A_634[%parallel_loop3A_678] in [0] : vector<16xf32>, vector<16xi32> -> vector<16xf32>
        %parallel_loop3A_680 = arith.constant 0 : i32
        %parallel_loop3A_681 = vector.broadcast %parallel_loop3A_680 : i32 to vector<16xi32>
        %parallel_loop3A_682 = arith.constant 0 : i32
        %parallel_loop3A_683 = vector.broadcast %parallel_loop3A_682 : i32 to vector<16xi32>
        %parallel_loop3A_684 = arith.cmpi slt, %parallel_loop3A_681, %parallel_loop3A_683 : vector<16xi32>
        %parallel_loop3A_685 = arith.constant 16 : i32
        %parallel_loop3A_686 = vector.broadcast %parallel_loop3A_685 : i32 to vector<16xi32>
        %parallel_loop3A_687 = arith.addi %parallel_loop3A_681, %parallel_loop3A_686 : vector<16xi32>
        %parallel_loop3A_688 = arith.select %parallel_loop3A_684, %parallel_loop3A_687, %parallel_loop3A_681 : vector<16xi1>, vector<16xi32>
        %parallel_loop3A_689 = vector.shape_cast %parallel_loop3A_688 : vector<16xi32> to vector<16x1xi32>
        %parallel_loop3A_690 = vector.shape_cast %parallel_loop3A_689 : vector<16x1xi32> to vector<16xi32>
        %parallel_loop3A_691 = tpu.dynamic_gather %parallel_loop3A_665[%parallel_loop3A_690] in [0] : vector<16xf32>, vector<16xi32> -> vector<16xf32>
        %parallel_loop3A_692 = arith.subf %parallel_loop3A_340, %parallel_loop3A_679 : vector<16xf32>
        %parallel_loop3A_693 = arith.mulf %parallel_loop3A_691, %get3A_59 : vector<16xf32>
        %parallel_loop3A_694 = arith.mulf %parallel_loop3A_692, %parallel_loop3A_693 : vector<16xf32>
        %parallel_loop3A_695 = arith.addf %parallel_loop3A_694, %get3A_67 : vector<16xf32>
        %parallel_loop3A_696 = arith.constant 0 : i32
        %parallel_loop3A_697 = arith.addi %parallel_loop3A_667, %parallel_loop3A_696 : i32
        %parallel_loop3A_698 = arith.index_cast %parallel_loop3A_697 : i32 to index
        %parallel_loop3A_699 = arith.constant 0 : index
        %parallel_loop3A_700 = tpu.vector_load %arg23[%parallel_loop3A_698, %parallel_loop3A_699] {strides = array<i32>} : memref<128x128xf32, #tpu.memory_space<vmem>>, vector<16xf32>,
        tpu.vector_store %arg23[%parallel_loop3A_698, %parallel_loop3A_699], %parallel_loop3A_695 {strides = array<i32>} : memref<128x128xf32, #tpu.memory_space<vmem>>, vector<16xf32>,
        %parallel_loop3A_701 = arith.subf %parallel_loop3A_351, %parallel_loop3A_679 : vector<16xf32>
        %parallel_loop3A_702 = arith.mulf %parallel_loop3A_691, %get3A_61 : vector<16xf32>
        %parallel_loop3A_703 = arith.mulf %parallel_loop3A_701, %parallel_loop3A_702 : vector<16xf32>
        %parallel_loop3A_704 = arith.addf %parallel_loop3A_703, %get3A_69 : vector<16xf32>
        %parallel_loop3A_705 = arith.constant 0 : i32
        %parallel_loop3A_706 = arith.addi %parallel_loop3A_667, %parallel_loop3A_705 : i32
        %parallel_loop3A_707 = arith.index_cast %parallel_loop3A_706 : i32 to index
        %parallel_loop3A_708 = arith.constant 16 : index
        %parallel_loop3A_709 = tpu.vector_load %arg23[%parallel_loop3A_707, %parallel_loop3A_708] {strides = array<i32>} : memref<128x128xf32, #tpu.memory_space<vmem>>, vector<16xf32>,
        tpu.vector_store %arg23[%parallel_loop3A_707, %parallel_loop3A_708], %parallel_loop3A_704 {strides = array<i32>} : memref<128x128xf32, #tpu.memory_space<vmem>>, vector<16xf32>,
        %parallel_loop3A_710 = arith.subf %parallel_loop3A_362, %parallel_loop3A_679 : vector<16xf32>
        %parallel_loop3A_711 = arith.mulf %parallel_loop3A_691, %get3A_63 : vector<16xf32>
        %parallel_loop3A_712 = arith.mulf %parallel_loop3A_710, %parallel_loop3A_711 : vector<16xf32>
        %parallel_loop3A_713 = arith.addf %parallel_loop3A_712, %get3A_71 : vector<16xf32>
        %parallel_loop3A_714 = arith.constant 0 : i32
        %parallel_loop3A_715 = arith.addi %parallel_loop3A_667, %parallel_loop3A_714 : i32
        %parallel_loop3A_716 = arith.index_cast %parallel_loop3A_715 : i32 to index
        %parallel_loop3A_717 = arith.constant 32 : index
        %parallel_loop3A_718 = tpu.vector_load %arg23[%parallel_loop3A_716, %parallel_loop3A_717] {strides = array<i32>} : memref<128x128xf32, #tpu.memory_space<vmem>>, vector<16xf32>,
        tpu.vector_store %arg23[%parallel_loop3A_716, %parallel_loop3A_717], %parallel_loop3A_713 {strides = array<i32>} : memref<128x128xf32, #tpu.memory_space<vmem>>, vector<16xf32>,
        %parallel_loop3A_719 = arith.subf %parallel_loop3A_373, %parallel_loop3A_679 : vector<16xf32>
        %parallel_loop3A_720 = arith.mulf %parallel_loop3A_691, %get3A_65 : vector<16xf32>
        %parallel_loop3A_721 = arith.mulf %parallel_loop3A_719, %parallel_loop3A_720 : vector<16xf32>
        %parallel_loop3A_722 = arith.addf %parallel_loop3A_721, %get3A_73 : vector<16xf32>
        %parallel_loop3A_723 = arith.constant 0 : i32
        %parallel_loop3A_724 = arith.addi %parallel_loop3A_667, %parallel_loop3A_723 : i32
        %parallel_loop3A_725 = arith.index_cast %parallel_loop3A_724 : i32 to index
        %parallel_loop3A_726 = arith.constant 48 : index
        %parallel_loop3A_727 = tpu.vector_load %arg23[%parallel_loop3A_725, %parallel_loop3A_726] {strides = array<i32>} : memref<128x128xf32, #tpu.memory_space<vmem>>, vector<16xf32>,
        tpu.vector_store %arg23[%parallel_loop3A_725, %parallel_loop3A_726], %parallel_loop3A_722 {strides = array<i32>} : memref<128x128xf32, #tpu.memory_space<vmem>>, vector<16xf32>,
        %parallel_loop3A_728 = arith.constant 1 : i32
        %parallel_loop3A_729 = vector.broadcast %parallel_loop3A_728 : i32 to vector<16xi32>
        %parallel_loop3A_730 = arith.constant 0 : i32
        %parallel_loop3A_731 = vector.broadcast %parallel_loop3A_730 : i32 to vector<16xi32>
        %parallel_loop3A_732 = arith.cmpi slt, %parallel_loop3A_729, %parallel_loop3A_731 : vector<16xi32>
        %parallel_loop3A_733 = arith.constant 16 : i32
        %parallel_loop3A_734 = vector.broadcast %parallel_loop3A_733 : i32 to vector<16xi32>
        %parallel_loop3A_735 = arith.addi %parallel_loop3A_729, %parallel_loop3A_734 : vector<16xi32>
        %parallel_loop3A_736 = arith.select %parallel_loop3A_732, %parallel_loop3A_735, %parallel_loop3A_729 : vector<16xi1>, vector<16xi32>
        %parallel_loop3A_737 = vector.shape_cast %parallel_loop3A_736 : vector<16xi32> to vector<16x1xi32>
        %parallel_loop3A_738 = vector.shape_cast %parallel_loop3A_737 : vector<16x1xi32> to vector<16xi32>
        %parallel_loop3A_739 = tpu.dynamic_gather %parallel_loop3A_634[%parallel_loop3A_738] in [0] : vector<16xf32>, vector<16xi32> -> vector<16xf32>
        %parallel_loop3A_740 = arith.constant 1 : i32
        %parallel_loop3A_741 = vector.broadcast %parallel_loop3A_740 : i32 to vector<16xi32>
        %parallel_loop3A_742 = arith.constant 0 : i32
        %parallel_loop3A_743 = vector.broadcast %parallel_loop3A_742 : i32 to vector<16xi32>
        %parallel_loop3A_744 = arith.cmpi slt, %parallel_loop3A_741, %parallel_loop3A_743 : vector<16xi32>
        %parallel_loop3A_745 = arith.constant 16 : i32
        %parallel_loop3A_746 = vector.broadcast %parallel_loop3A_745 : i32 to vector<16xi32>
        %parallel_loop3A_747 = arith.addi %parallel_loop3A_741, %parallel_loop3A_746 : vector<16xi32>
        %parallel_loop3A_748 = arith.select %parallel_loop3A_744, %parallel_loop3A_747, %parallel_loop3A_741 : vector<16xi1>, vector<16xi32>
        %parallel_loop3A_749 = vector.shape_cast %parallel_loop3A_748 : vector<16xi32> to vector<16x1xi32>
        %parallel_loop3A_750 = vector.shape_cast %parallel_loop3A_749 : vector<16x1xi32> to vector<16xi32>
        %parallel_loop3A_751 = tpu.dynamic_gather %parallel_loop3A_665[%parallel_loop3A_750] in [0] : vector<16xf32>, vector<16xi32> -> vector<16xf32>
        %parallel_loop3A_752 = arith.subf %parallel_loop3A_418, %parallel_loop3A_739 : vector<16xf32>
        %parallel_loop3A_753 = arith.mulf %parallel_loop3A_751, %get3A_59 : vector<16xf32>
        %parallel_loop3A_754 = arith.mulf %parallel_loop3A_752, %parallel_loop3A_753 : vector<16xf32>
        %parallel_loop3A_755 = arith.addf %parallel_loop3A_754, %get3A_67 : vector<16xf32>
        %parallel_loop3A_756 = arith.constant 0 : i32
        %parallel_loop3A_757 = arith.addi %parallel_loop3A_667, %parallel_loop3A_756 : i32
        %parallel_loop3A_758 = arith.index_cast %parallel_loop3A_757 : i32 to index
        %parallel_loop3A_759 = arith.constant 64 : index
        %parallel_loop3A_760 = tpu.vector_load %arg23[%parallel_loop3A_758, %parallel_loop3A_759] {strides = array<i32>} : memref<128x128xf32, #tpu.memory_space<vmem>>, vector<16xf32>,
        tpu.vector_store %arg23[%parallel_loop3A_758, %parallel_loop3A_759], %parallel_loop3A_755 {strides = array<i32>} : memref<128x128xf32, #tpu.memory_space<vmem>>, vector<16xf32>,
        %parallel_loop3A_761 = arith.subf %parallel_loop3A_429, %parallel_loop3A_739 : vector<16xf32>
        %parallel_loop3A_762 = arith.mulf %parallel_loop3A_751, %get3A_61 : vector<16xf32>
        %parallel_loop3A_763 = arith.mulf %parallel_loop3A_761, %parallel_loop3A_762 : vector<16xf32>
        %parallel_loop3A_764 = arith.addf %parallel_loop3A_763, %get3A_69 : vector<16xf32>
        %parallel_loop3A_765 = arith.constant 0 : i32
        %parallel_loop3A_766 = arith.addi %parallel_loop3A_667, %parallel_loop3A_765 : i32
        %parallel_loop3A_767 = arith.index_cast %parallel_loop3A_766 : i32 to index
        %parallel_loop3A_768 = arith.constant 80 : index
        %parallel_loop3A_769 = tpu.vector_load %arg23[%parallel_loop3A_767, %parallel_loop3A_768] {strides = array<i32>} : memref<128x128xf32, #tpu.memory_space<vmem>>, vector<16xf32>,
        tpu.vector_store %arg23[%parallel_loop3A_767, %parallel_loop3A_768], %parallel_loop3A_764 {strides = array<i32>} : memref<128x128xf32, #tpu.memory_space<vmem>>, vector<16xf32>,
        %parallel_loop3A_770 = arith.subf %parallel_loop3A_440, %parallel_loop3A_739 : vector<16xf32>
        %parallel_loop3A_771 = arith.mulf %parallel_loop3A_751, %get3A_63 : vector<16xf32>
        %parallel_loop3A_772 = arith.mulf %parallel_loop3A_770, %parallel_loop3A_771 : vector<16xf32>
        %parallel_loop3A_773 = arith.addf %parallel_loop3A_772, %get3A_71 : vector<16xf32>
        %parallel_loop3A_774 = arith.constant 0 : i32
        %parallel_loop3A_775 = arith.addi %parallel_loop3A_667, %parallel_loop3A_774 : i32
        %parallel_loop3A_776 = arith.index_cast %parallel_loop3A_775 : i32 to index
        %parallel_loop3A_777 = arith.constant 96 : index
        %parallel_loop3A_778 = tpu.vector_load %arg23[%parallel_loop3A_776, %parallel_loop3A_777] {strides = array<i32>} : memref<128x128xf32, #tpu.memory_space<vmem>>, vector<16xf32>,
        tpu.vector_store %arg23[%parallel_loop3A_776, %parallel_loop3A_777], %parallel_loop3A_773 {strides = array<i32>} : memref<128x128xf32, #tpu.memory_space<vmem>>, vector<16xf32>,
        %parallel_loop3A_779 = arith.subf %parallel_loop3A_451, %parallel_loop3A_739 : vector<16xf32>
        %parallel_loop3A_780 = arith.mulf %parallel_loop3A_751, %get3A_65 : vector<16xf32>
        %parallel_loop3A_781 = arith.mulf %parallel_loop3A_779, %parallel_loop3A_780 : vector<16xf32>
        %parallel_loop3A_782 = arith.addf %parallel_loop3A_781, %get3A_73 : vector<16xf32>
        %parallel_loop3A_783 = arith.constant 0 : i32
        %parallel_loop3A_784 = arith.addi %parallel_loop3A_667, %parallel_loop3A_783 : i32
        %parallel_loop3A_785 = arith.index_cast %parallel_loop3A_784 : i32 to index
        %parallel_loop3A_786 = arith.constant 112 : index
        %parallel_loop3A_787 = tpu.vector_load %arg23[%parallel_loop3A_785, %parallel_loop3A_786] {strides = array<i32>} : memref<128x128xf32, #tpu.memory_space<vmem>>, vector<16xf32>,
        tpu.vector_store %arg23[%parallel_loop3A_785, %parallel_loop3A_786], %parallel_loop3A_782 {strides = array<i32>} : memref<128x128xf32, #tpu.memory_space<vmem>>, vector<16xf32>,
        %parallel_loop3A_788 = arith.constant 2 : i32
        %parallel_loop3A_789 = vector.broadcast %parallel_loop3A_788 : i32 to vector<16xi32>
        %parallel_loop3A_790 = arith.constant 0 : i32
        %parallel_loop3A_791 = vector.broadcast %parallel_loop3A_790 : i32 to vector<16xi32>
        %parallel_loop3A_792 = arith.cmpi slt, %parallel_loop3A_789, %parallel_loop3A_791 : vector<16xi32>
        %parallel_loop3A_793 = arith.constant 16 : i32
        %parallel_loop3A_794 = vector.broadcast %parallel_loop3A_793 : i32 to vector<16xi32>
        %parallel_loop3A_795 = arith.addi %parallel_loop3A_789, %parallel_loop3A_794 : vector<16xi32>
        %parallel_loop3A_796 = arith.select %parallel_loop3A_792, %parallel_loop3A_795, %parallel_loop3A_789 : vector<16xi1>, vector<16xi32>
        %parallel_loop3A_797 = vector.shape_cast %parallel_loop3A_796 : vector<16xi32> to vector<16x1xi32>
        %parallel_loop3A_798 = vector.shape_cast %parallel_loop3A_797 : vector<16x1xi32> to vector<16xi32>
        %parallel_loop3A_799 = tpu.dynamic_gather %parallel_loop3A_634[%parallel_loop3A_798] in [0] : vector<16xf32>, vector<16xi32> -> vector<16xf32>
        %parallel_loop3A_800 = arith.constant 2 : i32
        %parallel_loop3A_801 = vector.broadcast %parallel_loop3A_800 : i32 to vector<16xi32>
        %parallel_loop3A_802 = arith.constant 0 : i32
        %parallel_loop3A_803 = vector.broadcast %parallel_loop3A_802 : i32 to vector<16xi32>
        %parallel_loop3A_804 = arith.cmpi slt, %parallel_loop3A_801, %parallel_loop3A_803 : vector<16xi32>
        %parallel_loop3A_805 = arith.constant 16 : i32
        %parallel_loop3A_806 = vector.broadcast %parallel_loop3A_805 : i32 to vector<16xi32>
        %parallel_loop3A_807 = arith.addi %parallel_loop3A_801, %parallel_loop3A_806 : vector<16xi32>
        %parallel_loop3A_808 = arith.select %parallel_loop3A_804, %parallel_loop3A_807, %parallel_loop3A_801 : vector<16xi1>, vector<16xi32>
        %parallel_loop3A_809 = vector.shape_cast %parallel_loop3A_808 : vector<16xi32> to vector<16x1xi32>
        %parallel_loop3A_810 = vector.shape_cast %parallel_loop3A_809 : vector<16x1xi32> to vector<16xi32>
        %parallel_loop3A_811 = tpu.dynamic_gather %parallel_loop3A_665[%parallel_loop3A_810] in [0] : vector<16xf32>, vector<16xi32> -> vector<16xf32>
        %parallel_loop3A_812 = arith.subf %parallel_loop3A_496, %parallel_loop3A_799 : vector<16xf32>
        %parallel_loop3A_813 = arith.mulf %parallel_loop3A_811, %get3A_59 : vector<16xf32>
        %parallel_loop3A_814 = arith.mulf %parallel_loop3A_812, %parallel_loop3A_813 : vector<16xf32>
        %parallel_loop3A_815 = arith.addf %parallel_loop3A_814, %get3A_67 : vector<16xf32>
        %parallel_loop3A_816 = arith.constant 1 : i32
        %parallel_loop3A_817 = arith.addi %parallel_loop3A_667, %parallel_loop3A_816 : i32
        %parallel_loop3A_818 = arith.index_cast %parallel_loop3A_817 : i32 to index
        %parallel_loop3A_819 = arith.constant 0 : index
        %parallel_loop3A_820 = tpu.vector_load %arg23[%parallel_loop3A_818, %parallel_loop3A_819] {strides = array<i32>} : memref<128x128xf32, #tpu.memory_space<vmem>>, vector<16xf32>,
        tpu.vector_store %arg23[%parallel_loop3A_818, %parallel_loop3A_819], %parallel_loop3A_815 {strides = array<i32>} : memref<128x128xf32, #tpu.memory_space<vmem>>, vector<16xf32>,
        %parallel_loop3A_821 = arith.subf %parallel_loop3A_507, %parallel_loop3A_799 : vector<16xf32>
        %parallel_loop3A_822 = arith.mulf %parallel_loop3A_811, %get3A_61 : vector<16xf32>
        %parallel_loop3A_823 = arith.mulf %parallel_loop3A_821, %parallel_loop3A_822 : vector<16xf32>
        %parallel_loop3A_824 = arith.addf %parallel_loop3A_823, %get3A_69 : vector<16xf32>
        %parallel_loop3A_825 = arith.constant 1 : i32
        %parallel_loop3A_826 = arith.addi %parallel_loop3A_667, %parallel_loop3A_825 : i32
        %parallel_loop3A_827 = arith.index_cast %parallel_loop3A_826 : i32 to index
        %parallel_loop3A_828 = arith.constant 16 : index
        %parallel_loop3A_829 = tpu.vector_load %arg23[%parallel_loop3A_827, %parallel_loop3A_828] {strides = array<i32>} : memref<128x128xf32, #tpu.memory_space<vmem>>, vector<16xf32>,
        tpu.vector_store %arg23[%parallel_loop3A_827, %parallel_loop3A_828], %parallel_loop3A_824 {strides = array<i32>} : memref<128x128xf32, #tpu.memory_space<vmem>>, vector<16xf32>,
        %parallel_loop3A_830 = arith.subf %parallel_loop3A_518, %parallel_loop3A_799 : vector<16xf32>
        %parallel_loop3A_831 = arith.mulf %parallel_loop3A_811, %get3A_63 : vector<16xf32>
        %parallel_loop3A_832 = arith.mulf %parallel_loop3A_830, %parallel_loop3A_831 : vector<16xf32>
        %parallel_loop3A_833 = arith.addf %parallel_loop3A_832, %get3A_71 : vector<16xf32>
        %parallel_loop3A_834 = arith.constant 1 : i32
        %parallel_loop3A_835 = arith.addi %parallel_loop3A_667, %parallel_loop3A_834 : i32
        %parallel_loop3A_836 = arith.index_cast %parallel_loop3A_835 : i32 to index
        %parallel_loop3A_837 = arith.constant 32 : index
        %parallel_loop3A_838 = tpu.vector_load %arg23[%parallel_loop3A_836, %parallel_loop3A_837] {strides = array<i32>} : memref<128x128xf32, #tpu.memory_space<vmem>>, vector<16xf32>,
        tpu.vector_store %arg23[%parallel_loop3A_836, %parallel_loop3A_837], %parallel_loop3A_833 {strides = array<i32>} : memref<128x128xf32, #tpu.memory_space<vmem>>, vector<16xf32>,
        %parallel_loop3A_839 = arith.subf %parallel_loop3A_529, %parallel_loop3A_799 : vector<16xf32>
        %parallel_loop3A_840 = arith.mulf %parallel_loop3A_811, %get3A_65 : vector<16xf32>
        %parallel_loop3A_841 = arith.mulf %parallel_loop3A_839, %parallel_loop3A_840 : vector<16xf32>
        %parallel_loop3A_842 = arith.addf %parallel_loop3A_841, %get3A_73 : vector<16xf32>
        %parallel_loop3A_843 = arith.constant 1 : i32
        %parallel_loop3A_844 = arith.addi %parallel_loop3A_667, %parallel_loop3A_843 : i32
        %parallel_loop3A_845 = arith.index_cast %parallel_loop3A_844 : i32 to index
        %parallel_loop3A_846 = arith.constant 48 : index
        %parallel_loop3A_847 = tpu.vector_load %arg23[%parallel_loop3A_845, %parallel_loop3A_846] {strides = array<i32>} : memref<128x128xf32, #tpu.memory_space<vmem>>, vector<16xf32>,
        tpu.vector_store %arg23[%parallel_loop3A_845, %parallel_loop3A_846], %parallel_loop3A_842 {strides = array<i32>} : memref<128x128xf32, #tpu.memory_space<vmem>>, vector<16xf32>,
        %parallel_loop3A_848 = arith.constant 3 : i32
        %parallel_loop3A_849 = vector.broadcast %parallel_loop3A_848 : i32 to vector<16xi32>
        %parallel_loop3A_850 = arith.constant 0 : i32
        %parallel_loop3A_851 = vector.broadcast %parallel_loop3A_850 : i32 to vector<16xi32>
        %parallel_loop3A_852 = arith.cmpi slt, %parallel_loop3A_849, %parallel_loop3A_851 : vector<16xi32>
        %parallel_loop3A_853 = arith.constant 16 : i32
        %parallel_loop3A_854 = vector.broadcast %parallel_loop3A_853 : i32 to vector<16xi32>
        %parallel_loop3A_855 = arith.addi %parallel_loop3A_849, %parallel_loop3A_854 : vector<16xi32>
        %parallel_loop3A_856 = arith.select %parallel_loop3A_852, %parallel_loop3A_855, %parallel_loop3A_849 : vector<16xi1>, vector<16xi32>
        %parallel_loop3A_857 = vector.shape_cast %parallel_loop3A_856 : vector<16xi32> to vector<16x1xi32>
        %parallel_loop3A_858 = vector.shape_cast %parallel_loop3A_857 : vector<16x1xi32> to vector<16xi32>
        %parallel_loop3A_859 = tpu.dynamic_gather %parallel_loop3A_634[%parallel_loop3A_858] in [0] : vector<16xf32>, vector<16xi32> -> vector<16xf32>
        %parallel_loop3A_860 = arith.constant 3 : i32
        %parallel_loop3A_861 = vector.broadcast %parallel_loop3A_860 : i32 to vector<16xi32>
        %parallel_loop3A_862 = arith.constant 0 : i32
        %parallel_loop3A_863 = vector.broadcast %parallel_loop3A_862 : i32 to vector<16xi32>
        %parallel_loop3A_864 = arith.cmpi slt, %parallel_loop3A_861, %parallel_loop3A_863 : vector<16xi32>
        %parallel_loop3A_865 = arith.constant 16 : i32
        %parallel_loop3A_866 = vector.broadcast %parallel_loop3A_865 : i32 to vector<16xi32>
        %parallel_loop3A_867 = arith.addi %parallel_loop3A_861, %parallel_loop3A_866 : vector<16xi32>
        %parallel_loop3A_868 = arith.select %parallel_loop3A_864, %parallel_loop3A_867, %parallel_loop3A_861 : vector<16xi1>, vector<16xi32>
        %parallel_loop3A_869 = vector.shape_cast %parallel_loop3A_868 : vector<16xi32> to vector<16x1xi32>
        %parallel_loop3A_870 = vector.shape_cast %parallel_loop3A_869 : vector<16x1xi32> to vector<16xi32>
        %parallel_loop3A_871 = tpu.dynamic_gather %parallel_loop3A_665[%parallel_loop3A_870] in [0] : vector<16xf32>, vector<16xi32> -> vector<16xf32>
        %parallel_loop3A_872 = arith.subf %parallel_loop3A_574, %parallel_loop3A_859 : vector<16xf32>
        %parallel_loop3A_873 = arith.mulf %parallel_loop3A_871, %get3A_59 : vector<16xf32>
        %parallel_loop3A_874 = arith.mulf %parallel_loop3A_872, %parallel_loop3A_873 : vector<16xf32>
        %parallel_loop3A_875 = arith.addf %parallel_loop3A_874, %get3A_67 : vector<16xf32>
        %parallel_loop3A_876 = arith.constant 1 : i32
        %parallel_loop3A_877 = arith.addi %parallel_loop3A_667, %parallel_loop3A_876 : i32
        %parallel_loop3A_878 = arith.index_cast %parallel_loop3A_877 : i32 to index
        %parallel_loop3A_879 = arith.constant 64 : index
        %parallel_loop3A_880 = tpu.vector_load %arg23[%parallel_loop3A_878, %parallel_loop3A_879] {strides = array<i32>} : memref<128x128xf32, #tpu.memory_space<vmem>>, vector<16xf32>,
        tpu.vector_store %arg23[%parallel_loop3A_878, %parallel_loop3A_879], %parallel_loop3A_875 {strides = array<i32>} : memref<128x128xf32, #tpu.memory_space<vmem>>, vector<16xf32>,
        %parallel_loop3A_881 = arith.subf %parallel_loop3A_585, %parallel_loop3A_859 : vector<16xf32>
        %parallel_loop3A_882 = arith.mulf %parallel_loop3A_871, %get3A_61 : vector<16xf32>
        %parallel_loop3A_883 = arith.mulf %parallel_loop3A_881, %parallel_loop3A_882 : vector<16xf32>
        %parallel_loop3A_884 = arith.addf %parallel_loop3A_883, %get3A_69 : vector<16xf32>
        %parallel_loop3A_885 = arith.constant 1 : i32
        %parallel_loop3A_886 = arith.addi %parallel_loop3A_667, %parallel_loop3A_885 : i32
        %parallel_loop3A_887 = arith.index_cast %parallel_loop3A_886 : i32 to index
        %parallel_loop3A_888 = arith.constant 80 : index
        %parallel_loop3A_889 = tpu.vector_load %arg23[%parallel_loop3A_887, %parallel_loop3A_888] {strides = array<i32>} : memref<128x128xf32, #tpu.memory_space<vmem>>, vector<16xf32>,
        tpu.vector_store %arg23[%parallel_loop3A_887, %parallel_loop3A_888], %parallel_loop3A_884 {strides = array<i32>} : memref<128x128xf32, #tpu.memory_space<vmem>>, vector<16xf32>,
        %parallel_loop3A_890 = arith.subf %parallel_loop3A_596, %parallel_loop3A_859 : vector<16xf32>
        %parallel_loop3A_891 = arith.mulf %parallel_loop3A_871, %get3A_63 : vector<16xf32>
        %parallel_loop3A_892 = arith.mulf %parallel_loop3A_890, %parallel_loop3A_891 : vector<16xf32>
        %parallel_loop3A_893 = arith.addf %parallel_loop3A_892, %get3A_71 : vector<16xf32>
        %parallel_loop3A_894 = arith.constant 1 : i32
        %parallel_loop3A_895 = arith.addi %parallel_loop3A_667, %parallel_loop3A_894 : i32
        %parallel_loop3A_896 = arith.index_cast %parallel_loop3A_895 : i32 to index
        %parallel_loop3A_897 = arith.constant 96 : index
        %parallel_loop3A_898 = tpu.vector_load %arg23[%parallel_loop3A_896, %parallel_loop3A_897] {strides = array<i32>} : memref<128x128xf32, #tpu.memory_space<vmem>>, vector<16xf32>,
        tpu.vector_store %arg23[%parallel_loop3A_896, %parallel_loop3A_897], %parallel_loop3A_893 {strides = array<i32>} : memref<128x128xf32, #tpu.memory_space<vmem>>, vector<16xf32>,
        %parallel_loop3A_899 = arith.subf %parallel_loop3A_607, %parallel_loop3A_859 : vector<16xf32>
        %parallel_loop3A_900 = arith.mulf %parallel_loop3A_871, %get3A_65 : vector<16xf32>
        %parallel_loop3A_901 = arith.mulf %parallel_loop3A_899, %parallel_loop3A_900 : vector<16xf32>
        %parallel_loop3A_902 = arith.addf %parallel_loop3A_901, %get3A_73 : vector<16xf32>
        %parallel_loop3A_903 = arith.constant 1 : i32
        %parallel_loop3A_904 = arith.addi %parallel_loop3A_667, %parallel_loop3A_903 : i32
        %parallel_loop3A_905 = arith.index_cast %parallel_loop3A_904 : i32 to index
        %parallel_loop3A_906 = arith.constant 112 : index
        %parallel_loop3A_907 = tpu.vector_load %arg23[%parallel_loop3A_905, %parallel_loop3A_906] {strides = array<i32>} : memref<128x128xf32, #tpu.memory_space<vmem>>, vector<16xf32>,
        tpu.vector_store %arg23[%parallel_loop3A_905, %parallel_loop3A_906], %parallel_loop3A_902 {strides = array<i32>} : memref<128x128xf32, #tpu.memory_space<vmem>>, vector<16xf32>,
      } {sc.loop_unroll_factor = 2 : i64, sc.parallel_access}
      %mul3A_280 = arith.constant 256 : i32
      %mul3A_281 = arith.muli %add3A_233, %mul3A_280 : i32
      %add3A_282 = arith.addi %mul3A_2, %mul3A_281 : i32
      %jit3A_283 = arith.constant 2 : i32
      %div3A_284 = arith.divsi %add3A_282, %jit3A_283 : i32
      %sign3A_285 = arith.constant 0 : i32
      %sign3A_286 = arith.cmpi sgt, %add3A_282, %sign3A_285 : i32
      %sign3A_287 = arith.extui %sign3A_286 : i1 to i32
      %sign3A_288 = arith.constant 0 : i32
      %sign3A_289 = arith.cmpi slt, %add3A_282, %sign3A_288 : i32
      %sign3A_290 = arith.extui %sign3A_289 : i1 to i32
      %sign3A_291 = arith.subi %sign3A_287, %sign3A_290 : i32
      %sign3A_292 = arith.constant 0 : i32
      %sign3A_293 = arith.cmpi sgt, %jit3A_283, %sign3A_292 : i32
      %sign3A_294 = arith.extui %sign3A_293 : i1 to i32
      %sign3A_295 = arith.constant 0 : i32
      %sign3A_296 = arith.cmpi slt, %jit3A_283, %sign3A_295 : i32
      %sign3A_297 = arith.extui %sign3A_296 : i1 to i32
      %sign3A_298 = arith.subi %sign3A_294, %sign3A_297 : i32
      %ne3A_299 = arith.cmpi ne, %sign3A_291, %sign3A_298 : i32
      %rem3A_300 = arith.remsi %add3A_282, %jit3A_283 : i32
      %ne3A_301 = arith.constant 0 : i32
      %ne3A_302 = arith.cmpi ne, %rem3A_300, %ne3A_301 : i32
      %and3A_303 = arith.andi %ne3A_299, %ne3A_302 : i1
      %sub3A_304 = arith.constant 1 : i32
      %sub3A_305 = arith.subi %div3A_284, %sub3A_304 : i32
      %select_n3A_306 = arith.select %and3A_303, %sub3A_305, %div3A_284 : i32
      %dma_start3A_307 = arith.constant 0 : i32
      %dma_start3A_308 = tpu.memref_slice %arg9[%select_n3A_306, %dma_start3A_307] : memref<262144x128xf32, #tpu.memory_space<hbm>> -> memref<128x128xf32, #tpu.memory_space<hbm>>
      %dma_start3A_309 = arith.constant 0 : i32
      %dma_start3A_310 = tpu.memref_slice %arg9[%select_n3A_306, %dma_start3A_309] : memref<262144x128xf32, #tpu.memory_space<hbm>> -> memref<128x128xf32, #tpu.memory_space<hbm>>
      tpu.enqueue_dma source(%arg23 : memref<128x128xf32, #tpu.memory_space<vmem>>) target(%dma_start3A_310 : memref<128x128xf32, #tpu.memory_space<hbm>>) target_semaphore(%arg29 : memref<!tpu.dma_semaphore, #tpu.memory_space<semaphore_mem>>)
    }
    %scan3A_101 = arith.constant 32 : i32
    %add3A_102 = arith.constant 15872 : i32
    %add3A_103 = arith.addi %mul3A_2, %add3A_102 : i32
    %jit3A = arith.constant 2 : i32
    %div3A = arith.divsi %add3A_103, %jit3A : i32
    %sign3A = arith.constant 0 : i32
    %sign3A_104 = arith.cmpi sgt, %add3A_103, %sign3A : i32
    %sign3A_105 = arith.extui %sign3A_104 : i1 to i32
    %sign3A_106 = arith.constant 0 : i32
    %sign3A_107 = arith.cmpi slt, %add3A_103, %sign3A_106 : i32
    %sign3A_108 = arith.extui %sign3A_107 : i1 to i32
    %sign3A_109 = arith.subi %sign3A_105, %sign3A_108 : i32
    %sign3A_110 = arith.constant 0 : i32
    %sign3A_111 = arith.cmpi sgt, %jit3A, %sign3A_110 : i32
    %sign3A_112 = arith.extui %sign3A_111 : i1 to i32
    %sign3A_113 = arith.constant 0 : i32
    %sign3A_114 = arith.cmpi slt, %jit3A, %sign3A_113 : i32
    %sign3A_115 = arith.extui %sign3A_114 : i1 to i32
    %sign3A_116 = arith.subi %sign3A_112, %sign3A_115 : i32
    %ne3A = arith.cmpi ne, %sign3A_109, %sign3A_116 : i32
    %rem3A = arith.remsi %add3A_103, %jit3A : i32
    %ne3A_117 = arith.constant 0 : i32
    %ne3A_118 = arith.cmpi ne, %rem3A, %ne3A_117 : i32
    %and3A = arith.andi %ne3A, %ne3A_118 : i1
    %sub3A_119 = arith.constant 1 : i32
    %sub3A_120 = arith.subi %div3A, %sub3A_119 : i32
    %select_n3A = arith.select %and3A, %sub3A_120, %div3A : i32
    %dma_wait3A = arith.constant 0 : i32
    %dma_wait3A_121 = tpu.memref_slice %arg9[%select_n3A, %dma_wait3A] : memref<262144x128xf32, #tpu.memory_space<hbm>> -> memref<128x128xf32, #tpu.memory_space<hbm>>
    %dma_wait3A_122 = arith.constant 0 : i32
    %dma_wait3A_123 = tpu.memref_slice %arg9[%select_n3A, %dma_wait3A_122] : memref<262144x128xf32, #tpu.memory_space<hbm>> -> memref<128x128xf32, #tpu.memory_space<hbm>>
    tpu.wait_dma2 semaphore(%arg28 : memref<!tpu.dma_semaphore, #tpu.memory_space<semaphore_mem>>) src(%arg22 : memref<128x128xf32, #tpu.memory_space<vmem>>) dst(%dma_wait3A_123 : memref<128x128xf32, #tpu.memory_space<hbm>>)
    %add3A_124 = arith.constant 16128 : i32
    %add3A_125 = arith.addi %mul3A_2, %add3A_124 : i32
    %jit3A_126 = arith.constant 2 : i32
    %div3A_127 = arith.divsi %add3A_125, %jit3A_126 : i32
    %sign3A_128 = arith.constant 0 : i32
    %sign3A_129 = arith.cmpi sgt, %add3A_125, %sign3A_128 : i32
    %sign3A_130 = arith.extui %sign3A_129 : i1 to i32
    %sign3A_131 = arith.constant 0 : i32
    %sign3A_132 = arith.cmpi slt, %add3A_125, %sign3A_131 : i32
    %sign3A_133 = arith.extui %sign3A_132 : i1 to i32
    %sign3A_134 = arith.subi %sign3A_130, %sign3A_133 : i32
    %sign3A_135 = arith.constant 0 : i32
    %sign3A_136 = arith.cmpi sgt, %jit3A_126, %sign3A_135 : i32
    %sign3A_137 = arith.extui %sign3A_136 : i1 to i32
    %sign3A_138 = arith.constant 0 : i32
    %sign3A_139 = arith.cmpi slt, %jit3A_126, %sign3A_138 : i32
    %sign3A_140 = arith.extui %sign3A_139 : i1 to i32
    %sign3A_141 = arith.subi %sign3A_137, %sign3A_140 : i32
    %ne3A_142 = arith.cmpi ne, %sign3A_134, %sign3A_141 : i32
    %rem3A_143 = arith.remsi %add3A_125, %jit3A_126 : i32
    %ne3A_144 = arith.constant 0 : i32
    %ne3A_145 = arith.cmpi ne, %rem3A_143, %ne3A_144 : i32
    %and3A_146 = arith.andi %ne3A_142, %ne3A_145 : i1
    %sub3A_147 = arith.constant 1 : i32
    %sub3A_148 = arith.subi %div3A_127, %sub3A_147 : i32
    %select_n3A_149 = arith.select %and3A_146, %sub3A_148, %div3A_127 : i32
    %dma_wait3A_150 = arith.constant 0 : i32
    %dma_wait3A_151 = tpu.memref_slice %arg9[%select_n3A_149, %dma_wait3A_150] : memref<262144x128xf32, #tpu.memory_space<hbm>> -> memref<128x128xf32, #tpu.memory_space<hbm>>
    %dma_wait3A_152 = arith.constant 0 : i32
    %dma_wait3A_153 = tpu.memref_slice %arg9[%select_n3A_149, %dma_wait3A_152] : memref<262144x128xf32, #tpu.memory_space<hbm>> -> memref<128x128xf32, #tpu.memory_space<hbm>>
    tpu.wait_dma2 semaphore(%arg29 : memref<!tpu.dma_semaphore, #tpu.memory_space<semaphore_mem>>) src(%arg23 : memref<128x128xf32, #tpu.memory_space<vmem>>) dst(%dma_wait3A_153 : memref<128x128xf32, #tpu.memory_space<hbm>>)
    return
  }
}

</mosaic_0001>

<sc_bundles>
// kernel: _run.3.cloned.1.call-start
scs
__scs_entry_jumppad:
0x0: {  	(pc) =	sbr.rel $0x88, $3  }
0x1: {  	(tag) =	ssettag $0x0;
	lr =	simm.s32 $0x1  }
0x2: {  	[smem:$0x3F9A] =	sst lr;
	_ =	strace $0xD0000000  }
0x3: {  	_ = 	snop  }
0x4: {  	_ = 	snop  }
0x5: {  	_ = 	snop  }
0x6: {  	_ = 	snop  }
0x7: {  	_ = 	snop  }
__scs_overlays_trampoline_lowered:
0x8: {  	[smem:$0x3FA9] =	sst s0  }
0x9: {  	[smem:$0x3FAA] =	sst s1  }
0xa: {  	[smem:$0x3FAB] =	sst s2  }
0xb: {  	[smem:$0x3FAC] =	sst s3  }
0xc: {  	[smem:$0x3FAD] =	sst s4  }
0xd: {  	[smem:$0x3FAE] =	sst s5  }
0xe: {  	[smem:$0x3FAF] =	sst s6  }
0xf: {  	[smem:$0x3FB0] =	sst s7  }
0x10: {  	[smem:$0x3FB1] =	sst s8  }
0x11: {  	[smem:$0x3FB2] =	sst s9;
	s0 =	simm.s32 @!p0 $0x0  }
0x12: {  	s1 =	sld [smem:$0x3F98];
	s0 =	simm.s32 @p0 $0x1  }
0x13: {  	[smem:$0x3FB3] =	sst s0;
	s0 =	simm.s32 @!p1 $0x0  }
0x14: {  	s2 =	sld [smem:$0x3F97];
	s0 =	simm.s32 @p1 $0x1  }
0x15: {  	[smem:$0x3FB4] =	sst s0;
	s0 =	simm.s32 @!p2 $0x0  }
0x16: {  	s3 =	sld [smem:$0x3FDB];
	s0 =	simm.s32 @p2 $0x1  }
0x17: {  	s4 =	simm.s32 $0x1BF5;
	[smem:$0x3FB6] =	sst s0  }
0x18: {  	s0 =	sld [smem:$0x3F99];
	_ =	swait.ge [sflag:s4], $0x0  }
0x19: {  	s7 =	sld [smem:$0x3F9A]  }
0x1a: {  	s8 =	sadd.s32 $0xFFFFE003, lr  }
0x1b: {  	s9 =	sadd.s32 $0xFFFFFEF7, lr;
	s5 =	simm.s32 $0xFFFFFFFF;
	p2 =	slt.u32 s8, $0xFFFFF086  }
0x1c: {  	p1 =	slt.u32 s9, $0xF7A;
	s5 =	simm.s32 @!p2 $0x0  }
0x1d: {  	s5 =	simm.s32 @p1 $0x1;
	p0 =	seq.s32 s7, s2  }
0x1e: {  	s7 =	smul.u32 @!p0 $0xF7A, s2;
	p2 =	seq.s32 @!p0 s5, $0x0  }
0x1f: {  	s9 =	smul.u32 $0xF7A, s1;
	s8 =	simm.s32 @!p0 $0x1BF5;
	p2 =	por !p2, p0  }
0x20: {  	[sflag:s8] =	ssyncset.s32 @!p0 $0xFFFFF086;
	s6 =	sadd.s32 @!p0 s3, s7;
	s7 =	simm.s32 @!p0 $0x108  }
0x21: {  	s3 =	sadd.s32 s3, s9;
	s6 =	sadd.s32 @!p0 $0x88, s6;
	s7 =	simm.s32 @p2 $0x1082  }
0x22: {  	[simem:s7], [sflag:s8] =	dma.local @!p0 [hbm:s6], $0xF7A  }
0x23: {  	s9 =	sor.u32 $0xD0000000, s2;
	s6 =	simm.s32 $0x108;
	_ =	swait.ge @!p0 [sflag:s8], $0x0  }
0x24: {  	s3 =	sadd.s32 $0x88, s3;
	s6 =	simm.s32 @!p1 $0x1082;
	[sflag:s4] =	ssyncset.s32 $0xFFFFF086  }
0x25: {  	[simem:s6], [sflag:s4] =	dma.local [hbm:s3], $0xF7A  }
0x26: {  	[smem:$0x3F9A] =	sst s1;
	(tag) =	ssettag s2;
	_ =	strace s9  }
0x27: {  	s1 =	sld [smem:$0x3FAA]  }
0x28: {  	s2 =	sld [smem:$0x3FAB]  }
0x29: {  	s4 =	sld [smem:$0x3FAD]  }
0x2a: {  	p0 =	seq.s32 s5, $0x0;
	s5 =	sld [smem:$0x3FAE]  }
0x2b: {  	s6 =	sld [smem:$0x3FAF]  }
0x2c: {  	s7 =	sld [smem:$0x3FB0]  }
0x2d: {  	s3 =	simm.s32 $0x108;
	s8 =	sld [smem:$0x3FB1]  }
0x2e: {  	s3 =	simm.s32 @!p0 $0x1082;
	s9 =	sld [smem:$0x3FB2]  }
0x2f: {  	lr =	sadd.s32 s0, s3;
	s0 =	sld [smem:$0x3FA9]  }
0x30: {  	s3 =	sld [smem:$0x3FAC]  }
0x31: {  	[smem:$0x3FB5] =	sst s10  }
0x32: {  	s10 =	sld [smem:$0x3FB3];
	_ =	sdelay $0x3  }
0x33: {  	p0 =	seq.s32 s10, $0x1;
	s10 =	sld [smem:$0x3FB5];
	_ =	sdelay $0x3  }
0x34: {  	[smem:$0x3FB5] =	sst s10  }
0x35: {  	s10 =	sld [smem:$0x3FB4];
	_ =	sdelay $0x3  }
0x36: {  	p1 =	seq.s32 s10, $0x1;
	s10 =	sld [smem:$0x3FB5];
	_ =	sdelay $0x3  }
0x37: {  	[smem:$0x3FB5] =	sst s10  }
0x38: {  	s10 =	sld [smem:$0x3FB6]  }
0x39: {  	_ = 	snop;
	(pc) =	sbr.ind lr, $3  }
0x3a: {  	_ = 	snop  }
0x3b: {  	_ = 	snop  }
0x3c: {  	p2 =	seq.s32 s10, $0x1;
	s10 =	sld [smem:$0x3FB5]  }
0x3d: {  	_ =	shalt  }
0x3e: {  	_ =	shalt  }
0x3f: {  	_ =	shalt  }
0x40: {  	_ =	shalt  }
0x41: {  	_ =	shalt  }
0x42: {  	_ =	shalt  }
0x43: {  	_ =	shalt  }
0x44: {  	_ =	shalt  }
0x45: {  	_ =	shalt  }
0x46: {  	_ =	shalt  }
0x47: {  	_ =	shalt  }
0x48: {  	_ =	shalt  }
0x49: {  	_ =	shalt  }
0x4a: {  	_ =	shalt  }
0x4b: {  	_ =	shalt  }
0x4c: {  	_ =	shalt  }
0x4d: {  	_ =	shalt  }
0x4e: {  	_ =	shalt  }
0x4f: {  	_ =	shalt  }
0x50: {  	_ =	shalt  }
0x51: {  	_ =	shalt  }
0x52: {  	_ =	shalt  }
0x53: {  	_ =	shalt  }
0x54: {  	_ =	shalt  }
0x55: {  	_ =	shalt  }
0x56: {  	_ =	shalt  }
0x57: {  	_ =	shalt  }
0x58: {  	_ =	shalt  }
0x59: {  	_ =	shalt  }
0x5a: {  	_ =	shalt  }
0x5b: {  	_ =	shalt  }
0x5c: {  	_ =	shalt  }
0x5d: {  	_ =	shalt  }
0x5e: {  	_ =	shalt  }
0x5f: {  	_ =	shalt  }
0x60: {  	_ =	shalt  }
0x61: {  	_ =	shalt  }
0x62: {  	_ =	shalt  }
0x63: {  	_ =	shalt  }
0x64: {  	_ =	shalt  }
0x65: {  	_ =	shalt  }
0x66: {  	_ =	shalt  }
0x67: {  	_ =	shalt  }
0x68: {  	_ =	shalt  }
0x69: {  	_ =	shalt  }
0x6a: {  	_ =	shalt  }
0x6b: {  	_ =	shalt  }
0x6c: {  	_ =	shalt  }
0x6d: {  	_ =	shalt  }
0x6e: {  	_ =	shalt  }
0x6f: {  	_ =	shalt  }
0x70: {  	_ =	shalt  }
0x71: {  	_ =	shalt  }
0x72: {  	_ =	shalt  }
0x73: {  	_ =	shalt  }
0x74: {  	_ =	shalt  }
0x75: {  	_ =	shalt  }
0x76: {  	_ =	shalt  }
0x77: {  	_ =	shalt  }
0x78: {  	_ =	shalt  }
0x79: {  	_ =	shalt  }
0x7a: {  	_ =	shalt  }
0x7b: {  	_ =	shalt  }
0x7c: {  	_ =	shalt  }
0x7d: {  	_ =	shalt  }
0x7e: {  	_ =	shalt  }
0x7f: {  	_ =	shalt  }
0x80: {  	_ =	shalt  }
0x81: {  	_ =	shalt  }
0x82: {  	_ =	shalt  }
0x83: {  	_ =	shalt  }
0x84: {  	_ =	shalt  }
0x85: {  	_ =	shalt  }
0x86: {  	_ =	shalt  }
0x87: {  	_ =	shalt  }
.Lfunc_end0:
.L_simem_size_0:
called_computation_lowered:
.L_overlay_start_0:
0x88: {  	s2 =	sld [smem:$0x3FD9]  }
0x89: {  	s3 =	sld [smem:$0x3FFE];
	_ =	sdelay $0x1  }
0x8a: {  	s1 =	srdreg.scid  }
0x8b: {  	s0 =	sand.u32 $0x1, s1  }
0x8c: {  	s17 =	sshll.u32 s0, $0xA;
	s2 =	sadd.s32 s3, s2  }
0x8d: {  	s2 =	sadd.s32 s2, s17  }
0x8e: {  	[smem:$0x3FC1] =	sst s2  }
0x8f: {  	_ = 	snop  }
0x90: {  	s2 =	sld [smem:$0x3FC9]  }
0x91: {  	s18 =	sld [smem:$0x3FC8]  }
0x92: {  	s4 =	sld [smem:$0x3FC4]  }
0x93: {  	s5 =	sld [smem:$0x3FC3]  }
0x94: {  	s6 =	sld [smem:$0x3FD0];
	(tm) =	ssettm $0x1  }
0x95: {  	s7 =	sld [smem:$0x3FFB];
	_ =	sdelay $0x3  }
0x96: {  	_ =	strace s7  }
0x97: {  	s7 =	sld [smem:$0x3FFC];
	_ =	sdelay $0x3  }
0x98: {  	_ =	strace s7  }
0x99: {  	s7 =	sld [smem:$0x3FFD];
	_ =	sdelay $0x3  }
0x9a: {  	_ =	strace s7  }
0x9b: {  	_ =	strace $0x8FFFFFFF  }
0x9c: {  	s19 =	sld [smem:$0x3FDB];
	_ =	sdelay $0x1  }
0x9d: {  	s8 =	simm.s32 $_scs_section_size  }
0x9e: {  	s9 =	simm.s32 $_size__tile_overlayer_lowered;
	s10 =	simm.s32 $_tile_overlayer_lowered  }
0x9f: {  	s22 =	simm.s32 $0x1BFF;
	s21 =	sshll.u32 s10, $0x1;
	s7 =	sadd.s32 s8, s19  }
0xa0: {  	s11 =	simm.s32 $0x0;
	s20 =	sshll.u32 s9, $0x1;
	s9 =	sadd.s32 s21, s7  }
0xa1: {  	[timem:s11], [sflag:s22] =	dma.local [hbm:s9], s20  }
0xa2: {  	_ =	swait.ge [sflag:s22], s20  }
0xa3: {  	s8 =	ssub.s32 $0x0, s20;
	[sflag:s22] =	ssyncset.done $0x0  }
0xa4: {  	[sflag:s22] =	ssyncadd.s32 s8;
	_ =	sdelay $0x1  }
0xa5: {  	s23 =	simm.s32 $0x1B8B  }
0xa6: {  	_ =	swait.ge [sflag:s23], $0x1  }
0xa7: {  	[sflag:s23] =	ssyncset.done $0x0  }
0xa8: {  	s25 =	simm.s32 $0x1B8E;
	s24 =	sld [smem:$0x3FFE];
	[sflag:s23] =	ssyncadd.s32 $0xFFFFFFFF  }
0xa9: {  	s26 =	simm.s32 $execute0_lowered;
	[smem:$0x3FD2] =	sst s25  }
0xaa: {  	s9 =	sshll.u32 s26, $0x1;
	_ =	strace $0x80000046;
	[dreg:$0x1] =	wrdreg $0xFFFFFFFF  }
0xab: {  	s28 =	simm.s32 $_size_execute0_lowered;
	s7 =	sadd.s32 s7, s9;
	[dreg:$0x0] =	wrdreg $0x0  }
0xac: {  	s9 =	sshll.u32 s28, $0x1;
	[dreg:$0x2] =	wrdreg s7  }
0xad: {  	[dreg:$0x3] =	wrdreg s9  }
0xae: {  	[dreg:$0x4] =	wrdreg $0xC0  }
0xaf: {  	_ =	task [dreg:s11], $0x5FFFF  }
0xb0: {  	[dreg:$0x1] =	wrdreg $0xFFFFFFFF  }
0xb1: {  	[dreg:$0x0] =	wrdreg $0x60  }
0xb2: {  	[dreg:$0x2] =	wrdreg s2  }
0xb3: {  	[dreg:$0x3] =	wrdreg s18  }
0xb4: {  	[dreg:$0x4] =	wrdreg s24  }
0xb5: {  	[dreg:$0x5] =	wrdreg s4  }
0xb6: {  	[dreg:$0x6] =	wrdreg s5  }
0xb7: {  	[dreg:$0x7] =	wrdreg s6  }
0xb8: {  	[dreg:$0x8] =	wrdreg $0x9  }
0xb9: {  	_ =	task.clear_ibuf [dreg:s11], $0x9FFFF;
	_ =	strace $0x90000046  }
0xba: {  	s29 =	simm.s32 $0x9;
	_ =	strace $0x80000048  }
0xbb: {  	_ =	swait.ge [sflag:s29], $0x1  }
0xbc: {  	[sflag:s29] =	ssyncadd.s32 $0xFFFFFFFF  }
0xbd: {  	_ =	strace $0x90000048  }
0xbe: {  	_ =	sfence  }
0xbf: {  	s30 =	sld [smem:$0x0];
	_ =	sdelay $0x2  }
0xc0: {  	s31 =	sshll.u32 s1, $0xD;
	s1 =	sshrl.u32 s1, $0x2  }
0xc1: {  	s3 =	sand.u32 $0x4000, s31;
	s1 =	sadd.s32 s1, s30  }
0xc2: {  	s0 =	sor.u32 s3, s0;
	s1 =	sshll.u32 s1, $0x11  }
0xc3: {  	s0 =	sor.u32 s1, s0  }
0xc4: {  	s0 =	sadd.s32 $0x8F2B, s0  }
0xc5: {  	[sflag:s0] =	ssyncadd.remote.s32 $0x1  }
0xc6: {  	_ =	sfence.sel $0xFFFF  }
0xc7: {  	[dreg:$0x0] =	wrdreg $0xFFFFFFFF;
	(pc) =	sbr.abs _section_cstart, $3  }
0xc8: {  	[dreg:$0x1] =	wrdreg $0xFFFFFFFF  }
0xc9: {  	_ =	task.clear_ibuf [dreg:s11], $0x2FFFF;
	_ =	strace $0x9FFFFFFF  }
0xca: {  	(tm) =	ssettm $0x7FFFFFFF  }
0xcb: {  	_ =	shalt  }
tec
execute0_lowered:
.L_overlay_start_1:
0x0: {  	(tag) =	ssettag $0x1  }
0x1: {  	s1 =	rddreg [dreg:$0x0]  }
0x2: {  	s2 =	rddreg [dreg:$0x1]  }
0x3: {  	s0 =	rddreg [dreg:$0x2]  }
0x4: {  	s3 =	rddreg [dreg:$0x5];
	s5 =	simm.s32 $0x0;
	s4 =	srdreg.scid  }
0x5: {  	s8 =	stileid.u32;
	s17 =	simm.s32 $0x5;
	s28 =	simm.s32 $0xC650  }
0x6: {  	s29 =	simm.s32 $0x180;
	s30 =	simm.s32 $0xE650;
	s31 =	simm.s32 $0x1  }
0x7: {  	s9 =	simm.s32 $0x0;
	[smem:$0x7FF] =	sst s5;
	s7 =	sadd.s32 $0x1600, s0  }
0x8: {  	s4 =	sand.u32 $0x1, s4;
	s6 =	sadd.s32 $0x600, s0;
	s8 =	sshll.u32 s8, $0x1  }
0x9: {  	s0 =	sadd.s32 $0x400, s0;
	_ =	strace $0x80000047;
	[dreg:$0x7] =	wrdreg s6  }
0xa: {  	s22 =	ssub.s32 $0x2, s4;
	[dreg:$0x8] =	wrdreg s0;
	s4 =	sor.u32 s4, s8  }
0xb: {  	s6 =	simm.s32 $0x2;
	s23 =	sshrl.u32 s22, $0x1;
	s24 =	sshll.u32 s4, $0x11  }
0xc: {  	s8 =	sshll.u32 s4, $0xB;
	s10 =	sshll.u32 s4, $0x7;
	s0 =	ssub.s32 s22, s23  }
0xd: {  	s25 =	sadd.s32 s1, s8;
	s26 =	sadd.s32 s2, s8;
	s13 =	sadd.s32 s3, s24  }
0xe: {  	s14 =	sor.u32 $0x4, s10;
	s22 =	simm.s32 $0x80;
	[dreg:$0x9] =	wrdreg s25  }
0xf: {  	vm0 =	vcmask $0x3F3C;
	s3 =	simm.s32 $0x14650;
	[dreg:$0xa] =	wrdreg s26;
	s0 =	smax.u32 s0, $0x1  }
0x10: {  	v63 =	vimm.s32 $0x1;
	v13 =	vimm.s32 $0x2;
	v31 =	vimm.s32 $0x3;
	s25 =	simm.s32 $0x100;
	[dreg:$0xb] =	wrdreg s0;
	s0 =	simm.s32 $0x10650  }
.LBB2_1:
0x11: {  	[dreg:$0xc] =	wrdreg s9  }
0x12: {  	s4 =	rddreg [dreg:$0x7];
	s8 =	simm.s32 $0x590  }
0x13: {  	[tilespmem:s8], [sflag:$0x5] =	stream.linear.gather [hbm4b:s4+s5], $0x8000, $0x38;
	[tilespmem:$0x18870] =	vst v63  }
0x14: {  	_ =	swait.ge [sflag:s17], $0x8000  }
0x15: {  	[sflag:s17] =	ssyncset.done $0x0  }
0x16: {  	s20 =	simm.s32 $0x510;
	s19 =	rddreg [dreg:$0x8];
	[sflag:s17] =	ssyncadd.s32 $0xFFFF8000  }
0x17: {  	[tilespmem:s20], [sflag:$0x5] =	stream.linear.gather [hbm4b:s19+s5], $0x80, $0x38;
	[tilespmem:$0x18870] =	vst v63  }
0x18: {  	_ =	swait.ge [sflag:s17], $0x80  }
0x19: {  	[sflag:s17] =	ssyncset.done $0x0  }
0x1a: {  	[sflag:s17] =	ssyncadd.s32 $0xFFFFFF80  }
0x1b: {  	s23 =	simm.s32 $0x85D0;
	s21 =	rddreg [dreg:$0x3]  }
0x1c: {  	[tilespmem:s23], [sflag:$0x5] =	stream.linear.gather [hbm4b:s21+s5], $0x40, $0x38;
	[tilespmem:$0x18870] =	vst v63  }
0x1d: {  	_ =	swait.ge [sflag:s17], $0x40  }
0x1e: {  	[sflag:s17] =	ssyncset.done $0x0  }
0x1f: {  	[sflag:s17] =	ssyncadd.s32 $0xFFFFFFC0  }
0x20: {  	s26 =	simm.s32 $0x8610;
	s24 =	rddreg [dreg:$0x4]  }
0x21: {  	[tilespmem:s26], [sflag:$0x5] =	stream.linear.gather [hbm4b:s24+s5], $0x40, $0x38;
	[tilespmem:$0x18870] =	vst v63  }
0x22: {  	_ =	swait.ge [sflag:s17], $0x40  }
0x23: {  	[sflag:s17] =	ssyncset.done $0x0  }
0x24: {  	[sflag:s17] =	ssyncadd.s32 $0xFFFFFFC0  }
0x25: {  	v0 =	vld [tilespmem:$0x550]  }
0x26: {  	v1 =	vld [tilespmem:$0x510]  }
0x27: {  	v2 =	vld [tilespmem:$0x560]  }
0x28: {  	v3 =	vld [tilespmem:$0x520]  }
0x29: {  	v4 =	vld [tilespmem:$0x570]  }
0x2a: {  	v5 =	vld [tilespmem:$0x530]  }
0x2b: {  	v6 =	vld [tilespmem:$0x580]  }
0x2c: {  	v7 =	vld [tilespmem:$0x540];
	_ =	sdelay $0x1  }
0x2d: {  	v0 =	vsub.f32 v0, v1  }
0x2e: {  	v1 =	vsub.f32 v2, v3  }
0x2f: {  	[tilespmem:$0x8590] =	vst v0;
	v0 =	vsub.f32 v4, v5  }
0x30: {  	[tilespmem:$0x85A0] =	vst v1;
	v1 =	vsub.f32 v6, v7  }
0x31: {  	[tilespmem:$0x85B0] =	vst v0  }
0x32: {  	s4 =	simm.s32 $0x610;
	[tilespmem:$0x85C0] =	vst v1;
	v1 =	vld [tilespmem:$0x510]  }
0x33: {  	v0 =	vld [tilespmem:s4+$0xFFFFFF80];
	_ =	sdelay $0x4  }
0x34: {  	v0 =	vadd.f32 v1, v0;
	_ =	sdelay $0x1  }
0x35: {  	[tilespmem:s4+$0xFFFFFF80] =	vst v0;
	v0 =	vld [tilespmem:s4+$0xFFFFFF90]  }
0x36: {  	v1 =	vld [tilespmem:$0x520];
	_ =	sdelay $0x4  }
0x37: {  	v0 =	vadd.f32 v1, v0;
	_ =	sdelay $0x1  }
0x38: {  	[tilespmem:s4+$0xFFFFFF90] =	vst v0;
	v0 =	vld [tilespmem:s4+$0xFFFFFFA0]  }
0x39: {  	v1 =	vld [tilespmem:$0x530];
	_ =	sdelay $0x4  }
0x3a: {  	v0 =	vadd.f32 v1, v0;
	_ =	sdelay $0x1  }
0x3b: {  	[tilespmem:s4+$0xFFFFFFA0] =	vst v0;
	v0 =	vld [tilespmem:s4+$0xFFFFFFB0]  }
0x3c: {  	v1 =	vld [tilespmem:$0x540];
	_ =	sdelay $0x4  }
0x3d: {  	v0 =	vadd.f32 v1, v0;
	_ =	sdelay $0x1  }
0x3e: {  	[tilespmem:s4+$0xFFFFFFB0] =	vst v0;
	v0 =	vld [tilespmem:s4+$0xFFFFFFC0]  }
0x3f: {  	v1 =	vld [tilespmem:$0x510];
	_ =	sdelay $0x4  }
0x40: {  	v0 =	vadd.f32 v1, v0;
	_ =	sdelay $0x1  }
0x41: {  	[tilespmem:s4+$0xFFFFFFC0] =	vst v0;
	v0 =	vld [tilespmem:s4+$0xFFFFFFD0]  }
0x42: {  	v1 =	vld [tilespmem:$0x520];
	_ =	sdelay $0x4  }
0x43: {  	v0 =	vadd.f32 v1, v0;
	_ =	sdelay $0x1  }
0x44: {  	[tilespmem:s4+$0xFFFFFFD0] =	vst v0;
	v0 =	vld [tilespmem:s4+$0xFFFFFFE0]  }
0x45: {  	v1 =	vld [tilespmem:$0x530];
	_ =	sdelay $0x4  }
0x46: {  	v0 =	vadd.f32 v1, v0;
	_ =	sdelay $0x1  }
0x47: {  	[tilespmem:s4+$0xFFFFFFE0] =	vst v0;
	v0 =	vld [tilespmem:s4+$0xFFFFFFF0]  }
0x48: {  	v1 =	vld [tilespmem:$0x540];
	_ =	sdelay $0x4  }
0x49: {  	v0 =	vadd.f32 v1, v0;
	_ =	sdelay $0x1  }
0x4a: {  	[tilespmem:s4+$0xFFFFFFF0] =	vst v0;
	v0 =	vld [tilespmem:s4+$0x0]  }
0x4b: {  	v1 =	vld [tilespmem:$0x510];
	_ =	sdelay $0x4  }
0x4c: {  	v0 =	vadd.f32 v1, v0;
	_ =	sdelay $0x1  }
0x4d: {  	[tilespmem:s4+$0x0] =	vst v0;
	v0 =	vld [tilespmem:s4+$0x10]  }
0x4e: {  	v1 =	vld [tilespmem:$0x520];
	_ =	sdelay $0x4  }
0x4f: {  	v0 =	vadd.f32 v1, v0;
	_ =	sdelay $0x1  }
0x50: {  	[tilespmem:s4+$0x10] =	vst v0;
	v0 =	vld [tilespmem:s4+$0x20]  }
0x51: {  	v1 =	vld [tilespmem:$0x530];
	_ =	sdelay $0x4  }
0x52: {  	v0 =	vadd.f32 v1, v0;
	_ =	sdelay $0x1  }
0x53: {  	[tilespmem:s4+$0x20] =	vst v0;
	v0 =	vld [tilespmem:s4+$0x30]  }
0x54: {  	v1 =	vld [tilespmem:$0x540];
	_ =	sdelay $0x4  }
0x55: {  	v0 =	vadd.f32 v1, v0;
	_ =	sdelay $0x1  }
0x56: {  	[tilespmem:s4+$0x30] =	vst v0;
	v0 =	vld [tilespmem:s4+$0x40]  }
0x57: {  	v1 =	vld [tilespmem:$0x510];
	_ =	sdelay $0x4  }
0x58: {  	v0 =	vadd.f32 v1, v0;
	_ =	sdelay $0x1  }
0x59: {  	[tilespmem:s4+$0x40] =	vst v0;
	v0 =	vld [tilespmem:s4+$0x50]  }
0x5a: {  	v1 =	vld [tilespmem:$0x520];
	_ =	sdelay $0x4  }
0x5b: {  	v0 =	vadd.f32 v1, v0;
	_ =	sdelay $0x1  }
0x5c: {  	[tilespmem:s4+$0x50] =	vst v0;
	v0 =	vld [tilespmem:s4+$0x60]  }
0x5d: {  	v1 =	vld [tilespmem:$0x530];
	_ =	sdelay $0x4  }
0x5e: {  	v0 =	vadd.f32 v1, v0;
	_ =	sdelay $0x1  }
0x5f: {  	[tilespmem:s4+$0x60] =	vst v0;
	v0 =	vld [tilespmem:s4+$0x70]  }
0x60: {  	v1 =	vld [tilespmem:$0x540];
	_ =	sdelay $0x4  }
0x61: {  	v0 =	vadd.f32 v1, v0  }
0x62: {  	s9 =	simm.s32 $0x710;
	s8 =	simm.s32 $0x0  }
.LBB2_2:
0x63: {  	v1 =	vld [tilespmem:s9+$0xFFFFFF80];
	[tilespmem:s4+$0x70] =	vst v0;
	s4 =	smov.u32 s9  }
0x64: {  	s8 =	sadd.s32 $0x4, s8;
	v0 =	vld [tilespmem:$0x510]  }
0x65: {  	p0 =	slt.u32 s8, $0x1FC;
	_ =	sdelay $0x3  }
0x66: {  	v0 =	vadd.f32 v0, v1;
	_ =	sdelay $0x1  }
0x67: {  	[tilespmem:s9+$0xFFFFFF80] =	vst v0;
	v0 =	vld [tilespmem:s9+$0xFFFFFF90]  }
0x68: {  	v1 =	vld [tilespmem:$0x520];
	_ =	sdelay $0x4  }
0x69: {  	v0 =	vadd.f32 v1, v0;
	_ =	sdelay $0x1  }
0x6a: {  	[tilespmem:s9+$0xFFFFFF90] =	vst v0;
	v0 =	vld [tilespmem:s9+$0xFFFFFFA0]  }
0x6b: {  	v1 =	vld [tilespmem:$0x530];
	_ =	sdelay $0x4  }
0x6c: {  	v0 =	vadd.f32 v1, v0;
	_ =	sdelay $0x1  }
0x6d: {  	[tilespmem:s9+$0xFFFFFFA0] =	vst v0;
	v0 =	vld [tilespmem:s9+$0xFFFFFFB0]  }
0x6e: {  	v1 =	vld [tilespmem:$0x540];
	_ =	sdelay $0x4  }
0x6f: {  	v0 =	vadd.f32 v1, v0;
	_ =	sdelay $0x1  }
0x70: {  	[tilespmem:s9+$0xFFFFFFB0] =	vst v0;
	v0 =	vld [tilespmem:s9+$0xFFFFFFC0]  }
0x71: {  	v1 =	vld [tilespmem:$0x510];
	_ =	sdelay $0x4  }
0x72: {  	v0 =	vadd.f32 v1, v0;
	_ =	sdelay $0x1  }
0x73: {  	[tilespmem:s9+$0xFFFFFFC0] =	vst v0;
	v0 =	vld [tilespmem:s9+$0xFFFFFFD0]  }
0x74: {  	v1 =	vld [tilespmem:$0x520];
	_ =	sdelay $0x4  }
0x75: {  	v0 =	vadd.f32 v1, v0;
	_ =	sdelay $0x1  }
0x76: {  	[tilespmem:s9+$0xFFFFFFD0] =	vst v0;
	v0 =	vld [tilespmem:s9+$0xFFFFFFE0]  }
0x77: {  	v1 =	vld [tilespmem:$0x530];
	_ =	sdelay $0x4  }
0x78: {  	v0 =	vadd.f32 v1, v0;
	_ =	sdelay $0x1  }
0x79: {  	[tilespmem:s9+$0xFFFFFFE0] =	vst v0;
	v0 =	vld [tilespmem:s9+$0xFFFFFFF0]  }
0x7a: {  	v1 =	vld [tilespmem:$0x540];
	_ =	sdelay $0x4  }
0x7b: {  	v0 =	vadd.f32 v1, v0;
	_ =	sdelay $0x1  }
0x7c: {  	[tilespmem:s9+$0xFFFFFFF0] =	vst v0;
	v0 =	vld [tilespmem:s9+$0x0]  }
0x7d: {  	v1 =	vld [tilespmem:$0x510];
	_ =	sdelay $0x4  }
0x7e: {  	v0 =	vadd.f32 v1, v0;
	_ =	sdelay $0x1  }
0x7f: {  	[tilespmem:s9+$0x0] =	vst v0;
	v0 =	vld [tilespmem:s9+$0x10]  }
0x80: {  	v1 =	vld [tilespmem:$0x520];
	_ =	sdelay $0x4  }
0x81: {  	v0 =	vadd.f32 v1, v0;
	_ =	sdelay $0x1  }
0x82: {  	[tilespmem:s9+$0x10] =	vst v0;
	v0 =	vld [tilespmem:s9+$0x20]  }
0x83: {  	v1 =	vld [tilespmem:$0x530];
	_ =	sdelay $0x4  }
0x84: {  	v0 =	vadd.f32 v1, v0;
	_ =	sdelay $0x1  }
0x85: {  	[tilespmem:s9+$0x20] =	vst v0;
	v0 =	vld [tilespmem:s9+$0x30]  }
0x86: {  	v1 =	vld [tilespmem:$0x540];
	_ =	sdelay $0x4  }
0x87: {  	v0 =	vadd.f32 v1, v0;
	_ =	sdelay $0x1  }
0x88: {  	[tilespmem:s9+$0x30] =	vst v0;
	v0 =	vld [tilespmem:s9+$0x40]  }
0x89: {  	v1 =	vld [tilespmem:$0x510];
	_ =	sdelay $0x4  }
0x8a: {  	v0 =	vadd.f32 v1, v0;
	_ =	sdelay $0x1  }
0x8b: {  	[tilespmem:s9+$0x40] =	vst v0;
	v0 =	vld [tilespmem:s9+$0x50]  }
0x8c: {  	v1 =	vld [tilespmem:$0x520];
	_ =	sdelay $0x4  }
0x8d: {  	v0 =	vadd.f32 v1, v0;
	_ =	sdelay $0x1  }
0x8e: {  	[tilespmem:s9+$0x50] =	vst v0;
	v0 =	vld [tilespmem:s9+$0x60]  }
0x8f: {  	v1 =	vld [tilespmem:$0x530];
	_ =	sdelay $0x4  }
0x90: {  	v0 =	vadd.f32 v1, v0;
	_ =	sdelay $0x1  }
0x91: {  	[tilespmem:s9+$0x60] =	vst v0;
	v0 =	vld [tilespmem:s9+$0x70]  }
0x92: {  	v1 =	vld [tilespmem:$0x540];
	_ =	sdelay $0x1  }
.Ltmp0:
0x93: {  	(pc) =	sbr.rel @p0 .LBB2_2-.Ltmp0, $3  }
0x94: {  	_ =	sdelay $0x1  }
0x95: {  	v0 =	vadd.f32 v1, v0  }
0x96: {  	s9 =	sadd.s32 $0x100, s9  }
0x97: {  	[tilespmem:s4+$0x70] =	vst v0  }
0x98: {  	v42 =	vld [tilespmem:$0x8590]  }
0x99: {  	v40 =	vld [tilespmem:$0x85A0]  }
0x9a: {  	v41 =	vld [tilespmem:$0x85B0]  }
0x9b: {  	v59 =	vld [tilespmem:$0x85C0]  }
0x9c: {  	v0 =	vld [tilespmem:$0x85D0]  }
0x9d: {  	v55 =	vld [tilespmem:$0x85E0]  }
0x9e: {  	v56 =	vld [tilespmem:$0x85F0]  }
0x9f: {  	v57 =	vld [tilespmem:$0x8600]  }
0xa0: {  	v58 =	vld [tilespmem:$0x8610]  }
0xa1: {  	v60 =	vld [tilespmem:$0x8620]  }
0xa2: {  	s19 =	simm.s32 $0x0;
	s21 =	rddreg [dreg:$0x9];
	v61 =	vld [tilespmem:$0x8630]  }
0xa3: {  	v62 =	vld [tilespmem:$0x8640];
	[tilespmem:s19], [sflag:$0x5] =	stream.linear.gather [hbm4b:s21+s19], $0x100, $0x38  }
0xa4: {  	[tilespmem:$0x1FF40] =	vst v0  }
0xa5: {  	[tilespmem:$0x1FF50] =	vst v55  }
0xa6: {  	[tilespmem:$0x1FF60] =	vst v56  }
0xa7: {  	[tilespmem:$0x1FF70] =	vst v57  }
0xa8: {  	[tilespmem:$0x1FF80] =	vst v58  }
0xa9: {  	[tilespmem:$0x1FF90] =	vst v60  }
0xaa: {  	[tilespmem:$0x1FFA0] =	vst v61  }
0xab: {  	[tilespmem:$0x1FFB0] =	vst v62  }
0xac: {  	_ =	swait.ge [sflag:s17], $0x100  }
0xad: {  	[sflag:s17] =	ssyncset.done $0x0  }
0xae: {  	s8 =	simm.s32 $0x200;
	s23 =	rddreg [dreg:$0xa];
	[sflag:s17] =	ssyncadd.s32 $0xFFFFFF00  }
0xaf: {  	[tilespmem:s8], [sflag:$0x5] =	stream.linear.gather [hbm4b:s23+s19], $0x100, $0x38;
	[tilespmem:$0x18870] =	vst v63  }
0xb0: {  	_ =	swait.ge [sflag:s17], $0x100  }
0xb1: {  	[tilespmem:$0x1FFC0] =	vst v42  }
0xb2: {  	[sflag:s17] =	ssyncset.done $0x0;
	[tilespmem:$0x1FFD0] =	vst v40  }
0xb3: {  	s24 =	simm.s32 $0x8650;
	[tilespmem:$0x1FFE0] =	vst v41;
	[sflag:s17] =	ssyncadd.s32 $0xFFFFFF00  }
0xb4: {  	[tilespmem:s24], [sflag:$0x1] =	stream.indirect.gather [hbm4b:s7+s22], $0x40, s19, s22, $0xb8;
	[tilespmem:$0x18870] =	vst v63  }
0xb5: {  	s26 =	simm.s32 $0xA650;
	[tilespmem:$0x1FFF0] =	vst v59  }
0xb6: {  	[tilespmem:s26], [sflag:$0x1] =	stream.indirect.gather [hbm4b:s7+s22], $0x40, s22, s22, $0xb8;
	[tilespmem:$0x18870] =	vst v63  }
.LBB2_4:
0xb7: {  	s20 =	sshll.u32 s19, $0x2  }
0xb8: {  	s4 =	sadd.s32 s20, s10  }
0xb9: {  	s4 =	sshll.u32 s4, $0x4  }
0xba: {  	s4 =	sadd.s32 $0x20, s4  }
0xbb: {  	s4 =	sand.u32 $0x1FFFFFE0, s4  }
0xbc: {  	s8 =	sadd.s32 s1, s4  }
0xbd: {  	[tilespmem:s25], [sflag:$0x5] =	stream.linear.gather [hbm4b:s8+s5], $0x100, $0x38;
	[tilespmem:$0x18870] =	vst v63  }
0xbe: {  	_ =	swait.ge [sflag:s17], $0x100  }
0xbf: {  	[sflag:s17] =	ssyncset.done $0x0  }
0xc0: {  	s26 =	simm.s32 $0x300;
	s4 =	sadd.s32 s2, s4;
	[sflag:s17] =	ssyncadd.s32 $0xFFFFFF00  }
0xc1: {  	[tilespmem:s26], [sflag:$0x5] =	stream.linear.gather [hbm4b:s4+s5], $0x100, $0x38;
	[tilespmem:$0x18870] =	vst v63  }
0xc2: {  	_ =	swait.ge [sflag:s17], $0x100  }
0xc3: {  	[sflag:s17] =	ssyncset.done $0x0  }
0xc4: {  	[sflag:s17] =	ssyncadd.s32 $0xFFFFFF00  }
0xc5: {  	[tilespmem:s28], [sflag:$0x2] =	stream.indirect.gather [hbm4b:s7+s22], $0x40, s25, s22, $0xb8;
	[tilespmem:$0x18870] =	vst v63  }
0xc6: {  	_ = 	snop  }
0xc7: {  	[tilespmem:s30], [sflag:$0x2] =	stream.indirect.gather [hbm4b:s7+s22], $0x40, s29, s22, $0xb8;
	[tilespmem:$0x18870] =	vst v63  }
0xc8: {  	_ =	swait.ge [sflag:s31], $0x2000  }
0xc9: {  	[sflag:s31] =	ssyncset.done $0x0  }
0xca: {  	[sflag:s31] =	ssyncadd.s32 $0xFFFFE000  }
0xcb: {  	_ =	swait.ge [sflag:s31], $0x2000  }
0xcc: {  	p0 =	seq.s32 s19, $0x0;
	[sflag:s31] =	ssyncset.done $0x0  }
0xcd: {  	s4 =	simm.s32 @!p0 $0x3;
	[sflag:s31] =	ssyncadd.s32 $0xFFFFE000  }
0xce: {  	_ =	swait.ge @!p0 [sflag:s4], $0x4000  }
0xcf: {  	[sflag:s4] =	ssyncset.done @!p0 $0x0  }
0xd0: {  	[sflag:s4] =	ssyncadd.s32 @!p0 $0xFFFFC000  }
0xd1: {  	v0 =	vld [tilespmem:$0x200]  }
0xd2: {  	v1 =	vld [tilespmem:$0x210]  }
0xd3: {  	v2 =	vld [tilespmem:$0x220]  }
0xd4: {  	v3 =	vld [tilespmem:$0x230]  }
0xd5: {  	v4 =	vld [tilespmem:$0x240]  }
0xd6: {  	v5 =	vld [tilespmem:$0x250];
	v0 =	vcvt.s32.f32 v0  }
0xd7: {  	v6 =	vld [tilespmem:$0x260];
	v1 =	vcvt.s32.f32 v1  }
0xd8: {  	[tilespmem:$0x400] =	vst v0;
	v0 =	vcvt.s32.f32 v2;
	v2 =	vld [tilespmem:$0x270]  }
0xd9: {  	[tilespmem:$0x410] =	vst v1;
	v1 =	vcvt.s32.f32 v3;
	v3 =	vld [tilespmem:$0x280]  }
0xda: {  	[tilespmem:$0x420] =	vst v0;
	v0 =	vcvt.s32.f32 v4;
	v4 =	vld [tilespmem:$0x290]  }
0xdb: {  	[tilespmem:$0x430] =	vst v1;
	v1 =	vcvt.s32.f32 v5;
	v5 =	vld [tilespmem:$0x2A0]  }
0xdc: {  	[tilespmem:$0x440] =	vst v0;
	v0 =	vcvt.s32.f32 v6;
	v6 =	vld [tilespmem:$0x2B0]  }
0xdd: {  	[tilespmem:$0x450] =	vst v1;
	v1 =	vcvt.s32.f32 v2;
	v2 =	vld [tilespmem:$0x2C0]  }
0xde: {  	[tilespmem:$0x460] =	vst v0;
	v0 =	vcvt.s32.f32 v3;
	v3 =	vld [tilespmem:$0x2D0]  }
0xdf: {  	[tilespmem:$0x470] =	vst v1;
	v1 =	vcvt.s32.f32 v4;
	v4 =	vld [tilespmem:$0x2E0]  }
0xe0: {  	[tilespmem:$0x480] =	vst v0;
	v0 =	vcvt.s32.f32 v5;
	v5 =	vld [tilespmem:$0x2F0]  }
0xe1: {  	[tilespmem:$0x490] =	vst v1;
	v1 =	vcvt.s32.f32 v6  }
0xe2: {  	[tilespmem:$0x4A0] =	vst v0;
	v0 =	vcvt.s32.f32 v2  }
0xe3: {  	[tilespmem:$0x4B0] =	vst v1;
	v1 =	vcvt.s32.f32 v3  }
0xe4: {  	[tilespmem:$0x4C0] =	vst v0;
	v0 =	vcvt.s32.f32 v4  }
0xe5: {  	[tilespmem:$0x4D0] =	vst v1;
	v1 =	vcvt.s32.f32 v5  }
0xe6: {  	[tilespmem:$0x4E0] =	vst v0  }
0xe7: {  	s9 =	simm.s32 $0x8750;
	[tilespmem:$0x4F0] =	vst v1  }
0xe8: {  	v1 =	vld [tilespmem:s9+$0x20]  }
0xe9: {  	s4 =	simm.s32 $0x690;
	v2 =	vld [tilespmem:s9+$0x0]  }
0xea: {  	s15 =	simm.s32 $0x0;
	v3 =	vld [tilespmem:s4+$0x0]  }
0xeb: {  	v0 =	vld [tilespmem:s15+$0x404]  }
0xec: {  	v4 =	vld [tilespmem:s9+$0x10]  }
0xed: {  	v5 =	vld [tilespmem:s4+$0x10]  }
0xee: {  	v6 =	vld [tilespmem:s4+$0x20]  }
0xef: {  	v9 =	vimm.s32 $0x0;
	v7 =	vld [tilespmem:s9+$0x30]  }
0xf0: {  	v8 =	vld [tilespmem:s4+$0x30];
	v9 =	vperm.xlane v0, v9  }
0xf1: {  	v2 =	vadd.f32 v3, v2  }
0xf2: {  	v4 =	vadd.f32 v5, v4;
	v3 =	vmul.f32 v9, v42;
	v5 =	vmul.f32 v9, v40  }
0xf3: {  	v1 =	vadd.f32 v6, v1  }
0xf4: {  	v6 =	vmul.f32 v9, v41;
	v27 =	vadd.f32 v2, v3;
	v26 =	vadd.f32 v4, v5  }
0xf5: {  	v2 =	vadd.f32 v8, v7;
	v3 =	vmul.f32 v9, v59  }
0xf6: {  	v25 =	vadd.f32 v1, v6;
	v1 =	vmul.f32 v27, v27;
	v4 =	vmul.f32 v26, v26  }
0xf7: {  	v24 =	vadd.f32 v2, v3  }
0xf8: {  	v2 =	vmul.f32 v25, v25;
	v1 =	vadd.f32 v4, v1  }
0xf9: {  	v3 =	vadd.f32 v26, v27;
	v4 =	vadd.f32 v24, v25  }
0xfa: {  	v1 =	vadd.f32 v2, v1;
	v2 =	vmul.f32 v24, v24  }
0xfb: {  	v3 =	vadd.f32 v4, v3  }
0xfc: {  	v1 =	vadd.f32 v2, v1  }
0xfd: {  	v29 =	vld [tilespmem:s15+$0x400];
	(xrf2) =	vadd.scan.msk.f32 $0xffff, v3  }
0xfe: {  	v2 =	vld [tilespmem:s9+$0xFFFFFF00];
	(xrf2) =	vadd.scan.msk.f32 $0xffff, v1  }
0xff: {  	v1 =	vld [tilespmem:s4+$0xFFFFFF00]  }
0x100: {  	v5 =	vld [tilespmem:s9+$0xFFFFFF20]  }
0x101: {  	v4 =	vld [tilespmem:s4+$0xFFFFFF10]  }
0x102: {  	v3 =	vld [tilespmem:s9+$0xFFFFFF10]  }
0x103: {  	v14 =	vimm.s32 $0x0;
	v6 =	vld [tilespmem:s4+$0xFFFFFF20]  }
0x104: {  	v7 =	vperm.xlane v29, v14;
	v8 =	vld [tilespmem:s9+$0xFFFFFF30];
	v1 =	vadd.f32 v1, v2  }
0x105: {  	v9 =	vld [tilespmem:s4+$0xFFFFFF30]  }
0x106: {  	v2 =	vmul.f32 v7, v42  }
0x107: {  	v10 =	vmul.f32 v7, v40;
	v3 =	vadd.f32 v4, v3;
	v4, _, _ =	vpop (xrf2)  }
0x108: {  	v32 =	vadd.f32 v1, v2;
	[tilespmem:s15+$0x18654] =	vst.msk vm0, v4;
	v1, _, _ =	vpop (xrf2)  }
0x109: {  	v33 =	vadd.f32 v3, v10;
	v3 =	vadd.f32 v6, v5;
	v2 =	vmul.f32 v7, v41;
	[tilespmem:s15+$0x18764] =	vst.msk vm0, v1  }
0x10a: {  	v4 =	vadd.f32 v9, v8;
	v6 =	vmul.f32 v32, v32;
	v5 =	vld [tilespmem:s9+$0x60]  }
0x10b: {  	v34 =	vadd.f32 v3, v2;
	v2 =	vmul.f32 v33, v33;
	v1 =	vmul.f32 v7, v59;
	v3 =	vld [tilespmem:s9+$0x40]  }
0x10c: {  	v7 =	vld [tilespmem:s4+$0x40]  }
0x10d: {  	v35 =	vadd.f32 v4, v1;
	v1 =	vadd.f32 v2, v6;
	v2 =	vmul.f32 v34, v34;
	v4 =	vld [tilespmem:s9+$0x50]  }
0x10e: {  	v6 =	vld [tilespmem:s4+$0x50]  }
0x10f: {  	v8 =	vmul.f32 v35, v35;
	v1 =	vadd.f32 v2, v1;
	v2 =	vld [tilespmem:s4+$0x60]  }
0x110: {  	v12 =	vperm.xlane v0, v63;
	v9 =	vadd.f32 v33, v32;
	v11 =	vld [tilespmem:s9+$0x70];
	v10 =	vadd.f32 v35, v34  }
0x111: {  	v1 =	vadd.f32 v8, v1;
	v8 =	vld [tilespmem:s4+$0x70]  }
0x112: {  	v9 =	vadd.f32 v10, v9;
	v10 =	vmul.f32 v12, v42  }
0x113: {  	(xrf2) =	vadd.scan.msk.f32 $0xffff, v1;
	v1 =	vadd.f32 v7, v3;
	v3 =	vadd.f32 v6, v4;
	v4 =	vmul.f32 v12, v40  }
0x114: {  	v2 =	vadd.f32 v2, v5  }
0x115: {  	(xrf2) =	vadd.scan.msk.f32 $0xffff, v9;
	v5 =	vmul.f32 v12, v41;
	v44 =	vadd.f32 v1, v10;
	v50 =	vadd.f32 v3, v4  }
0x116: {  	v1 =	vmul.f32 v12, v59;
	v3 =	vadd.f32 v8, v11  }
0x117: {  	v57 =	vadd.f32 v2, v5;
	v2 =	vmul.f32 v44, v44;
	v4 =	vmul.f32 v50, v50  }
0x118: {  	v62 =	vadd.f32 v3, v1  }
0x119: {  	v1 =	vadd.f32 v4, v2;
	v2 =	vmul.f32 v57, v57  }
0x11a: {  	v4 =	vadd.f32 v62, v57  }
0x11b: {  	v3 =	vadd.f32 v50, v44;
	v1 =	vadd.f32 v2, v1;
	v2 =	vmul.f32 v62, v62;
	_ =	sdelay $0x1  }
0x11c: {  	v3 =	vadd.f32 v4, v3  }
0x11d: {  	v1 =	vadd.f32 v2, v1;
	v4, _, _ =	vpop (xrf2)  }
0x11e: {  	(xrf2) =	vadd.scan.msk.f32 $0xffff, v3;
	v2, _, _ =	vpop (xrf2)  }
0x11f: {  	(xrf2) =	vadd.scan.msk.f32 $0xffff, v1;
	[tilespmem:s15+$0x18650] =	vst.msk vm0, v2  }
0x120: {  	[tilespmem:s15+$0x18760] =	vst.msk vm0, v4  }
0x121: {  	v1 =	vld [tilespmem:s9+$0xFFFFFF40]  }
0x122: {  	v2 =	vld [tilespmem:s4+$0xFFFFFF40]  }
0x123: {  	v3 =	vld [tilespmem:s9+$0xFFFFFF50]  }
0x124: {  	v4 =	vld [tilespmem:s4+$0xFFFFFF50]  }
0x125: {  	v5 =	vld [tilespmem:s9+$0xFFFFFF60]  }
0x126: {  	v6 =	vperm.xlane v29, v63;
	v7 =	vld [tilespmem:s4+$0xFFFFFF60]  }
0x127: {  	s11 =	simm.s32 $0x4;
	v8 =	vld [tilespmem:s9+$0xFFFFFF70]  }
0x128: {  	s12 =	sor.u32 $0x5, s11;
	v9 =	vmul.f32 v6, v42;
	v1 =	vadd.f32 v2, v1;
	v2 =	vld [tilespmem:s4+$0xFFFFFF70];
	v10, _, _ =	vpop (xrf2)  }
0x129: {  	v11 =	vmul.f32 v6, v40;
	v3 =	vadd.f32 v4, v3;
	[tilespmem:s12+$0x18650] =	vst.msk vm0, v10;
	v4, _, _ =	vpop (xrf2)  }
0x12a: {  	v36 =	vadd.f32 v1, v9;
	[tilespmem:s12+$0x18760] =	vst.msk vm0, v4  }
0x12b: {  	v1 =	vmul.f32 v6, v41;
	v37 =	vadd.f32 v3, v11;
	v3 =	vadd.f32 v7, v5;
	v4 =	vld [tilespmem:s9+$0xA0]  }
0x12c: {  	v5 =	vmul.f32 v6, v59;
	v6 =	vmul.f32 v36, v36;
	v7 =	vld [tilespmem:s9+$0x80]  }
0x12d: {  	v38 =	vadd.f32 v3, v1;
	v1 =	vld [tilespmem:s4+$0x80];
	v2 =	vadd.f32 v2, v8;
	v8 =	vmul.f32 v37, v37  }
0x12e: {  	v3 =	vld [tilespmem:s9+$0x90]  }
0x12f: {  	v39 =	vadd.f32 v2, v5;
	v2 =	vadd.f32 v8, v6;
	v5 =	vmul.f32 v38, v38;
	v6 =	vld [tilespmem:s4+$0x90]  }
0x130: {  	v8 =	vld [tilespmem:s4+$0xA0]  }
0x131: {  	v12 =	vld [tilespmem:s4+$0xB0];
	v9 =	vmul.f32 v39, v39;
	v2 =	vadd.f32 v5, v2  }
0x132: {  	v10 =	vperm.xlane v0, v13;
	v11 =	vadd.f32 v37, v36;
	v5 =	vld [tilespmem:s9+$0xB0];
	v13 =	vadd.f32 v39, v38  }
0x133: {  	v1 =	vadd.f32 v1, v7;
	v2 =	vadd.f32 v9, v2  }
0x134: {  	v9 =	vmul.f32 v10, v42;
	v3 =	vadd.f32 v6, v3;
	v6 =	vmul.f32 v10, v40  }
0x135: {  	v7 =	vadd.f32 v13, v11;
	v4 =	vadd.f32 v8, v4  }
0x136: {  	(xrf2) =	vadd.scan.msk.f32 $0xffff, v2;
	v2 =	vmul.f32 v10, v41;
	v51 =	vadd.f32 v1, v9;
	v58 =	vadd.f32 v3, v6  }
0x137: {  	v1 =	vmul.f32 v10, v59;
	v3 =	vadd.f32 v12, v5  }
0x138: {  	(xrf2) =	vadd.scan.msk.f32 $0xffff, v7;
	v48 =	vadd.f32 v4, v2;
	v2 =	vmul.f32 v51, v51;
	v4 =	vmul.f32 v58, v58;
	_ =	sdelay $0x1  }
0x139: {  	v49 =	vadd.f32 v3, v1;
	v1 =	vadd.f32 v4, v2;
	v2 =	vmul.f32 v48, v48;
	_ =	sdelay $0x1  }
0x13a: {  	v1 =	vadd.f32 v2, v1;
	v2 =	vmul.f32 v49, v49  }
0x13b: {  	v3 =	vadd.f32 v58, v51;
	v4 =	vadd.f32 v49, v48  }
0x13c: {  	v1 =	vadd.f32 v2, v1  }
0x13d: {  	v3 =	vadd.f32 v4, v3;
	_ =	sdelay $0x1  }
0x13e: {  	(xrf2) =	vadd.scan.msk.f32 $0xffff, v3;
	v2, _, _ =	vpop (xrf2)  }
0x13f: {  	(xrf2) =	vadd.scan.msk.f32 $0xffff, v1;
	v1, _, _ =	vpop (xrf2)  }
0x140: {  	[tilespmem:s15+$0x18651] =	vst.msk vm0, v1  }
0x141: {  	[tilespmem:s15+$0x18761] =	vst.msk vm0, v2  }
0x142: {  	v1 =	vld [tilespmem:s9+$0xFFFFFF80]  }
0x143: {  	v2 =	vld [tilespmem:s4+$0xFFFFFF80]  }
0x144: {  	v3 =	vld [tilespmem:s9+$0xFFFFFF90]  }
0x145: {  	v4 =	vld [tilespmem:s4+$0xFFFFFF90]  }
0x146: {  	v5 =	vld [tilespmem:s9+$0xFFFFFFA0]  }
0x147: {  	v6 =	vld [tilespmem:s4+$0xFFFFFFA0]  }
0x148: {  	v9 =	vld [tilespmem:s9+$0xFFFFFFB0]  }
0x149: {  	v61 =	vimm.s32 $0x2;
	s16 =	sor.u32 $0x6, s11;
	v10 =	vld [tilespmem:s4+$0xFFFFFFB0];
	v7, _, _ =	vpop (xrf2)  }
0x14a: {  	v8 =	vperm.xlane v29, v61;
	[tilespmem:s16+$0x18650] =	vst.msk vm0, v7;
	v7, _, _ =	vpop (xrf2)  }
0x14b: {  	[tilespmem:s16+$0x18760] =	vst.msk vm0, v7  }
0x14c: {  	v12 =	vmul.f32 v8, v40;
	v11 =	vld [tilespmem:s9+$0xE0]  }
0x14d: {  	v1 =	vadd.f32 v2, v1;
	v2 =	vadd.f32 v4, v3;
	v7 =	vmul.f32 v8, v42;
	v3 =	vld [tilespmem:s9+$0xC0]  }
0x14e: {  	v5 =	vadd.f32 v6, v5;
	v6 =	vadd.f32 v10, v9;
	v4 =	vld [tilespmem:s4+$0xC0]  }
0x14f: {  	v53 =	vadd.f32 v2, v12;
	v10 =	vld [tilespmem:s4+$0xE0];
	v52 =	vadd.f32 v1, v7  }
0x150: {  	v13 =	vmul.f32 v8, v41;
	v2 =	vmul.f32 v8, v59;
	v1 =	vld [tilespmem:s9+$0xD0]  }
0x151: {  	v7 =	vld [tilespmem:s4+$0xD0];
	v9 =	vmul.f32 v53, v53;
	v8 =	vmul.f32 v52, v52  }
0x152: {  	v55 =	vadd.f32 v6, v2;
	v2 =	vld [tilespmem:s9+$0xF0]  }
0x153: {  	v54 =	vadd.f32 v5, v13;
	v6 =	vadd.f32 v9, v8;
	v8 =	vld [tilespmem:s4+$0xF0]  }
0x154: {  	v0 =	vperm.xlane v0, v31;
	v5 =	vadd.f32 v53, v52  }
0x155: {  	v12 =	vadd.f32 v55, v54;
	v9 =	vmul.f32 v54, v54;
	v3 =	vadd.f32 v4, v3  }
0x156: {  	v13 =	vmul.f32 v0, v42;
	v1 =	vadd.f32 v7, v1;
	v7 =	vadd.f32 v10, v11  }
0x157: {  	v4 =	vmul.f32 v0, v40;
	v5 =	vadd.f32 v12, v5;
	v6 =	vadd.f32 v9, v6  }
0x158: {  	v9 =	vmul.f32 v0, v41;
	v0 =	vmul.f32 v0, v59;
	v2 =	vadd.f32 v8, v2  }
0x159: {  	v45 =	vadd.f32 v3, v13;
	v46 =	vadd.f32 v1, v4;
	v1 =	vmul.f32 v55, v55  }
0x15a: {  	s21 =	simm.s32 $0x8;
	v47 =	vadd.f32 v7, v9;
	v0 =	vadd.f32 v2, v0  }
0x15b: {  	s23 =	simm.s32 $0x8950;
	v28 =	vld [tilespmem:s21+$0x404];
	v3 =	vmul.f32 v45, v45;
	v4 =	vmul.f32 v46, v46;
	v1 =	vadd.f32 v1, v6  }
0x15c: {  	s24 =	simm.s32 $0x890;
	v9 =	vld [tilespmem:s23+$0x20];
	v7 =	vadd.f32 v46, v45;
	v8 =	vadd.f32 v0, v47  }
0x15d: {  	v6 =	vld [tilespmem:s24+$0x30];
	v3 =	vadd.f32 v4, v3;
	v4 =	vmul.f32 v47, v47;
	(xrf2) =	vadd.scan.msk.f32 $0xffff, v1  }
0x15e: {  	v2 =	vld [tilespmem:s23+$0x30];
	(xrf2) =	vadd.scan.msk.f32 $0xffff, v5;
	v5 =	vadd.f32 v8, v7  }
0x15f: {  	v1 =	vadd.f32 v4, v3;
	v3 =	vmul.f32 v0, v0;
	v4 =	vld [tilespmem:s23+$0x0]  }
0x160: {  	v7 =	vld [tilespmem:s24+$0x0];
	(xrf2) =	vadd.scan.msk.f32 $0xffff, v5  }
0x161: {  	v1 =	vadd.f32 v3, v1;
	v3 =	vld [tilespmem:s23+$0x10]  }
0x162: {  	v5 =	vld [tilespmem:s24+$0x20]  }
0x163: {  	(xrf2) =	vadd.scan.msk.f32 $0xffff, v1;
	v1 =	vld [tilespmem:s24+$0x10]  }
0x164: {  	v17 =	vimm.s32 $0x0;
	v43 =	vld [tilespmem:s21+$0x400]  }
0x165: {  	v15 =	vld [tilespmem:s23+$0xFFFFFF20];
	v10 =	vperm.xlane v28, v17  }
0x166: {  	v11 =	vld [tilespmem:s24+$0xFFFFFF00];
	v2 =	vadd.f32 v6, v2;
	v4 =	vadd.f32 v7, v4  }
0x167: {  	v8 =	vld [tilespmem:s23+$0xFFFFFF00];
	v7 =	vmul.f32 v10, v42;
	v12, _, _ =	vpop (xrf2);
	v5 =	vadd.f32 v5, v9;
	v9 =	vmul.f32 v10, v41  }
0x168: {  	v13 =	vld [tilespmem:s24+$0xFFFFFF10];
	v14, _, _ =	vpop (xrf2);
	v1 =	vadd.f32 v1, v3;
	v3 =	vmul.f32 v10, v40;
	v10 =	vmul.f32 v10, v59  }
0x169: {  	v6 =	vld [tilespmem:s23+$0xFFFFFF10];
	v20 =	vadd.f32 v4, v7;
	[tilespmem:s15+$0x18652] =	vst.msk vm0, v14;
	v18 =	vadd.f32 v5, v9  }
0x16a: {  	s11 =	sor.u32 $0x7, s11;
	[tilespmem:s15+$0x18762] =	vst.msk vm0, v12;
	v5 =	vld [tilespmem:s23+$0xFFFFFF30];
	v19 =	vadd.f32 v1, v3;
	v60 =	vadd.f32 v2, v10;
	v2, _, _ =	vpop (xrf2)  }
0x16b: {  	v7 =	vmul.f32 v20, v20;
	v9 =	vld [tilespmem:s24+$0xFFFFFF30];
	[tilespmem:s11+$0x18650] =	vst.msk vm0, v2  }
0x16c: {  	v4 =	vadd.f32 v11, v8;
	v1 =	vperm.xlane v43, v17;
	v3 =	vld [tilespmem:s24+$0xFFFFFF20];
	v8 =	vmul.f32 v19, v19;
	[tilespmem:$0x1FD60] =	vst v19  }
0x16d: {  	v10 =	vadd.f32 v19, v20;
	v11 =	vadd.f32 v60, v18;
	v2, _, _ =	vpop (xrf2);
	[tilespmem:$0x1FD70] =	vst v20  }
0x16e: {  	v14 =	vmul.f32 v1, v42;
	[tilespmem:s11+$0x18760] =	vst.msk vm0, v2;
	v2 =	vadd.f32 v8, v7;
	v7 =	vmul.f32 v18, v18  }
0x16f: {  	v6 =	vadd.f32 v13, v6;
	v10 =	vadd.f32 v11, v10;
	v8 =	vmul.f32 v1, v40  }
0x170: {  	v14 =	vadd.f32 v4, v14;
	v4 =	vmul.f32 v60, v60;
	v12 =	vld [tilespmem:s9+$0xFFFFFFC0];
	[tilespmem:$0x1FD80] =	vst v18;
	v2 =	vadd.f32 v7, v2  }
0x171: {  	v3 =	vadd.f32 v3, v15;
	v11 =	vld [tilespmem:s4+$0xFFFFFFC0];
	v7 =	vmul.f32 v1, v41;
	v63 =	vadd.f32 v6, v8  }
0x172: {  	v5 =	vadd.f32 v9, v5;
	v16 =	vld [tilespmem:s15+$0x18654];
	[tilespmem:$0x1FD90] =	vst v60;
	v1 =	vmul.f32 v1, v59;
	v2 =	vadd.f32 v4, v2  }
0x173: {  	v13 =	vld [tilespmem:s15+$0x18764];
	v4 =	vmul.f32 v14, v14;
	v15 =	vadd.f32 v3, v7;
	v3 =	vmul.f32 v63, v63  }
0x174: {  	v8 =	vld [tilespmem:s4+$0xFFFFFFD0]  }
0x175: {  	(xrf2) =	vadd.scan.msk.f32 $0xffff, v10;
	v56 =	vadd.f32 v5, v1;
	v1 =	vadd.f32 v3, v4;
	v4 =	vld [tilespmem:s9+$0xFFFFFFD0]  }
0x176: {  	(xrf2) =	vadd.scan.msk.f32 $0xffff, v2;
	v5 =	vadd.f32 v11, v12;
	v11 =	vld [tilespmem:s9+$0xFFFFFFE0];
	[tilespmem:$0x1FDA0] =	vst v14  }
0x177: {  	v2 =	vmul.f32 v15, v15;
	v6 =	vmul.f32 $1.562500000e-02, v16;
	[tilespmem:$0x1FDB0] =	vst v63  }
0x178: {  	v3 =	vperm.xlane v29, v31;
	v10 =	vmul.f32 v56, v56;
	[tilespmem:$0x1FDC0] =	vst v15  }
0x179: {  	[tilespmem:$0x1FDD0] =	vst v56;
	v7 =	vmul.f32 $1.562500000e-02, v13;
	v1 =	vadd.f32 v2, v1;
	v9 =	vmul.f32 v6, v6  }
0x17a: {  	v12 =	vadd.f32 v56, v15;
	v2 =	vadd.f32 v63, v14;
	v13 =	vmul.f32 v3, v42;
	v14 =	vld [tilespmem:s4+$0xFFFFFFE0]  }
0x17b: {  	v7 =	vsub.f32 v7, v9;
	v9 =	vadd.f32 v10, v1;
	v10 =	vld [tilespmem:s9+$0xFFFFFFF0]  }
0x17c: {  	v1 =	vadd.f32 v5, v13;
	v5 =	vld [tilespmem:s4+$0xFFFFFFF0]  }
0x17d: {  	v2 =	vadd.f32 v12, v2;
	v12 =	vmul.f32 v3, v40;
	v7 =	vadd.f32 $9.999999960e-13, v7  }
0x17e: {  	v13 =	vmul.f32 v3, v59;
	(xrf2) =	vadd.scan.msk.f32 $0xffff, v9;
	v9 =	vmul.f32 v3, v41;
	v3 =	vadd.f32 v8, v4  }
0x17f: {  	v22 =	vimm.s32 $0x0;
	v4, _, _ =	vpop (xrf2);
	(xrf2) =	vadd.scan.msk.f32 $0xffff, v2;
	v2 =	vshra.s32 v7, $0x1  }
0x180: {  	[tilespmem:s21+$0x18654] =	vst.msk vm0, v4;
	v7 =	vmul.f32 $5.000000000e-01, v7;
	v15, _, _ =	vpop (xrf2);
	v60 =	vsub.s32 $0x5F3759DF, v2;
	v2 =	vadd.f32 v3, v12  }
0x181: {  	v19 =	vperm.xlane v6, v22;
	v3 =	vadd.f32 v14, v11;
	v5 =	vadd.f32 v5, v10;
	[tilespmem:s21+$0x18764] =	vst.msk vm0, v15  }
0x182: {  	v8 =	vmul.f32 v1, v1;
	v11 =	vmul.f32 v60, v7;
	v14 =	vld [tilespmem:s23+$0x40]  }
0x183: {  	v3 =	vadd.f32 v3, v9;
	v9 =	vmul.f32 v2, v2;
	v5 =	vadd.f32 v5, v13;
	v13 =	vld [tilespmem:s24+$0x40]  }
0x184: {  	v18 =	vld [tilespmem:s23+$0x50];
	v11 =	vmul.f32 v60, v11  }
0x185: {  	v27 =	vsub.f32 v27, v19;
	v20 =	vld [tilespmem:s24+$0x50];
	v8 =	vadd.f32 v9, v8;
	v9 =	vmul.f32 v3, v3  }
0x186: {  	v21 =	vimm.s32 $0x1;
	v26 =	vsub.f32 v26, v19;
	v10 =	vld [tilespmem:s23+$0x60];
	v11 =	vsub.f32 $1.500000000e+00, v11  }
0x187: {  	v4 =	vperm.xlane v43, v21;
	v22 =	vld [tilespmem:s24+$0x60];
	v8 =	vadd.f32 v9, v8;
	v9 =	vmul.f32 v5, v5  }
0x188: {  	v21 =	vadd.f32 v2, v1;
	v29 =	vld [tilespmem:s23+$0x70];
	v16 =	vmul.f32 v60, v11;
	v60 =	vimm.s32 $0x1  }
0x189: {  	v56 =	vld [tilespmem:s24+$0x70];
	v11 =	vadd.f32 v5, v3;
	v8 =	vadd.f32 v9, v8;
	v9 =	vperm.xlane v28, v60  }
0x18a: {  	v23, _, _ =	vpop (xrf2);
	v13 =	vadd.f32 v13, v14;
	v14 =	vadd.f32 v20, v18  }
0x18b: {  	v30, _, _ =	vpop (xrf2);
	v11 =	vadd.f32 v11, v21;
	(xrf2) =	vadd.scan.msk.f32 $0xffff, v8;
	v8 =	vmul.f32 v9, v42;
	v18 =	vmul.f32 v9, v40  }
0x18c: {  	v20 =	vsub.f32 v25, v19;
	v10 =	vadd.f32 v22, v10;
	v21 =	vperm.xlane v6, v60;
	[tilespmem:s21+$0x18650] =	vst.msk vm0, v30  }
0x18d: {  	(xrf2) =	vadd.scan.msk.f32 $0xffff, v11;
	v11 =	vmul.f32 v9, v41;
	v60 =	vadd.f32 v13, v8;
	v30 =	vadd.f32 v14, v18  }
0x18e: {  	v7 =	vmul.f32 v16, v7;
	[tilespmem:s21+$0x18760] =	vst.msk vm0, v23;
	v8 =	vmul.f32 v9, v59;
	v9 =	vadd.f32 v56, v29  }
0x18f: {  	v22 =	vld [tilespmem:s23+$0xFFFFFF40];
	v29 =	vadd.f32 v10, v11;
	v10 =	vmul.f32 v60, v60;
	v18 =	vmul.f32 v30, v30  }
0x190: {  	v19 =	vsub.f32 v24, v19;
	v7 =	vmul.f32 v7, v16;
	v23 =	vld [tilespmem:s24+$0xFFFFFF40];
	v24 =	vadd.f32 v9, v8  }
0x191: {  	v13 =	vld [tilespmem:s23+$0xFFFFFF50];
	v9 =	vadd.f32 v18, v10;
	v10 =	vmul.f32 v29, v29  }
0x192: {  	v14 =	vld [tilespmem:s24+$0xFFFFFF50];
	v7 =	vsub.f32 $1.500000000e+00, v7;
	v18 =	vadd.f32 v24, v29  }
0x193: {  	v8 =	vld [tilespmem:s23+$0xFFFFFF60];
	v9 =	vadd.f32 v10, v9  }
0x194: {  	v63 =	vadd.f32 v30, v60;
	v25 =	vmul.f32 v7, v16;
	v7 =	vld [tilespmem:s24+$0xFFFFFF60];
	[tilespmem:$0x1FDE0] =	vst v30  }
0x195: {  	[tilespmem:$0x1FDF0] =	vst v60;
	v10 =	vmul.f32 v24, v24  }
0x196: {  	v56 =	vperm.xlane v6, v31;
	v11 =	vsub.f32 v44, v21;
	[tilespmem:$0x1FE00] =	vst v29;
	v16 =	vadd.f32 v18, v63;
	v18, _, _ =	vpop (xrf2)  }
0x197: {  	v44 =	vperm.xlane v6, v61;
	v22 =	vadd.f32 v23, v22;
	v23 =	vld [tilespmem:s23+$0xFFFFFF70];
	[tilespmem:$0x1FE10] =	vst v24;
	v6 =	vadd.f32 v10, v9;
	v9, _, _ =	vpop (xrf2)  }
0x198: {  	[tilespmem:s15+$0x18653] =	vst.msk vm0, v9  }
0x199: {  	v13 =	vadd.f32 v14, v13;
	v14 =	vld [tilespmem:s24+$0xFFFFFF70];
	[tilespmem:s15+$0x18763] =	vst.msk vm0, v18  }
0x19a: {  	v31 =	vld [tilespmem:$0x1FF70]  }
0x19b: {  	v12 =	vmul.f32 v4, v42  }
0x19c: {  	v17 =	vmul.f32 v4, v41;
	v15 =	vmul.f32 v4, v40;
	v10 =	vimm.s32 $0x3;
	(xrf2) =	vadd.scan.msk.f32 $0xffff, v16  }
0x19d: {  	v0 =	vsub.f32 v0, v56;
	v60 =	vperm.xlane v25, v10;
	(xrf2) =	vadd.scan.msk.f32 $0xffff, v6;
	v6 =	vadd.f32 v7, v8  }
0x19e: {  	v22 =	vadd.f32 v22, v12;
	v13 =	vadd.f32 v13, v15;
	v7 =	vld [tilespmem:s15+$0x18650]  }
0x19f: {  	v9 =	vadd.f32 v14, v23;
	v14 =	vadd.f32 v6, v17;
	v6 =	vld [tilespmem:s15+$0x18760];
	v8 =	vmul.f32 v60, v31  }
0x1a0: {  	v4 =	vmul.f32 v4, v59;
	v10 =	vmul.f32 v22, v22;
	v24 =	vld [tilespmem:$0x1FF40]  }
0x1a1: {  	v30 =	vimm.s32 $0x0;
	v12 =	vmul.f32 v13, v13;
	v0 =	vmul.f32 v8, v0  }
0x1a2: {  	v50 =	vsub.f32 v50, v21;
	v16 =	vperm.xlane v25, v30;
	v29 =	vld [tilespmem:$0x1FF50]  }
0x1a3: {  	[tilespmem:$0x1FE90] =	vst v0;
	v0 =	vadd.f32 v9, v4;
	v9 =	vadd.f32 v12, v10;
	v10 =	vmul.f32 v14, v14  }
0x1a4: {  	v57 =	vsub.f32 v57, v21;
	v15 =	vsub.f32 v62, v21;
	v7 =	vmul.f32 $1.562500000e-02, v7  }
0x1a5: {  	[tilespmem:$0x1FE30] =	vst v13;
	v6 =	vmul.f32 $1.562500000e-02, v6;
	v8 =	vmul.f32 v16, v24;
	v9 =	vadd.f32 v10, v9  }
0x1a6: {  	[tilespmem:$0x1FE40] =	vst v14;
	v12 =	vadd.f32 v13, v22;
	v13 =	vadd.f32 v0, v14;
	v14 =	vmul.f32 v0, v0  }
0x1a7: {  	[tilespmem:$0x1FE20] =	vst v22;
	v4 =	vmul.f32 v16, v29;
	v22 =	vsub.f32 v58, v44;
	v10 =	vmul.f32 v7, v7  }
0x1a8: {  	s11 =	simm.s32 $0xC;
	v17 =	vadd.f32 v13, v12;
	v18 =	vadd.f32 v14, v9;
	v12 =	vperm.xlane v7, v30  }
0x1a9: {  	s18 =	sor.u32 $0x5, s11;
	[tilespmem:$0x1FE50] =	vst v0;
	v0 =	vimm.s32 $0x1;
	v13 =	vsub.f32 v48, v44;
	v6 =	vsub.f32 v6, v10;
	v9, _, _ =	vpop (xrf2)  }
0x1aa: {  	v48 =	vperm.xlane v7, v0;
	v14 =	vmul.f32 v8, v27;
	v58 =	vsub.f32 v32, v12;
	[tilespmem:s18+$0x18650] =	vst.msk vm0, v9;
	v9, _, _ =	vpop (xrf2)  }
0x1ab: {  	v27 =	vperm.xlane v7, v61;
	v6 =	vadd.f32 $9.999999960e-13, v6;
	v61 =	vsub.f32 v34, v12;
	v30 =	vld [tilespmem:$0x1FF60];
	[tilespmem:s18+$0x18760] =	vst.msk vm0, v9  }
0x1ac: {  	v63 =	vimm.s32 $0x3;
	v62 =	vsub.f32 v35, v12;
	v10 =	vsub.f32 v37, v48;
	v32 =	vld [tilespmem:s23+$0xB0]  }
0x1ad: {  	v8 =	vmul.f32 v4, v26;
	(xrf2) =	vadd.scan.msk.f32 $0xffff, v18;
	v53 =	vsub.f32 v53, v27;
	v9 =	vsub.f32 v33, v12;
	v33 =	vld [tilespmem:s23+$0xA0]  }
0x1ae: {  	v34 =	vperm.xlane v7, v63;
	v63 =	vsub.f32 v39, v48;
	v18 =	vsub.f32 v52, v27;
	(xrf2) =	vadd.scan.msk.f32 $0xffff, v17;
	v26 =	vld [tilespmem:s23+$0x80]  }
0x1af: {  	v17 =	vsub.f32 v54, v27;
	v54 =	vmul.f32 v16, v31;
	v12 =	vsub.f32 v36, v48;
	v35 =	vld [tilespmem:s24+$0x80];
	[tilespmem:$0x1FEE0] =	vst v53  }
0x1b0: {  	v4 =	vshra.s32 v6, $0x1;
	v37 =	vmul.f32 $5.000000000e-01, v6;
	v6 =	vsub.f32 v55, v27;
	v36 =	vld [tilespmem:s23+$0x90]  }
0x1b1: {  	v27 =	vld [tilespmem:s24+$0x90];
	v23 =	vmul.f32 v16, v30;
	v16 =	vsub.f32 v1, v34;
	v1 =	vsub.f32 v2, v34  }
0x1b2: {  	v39 =	vsub.s32 $0x5F3759DF, v4;
	v53 =	vimm.s32 $0x2;
	v2 =	vmul.f32 v54, v19  }
0x1b3: {  	v19 =	vperm.xlane v28, v53;
	v20 =	vmul.f32 v23, v20;
	v23 =	vld [tilespmem:s24+$0xA0];
	[tilespmem:$0x1FEF0] =	vst v1;
	v1 =	vsub.f32 v3, v34  }
0x1b4: {  	v21 =	vsub.f32 v51, v44;
	v7 =	vsub.f32 v38, v48;
	v52 =	vmul.f32 v39, v37;
	v55 =	vld [tilespmem:s24+$0xB0]  }
0x1b5: {  	v54 =	vmul.f32 v19, v42;
	[tilespmem:$0x1FF00] =	vst v1;
	v1 =	vsub.f32 v5, v34;
	v5 =	vadd.f32 v35, v26  }
0x1b6: {  	v48 =	vmul.f32 v19, v40;
	v26 =	vadd.f32 v27, v36;
	v27 =	vperm.xlane v25, v0  }
0x1b7: {  	v44 =	vsub.f32 v49, v44;
	v3 =	vmul.f32 v39, v52;
	v36 =	vadd.f32 v5, v54  }
0x1b8: {  	v5 =	vmul.f32 v19, v41;
	v34 =	vadd.f32 v26, v48;
	v23 =	vadd.f32 v23, v33  }
0x1b9: {  	v49, _, _ =	vpop (xrf2);
	v26 =	vmul.f32 v27, v29;
	v32 =	vadd.f32 v55, v32;
	v55 =	vmul.f32 v27, v24  }
0x1ba: {  	[tilespmem:$0x1FF30] =	vst v1;
	v33 =	vadd.f32 v23, v5;
	v5 =	vmul.f32 v27, v30;
	v23 =	vmul.f32 v27, v31;
	v27, _, _ =	vpop (xrf2)  }
0x1bb: {  	v52 =	vsub.f32 v45, v56;
	v3 =	vsub.f32 $1.500000000e+00, v3;
	[tilespmem:s21+$0x18651] =	vst.msk vm0, v27  }
0x1bc: {  	v25 =	vperm.xlane v25, v53;
	v53 =	vsub.f32 v46, v56;
	[tilespmem:s21+$0x18761] =	vst.msk vm0, v49  }
0x1bd: {  	v3 =	vmul.f32 v39, v3;
	v19 =	vmul.f32 v19, v59;
	[tilespmem:$0x1FE60] =	vst v52  }
0x1be: {  	[tilespmem:$0x1FE70] =	vst v53  }
0x1bf: {  	v54 =	vmul.f32 v34, v34;
	v32 =	vadd.f32 v32, v19;
	v19 =	vmul.f32 v3, v37;
	v37 =	vld [tilespmem:s23+$0xFFFFFF80]  }
0x1c0: {  	v27 =	vmul.f32 v25, v24;
	v48 =	vmul.f32 v5, v57;
	v38 =	vld [tilespmem:s24+$0xFFFFFF80]  }
0x1c1: {  	v15 =	vmul.f32 v23, v15;
	v5 =	vmul.f32 v36, v36;
	v23 =	vld [tilespmem:s23+$0xFFFFFF90]  }
0x1c2: {  	v51 =	vimm.s32 $0x0;
	v21 =	vmul.f32 v27, v21;
	v27 =	vld [tilespmem:s24+$0xFFFFFF90]  }
0x1c3: {  	v35 =	vmul.f32 v25, v29;
	v57 =	vmul.f32 v33, v33;
	v39 =	vadd.f32 v54, v5;
	v45 =	vld [tilespmem:s23+$0xFFFFFFA0]  }
0x1c4: {  	v1 =	vimm.s32 $0x2;
	v26 =	vmul.f32 v26, v50;
	v19 =	vmul.f32 v19, v3;
	v52 =	vld [tilespmem:s24+$0xFFFFFFA0]  }
0x1c5: {  	v50 =	vsub.f32 v47, v56;
	v5 =	vmul.f32 v35, v22;
	v35 =	vadd.f32 v57, v39;
	v39 =	vld [tilespmem:s23+$0xFFFFFFB0];
	[tilespmem:$0x1FE80] =	vst v32  }
0x1c6: {  	v11 =	vmul.f32 v55, v11;
	v22 =	vperm.xlane v43, v1;
	v19 =	vsub.f32 $1.500000000e+00, v19;
	v53 =	vld [tilespmem:s24+$0xFFFFFFB0]  }
0x1c7: {  	v55 =	vadd.f32 v34, v36;
	v56 =	vadd.f32 v32, v33;
	v46 =	vmul.f32 v32, v32  }
0x1c8: {  	v4 =	vmovc v28;
	v28 =	vmul.f32 v22, v40;
	v3 =	vmul.f32 v19, v3;
	v23 =	vadd.f32 v27, v23  }
0x1c9: {  	v0 =	vimm.s32 $0x1;
	v19 =	vadd.f32 v56, v55;
	v57 =	vadd.f32 v46, v35  }
0x1ca: {  	v47 =	vperm.xlane v3, v51;
	v27 =	vmul.f32 v22, v42;
	v51 =	vadd.f32 v23, v28  }
0x1cb: {  	(xrf2) =	vadd.scan.msk.f32 $0xffff, v19;
	v28 =	vmul.f32 v22, v41;
	v22 =	vmul.f32 v22, v59;
	v39 =	vadd.f32 v53, v39  }
0x1cc: {  	v37 =	vadd.f32 v38, v37;
	(xrf2) =	vadd.scan.msk.f32 $0xffff, v57;
	v57 =	vperm.xlane v3, v0;
	v0 =	vld [tilespmem:$0x1FE90]  }
0x1cd: {  	v53 =	vadd.f32 v39, v22;
	v39 =	vld [tilespmem:$0x1FFB0]  }
0x1ce: {  	v35 =	vld [tilespmem:$0x1FF80];
	v49 =	vadd.f32 v37, v27;
	v27 =	vadd.f32 v52, v45  }
0x1cf: {  	v38 =	vmul.f32 v25, v30  }
0x1d0: {  	v45 =	vmul.f32 v49, v49;
	v52 =	vadd.f32 v27, v28;
	v27 =	vmul.f32 v51, v51  }
0x1d1: {  	v32 =	vmul.f32 v38, v13  }
0x1d2: {  	v27 =	vadd.f32 v27, v45;
	v38 =	vmul.f32 v52, v52;
	v0 =	vadd.f32 v0, v39  }
0x1d3: {  	s9 =	simm.s32 $0x10750;
	v55 =	vperm.xlane v3, v1;
	v37 =	vimm.s32 $0x3;
	v14 =	vadd.f32 v14, v35  }
0x1d4: {  	[tilespmem:s9+$0xF0] =	vst v0;
	v0 =	vadd.f32 v38, v27;
	v27 =	vperm.xlane v3, v37;
	v3 =	vmul.f32 v57, v29  }
0x1d5: {  	v28 =	vmul.f32 v47, v30  }
0x1d6: {  	[tilespmem:s9+$0x0] =	vst v14  }
0x1d7: {  	s26 =	sor.u32 $0x6, s11;
	v23 =	vperm.xlane v43, v37;
	v28 =	vmul.f32 v28, v61;
	v61, _, _ =	vpop (xrf2);
	v37 =	vld [tilespmem:$0x1FF90]  }
0x1d8: {  	[tilespmem:s26+$0x18650] =	vst.msk vm0, v61;
	v10 =	vmul.f32 v3, v10;
	v3, _, _ =	vpop (xrf2)  }
0x1d9: {  	v54 =	vmul.f32 v47, v24;
	v38 =	vld [tilespmem:$0x1FFA0];
	[tilespmem:s26+$0x18760] =	vst.msk vm0, v3  }
0x1da: {  	[tilespmem:$0x1FEA0] =	vst v49  }
0x1db: {  	v25 =	vmul.f32 v25, v31;
	v19 =	vmul.f32 v54, v58;
	[tilespmem:$0x1FEB0] =	vst v51  }
0x1dc: {  	v58 =	vmul.f32 v57, v24;
	v14 =	vmul.f32 v53, v53;
	v13 =	vadd.f32 v8, v37;
	[tilespmem:$0x1FEC0] =	vst v52  }
0x1dd: {  	v22 =	vmul.f32 v47, v31;
	v3 =	vmul.f32 v57, v31;
	[tilespmem:$0x1FED0] =	vst v53  }
0x1de: {  	v20 =	vadd.f32 v20, v38;
	[tilespmem:s9+$0x10] =	vst v13;
	v13 =	vadd.f32 v14, v0;
	v14 =	vmul.f32 v55, v24  }
0x1df: {  	v22 =	vmul.f32 v22, v62;
	v8 =	vld [tilespmem:s23+$0xC0];
	v0 =	vmul.f32 v3, v63;
	v3 =	vadd.f32 v2, v39  }
0x1e0: {  	v11 =	vadd.f32 v11, v35;
	v62 =	vmul.f32 v57, v30;
	[tilespmem:s9+$0x20] =	vst v20;
	v57 =	vmul.f32 v14, v18;
	v14 =	vld [tilespmem:s24+$0xC0]  }
0x1e1: {  	v46 =	vmul.f32 v25, v44;
	v15 =	vadd.f32 v15, v39;
	v61 =	vadd.f32 v22, v39;
	v2 =	vld [tilespmem:$0x1FEE0];
	[tilespmem:s9+$0x30] =	vst v3  }
0x1e2: {  	v25 =	vmul.f32 v47, v29;
	v51 =	vadd.f32 v51, v49;
	v52 =	vadd.f32 v53, v52;
	[tilespmem:s9+$0x40] =	vst v11  }
0x1e3: {  	[tilespmem:s9+$0x70] =	vst v15;
	v15 =	vadd.f32 v19, v35  }
0x1e4: {  	v25 =	vmul.f32 v25, v9;
	v43 =	vadd.f32 v52, v51;
	v11 =	vadd.f32 v48, v38;
	[tilespmem:s9+$0xFFFFFF30] =	vst v61  }
0x1e5: {  	v20 =	vmul.f32 v55, v29;
	(xrf2) =	vadd.scan.msk.f32 $0xffff, v13;
	[tilespmem:s9+$0xFFFFFF00] =	vst v15;
	v15 =	vadd.f32 v28, v38  }
0x1e6: {  	(xrf2) =	vadd.scan.msk.f32 $0xffff, v43;
	[tilespmem:s9+$0x60] =	vst v11;
	v8 =	vadd.f32 v14, v8;
	v14 =	vadd.f32 v21, v35  }
0x1e7: {  	[tilespmem:s9+$0xFFFFFF20] =	vst v15;
	v2 =	vmul.f32 v20, v2;
	v20 =	vadd.f32 v26, v37  }
0x1e8: {  	[tilespmem:s9+$0x80] =	vst v14;
	v14 =	vadd.f32 v25, v37  }
0x1e9: {  	[tilespmem:s9+$0x50] =	vst v20  }
0x1ea: {  	v1 =	vimm.s32 $0x3;
	[tilespmem:s9+$0xFFFFFF10] =	vst v14  }
0x1eb: {  	v56 =	vperm.xlane v4, v1;
	v12 =	vmul.f32 v58, v12;
	v1 =	vld [tilespmem:$0x1FEF0]  }
0x1ec: {  	v13 =	vmul.f32 v55, v30;
	v14 =	vmul.f32 v27, v29  }
0x1ed: {  	v53 =	vld [tilespmem:s23+$0xF0];
	v18 =	vmul.f32 v55, v31  }
0x1ee: {  	v12 =	vadd.f32 v12, v35;
	v58 =	vmul.f32 v13, v17;
	v13 =	vld [tilespmem:s23+$0xD0]  }
0x1ef: {  	v3 =	vmul.f32 v18, v6;
	v6 =	vld [tilespmem:s24+$0xD0];
	v15, _, _ =	vpop (xrf2)  }
0x1f0: {  	v9 =	vmul.f32 v62, v7;
	v7 =	vld [tilespmem:s23+$0xE0];
	[tilespmem:s9+$0xFFFFFF40] =	vst v12;
	v4 =	vmul.f32 v14, v1;
	v14, _, _ =	vpop (xrf2)  }
0x1f1: {  	v55 =	vld [tilespmem:s24+$0xE0];
	[tilespmem:s21+$0x18652] =	vst.msk vm0, v14  }
0x1f2: {  	v11 =	vld [tilespmem:s24+$0xF0];
	[tilespmem:s21+$0x18762] =	vst.msk vm0, v15  }
0x1f3: {  	v54 =	vmul.f32 v23, v42;
	v45 =	vmul.f32 v23, v41;
	v1 =	vld [tilespmem:$0x1FF00]  }
0x1f4: {  	v10 =	vadd.f32 v10, v37;
	v6 =	vadd.f32 v6, v13;
	v13 =	vmul.f32 v56, v42  }
0x1f5: {  	v63 =	vadd.f32 v5, v37;
	v43 =	vmul.f32 v23, v40;
	v26 =	vmul.f32 v27, v24  }
0x1f6: {  	v21 =	vmul.f32 v60, v29;
	v18 =	vadd.f32 v8, v13;
	v13 =	vmul.f32 v27, v30;
	[tilespmem:s9+$0xFFFFFF50] =	vst v10  }
0x1f7: {  	v7 =	vadd.f32 v55, v7;
	v62 =	vmul.f32 v26, v16;
	v8 =	vmul.f32 v56, v40;
	[tilespmem:s9+$0x90] =	vst v63  }
0x1f8: {  	v26 =	vmul.f32 v23, v59;
	v11 =	vadd.f32 v11, v53;
	v5 =	vmul.f32 v13, v1;
	v1 =	vld [tilespmem:$0x1FF30]  }
0x1f9: {  	v19 =	vadd.f32 v6, v8;
	v8 =	vmul.f32 v56, v59;
	v14 =	vmul.f32 v56, v41  }
0x1fa: {  	v20 =	vmul.f32 v60, v24;
	v23 =	vmul.f32 v60, v30;
	v6 =	vld [tilespmem:s23+$0xFFFFFFC0]  }
0x1fb: {  	v15 =	vmul.f32 v27, v31;
	v31 =	vadd.f32 v11, v8;
	v56 =	vadd.f32 v7, v14;
	v7 =	vld [tilespmem:s24+$0xFFFFFFC0]  }
0x1fc: {  	s8 =	sshll.u32 s19, $0x1;
	s12 =	simm.s32 $0x890;
	v8 =	vmul.f32 v18, v18;
	v11 =	vmul.f32 v19, v19;
	v10 =	vadd.f32 v9, v38;
	v61 =	vld [tilespmem:s23+$0xFFFFFFD0];
	[tilespmem:$0x1FF10] =	vst v18  }
0x1fd: {  	s16 =	simm.s32 $0x8B50;
	s4 =	simm.s32 $0x2;
	s15 =	simm.s32 $0x20;
	v9 =	vadd.f32 v19, v18;
	[tilespmem:$0x1FF20] =	vst v19;
	v12 =	vadd.f32 v31, v56;
	v1 =	vmul.f32 v15, v1  }
.LBB2_5:
0x1fe: {  	v13 =	vld [tilespmem:s16+$0x30]  }
0x1ff: {  	v16 =	vld [tilespmem:s16+$0x20]  }
0x200: {  	v59 =	vld [tilespmem:$0x1FFB0]  }
0x201: {  	v17 =	vld [tilespmem:s16+$0x0]  }
0x202: {  	v55 =	vld [tilespmem:$0x1FF80]  }
0x203: {  	v60 =	vld [tilespmem:$0x1FFA0]  }
0x204: {  	v49 =	vld [tilespmem:$0x1FFC0]  }
0x205: {  	v52 =	vld [tilespmem:$0x1FFD0]  }
0x206: {  	v48 =	vld [tilespmem:$0x1FFF0]  }
0x207: {  	[tilespmem:s9+$0xFFFFFF60] =	vst v10;
	v10 =	vld [tilespmem:$0x1FE60]  }
0x208: {  	[tilespmem:$0x1FC60] =	vst v56;
	s24 =	sadd.s32 $0x200, s24;
	v8 =	vadd.f32 v11, v8;
	v11 =	vmul.f32 v56, v56;
	v56 =	vld [tilespmem:$0x1FF90]  }
0x209: {  	v14 =	vld [tilespmem:s24+$0x30];
	v9 =	vadd.f32 v12, v9  }
0x20a: {  	s15 =	sadd.s32 $0x20, s15;
	v12 =	vld [tilespmem:$0x1FE70];
	v8 =	vadd.f32 v11, v8;
	v11 =	vmul.f32 v31, v31;
	v0 =	vadd.f32 v0, v59  }
0x20b: {  	s18 =	sshra.s32 s15, $0x2;
	(xrf2) =	vadd.scan.msk.f32 $0xffff, v9;
	v9 =	vld [tilespmem:s24+$0x0];
	v6 =	vadd.f32 v7, v6;
	v7 =	vadd.f32 v57, v55  }
0x20c: {  	v8 =	vadd.f32 v11, v8;
	v3 =	vadd.f32 v3, v59;
	v10 =	vmul.f32 v20, v10;
	v20 =	vld [tilespmem:s18+$0x404];
	[tilespmem:s9+$0xFFFFFF70] =	vst v0  }
0x20d: {  	v42 =	vadd.f32 v6, v54;
	v6 =	vld [tilespmem:s16+$0x10];
	v0 =	vadd.f32 v2, v56;
	[tilespmem:s9+$0xFFFFFF80] =	vst v7  }
0x20e: {  	v54 =	vld [tilespmem:$0x1FFE0];
	v2 =	vadd.f32 v58, v60;
	[tilespmem:s9+$0xFFFFFFB0] =	vst v3  }
0x20f: {  	v15 =	vmul.f32 v23, v50;
	(xrf2) =	vadd.scan.msk.f32 $0xffff, v8;
	v7 =	vadd.f32 v62, v55;
	v8 =	vld [tilespmem:s24+$0x10];
	[tilespmem:s9+$0xFFFFFF90] =	vst v0  }
0x210: {  	v24 =	vimm.s32 $0x0;
	[tilespmem:s9+$0xFFFFFFA0] =	vst v2;
	v2 =	vadd.f32 v4, v56;
	v4 =	vadd.f32 v5, v60;
	v5 =	vld [tilespmem:s24+$0x20]  }
0x211: {  	v1 =	vadd.f32 v1, v59;
	v15 =	vadd.f32 v15, v60;
	v12 =	vmul.f32 v21, v12;
	v11 =	vld [tilespmem:s18+$0x400]  }
0x212: {  	v3 =	vadd.f32 v32, v60;
	v10 =	vadd.f32 v10, v55;
	[tilespmem:s9+$0xFFFFFFC0] =	vst v7;
	v19 =	vperm.xlane v20, v24  }
0x213: {  	v12 =	vadd.f32 v12, v56;
	v7 =	vadd.f32 v46, v59;
	v18 =	vld [tilespmem:s16+$0xFFFFFF00];
	[tilespmem:s9+$0xFFFFFFD0] =	vst v2  }
0x214: {  	v58 =	vmovc v20;
	v2 =	vadd.f32 v9, v17;
	v9 =	vadd.f32 v14, v13;
	v20 =	vld [tilespmem:s24+$0xFFFFFF00];
	v13 =	vmul.f32 v19, v49  }
0x215: {  	[tilespmem:s9+$0xFFFFFFE0] =	vst v4;
	v8 =	vadd.f32 v8, v6;
	v14 =	vmul.f32 v19, v52;
	v40 =	vmul.f32 v19, v54  }
0x216: {  	v4 =	vld [tilespmem:s16+$0xFFFFFF10];
	[tilespmem:s9+$0xFFFFFFF0] =	vst v1;
	v19 =	vmul.f32 v19, v48;
	v25 =	vadd.f32 v5, v16;
	v22 =	vperm.xlane v11, v24  }
0x217: {  	[tilespmem:s9+$0xA0] =	vst v3;
	v1 =	vld [tilespmem:s24+$0xFFFFFF10];
	v6 =	vadd.f32 v2, v13;
	v5 =	vadd.f32 v8, v14;
	v2 =	vimm.s32 $0x1  }
0x218: {  	[tilespmem:s9+$0xC0] =	vst v10;
	v23 =	vld [tilespmem:s16+$0xFFFFFF20];
	v3 =	vadd.f32 v9, v19;
	v8 =	vperm.xlane v11, v2;
	v2 =	vadd.f32 v25, v40  }
0x219: {  	s26 =	sor.u32 $0x7, s11;
	[tilespmem:s9+$0xB0] =	vst v7;
	v21, _, _ =	vpop (xrf2);
	v7 =	vld [tilespmem:s24+$0xFFFFFF20];
	v9 =	vadd.f32 v20, v18;
	v13 =	vmul.f32 v6, v6;
	v14 =	vmul.f32 v5, v5  }
0x21a: {  	v10 =	vld [tilespmem:s16+$0xFFFFFF30];
	[tilespmem:s26+$0x18650] =	vst.msk vm0, v21;
	v41, _, _ =	vpop (xrf2);
	v44 =	vmul.f32 v22, v49;
	v19 =	vadd.f32 v5, v6;
	v46 =	vmul.f32 v22, v52  }
0x21b: {  	v18 =	vld [tilespmem:s24+$0xFFFFFF30];
	v20 =	vadd.f32 v3, v2;
	[tilespmem:s26+$0x18760] =	vst.msk vm0, v41;
	v13 =	vadd.f32 v14, v13;
	v14 =	vmul.f32 v2, v2  }
0x21c: {  	v17 =	vmul.f32 v8, v54;
	v21 =	vld [tilespmem:s21+$0x18654];
	[tilespmem:s9+$0xD0] =	vst v12;
	v1 =	vadd.f32 v1, v4;
	v38 =	vadd.f32 v9, v44  }
0x21d: {  	v4 =	vmul.f32 v22, v54;
	[tilespmem:s9+$0xE0] =	vst v15;
	v12 =	vadd.f32 v20, v19;
	v9 =	vadd.f32 v14, v13  }
0x21e: {  	v13 =	vmul.f32 v3, v3;
	v14 =	vld [tilespmem:s21+$0x18764];
	v50 =	vadd.f32 v1, v46;
	v1 =	vadd.f32 v7, v23  }
0x21f: {  	v57 =	vimm.s32 $0x2;
	v15 =	vmul.f32 v22, v48;
	v47 =	vmul.f32 v38, v38;
	(xrf2) =	vadd.scan.msk.f32 $0xffff, v12  }
0x220: {  	v9 =	vadd.f32 v13, v9;
	v39 =	vadd.f32 v1, v4;
	v1 =	vmul.f32 v50, v50  }
0x221: {  	v19 =	vmul.f32 v8, v49;
	v10 =	vadd.f32 v18, v10;
	v7 =	vmul.f32 $1.562500000e-02, v21  }
0x222: {  	v20 =	vmul.f32 v8, v52;
	(xrf2) =	vadd.scan.msk.f32 $0xffff, v9;
	v1 =	vadd.f32 v1, v47;
	v18 =	vmul.f32 v39, v39  }
0x223: {  	v40 =	vadd.f32 v10, v15;
	v14 =	vmul.f32 $1.562500000e-02, v14;
	v15 =	vmul.f32 v7, v7  }
0x224: {  	v25 =	vld [tilespmem:s12+$0xFFFFFFD0];
	v1 =	vadd.f32 v18, v1;
	v18 =	vmul.f32 v8, v48;
	v8 =	vperm.xlane v11, v57  }
0x225: {  	v29 =	vmov v2;
	v2 =	vld [tilespmem:$0x1FD90];
	v21 =	vmul.f32 v40, v40;
	v14 =	vsub.f32 v14, v15  }
0x226: {  	v12 =	vld [tilespmem:s23+$0xFFFFFFE0];
	v10 =	vadd.f32 v50, v38;
	v22 =	vmul.f32 v8, v49  }
0x227: {  	v13 =	vld [tilespmem:s12+$0xFFFFFFE0];
	v1 =	vadd.f32 v21, v1;
	v14 =	vadd.f32 $9.999999960e-13, v14  }
0x228: {  	v51 =	vadd.f32 v40, v39;
	v53 =	vperm.xlane v7, v24;
	v23 =	vmul.f32 v8, v52;
	[tilespmem:$0x1FC90] =	vst v22  }
0x229: {  	v4 =	vld [tilespmem:s23+$0xFFFFFFF0];
	v21, _, _ =	vpop (xrf2);
	v22 =	vshra.s32 v14, $0x1;
	v14 =	vmul.f32 $5.000000000e-01, v14;
	(xrf2) =	vadd.scan.msk.f32 $0xffff, v1;
	v1 =	vmul.f32 v8, v48  }
0x22a: {  	v9 =	vld [tilespmem:s12+$0xFFFFFFF0];
	v24 =	vmovc v5;
	v10 =	vadd.f32 v51, v10;
	v15 =	vimm.s32 $0x3;
	[tilespmem:$0x1FCA0] =	vst v23;
	v22 =	vsub.s32 $0x5F3759DF, v22  }
0x22b: {  	v47 =	vld [tilespmem:$0x1FF60];
	v11 =	vperm.xlane v11, v15;
	v15 =	vadd.f32 v25, v61;
	[tilespmem:$0x1FCD0] =	vst v1;
	v1 =	vmul.f32 v22, v14  }
0x22c: {  	v5 =	vld [tilespmem:$0x1FD80];
	v12 =	vadd.f32 v13, v12;
	v16 =	vsub.f32 v2, v53;
	v23 =	vmul.f32 v8, v54;
	[tilespmem:s18+$0x18654] =	vst.msk vm0, v21;
	v8, _, _ =	vpop (xrf2)  }
0x22d: {  	v2 =	vld [tilespmem:$0x1FDF0];
	v61 =	vadd.f32 v15, v43;
	v15 =	vmul.f32 v11, v52;
	[tilespmem:s18+$0x18764] =	vst.msk vm0, v8;
	v21 =	vmul.f32 v22, v1  }
0x22e: {  	v13 =	vmul.f32 v11, v54;
	[tilespmem:$0x1FCC0] =	vst v23;
	v23 =	vmul.f32 v11, v49;
	(xrf2) =	vadd.scan.msk.f32 $0xffff, v10;
	v8 =	vld [tilespmem:s16+$0x70]  }
0x22f: {  	v0 =	vmul.f32 v42, v42;
	v62 =	vadd.f32 v12, v45;
	[tilespmem:$0x1FD50] =	vst v15;
	v10 =	vmul.f32 v11, v48;
	v11 =	vld [tilespmem:s24+$0x70]  }
0x230: {  	v4 =	vadd.f32 v9, v4;
	v9 =	vmul.f32 v61, v61;
	[tilespmem:$0x1FD20] =	vst v23;
	v23 =	vld [tilespmem:s24+$0x60];
	v1 =	vmov v13  }
0x231: {  	v15 =	vsub.f32 $1.500000000e+00, v21;
	v13 =	vld [tilespmem:s16+$0x60];
	[tilespmem:$0x1FCB0] =	vst v1;
	v21 =	vmov v6;
	v6 =	vmov v10  }
0x232: {  	v0 =	vadd.f32 v9, v0;
	v9 =	vmul.f32 v62, v62;
	v1 =	vadd.f32 v4, v26;
	v4 =	vld [tilespmem:$0x1FD70];
	[tilespmem:$0x1FCE0] =	vst v6  }
0x233: {  	v30 =	vimm.s32 $0x1;
	v5 =	vsub.f32 v5, v53;
	v6 =	vld [tilespmem:$0x1FD60];
	[tilespmem:$0x1FD60] =	vst v24;
	v24 =	vmov v3  }
0x234: {  	v0 =	vadd.f32 v9, v0;
	v15 =	vmul.f32 v22, v15;
	v22 =	vperm.xlane v7, v30;
	[tilespmem:$0x1FD90] =	vst v24;
	v24 =	vld [tilespmem:$0x1FDE0]  }
0x235: {  	v12 =	vadd.f32 v61, v42;
	v25 =	vld [tilespmem:s16+$0x40];
	v26 =	vadd.f32 v1, v62;
	v9 =	vmul.f32 v1, v1  }
0x236: {  	v10 =	vld [tilespmem:s24+$0x40];
	v14 =	vmul.f32 v15, v14;
	v2 =	vsub.f32 v2, v22;
	v8 =	vadd.f32 v11, v8  }
0x237: {  	v27 =	vld [tilespmem:s16+$0x50];
	[tilespmem:$0x1FD70] =	vst v21;
	v21 =	vperm.xlane v7, v57;
	v28, _, _ =	vpop (xrf2);
	v12 =	vadd.f32 v26, v12;
	v35 =	vadd.f32 v9, v0  }
0x238: {  	v9 =	vperm.xlane v58, v30;
	v26 =	vld [tilespmem:s24+$0x50];
	v13 =	vadd.f32 v23, v13;
	v14 =	vmul.f32 v14, v15;
	v0, _, _ =	vpop (xrf2)  }
0x239: {  	v51 =	vld [tilespmem:$0x1FF70];
	v23 =	vimm.s32 $0x3;
	v4 =	vsub.f32 v4, v53;
	[tilespmem:s18+$0x18650] =	vst.msk vm0, v0;
	v24 =	vsub.f32 v24, v22  }
0x23a: {  	(xrf2) =	vadd.scan.msk.f32 $0xffff, v35;
	v3 =	vmul.f32 v9, v48;
	v14 =	vsub.f32 $1.500000000e+00, v14;
	v0 =	vld [tilespmem:$0x1FE00];
	[tilespmem:s18+$0x18760] =	vst.msk vm0, v28  }
0x23b: {  	v30 =	vmul.f32 v9, v49;
	v45 =	vmul.f32 v9, v54;
	v10 =	vadd.f32 v10, v25;
	[tilespmem:$0x1FC70] =	vst v24;
	v24 =	vld [tilespmem:$0x1FE10]  }
0x23c: {  	v9 =	vmul.f32 v9, v52;
	(xrf2) =	vadd.scan.msk.f32 $0xffff, v12;
	v8 =	vadd.f32 v8, v3;
	v11 =	vmul.f32 v14, v15;
	v14 =	vld [tilespmem:s16+$0xFFFFFF40]  }
0x23d: {  	v3 =	vperm.xlane v7, v23;
	v30 =	vadd.f32 v10, v30;
	v15 =	vadd.f32 v26, v27;
	v12 =	vld [tilespmem:s24+$0xFFFFFF40]  }
0x23e: {  	[tilespmem:$0x1FD80] =	vst v29;
	v6 =	vsub.f32 v6, v53;
	v29 =	vadd.f32 v13, v45;
	v7 =	vld [tilespmem:s16+$0xFFFFFF50];
	v23 =	vperm.xlane v11, v23  }
0x23f: {  	v10 =	vld [tilespmem:s24+$0xFFFFFF50];
	v13 =	vsub.f32 v31, v3;
	v26 =	vmul.f32 v30, v30;
	v28 =	vadd.f32 v15, v9  }
0x240: {  	v25 =	vld [tilespmem:s16+$0xFFFFFF60];
	v0 =	vsub.f32 v0, v22;
	v15 =	vmul.f32 v23, v51;
	v22 =	vsub.f32 v24, v22  }
0x241: {  	v63 =	vimm.s32 $0x1;
	v44 =	vld [tilespmem:s24+$0xFFFFFF70];
	v31 =	vmul.f32 v28, v28;
	[tilespmem:$0x1FDE0] =	vst v28;
	v28 =	vadd.f32 v28, v30;
	v24 =	vmovc v8  }
0x242: {  	v35 =	vimm.s32 $0x0;
	v12 =	vadd.f32 v12, v14;
	v43 =	vadd.f32 v24, v29;
	[tilespmem:$0x1FC80] =	vst v22;
	v22 =	vld [tilespmem:s24+$0xFFFFFF60]  }
0x243: {  	v14 =	vld [tilespmem:s16+$0xFFFFFF70];
	v13 =	vmul.f32 v15, v13;
	v15 =	vadd.f32 v31, v26;
	v26 =	vmul.f32 v29, v29  }
0x244: {  	v53 =	vld [tilespmem:$0x1FF40];
	v9 =	vperm.xlane v11, v35;
	v7 =	vadd.f32 v10, v7;
	v28 =	vadd.f32 v43, v28  }
0x245: {  	v27, _, _ =	vpop (xrf2);
	[tilespmem:$0x1FE10] =	vst v24;
	v24 =	vmul.f32 v8, v24;
	v10 =	vadd.f32 v26, v15;
	v43 =	vperm.xlane v11, v63;
	v63 =	vld [tilespmem:$0x1FF50]  }
0x246: {  	[tilespmem:$0x1FE00] =	vst v29;
	v26 =	vadd.f32 v12, v19;
	v8, _, _ =	vpop (xrf2);
	(xrf2) =	vadd.scan.msk.f32 $0xffff, v28;
	v28 =	vadd.f32 v7, v20  }
0x247: {  	v29 =	vmul.f32 v9, v51;
	[tilespmem:s21+$0x18653] =	vst.msk vm0, v8;
	v7 =	vadd.f32 v24, v10;
	v10 =	vadd.f32 v22, v25  }
0x248: {  	v15 =	vperm.xlane v11, v57;
	v11 =	vmul.f32 v26, v26;
	v8 =	vadd.f32 v44, v14;
	[tilespmem:s21+$0x18763] =	vst.msk vm0, v27  }
0x249: {  	v20 =	vmul.f32 v9, v53;
	v12 =	vmul.f32 v28, v28;
	(xrf2) =	vadd.scan.msk.f32 $0xffff, v7;
	v45 =	vadd.f32 v10, v17  }
0x24a: {  	v24 =	vmul.f32 v9, v47;
	v25 =	vmul.f32 v9, v63;
	v9 =	vld [tilespmem:s21+$0x18650]  }
0x24b: {  	[tilespmem:$0x1FDF0] =	vst v30;
	v30 =	vadd.f32 v8, v18;
	v8 =	vadd.f32 v12, v11;
	v10 =	vmul.f32 v45, v45  }
0x24c: {  	v19 =	vadd.f32 v28, v26;
	v7 =	vsub.f32 v36, v21  }
0x24d: {  	v36 =	vmul.f32 v30, v30;
	v18 =	vadd.f32 v30, v45;
	v27 =	vadd.f32 v10, v8  }
0x24e: {  	v13 =	vadd.f32 v13, v59  }
0x24f: {  	v18 =	vadd.f32 v18, v19;
	v19 =	vadd.f32 v36, v27;
	v27 =	vmul.f32 $1.562500000e-02, v9  }
0x250: {  	v37 =	vimm.s32 $0x3;
	s11 =	sadd.s32 $0x8, s11;
	s9 =	sadd.s32 $0x200, s9  }
0x251: {  	s26 =	sor.u32 $0x5, s11;
	[tilespmem:s9+$0xF0] =	vst v13;
	v22, _, _ =	vpop (xrf2);
	v32 =	vperm.xlane v27, v37;
	v37 =	vmul.f32 v23, v63  }
0x252: {  	v46 =	vld [tilespmem:s21+$0x18760];
	[tilespmem:s26+$0x18650] =	vst.msk vm0, v22;
	(xrf2) =	vadd.scan.msk.f32 $0xffff, v19  }
0x253: {  	v22, _, _ =	vpop (xrf2);
	(xrf2) =	vadd.scan.msk.f32 $0xffff, v18;
	v18 =	vld [tilespmem:$0x1FDB0];
	[tilespmem:$0x1FCF0] =	vst v37;
	v37 =	vmul.f32 v20, v4;
	v4 =	vmov v50  }
0x254: {  	[tilespmem:$0x1FDB0] =	vst v4;
	v4 =	vld [tilespmem:$0x1FDD0]  }
0x255: {  	v12 =	vmul.f32 v15, v53  }
0x256: {  	v10 =	vmul.f32 v15, v63;
	v8 =	vmul.f32 v15, v47  }
0x257: {  	v9 =	vmul.f32 v15, v51;
	v15 =	vsub.f32 v34, v21;
	v34 =	vperm.xlane v27, v35  }
0x258: {  	v17 =	vmul.f32 $1.562500000e-02, v46;
	v46 =	vld [tilespmem:$0x1FE80]  }
0x259: {  	v19 =	vmul.f32 v27, v27;
	[tilespmem:s26+$0x18760] =	vst.msk vm0, v22;
	v22 =	vsub.f32 v4, v34;
	v4 =	vld [tilespmem:$0x1FE20]  }
0x25a: {  	v41 =	vimm.s32 $0x1;
	v44 =	vmul.f32 v23, v53;
	v31 =	vmul.f32 v43, v53  }
0x25b: {  	v14 =	vmul.f32 v43, v47;
	v13 =	vmul.f32 v43, v63;
	v19 =	vsub.f32 v17, v19  }
0x25c: {  	v11 =	vmul.f32 v43, v51;
	v43 =	vsub.f32 v33, v21;
	v33 =	vperm.xlane v27, v41  }
0x25d: {  	[tilespmem:$0x1FD10] =	vst v44;
	v44 =	vsub.f32 v46, v21;
	v41 =	vld [tilespmem:$0x1FDA0];
	v20 =	vmov v38;
	v21 =	vadd.f32 $9.999999960e-13, v19  }
0x25e: {  	[tilespmem:$0x1FDA0] =	vst v20;
	v19 =	vld [tilespmem:$0x1FDC0];
	v20 =	vsub.f32 v4, v33;
	v4 =	vmov v39  }
0x25f: {  	v38 =	vmul.f32 $5.000000000e-01, v21;
	[tilespmem:$0x1FDC0] =	vst v4;
	v4 =	vshra.s32 v21, $0x1;
	v21 =	vld [tilespmem:$0x1FE30];
	_ =	sdelay $0x4  }
0x260: {  	v6 =	vmul.f32 v25, v6;
	v25 =	vsub.f32 v21, v33;
	v21 =	vmovc v40;
	v40 =	vsub.s32 $0x5F3759DF, v4;
	v4 =	vld [tilespmem:$0x1FE40];
	_ =	sdelay $0x4  }
0x261: {  	[tilespmem:$0x1FDD0] =	vst v21;
	v21 =	vmov v26;
	v26 =	vsub.f32 v4, v33;
	v4 =	vld [tilespmem:$0x1FE50];
	_ =	sdelay $0x4  }
0x262: {  	v36 =	vperm.xlane v27, v57;
	v27 =	vsub.f32 v4, v33;
	v4 =	vmov v45  }
0x263: {  	[tilespmem:$0x1FE40] =	vst v4;
	v4 =	vld [tilespmem:$0x1FEA0];
	_ =	sdelay $0x1  }
0x264: {  	v16 =	vmul.f32 v29, v16;
	v29 =	vld [tilespmem:$0x1FF10]  }
0x265: {  	v17 =	vsub.f32 v41, v34;
	v41 =	vld [tilespmem:$0x1FED0];
	[tilespmem:$0x1FE20] =	vst v21;
	v21 =	vmov v30  }
0x266: {  	[tilespmem:$0x1FE50] =	vst v21;
	v21 =	vld [tilespmem:$0x1FEC0]  }
0x267: {  	v33 =	vmov v28;
	v28 =	vsub.f32 v4, v36;
	v4 =	vld [tilespmem:$0x1FEB0]  }
0x268: {  	v50 =	vld [tilespmem:s16+$0xA0]  }
0x269: {  	v24 =	vmul.f32 v24, v5;
	v5 =	vsub.f32 v42, v32;
	v42 =	vld [tilespmem:$0x1FF20]  }
0x26a: {  	v18 =	vsub.f32 v18, v34;
	v19 =	vsub.f32 v19, v34;
	v34 =	vld [tilespmem:s16+$0x80]  }
0x26b: {  	v39 =	vld [tilespmem:s24+$0x80];
	v21 =	vsub.f32 v21, v36  }
0x26c: {  	v30 =	vld [tilespmem:s24+$0x90];
	v4 =	vsub.f32 v4, v36;
	v36 =	vsub.f32 v41, v36  }
0x26d: {  	v61 =	vsub.f32 v61, v32;
	v62 =	vsub.f32 v62, v32;
	[tilespmem:$0x1FE30] =	vst v33;
	v33 =	vld [tilespmem:s16+$0x90]  }
0x26e: {  	v29 =	vsub.f32 v29, v3;
	[tilespmem:$0x1FD00] =	vst v36;
	v36 =	vld [tilespmem:s24+$0xA0]  }
0x26f: {  	[tilespmem:$0x1FD30] =	vst v61;
	v61 =	vperm.xlane v58, v57  }
0x270: {  	[tilespmem:$0x1FE60] =	vst v29;
	v10 =	vmul.f32 v10, v15;
	v45 =	vmul.f32 v40, v38;
	v41, _, _ =	vpop (xrf2)  }
0x271: {  	s21 =	smov.u32 s18;
	v46 =	vld [tilespmem:s16+$0xB0];
	v1 =	vsub.f32 v1, v32;
	[tilespmem:$0x1FD40] =	vst v62;
	v29 =	vmul.f32 v61, v49;
	v42 =	vsub.f32 v42, v3;
	v62, _, _ =	vpop (xrf2)  }
0x272: {  	v35 =	vld [tilespmem:s24+$0xB0];
	v34 =	vadd.f32 v39, v34;
	v45 =	vmul.f32 v40, v45;
	v30 =	vadd.f32 v30, v33;
	[tilespmem:s21+$0x18651] =	vst.msk vm0, v62  }
0x273: {  	v15 =	vld [tilespmem:$0x1FC90];
	v33 =	vmul.f32 v61, v52;
	[tilespmem:s21+$0x18761] =	vst.msk vm0, v41;
	v62 =	vadd.f32 v36, v50;
	v50 =	vmul.f32 v61, v54  }
0x274: {  	[tilespmem:$0x1FE70] =	vst v42;
	v32 =	vsub.f32 $1.500000000e+00, v45;
	v42 =	vld [tilespmem:s16+$0xFFFFFF80];
	v36 =	vadd.f32 v34, v29  }
0x275: {  	v34 =	vadd.f32 v30, v33;
	v33 =	vadd.f32 v62, v50;
	v50 =	vld [tilespmem:$0x1FC60]  }
0x276: {  	v2 =	vmul.f32 v31, v2;
	v31 =	vld [tilespmem:s16+$0xFFFFFF90]  }
0x277: {  	v35 =	vadd.f32 v35, v46;
	v45 =	vmul.f32 v61, v48;
	v46 =	vld [tilespmem:s24+$0xFFFFFFA0];
	v29 =	vmul.f32 v40, v32  }
0x278: {  	v30 =	vld [tilespmem:s24+$0xFFFFFF80];
	v61 =	vmul.f32 v36, v36;
	v62 =	vmul.f32 v34, v34  }
0x279: {  	v32 =	vadd.f32 v35, v45;
	v45 =	vld [tilespmem:s16+$0xFFFFFFA0];
	v38 =	vmul.f32 v29, v38  }
0x27a: {  	v35 =	vadd.f32 v62, v61;
	v39 =	vmul.f32 v33, v33;
	v50 =	vsub.f32 v50, v3;
	v3 =	vld [tilespmem:s24+$0xFFFFFF90]  }
0x27b: {  	v40 =	vadd.f32 v34, v36;
	v41 =	vadd.f32 v32, v33;
	v61 =	vld [tilespmem:$0x1FC70];
	v38 =	vmul.f32 v38, v29  }
0x27c: {  	[tilespmem:$0x1FE80] =	vst v32;
	v35 =	vadd.f32 v39, v35;
	v39 =	vmul.f32 v32, v32;
	v32 =	vmul.f32 v8, v43;
	v8 =	vld [tilespmem:$0x1FCA0]  }
0x27d: {  	v0 =	vmul.f32 v14, v0;
	v62 =	vld [tilespmem:s24+$0xFFFFFFB0];
	v14 =	vadd.f32 v30, v42;
	v40 =	vadd.f32 v41, v40  }
0x27e: {  	v7 =	vmul.f32 v12, v7;
	v42 =	vld [tilespmem:$0x1FC80];
	v38 =	vsub.f32 $1.500000000e+00, v38;
	v12 =	vadd.f32 v39, v35  }
0x27f: {  	v6 =	vadd.f32 v6, v56;
	v30 =	vld [tilespmem:s16+$0xFFFFFFB0];
	(xrf2) =	vadd.scan.msk.f32 $0xffff, v40;
	v3 =	vadd.f32 v3, v31  }
0x280: {  	(xrf2) =	vadd.scan.msk.f32 $0xffff, v12;
	v12 =	vadd.f32 v37, v55;
	v31 =	vadd.f32 v14, v15;
	v14 =	vmul.f32 v38, v29;
	v15 =	vld [tilespmem:$0x1FCC0]  }
0x281: {  	v13 =	vmul.f32 v13, v61;
	v61 =	vimm.s32 $0x0;
	v29 =	vadd.f32 v3, v8  }
0x282: {  	[tilespmem:s9+$0x0] =	vst v12;
	v12 =	vld [tilespmem:$0x1FCD0];
	v3 =	vadd.f32 v46, v45;
	v46 =	vmul.f32 v9, v44;
	v9 =	vperm.xlane v14, v61  }
0x283: {  	v23 =	vmul.f32 v23, v47;
	v11 =	vmul.f32 v11, v42  }
0x284: {  	[tilespmem:s9+$0x10] =	vst v6;
	v6 =	vadd.f32 v24, v60;
	v8 =	vmul.f32 v31, v31;
	v37 =	vmul.f32 v9, v63  }
0x285: {  	[tilespmem:$0x1FEA0] =	vst v31;
	v61 =	vadd.f32 v3, v15;
	v3 =	vadd.f32 v62, v30;
	v15 =	vmul.f32 v29, v29  }
0x286: {  	[tilespmem:$0x1FEB0] =	vst v29;
	v29 =	vadd.f32 v29, v31;
	v30 =	vimm.s32 $0x1;
	v31 =	vperm.xlane v14, v57  }
0x287: {  	v62 =	vadd.f32 v3, v12;
	v3 =	vadd.f32 v15, v8;
	v8 =	vmul.f32 v61, v61  }
0x288: {  	v42 =	vimm.s32 $0x3;
	v57 =	vmul.f32 v9, v47;
	v30 =	vperm.xlane v14, v30  }
0x289: {  	v14 =	vperm.xlane v14, v42;
	v12 =	vmul.f32 v9, v53;
	v3 =	vadd.f32 v8, v3  }
0x28a: {  	[tilespmem:s9+$0x20] =	vst v6;
	v24 =	vmul.f32 v30, v63;
	v15 =	vadd.f32 v62, v61;
	v8 =	vmul.f32 v62, v62  }
0x28b: {  	v2 =	vadd.f32 v2, v55;
	s26 =	sor.u32 $0x6, s11;
	v44, _, _ =	vpop (xrf2);
	[tilespmem:$0x1FEC0] =	vst v61;
	v40 =	vmul.f32 v14, v63;
	v61 =	vmul.f32 v30, v47  }
0x28c: {  	[tilespmem:s26+$0x18650] =	vst.msk vm0, v44;
	v12 =	vmul.f32 v12, v17;
	v15 =	vadd.f32 v15, v29;
	v29 =	vadd.f32 v8, v3  }
0x28d: {  	v6 =	vadd.f32 v16, v59;
	v43 =	vld [tilespmem:$0x1FD50];
	[tilespmem:$0x1FED0] =	vst v62;
	v62 =	vmul.f32 v31, v47;
	v47 =	vmul.f32 v14, v47;
	v3, _, _ =	vpop (xrf2)  }
0x28e: {  	v45 =	vld [tilespmem:$0x1FCB0];
	v8 =	vmul.f32 v9, v51;
	v12 =	vadd.f32 v12, v55;
	(xrf2) =	vadd.scan.msk.f32 $0xffff, v29;
	[tilespmem:s26+$0x18760] =	vst.msk vm0, v3  }
0x28f: {  	v9 =	vmul.f32 v30, v53;
	v29 =	vmul.f32 v30, v51;
	(xrf2) =	vadd.scan.msk.f32 $0xffff, v15;
	v35 =	vld [tilespmem:s16+$0xF0];
	[tilespmem:s9+$0x30] =	vst v6  }
0x290: {  	v30 =	vmul.f32 v31, v63;
	v8 =	vmul.f32 v8, v22;
	[tilespmem:s9+$0xFFFFFF00] =	vst v12;
	v6 =	vadd.f32 v13, v56;
	v13 =	vld [tilespmem:s24+$0xF0]  }
0x291: {  	v0 =	vadd.f32 v0, v60;
	v3 =	vmul.f32 v31, v53;
	v15 =	vmul.f32 v14, v53;
	v53 =	vld [tilespmem:s16+$0xE0];
	[tilespmem:s9+$0x40] =	vst v2  }
0x292: {  	v9 =	vmul.f32 v9, v20;
	v31 =	vmul.f32 v31, v51;
	v2 =	vadd.f32 v11, v59;
	v11 =	vld [tilespmem:s16+$0xC0];
	[tilespmem:s9+$0x50] =	vst v6  }
0x293: {  	v14 =	vmul.f32 v14, v51;
	v51 =	vmul.f32 v37, v18;
	v6 =	vadd.f32 v7, v55;
	v7 =	vld [tilespmem:s24+$0xC0];
	[tilespmem:s9+$0x60] =	vst v0  }
0x294: {  	v18 =	vmul.f32 v57, v19;
	v19 =	vadd.f32 v10, v56;
	v8 =	vadd.f32 v8, v59;
	v10 =	vld [tilespmem:s16+$0xD0];
	[tilespmem:s9+$0x70] =	vst v2  }
0x295: {  	v16 =	vmul.f32 v61, v26;
	v20 =	vmul.f32 v24, v25;
	v9 =	vadd.f32 v9, v55;
	v22 =	vld [tilespmem:s24+$0xD0];
	[tilespmem:s9+$0x80] =	vst v6  }
0x296: {  	v17 =	vadd.f32 v51, v56;
	[tilespmem:s9+$0xFFFFFF30] =	vst v8;
	v2 =	vmul.f32 v30, v4;
	v4 =	vperm.xlane v58, v42;
	v6 =	vld [tilespmem:s24+$0xE0]  }
0x297: {  	v26 =	vld [tilespmem:$0x1FCE0];
	v12 =	vadd.f32 v18, v60;
	v57 =	vmul.f32 v3, v28;
	[tilespmem:s9+$0xFFFFFF40] =	vst v9;
	v58 =	vmul.f32 v62, v21  }
0x298: {  	v3 =	vld [tilespmem:$0x1FD00];
	v8 =	vadd.f32 v20, v56;
	[tilespmem:s9+$0xFFFFFF10] =	vst v17;
	v62 =	vmul.f32 v15, v5;
	v5 =	vmul.f32 v4, v49;
	v18, _, _ =	vpop (xrf2)  }
0x299: {  	v20 =	vld [tilespmem:$0x1FD10];
	[tilespmem:s9+$0xFFFFFF20] =	vst v12;
	v12 =	vmul.f32 v4, v48;
	v13 =	vadd.f32 v13, v35;
	v7 =	vadd.f32 v7, v11;
	v15, _, _ =	vpop (xrf2)  }
0x29a: {  	s4 =	sadd.s32 $0x2, s4;
	v11 =	vmul.f32 v4, v52;
	v10 =	vadd.f32 v22, v10;
	[tilespmem:s21+$0x18652] =	vst.msk vm0, v15;
	v15 =	vmul.f32 v4, v54;
	v4 =	vld [tilespmem:$0x1FD30]  }
0x29b: {  	p1 =	slt.u32 s4, $0x3E;
	v9 =	vadd.f32 v6, v53;
	v53 =	vadd.f32 v7, v5;
	v5 =	vld [tilespmem:$0x1FD40]  }
.Ltmp1:
0x29c: {  	v1 =	vmul.f32 v14, v1;
	v21 =	vld [tilespmem:$0x1FCF0];
	[tilespmem:s9+$0x90] =	vst v19;
	(pc) =	sbr.rel @p1 .LBB2_5-.Ltmp1, $4  }
0x29d: {  	v3 =	vmul.f32 v31, v3;
	v31 =	vadd.f32 v13, v12;
	v54 =	vld [tilespmem:$0x1FD20];
	[tilespmem:s21+$0x18762] =	vst.msk vm0, v18;
	v18 =	vadd.f32 v10, v11  }
0x29e: {  	v0 =	vmul.f32 v29, v27;
	v6 =	vld [tilespmem:s16+$0xFFFFFFC0];
	[tilespmem:s9+$0xFFFFFF50] =	vst v8;
	v10 =	vadd.f32 v16, v60;
	v56 =	vadd.f32 v9, v15  }
0x29f: {  	s23 =	smov.u32 s16;
	v7 =	vld [tilespmem:s24+$0xFFFFFFC0];
	v8 =	vmul.f32 v53, v53;
	[tilespmem:$0x1FF10] =	vst v53;
	v11 =	vmul.f32 v18, v18;
	v9 =	vadd.f32 v18, v53  }
0x2a0: {  	s12 =	smov.u32 s24;
	s16 =	sadd.s32 $0x200, s16;
	v61 =	vld [tilespmem:s23+$0xFFFFFFD0];
	[tilespmem:$0x1FF20] =	vst v18;
	v4 =	vmul.f32 v40, v4;
	v12 =	vadd.f32 v31, v56;
	v5 =	vmul.f32 v47, v5  }
0x2a1: {  	v8 =	vadd.f32 v11, v8;
	v11 =	vmul.f32 v56, v56;
	_ =	sdelay $0x1  }
0x2a2: {  	v8 =	vadd.f32 v11, v8;
	v11 =	vmul.f32 v31, v31  }
0x2a3: {  	v9 =	vadd.f32 v12, v9  }
0x2a4: {  	v8 =	vadd.f32 v11, v8  }
0x2a5: {  	(xrf2) =	vadd.scan.msk.f32 $0xffff, v9  }
0x2a6: {  	(xrf2) =	vadd.scan.msk.f32 $0xffff, v8;
	_ =	sdelay $0x7  }
0x2a7: {  	v13 =	vld [tilespmem:s23+$0xFFFFFFF0]  }
0x2a8: {  	s4 =	sor.u32 $0x7, s11;
	v9 =	vld [tilespmem:s12+$0xFFFFFFD0];
	v8, _, _ =	vpop (xrf2)  }
0x2a9: {  	v12 =	vld [tilespmem:s12+$0xFFFFFFE0];
	[tilespmem:s4+$0x18650] =	vst.msk vm0, v8;
	v8, _, _ =	vpop (xrf2)  }
0x2aa: {  	v11 =	vld [tilespmem:s23+$0xFFFFFFE0];
	[tilespmem:s4+$0x18760] =	vst.msk vm0, v8  }
0x2ab: {  	v8 =	vld [tilespmem:s21+$0x18654]  }
0x2ac: {  	v14 =	vld [tilespmem:s12+$0xFFFFFFF0];
	v6 =	vadd.f32 v7, v6  }
0x2ad: {  	v7 =	vadd.f32 v9, v61;
	v15 =	vld [tilespmem:s21+$0x18764]  }
0x2ae: {  	v6 =	vadd.f32 v6, v54  }
0x2af: {  	v9 =	vadd.f32 v12, v11;
	v7 =	vadd.f32 v7, v43  }
0x2b0: {  	v11 =	vmul.f32 v6, v6;
	v12 =	vmul.f32 $1.562500000e-02, v8  }
0x2b1: {  	v8 =	vadd.f32 v9, v45;
	v9 =	vadd.f32 v14, v13;
	v13 =	vmul.f32 v7, v7  }
0x2b2: {  	v14 =	vmul.f32 $1.562500000e-02, v15;
	v15 =	vmul.f32 v12, v12  }
0x2b3: {  	v9 =	vadd.f32 v9, v26;
	v11 =	vadd.f32 v13, v11;
	v13 =	vmul.f32 v8, v8;
	_ =	sdelay $0x1  }
0x2b4: {  	v14 =	vsub.f32 v14, v15;
	v11 =	vadd.f32 v13, v11;
	v13 =	vmul.f32 v9, v9  }
0x2b5: {  	v15 =	vadd.f32 v7, v6;
	v16 =	vadd.f32 v9, v8  }
0x2b6: {  	v14 =	vadd.f32 $9.999999960e-13, v14;
	v11 =	vadd.f32 v13, v11  }
0x2b7: {  	v13 =	vadd.f32 v16, v15  }
0x2b8: {  	v15 =	vshra.s32 v14, $0x1;
	v14 =	vmul.f32 $5.000000000e-01, v14;
	(xrf2) =	vadd.scan.msk.f32 $0xffff, v11  }
0x2b9: {  	v11 =	vsub.s32 $0x5F3759DF, v15;
	(xrf2) =	vadd.scan.msk.f32 $0xffff, v13  }
0x2ba: {  	v13 =	vmul.f32 v11, v14;
	_ =	sdelay $0x1  }
0x2bb: {  	v13 =	vmul.f32 v11, v13  }
0x2bc: {  	v61 =	vld [tilespmem:$0x1FFB0]  }
0x2bd: {  	v13 =	vsub.f32 $1.500000000e+00, v13;
	_ =	sdelay $0x1  }
0x2be: {  	v11 =	vmul.f32 v11, v13;
	_ =	sdelay $0x1  }
0x2bf: {  	v53 =	vld [tilespmem:$0x1FF80];
	v13 =	vadd.f32 v0, v61;
	v0 =	vmul.f32 v11, v14;
	v14, _, _ =	vpop (xrf2)  }
0x2c0: {  	v51 =	vld [tilespmem:$0x1FF90];
	v17, _, _ =	vpop (xrf2)  }
0x2c1: {  	v52 =	vld [tilespmem:$0x1FFA0];
	[tilespmem:s21+$0x18653] =	vst.msk vm0, v17  }
0x2c2: {  	v18 =	vadd.f32 v3, v61;
	v3 =	vld [tilespmem:$0x1FE60]  }
0x2c3: {  	v0 =	vmul.f32 v0, v11;
	_ =	sdelay $0x1  }
0x2c4: {  	[tilespmem:s21+$0x18763] =	vst.msk vm0, v14;
	v0 =	vsub.f32 $1.500000000e+00, v0  }
0x2c5: {  	v17 =	vadd.f32 v4, v51;
	v4 =	vld [tilespmem:$0x1FE70]  }
0x2c6: {  	v11 =	vmul.f32 v0, v11;
	v0 =	vld [tilespmem:$0x1FD70];
	v3 =	vmul.f32 v20, v3  }
0x2c7: {  	v14 =	vadd.f32 v1, v61  }
0x2c8: {  	v1 =	vmul.f32 v23, v50;
	v23 =	vadd.f32 v3, v53;
	v3 =	vimm.s32 $0x0  }
0x2c9: {  	v3 =	vperm.xlane v12, v3  }
0x2ca: {  	v4 =	vmul.f32 v21, v4  }
0x2cb: {  	v27 =	vsub.f32 v0, v3;
	v0 =	vimm.s32 $0x1  }
0x2cc: {  	v25 =	vadd.f32 v4, v51;
	v4 =	vperm.xlane v12, v0;
	v0 =	vld [tilespmem:$0x1FD60]  }
0x2cd: {  	v20 =	vadd.f32 v5, v52;
	v5 =	vld [tilespmem:s21+$0x18650];
	_ =	sdelay $0x2  }
0x2ce: {  	v29 =	vimm.s32 $0x3  }
0x2cf: {  	v26 =	vadd.f32 v1, v52;
	v1 =	vperm.xlane v11, v29;
	v28 =	vsub.f32 v0, v3  }
0x2d0: {  	v47 =	vld [tilespmem:$0x1FD90];
	v0 =	vperm.xlane v12, v29;
	v29 =	vmul.f32 $1.562500000e-02, v5;
	v5 =	vimm.s32 $0x2  }
0x2d1: {  	v5 =	vperm.xlane v12, v5;
	v12 =	vld [tilespmem:$0x1FD80];
	_ =	sdelay $0x1  }
0x2d2: {  	v24 =	vld [tilespmem:s21+$0x18760]  }
0x2d3: {  	v19 =	vadd.f32 v62, v53;
	v62 =	vld [tilespmem:$0x1FF70];
	_ =	sdelay $0x1  }
0x2d4: {  	v37 =	vsub.f32 v47, v3;
	v12 =	vsub.f32 v12, v3;
	v3 =	vld [tilespmem:$0x1FDF0]  }
0x2d5: {  	v60 =	vld [tilespmem:$0x1FF40]  }
0x2d6: {  	v59 =	vimm.s32 $0x0;
	v55 =	vld [tilespmem:$0x1FF50];
	v24 =	vmul.f32 $1.562500000e-02, v24;
	v35 =	vmul.f32 v29, v29  }
0x2d7: {  	v39 =	vimm.s32 $0x2;
	v63 =	vld [tilespmem:$0x1FF60];
	v30 =	vmul.f32 v1, v62;
	v31 =	vsub.f32 v31, v0  }
0x2d8: {  	v54 =	vimm.s32 $0x1;
	v2 =	vadd.f32 v2, v51;
	v48 =	vld [tilespmem:$0x1FDE0];
	v24 =	vsub.f32 v24, v35  }
0x2d9: {  	v30 =	vmul.f32 v30, v31;
	v38 =	vsub.f32 v3, v4;
	v3 =	vperm.xlane v11, v59  }
0x2da: {  	v31 =	vperm.xlane v11, v54;
	v24 =	vadd.f32 $9.999999960e-13, v24;
	v11 =	vperm.xlane v11, v39  }
0x2db: {  	v15 =	vadd.f32 v57, v53;
	v49 =	vld [tilespmem:$0x1FE00];
	[tilespmem:s9+$0xFFFFFF60] =	vst v10;
	v39 =	vmul.f32 v3, v60;
	v40 =	vmul.f32 v3, v55  }
0x2dc: {  	[tilespmem:s9+$0xFFFFFF70] =	vst v13;
	v41 =	vmul.f32 v3, v63;
	v44 =	vmul.f32 v3, v62;
	v3 =	vshra.s32 v24, $0x1  }
0x2dd: {  	v16 =	vadd.f32 v58, v52;
	v35 =	vsub.f32 v48, v4;
	v48 =	vsub.s32 $0x5F3759DF, v3;
	v3 =	vld [tilespmem:$0x1FE10];
	[tilespmem:s9+$0xFFFFFF80] =	vst v15  }
0x2de: {  	[tilespmem:s9+$0xFFFFFF90] =	vst v2  }
0x2df: {  	[tilespmem:s9+$0xFFFFFFA0] =	vst v16  }
0x2e0: {  	[tilespmem:s9+$0xFFFFFFB0] =	vst v18  }
0x2e1: {  	v18 =	vld [tilespmem:$0x1FE80];
	[tilespmem:s9+$0xFFFFFFC0] =	vst v19  }
0x2e2: {  	v24 =	vmul.f32 $5.000000000e-01, v24;
	v19 =	vld [tilespmem:$0x1FDA0]  }
0x2e3: {  	v43 =	vsub.f32 v49, v4;
	v50 =	vld [tilespmem:$0x1FDB0];
	[tilespmem:s9+$0xFFFFFFD0] =	vst v17  }
0x2e4: {  	v49 =	vmul.f32 v11, v60;
	v42 =	vld [tilespmem:$0x1FDD0];
	v13 =	vsub.f32 v3, v4;
	v4 =	vmul.f32 v48, v24  }
0x2e5: {  	v15 =	vadd.f32 v30, v61;
	v30 =	vmul.f32 v11, v55;
	v2 =	vmul.f32 v11, v62  }
0x2e6: {  	v3 =	vmul.f32 v11, v63;
	v11 =	vmul.f32 v48, v4  }
0x2e7: {  	v16 =	vsub.f32 v34, v5;
	v34 =	vperm.xlane v29, v59  }
0x2e8: {  	v22 =	vadd.f32 v46, v61;
	v17 =	vld [tilespmem:$0x1FDC0];
	[tilespmem:s9+$0xFFFFFFE0] =	vst v20;
	v11 =	vsub.f32 $1.500000000e+00, v11  }
0x2e9: {  	v58 =	vimm.s32 $0x2;
	v10 =	vsub.f32 v33, v5;
	v33 =	vsub.f32 v42, v34;
	v42 =	vld [tilespmem:$0x1FE30]  }
0x2ea: {  	v57 =	vimm.s32 $0x3;
	v45 =	vmul.f32 v31, v60;
	v11 =	vmul.f32 v48, v11;
	v48 =	vld [tilespmem:$0x1FE20];
	[tilespmem:s9+$0xFFFFFFF0] =	vst v14  }
0x2eb: {  	v21 =	vadd.f32 v32, v52;
	v46 =	vmul.f32 v31, v55;
	v47 =	vmul.f32 v31, v63;
	v14 =	vld [tilespmem:$0x1FE40]  }
0x2ec: {  	v31 =	vmul.f32 v31, v62;
	v39 =	vmul.f32 v39, v27;
	v32 =	vsub.f32 v50, v34;
	v50 =	vld [tilespmem:$0x1FE50]  }
0x2ed: {  	v36 =	vsub.f32 v36, v5;
	v12 =	vmul.f32 v41, v12;
	v16 =	vmul.f32 v30, v16  }
0x2ee: {  	v20 =	vperm.xlane v29, v58;
	v5 =	vsub.f32 v18, v5;
	v18 =	vperm.xlane v29, v54  }
0x2ef: {  	v19 =	vsub.f32 v19, v34;
	v17 =	vsub.f32 v17, v34;
	[tilespmem:s9+$0xA0] =	vst v21;
	v24 =	vmul.f32 v11, v24  }
0x2f0: {  	v21 =	vperm.xlane v29, v57;
	v29 =	vld [tilespmem:$0x1FEA0];
	v34 =	vsub.f32 v48, v18;
	v48 =	vsub.f32 v42, v18  }
0x2f1: {  	v24 =	vmul.f32 v24, v11;
	v14 =	vsub.f32 v14, v18;
	v18 =	vsub.f32 v50, v18;
	v50 =	vld [tilespmem:$0x1FEB0];
	[tilespmem:s9+$0xB0] =	vst v22  }
0x2f2: {  	v41 =	vadd.f32 v39, v53;
	v12 =	vadd.f32 v12, v52;
	v13 =	vmul.f32 v31, v13;
	v22 =	vld [tilespmem:$0x1FEC0]  }
0x2f3: {  	s24 =	sadd.s32 $0x200, s9;
	v16 =	vadd.f32 v16, v51;
	v24 =	vsub.f32 $1.500000000e+00, v24;
	v42 =	vld [tilespmem:$0x1FED0];
	[tilespmem:s9+$0xC0] =	vst v23  }
0x2f4: {  	v13 =	vadd.f32 v13, v61;
	v6 =	vsub.f32 v6, v21;
	[tilespmem:s24+$0xF0] =	vst v15;
	v15 =	vmul.f32 v44, v37  }
0x2f5: {  	v7 =	vsub.f32 v7, v21;
	[tilespmem:s9+$0xD0] =	vst v25;
	v11 =	vmul.f32 v24, v11;
	v24 =	vmul.f32 v45, v38  }
0x2f6: {  	v8 =	vsub.f32 v8, v21;
	v29 =	vsub.f32 v29, v20;
	v25 =	vmul.f32 v40, v28;
	[tilespmem:s9+$0xE0] =	vst v26  }
0x2f7: {  	v44 =	vmul.f32 v47, v43;
	[tilespmem:s24+$0x20] =	vst v12;
	v15 =	vadd.f32 v15, v61;
	v12 =	vadd.f32 v24, v53  }
0x2f8: {  	[tilespmem:s24+$0x0] =	vst v41;
	v26 =	vperm.xlane v11, v59;
	v50 =	vsub.f32 v50, v20;
	v22 =	vsub.f32 v22, v20  }
0x2f9: {  	[tilespmem:s24+$0x70] =	vst v13;
	v20 =	vsub.f32 v42, v20;
	v42 =	vadd.f32 v25, v51;
	v25 =	vmul.f32 v46, v35  }
0x2fa: {  	v9 =	vsub.f32 v9, v21;
	v45 =	vmul.f32 v49, v36;
	[tilespmem:s24+$0x30] =	vst v15;
	v24 =	vmul.f32 v26, v60  }
0x2fb: {  	v27 =	vmul.f32 v26, v55;
	[tilespmem:s24+$0x40] =	vst v12;
	v12 =	vmul.f32 v26, v63;
	v15 =	vadd.f32 v25, v51  }
0x2fc: {  	[tilespmem:s24+$0x90] =	vst v16;
	v21 =	vadd.f32 v44, v52;
	v25 =	vperm.xlane v11, v54;
	v19 =	vmul.f32 v24, v19  }
0x2fd: {  	v23 =	vadd.f32 v45, v53;
	v24 =	vmul.f32 v27, v32;
	[tilespmem:s24+$0x50] =	vst v15;
	v15 =	vmul.f32 v26, v62  }
0x2fe: {  	[tilespmem:s24+$0x60] =	vst v21;
	v12 =	vmul.f32 v12, v17;
	v46 =	vmul.f32 v25, v60;
	v17 =	vadd.f32 v19, v53  }
0x2ff: {  	[tilespmem:s24+$0x80] =	vst v23;
	v13 =	vmul.f32 v25, v55;
	v19 =	vadd.f32 v24, v51;
	v15 =	vmul.f32 v15, v33  }
0x300: {  	v47 =	vperm.xlane v11, v58;
	v12 =	vadd.f32 v12, v52;
	v21 =	vmul.f32 v46, v34;
	[tilespmem:s24+$0xFFFFFF00] =	vst v17  }
0x301: {  	v17 =	vmul.f32 v25, v63;
	v13 =	vmul.f32 v13, v48;
	[tilespmem:s24+$0xFFFFFF10] =	vst v19;
	v15 =	vadd.f32 v15, v61  }
0x302: {  	v49 =	vmul.f32 v47, v60;
	v19 =	vmul.f32 v25, v62;
	[tilespmem:s24+$0xFFFFFF20] =	vst v12;
	v12 =	vadd.f32 v21, v53  }
0x303: {  	v11 =	vperm.xlane v11, v57;
	v14 =	vmul.f32 v17, v14;
	v13 =	vadd.f32 v13, v51;
	[tilespmem:s24+$0xFFFFFF30] =	vst v15  }
0x304: {  	v17 =	vmul.f32 v19, v18;
	v15 =	vmul.f32 v47, v55;
	[tilespmem:s24+$0xFFFFFF40] =	vst v12  }
0x305: {  	v18 =	vmul.f32 v49, v29;
	v12 =	vmul.f32 v47, v63;
	[tilespmem:s24+$0xFFFFFF50] =	vst v13;
	v13 =	vadd.f32 v14, v52  }
0x306: {  	[tilespmem:s24+$0x10] =	vst v42;
	v14 =	vmul.f32 v47, v62;
	v16 =	vadd.f32 v17, v61;
	v15 =	vmul.f32 v15, v50  }
0x307: {  	v17 =	vmul.f32 v11, v60;
	v12 =	vmul.f32 v12, v22;
	[tilespmem:s24+$0xFFFFFF60] =	vst v13;
	v13 =	vadd.f32 v18, v53  }
0x308: {  	v14 =	vmul.f32 v14, v20;
	[tilespmem:s24+$0xFFFFFF70] =	vst v16;
	v15 =	vadd.f32 v15, v51  }
0x309: {  	v6 =	vmul.f32 v17, v6;
	[tilespmem:s24+$0xFFFFFF80] =	vst v13;
	v12 =	vadd.f32 v12, v52  }
0x30a: {  	v18 =	vmul.f32 v11, v55;
	v13 =	vadd.f32 v14, v61;
	[tilespmem:s24+$0xFFFFFF90] =	vst v15  }
0x30b: {  	v16 =	vmul.f32 v11, v63;
	v11 =	vmul.f32 v11, v62;
	v6 =	vadd.f32 v6, v53;
	[tilespmem:s24+$0xFFFFFFA0] =	vst v12  }
0x30c: {  	[tilespmem:s24+$0xFFFFFFB0] =	vst v13  }
0x30d: {  	v9 =	vmul.f32 v11, v9;
	v11 =	vld [tilespmem:$0x1FF10];
	[tilespmem:s24+$0xFFFFFFC0] =	vst v6  }
0x30e: {  	v6 =	vld [tilespmem:$0x1FF20]  }
0x30f: {  	v3 =	vmul.f32 v3, v10;
	v7 =	vmul.f32 v18, v7  }
0x310: {  	v8 =	vmul.f32 v16, v8  }
0x311: {  	v4 =	vmul.f32 v1, v60;
	v3 =	vadd.f32 v3, v52;
	v7 =	vadd.f32 v7, v51  }
0x312: {  	v2 =	vmul.f32 v2, v5;
	v8 =	vadd.f32 v8, v52;
	v11 =	vsub.f32 v11, v0  }
0x313: {  	v14 =	vmul.f32 v1, v55;
	v5 =	vadd.f32 v9, v61;
	[tilespmem:s24+$0xFFFFFFD0] =	vst v7;
	v6 =	vsub.f32 v6, v0  }
0x314: {  	v1 =	vmul.f32 v1, v63;
	[tilespmem:s24+$0xFFFFFFE0] =	vst v8;
	v0 =	vsub.f32 v56, v0;
	v4 =	vmul.f32 v4, v11  }
0x315: {  	v2 =	vadd.f32 v2, v61;
	[tilespmem:s24+$0xFFFFFFF0] =	vst v5;
	v6 =	vmul.f32 v14, v6  }
0x316: {  	s21 =	sor.u32 $0x1, s8;
	[tilespmem:s24+$0xA0] =	vst v3;
	v0 =	vmul.f32 v1, v0;
	v1 =	vadd.f32 v4, v53  }
0x317: {  	p1 =	sgt.u32 s21, $0x3E;
	[tilespmem:s24+$0xB0] =	vst v2;
	v3 =	vadd.f32 v6, v51  }
0x318: {  	s4 =	sadd.s32 @!p1 s20, s14;
	v0 =	vadd.f32 v0, v52;
	[tilespmem:s24+$0xC0] =	vst v1  }
0x319: {  	s26 =	sshll.u32 s19, $0xC;
	s4 =	sshll.u32 @!p1 s4, $0x4;
	[tilespmem:s24+$0xD0] =	vst v3  }
0x31a: {  	s11 =	sadd.s32 s26, s13;
	s4 =	sand.u32 @!p1 $0x1FFFFFC0, s4;
	[tilespmem:s24+$0xE0] =	vst v0  }
0x31b: {  	[hbm4b:s11+s5] =	stream.linear.scatter [tilespmem:s0], [sflag:$0x3], $0x4000, $0x38;
	[tilespmem:$0x18870] =	vst v63  }
0x31c: {  	s8 =	sadd.s32 @!p1 s1, s4;
	s9 =	simm.s32 @!p1 $0x0  }
0x31d: {  	[tilespmem:s9], [sflag:$0x5] =	stream.linear.gather @!p1 [hbm4b:s8+s9], $0x100, $0x38;
	[tilespmem:$0x18870] =	vst v63  }
0x31e: {  	s8 =	simm.s32 @!p1 $0x5  }
0x31f: {  	_ =	swait.ge @!p1 [sflag:s8], $0x100  }
0x320: {  	[sflag:s8] =	ssyncset.done @!p1 $0x0  }
0x321: {  	s4 =	sadd.s32 @!p1 s2, s4;
	s11 =	simm.s32 @!p1 $0x200;
	[sflag:s8] =	ssyncadd.s32 @!p1 $0xFFFFFF00  }
0x322: {  	[tilespmem:s11], [sflag:$0x5] =	stream.linear.gather @!p1 [hbm4b:s4+s9], $0x100, $0x38;
	[tilespmem:$0x18870] =	vst v63  }
0x323: {  	_ =	swait.ge @!p1 [sflag:s8], $0x100  }
0x324: {  	[sflag:s8] =	ssyncset.done @!p1 $0x0  }
0x325: {  	s4 =	simm.s32 @!p1 $0x80;
	[sflag:s8] =	ssyncadd.s32 @!p1 $0xFFFFFF00;
	s8 =	simm.s32 @!p1 $0x8650  }
0x326: {  	[tilespmem:s8], [sflag:$0x1] =	stream.indirect.gather @!p1 [hbm4b:s7+s4], $0x40, s9, s4, $0xb8;
	[tilespmem:$0x18870] =	vst v63  }
0x327: {  	s8 =	simm.s32 @!p1 $0xA650  }
0x328: {  	[tilespmem:s8], [sflag:$0x1] =	stream.indirect.gather @!p1 [hbm4b:s7+s4], $0x40, s4, s4, $0xb8;
	[tilespmem:$0x18870] =	vst v63  }
0x329: {  	_ =	swait.ge [sflag:s6], $0x2000  }
0x32a: {  	[sflag:s6] =	ssyncset.done $0x0  }
0x32b: {  	[sflag:s6] =	ssyncadd.s32 $0xFFFFE000  }
0x32c: {  	_ =	swait.ge [sflag:s6], $0x2000  }
0x32d: {  	[sflag:s6] =	ssyncset.done $0x0  }
0x32e: {  	s4 =	simm.s32 @!p0 $0x4;
	[sflag:s6] =	ssyncadd.s32 $0xFFFFE000  }
0x32f: {  	_ =	swait.ge @!p0 [sflag:s4], $0x4000  }
0x330: {  	[sflag:s4] =	ssyncset.done @!p0 $0x0  }
0x331: {  	[sflag:s4] =	ssyncadd.s32 @!p0 $0xFFFFC000  }
0x332: {  	v0 =	vld [tilespmem:$0x300]  }
0x333: {  	v1 =	vld [tilespmem:$0x310]  }
0x334: {  	v2 =	vld [tilespmem:$0x320]  }
0x335: {  	v3 =	vld [tilespmem:$0x330]  }
0x336: {  	v4 =	vld [tilespmem:$0x340]  }
0x337: {  	v5 =	vld [tilespmem:$0x350];
	v0 =	vcvt.s32.f32 v0  }
0x338: {  	v6 =	vld [tilespmem:$0x360];
	v1 =	vcvt.s32.f32 v1  }
0x339: {  	[tilespmem:$0x400] =	vst v0;
	v0 =	vcvt.s32.f32 v2;
	v2 =	vld [tilespmem:$0x370]  }
0x33a: {  	[tilespmem:$0x410] =	vst v1;
	v1 =	vcvt.s32.f32 v3;
	v3 =	vld [tilespmem:$0x380]  }
0x33b: {  	[tilespmem:$0x420] =	vst v0;
	v0 =	vcvt.s32.f32 v4;
	v4 =	vld [tilespmem:$0x390]  }
0x33c: {  	[tilespmem:$0x430] =	vst v1;
	v1 =	vcvt.s32.f32 v5;
	v5 =	vld [tilespmem:$0x3A0]  }
0x33d: {  	[tilespmem:$0x440] =	vst v0;
	v0 =	vcvt.s32.f32 v6;
	v6 =	vld [tilespmem:$0x3B0]  }
0x33e: {  	[tilespmem:$0x450] =	vst v1;
	v1 =	vcvt.s32.f32 v2;
	v2 =	vld [tilespmem:$0x3C0]  }
0x33f: {  	[tilespmem:$0x460] =	vst v0;
	v0 =	vcvt.s32.f32 v3;
	v3 =	vld [tilespmem:$0x3D0]  }
0x340: {  	[tilespmem:$0x470] =	vst v1;
	v1 =	vcvt.s32.f32 v4;
	v4 =	vld [tilespmem:$0x3E0]  }
0x341: {  	[tilespmem:$0x480] =	vst v0;
	v0 =	vcvt.s32.f32 v5;
	v5 =	vld [tilespmem:$0x3F0]  }
0x342: {  	[tilespmem:$0x490] =	vst v1;
	v1 =	vcvt.s32.f32 v6  }
0x343: {  	[tilespmem:$0x4A0] =	vst v0;
	v0 =	vcvt.s32.f32 v2  }
0x344: {  	[tilespmem:$0x4B0] =	vst v1;
	v1 =	vcvt.s32.f32 v3  }
0x345: {  	v48 =	vld [tilespmem:$0x1FFC0];
	[tilespmem:$0x4C0] =	vst v0;
	v0 =	vcvt.s32.f32 v4  }
0x346: {  	v29 =	vld [tilespmem:$0x1FFD0];
	[tilespmem:$0x4D0] =	vst v1;
	v1 =	vcvt.s32.f32 v5  }
0x347: {  	v30 =	vld [tilespmem:$0x1FFE0];
	[tilespmem:$0x4E0] =	vst v0  }
0x348: {  	s20 =	simm.s32 $0x0;
	v24 =	vld [tilespmem:$0x1FFF0];
	[tilespmem:$0x4F0] =	vst v1  }
0x349: {  	v1 =	vld [tilespmem:s20+$0xC770]  }
0x34a: {  	v2 =	vld [tilespmem:s20+$0xC750]  }
0x34b: {  	v3 =	vld [tilespmem:s20+$0x4690]  }
0x34c: {  	v0 =	vld [tilespmem:s20+$0x404]  }
0x34d: {  	v4 =	vld [tilespmem:s20+$0xC760]  }
0x34e: {  	v5 =	vld [tilespmem:s20+$0x46A0]  }
0x34f: {  	v6 =	vld [tilespmem:s20+$0x46B0]  }
0x350: {  	v7 =	vld [tilespmem:s20+$0xC780]  }
0x351: {  	v8 =	vld [tilespmem:s20+$0x46C0];
	v9 =	vperm.xlane v0, v59  }
0x352: {  	v2 =	vadd.f32 v3, v2  }
0x353: {  	v4 =	vadd.f32 v5, v4;
	v3 =	vmul.f32 v9, v48;
	v5 =	vmul.f32 v9, v29  }
0x354: {  	v1 =	vadd.f32 v6, v1  }
0x355: {  	v6 =	vmul.f32 v9, v30;
	v27 =	vadd.f32 v2, v3;
	v26 =	vadd.f32 v4, v5  }
0x356: {  	v2 =	vadd.f32 v8, v7;
	v3 =	vmul.f32 v9, v24  }
0x357: {  	v25 =	vadd.f32 v1, v6;
	v1 =	vmul.f32 v27, v27;
	v4 =	vmul.f32 v26, v26  }
0x358: {  	v56 =	vadd.f32 v2, v3  }
0x359: {  	v2 =	vmul.f32 v25, v25;
	v1 =	vadd.f32 v4, v1  }
0x35a: {  	v3 =	vadd.f32 v26, v27;
	v4 =	vadd.f32 v56, v25  }
0x35b: {  	v1 =	vadd.f32 v2, v1;
	v2 =	vmul.f32 v56, v56  }
0x35c: {  	v3 =	vadd.f32 v4, v3  }
0x35d: {  	v1 =	vadd.f32 v2, v1  }
0x35e: {  	v23 =	vld [tilespmem:s20+$0x400];
	(xrf2) =	vadd.scan.msk.f32 $0xffff, v3  }
0x35f: {  	v2 =	vld [tilespmem:s20+$0xC650];
	(xrf2) =	vadd.scan.msk.f32 $0xffff, v1  }
0x360: {  	v1 =	vld [tilespmem:s20+$0x4590]  }
0x361: {  	v5 =	vld [tilespmem:s20+$0xC670]  }
0x362: {  	v4 =	vld [tilespmem:s20+$0x45A0]  }
0x363: {  	v3 =	vld [tilespmem:s20+$0xC660]  }
0x364: {  	v6 =	vld [tilespmem:s20+$0x45B0]  }
0x365: {  	v7 =	vperm.xlane v23, v59;
	v8 =	vld [tilespmem:s20+$0xC680];
	v1 =	vadd.f32 v1, v2  }
0x366: {  	v9 =	vld [tilespmem:s20+$0x45C0]  }
0x367: {  	v2 =	vmul.f32 v7, v48  }
0x368: {  	v10 =	vmul.f32 v7, v29;
	v3 =	vadd.f32 v4, v3;
	v4, _, _ =	vpop (xrf2)  }
0x369: {  	v32 =	vadd.f32 v1, v2;
	[tilespmem:s20+$0x18654] =	vst.msk vm0, v4;
	v1, _, _ =	vpop (xrf2)  }
0x36a: {  	v33 =	vadd.f32 v3, v10;
	v3 =	vadd.f32 v6, v5;
	v2 =	vmul.f32 v7, v30;
	[tilespmem:s20+$0x18764] =	vst.msk vm0, v1  }
0x36b: {  	v4 =	vadd.f32 v9, v8;
	v6 =	vmul.f32 v32, v32;
	v5 =	vld [tilespmem:s20+$0xC7B0]  }
0x36c: {  	v34 =	vadd.f32 v3, v2;
	v2 =	vmul.f32 v33, v33;
	v1 =	vmul.f32 v7, v24;
	v3 =	vld [tilespmem:s20+$0xC790]  }
0x36d: {  	v7 =	vld [tilespmem:s20+$0x46D0]  }
0x36e: {  	v35 =	vadd.f32 v4, v1;
	v1 =	vadd.f32 v2, v6;
	v2 =	vmul.f32 v34, v34;
	v4 =	vld [tilespmem:s20+$0xC7A0]  }
0x36f: {  	v6 =	vld [tilespmem:s20+$0x46E0]  }
0x370: {  	v8 =	vmul.f32 v35, v35;
	v1 =	vadd.f32 v2, v1;
	v2 =	vld [tilespmem:s20+$0x46F0]  }
0x371: {  	v12 =	vperm.xlane v0, v54;
	v9 =	vadd.f32 v33, v32;
	v11 =	vld [tilespmem:s20+$0xC7C0];
	v10 =	vadd.f32 v35, v34  }
0x372: {  	v1 =	vadd.f32 v8, v1;
	v8 =	vld [tilespmem:s20+$0x4700]  }
0x373: {  	v9 =	vadd.f32 v10, v9;
	v10 =	vmul.f32 v12, v48  }
0x374: {  	(xrf2) =	vadd.scan.msk.f32 $0xffff, v1;
	v1 =	vadd.f32 v7, v3;
	v3 =	vadd.f32 v6, v4;
	v4 =	vmul.f32 v12, v29  }
0x375: {  	v2 =	vadd.f32 v2, v5  }
0x376: {  	(xrf2) =	vadd.scan.msk.f32 $0xffff, v9;
	v5 =	vmul.f32 v12, v30;
	v44 =	vadd.f32 v1, v10;
	v43 =	vadd.f32 v3, v4  }
0x377: {  	v1 =	vmul.f32 v12, v24;
	v3 =	vadd.f32 v8, v11  }
0x378: {  	v42 =	vadd.f32 v2, v5;
	v2 =	vmul.f32 v44, v44;
	v4 =	vmul.f32 v43, v43  }
0x379: {  	v28 =	vadd.f32 v3, v1  }
0x37a: {  	v1 =	vadd.f32 v4, v2;
	v2 =	vmul.f32 v42, v42  }
0x37b: {  	v4 =	vadd.f32 v28, v42  }
0x37c: {  	v1 =	vadd.f32 v2, v1;
	v2 =	vmul.f32 v28, v28  }
0x37d: {  	v3 =	vadd.f32 v43, v44;
	_ =	sdelay $0x1  }
0x37e: {  	v3 =	vadd.f32 v4, v3;
	v4, _, _ =	vpop (xrf2)  }
0x37f: {  	v1 =	vadd.f32 v2, v1;
	v2, _, _ =	vpop (xrf2)  }
0x380: {  	(xrf2) =	vadd.scan.msk.f32 $0xffff, v3;
	[tilespmem:s20+$0x18650] =	vst.msk vm0, v2  }
0x381: {  	(xrf2) =	vadd.scan.msk.f32 $0xffff, v1;
	[tilespmem:s20+$0x18760] =	vst.msk vm0, v4  }
0x382: {  	v1 =	vld [tilespmem:s20+$0xC690]  }
0x383: {  	v2 =	vld [tilespmem:s20+$0x45D0]  }
0x384: {  	v3 =	vld [tilespmem:s20+$0xC6A0]  }
0x385: {  	v4 =	vld [tilespmem:s20+$0x45E0];
	_ =	sdelay $0x1  }
0x386: {  	v6 =	vperm.xlane v23, v54;
	v5 =	vld [tilespmem:s20+$0xC6B0]  }
0x387: {  	v7 =	vld [tilespmem:s20+$0x45F0]  }
0x388: {  	s12 =	simm.s32 $0x4;
	v9 =	vmul.f32 v6, v48;
	v8 =	vld [tilespmem:s20+$0xC6C0]  }
0x389: {  	s15 =	sor.u32 $0x5, s12;
	v11 =	vmul.f32 v6, v29;
	v1 =	vadd.f32 v2, v1;
	v2 =	vld [tilespmem:s20+$0x4600];
	v3 =	vadd.f32 v4, v3;
	v10, _, _ =	vpop (xrf2)  }
0x38a: {  	[tilespmem:s15+$0x18650] =	vst.msk vm0, v10;
	v4, _, _ =	vpop (xrf2)  }
0x38b: {  	v37 =	vadd.f32 v1, v9;
	v11 =	vadd.f32 v3, v11;
	[tilespmem:s15+$0x18760] =	vst.msk vm0, v4  }
0x38c: {  	v1 =	vmul.f32 v6, v30;
	v3 =	vadd.f32 v7, v5;
	v4 =	vld [tilespmem:s20+$0xC7F0]  }
0x38d: {  	v5 =	vmul.f32 v6, v24;
	v6 =	vmul.f32 v37, v37;
	v7 =	vld [tilespmem:s20+$0xC7D0];
	[tilespmem:$0x1FBD0] =	vst v11  }
0x38e: {  	v51 =	vadd.f32 v3, v1;
	v2 =	vadd.f32 v2, v8;
	v8 =	vmul.f32 v11, v11;
	v1 =	vld [tilespmem:s20+$0x4710]  }
0x38f: {  	v3 =	vld [tilespmem:s20+$0xC7E0]  }
0x390: {  	v38 =	vadd.f32 v2, v5;
	v2 =	vadd.f32 v8, v6;
	v5 =	vmul.f32 v51, v51;
	v6 =	vld [tilespmem:s20+$0x4720]  }
0x391: {  	v8 =	vld [tilespmem:s20+$0x4730]  }
0x392: {  	v14 =	vimm.s32 $0x2;
	v12 =	vld [tilespmem:s20+$0x4740];
	v9 =	vmul.f32 v38, v38;
	v2 =	vadd.f32 v5, v2  }
0x393: {  	v10 =	vperm.xlane v0, v14;
	v11 =	vadd.f32 v11, v37;
	v5 =	vld [tilespmem:s20+$0xC800];
	v13 =	vadd.f32 v38, v51  }
0x394: {  	v1 =	vadd.f32 v1, v7;
	v2 =	vadd.f32 v9, v2  }
0x395: {  	v9 =	vmul.f32 v10, v48;
	v3 =	vadd.f32 v6, v3;
	v6 =	vmul.f32 v10, v29  }
0x396: {  	v7 =	vadd.f32 v13, v11;
	v4 =	vadd.f32 v8, v4  }
0x397: {  	(xrf2) =	vadd.scan.msk.f32 $0xffff, v2;
	v2 =	vmul.f32 v10, v30;
	v58 =	vadd.f32 v1, v9;
	v31 =	vadd.f32 v3, v6  }
0x398: {  	v1 =	vmul.f32 v10, v24;
	v3 =	vadd.f32 v12, v5  }
0x399: {  	(xrf2) =	vadd.scan.msk.f32 $0xffff, v7;
	v49 =	vadd.f32 v4, v2;
	v2 =	vmul.f32 v58, v58;
	v4 =	vmul.f32 v31, v31;
	_ =	sdelay $0x1  }
0x39a: {  	v50 =	vadd.f32 v3, v1;
	v1 =	vadd.f32 v4, v2;
	v2 =	vmul.f32 v49, v49  }
0x39b: {  	v3 =	vadd.f32 v31, v58  }
0x39c: {  	v4 =	vadd.f32 v50, v49;
	v1 =	vadd.f32 v2, v1;
	v2 =	vmul.f32 v50, v50;
	_ =	sdelay $0x1  }
0x39d: {  	v3 =	vadd.f32 v4, v3;
	v1 =	vadd.f32 v2, v1;
	_ =	sdelay $0x1  }
0x39e: {  	(xrf2) =	vadd.scan.msk.f32 $0xffff, v3  }
0x39f: {  	v2, _, _ =	vpop (xrf2);
	(xrf2) =	vadd.scan.msk.f32 $0xffff, v1  }
0x3a0: {  	v1, _, _ =	vpop (xrf2)  }
0x3a1: {  	[tilespmem:s20+$0x18651] =	vst.msk vm0, v1  }
0x3a2: {  	[tilespmem:s20+$0x18761] =	vst.msk vm0, v2  }
0x3a3: {  	v1 =	vld [tilespmem:s20+$0xC6D0]  }
0x3a4: {  	v2 =	vld [tilespmem:s20+$0x4610]  }
0x3a5: {  	v3 =	vld [tilespmem:s20+$0xC6E0]  }
0x3a6: {  	v4 =	vld [tilespmem:s20+$0x4620]  }
0x3a7: {  	v5 =	vld [tilespmem:s20+$0xC6F0]  }
0x3a8: {  	s16 =	sor.u32 $0x6, s12;
	v6 =	vld [tilespmem:s20+$0x4630];
	v7, _, _ =	vpop (xrf2)  }
0x3a9: {  	v8 =	vld [tilespmem:s20+$0xC700];
	[tilespmem:s16+$0x18650] =	vst.msk vm0, v7;
	v7, _, _ =	vpop (xrf2)  }
0x3aa: {  	v9 =	vperm.xlane v23, v14;
	v10 =	vld [tilespmem:s20+$0x4640];
	[tilespmem:s16+$0x18760] =	vst.msk vm0, v7  }
0x3ab: {  	v7 =	vld [tilespmem:s20+$0xC830]  }
0x3ac: {  	v11 =	vmul.f32 v9, v48;
	v1 =	vadd.f32 v2, v1;
	v2 =	vld [tilespmem:s20+$0xC810]  }
0x3ad: {  	v12 =	vmul.f32 v9, v29;
	v3 =	vadd.f32 v4, v3;
	v4 =	vld [tilespmem:s20+$0x4750]  }
0x3ae: {  	v52 =	vadd.f32 v1, v11;
	v1 =	vld [tilespmem:s20+$0xC820]  }
0x3af: {  	v11 =	vmul.f32 v9, v30;
	v53 =	vadd.f32 v3, v12;
	v3 =	vadd.f32 v6, v5;
	v5 =	vld [tilespmem:s20+$0x4760]  }
0x3b0: {  	v0 =	vperm.xlane v0, v57;
	v8 =	vadd.f32 v10, v8;
	v6 =	vmul.f32 v9, v24;
	v10 =	vld [tilespmem:s20+$0x4770]  }
0x3b1: {  	v9 =	vmul.f32 v52, v52;
	v54 =	vadd.f32 v3, v11;
	v3 =	vmul.f32 v53, v53;
	v11 =	vld [tilespmem:s20+$0xC840]  }
0x3b2: {  	v39 =	vadd.f32 v8, v6;
	v6 =	vld [tilespmem:s20+$0x4780]  }
0x3b3: {  	v12 =	vadd.f32 v53, v52;
	v3 =	vadd.f32 v3, v9;
	v9 =	vmul.f32 v0, v48  }
0x3b4: {  	v2 =	vadd.f32 v4, v2;
	v1 =	vadd.f32 v5, v1;
	v4 =	vmul.f32 v0, v29  }
0x3b5: {  	v8 =	vmul.f32 v54, v54;
	v5 =	vadd.f32 v10, v7;
	v7 =	vmul.f32 v0, v30  }
0x3b6: {  	v0 =	vmul.f32 v0, v24;
	v47 =	vadd.f32 v2, v9;
	v45 =	vadd.f32 v1, v4  }
0x3b7: {  	v3 =	vadd.f32 v8, v3;
	v1 =	vmul.f32 v39, v39;
	v2 =	vadd.f32 v6, v11  }
0x3b8: {  	v46 =	vadd.f32 v5, v7;
	v4 =	vmul.f32 v47, v47;
	v5 =	vmul.f32 v45, v45  }
0x3b9: {  	s24 =	simm.s32 $0x8;
	v6 =	vadd.f32 v39, v54;
	v0 =	vadd.f32 v2, v0  }
0x3ba: {  	v41 =	vld [tilespmem:s24+$0x404];
	v1 =	vadd.f32 v1, v3;
	v3 =	vmul.f32 v46, v46;
	v2 =	vadd.f32 v5, v4  }
0x3bb: {  	s23 =	simm.s32 $0x200;
	v40 =	vld [tilespmem:s24+$0x400];
	v4 =	vadd.f32 v45, v47;
	v5 =	vadd.f32 v0, v46  }
0x3bc: {  	v8 =	vld [tilespmem:s23+$0xC770];
	v6 =	vadd.f32 v6, v12;
	v2 =	vadd.f32 v3, v2;
	v3 =	vmul.f32 v0, v0  }
0x3bd: {  	(xrf2) =	vadd.scan.msk.f32 $0xffff, v1;
	v1 =	vadd.f32 v5, v4;
	v4 =	vld [tilespmem:s23+$0xC750]  }
0x3be: {  	(xrf2) =	vadd.scan.msk.f32 $0xffff, v6;
	v5 =	vld [tilespmem:s23+$0x4690];
	v2 =	vadd.f32 v3, v2  }
0x3bf: {  	(xrf2) =	vadd.scan.msk.f32 $0xffff, v1;
	v1 =	vld [tilespmem:s23+$0xC760]  }
0x3c0: {  	(xrf2) =	vadd.scan.msk.f32 $0xffff, v2;
	v2 =	vld [tilespmem:s23+$0x46A0]  }
0x3c1: {  	v3 =	vld [tilespmem:s23+$0x46B0]  }
0x3c2: {  	v7 =	vld [tilespmem:s23+$0xC780];
	v9 =	vperm.xlane v41, v59  }
0x3c3: {  	v6 =	vld [tilespmem:s23+$0x46C0]  }
0x3c4: {  	v13 =	vld [tilespmem:s23+$0xC660];
	v11 =	vmul.f32 v9, v48  }
0x3c5: {  	v14 =	vld [tilespmem:s23+$0x45A0];
	v4 =	vadd.f32 v5, v4;
	v1 =	vadd.f32 v2, v1;
	v2 =	vmul.f32 v9, v29  }
0x3c6: {  	v10 =	vld [tilespmem:s23+$0xC650];
	v3 =	vadd.f32 v3, v8  }
0x3c7: {  	v15 =	vmul.f32 v9, v30;
	v5 =	vld [tilespmem:s23+$0x4590];
	v17 =	vadd.f32 v4, v11;
	v12, _, _ =	vpop (xrf2);
	v16 =	vadd.f32 v1, v2  }
0x3c8: {  	v8, _, _ =	vpop (xrf2);
	v1 =	vadd.f32 v6, v7;
	v2 =	vmul.f32 v9, v24;
	v7 =	vld [tilespmem:s23+$0xC670]  }
0x3c9: {  	s4 =	sor.u32 $0x7, s12;
	v18 =	vadd.f32 v3, v15;
	v3 =	vmul.f32 v17, v17;
	v9 =	vld [tilespmem:s23+$0x45B0];
	v4, _, _ =	vpop (xrf2);
	v11 =	vmul.f32 v16, v16  }
0x3ca: {  	[tilespmem:s4+$0x18650] =	vst.msk vm0, v4;
	v19 =	vadd.f32 v1, v2;
	v2 =	vld [tilespmem:s23+$0xC680];
	v4, _, _ =	vpop (xrf2)  }
0x3cb: {  	[tilespmem:s4+$0x18760] =	vst.msk vm0, v4;
	v3 =	vadd.f32 v11, v3;
	v11 =	vld [tilespmem:s23+$0x45C0]  }
0x3cc: {  	v1 =	vadd.f32 v5, v10;
	v10 =	vld [tilespmem:s20+$0x18654];
	[tilespmem:$0x1FAD0] =	vst v16  }
0x3cd: {  	v6 =	vperm.xlane v40, v59;
	[tilespmem:$0x1FAE0] =	vst v17  }
0x3ce: {  	[tilespmem:$0x1FAF0] =	vst v18  }
0x3cf: {  	v5 =	vmul.f32 v18, v18;
	v15 =	vadd.f32 v16, v17;
	v4 =	vmul.f32 v6, v48;
	[tilespmem:s20+$0x18652] =	vst.msk vm0, v8  }
0x3d0: {  	v16 =	vadd.f32 v19, v18;
	v17 =	vmul.f32 v6, v29;
	v7 =	vadd.f32 v9, v7;
	[tilespmem:$0x1FB00] =	vst v19  }
0x3d1: {  	v8 =	vadd.f32 v14, v13;
	v3 =	vadd.f32 v5, v3;
	v5 =	vmul.f32 v19, v19;
	v13 =	vld [tilespmem:s20+$0x18764];
	[tilespmem:s20+$0x18762] =	vst.msk vm0, v12  }
0x3d2: {  	v12 =	vadd.f32 v16, v15;
	v15 =	vadd.f32 v1, v4;
	v1 =	vld [tilespmem:s20+$0xC710]  }
0x3d3: {  	v14 =	vmul.f32 v6, v30;
	v16 =	vadd.f32 v8, v17;
	v3 =	vadd.f32 v5, v3;
	v5 =	vld [tilespmem:s20+$0x4650]  }
0x3d4: {  	v6 =	vmul.f32 v6, v24;
	v2 =	vadd.f32 v11, v2;
	v11 =	vld [tilespmem:s20+$0xC720];
	v4 =	vmul.f32 $1.562500000e-02, v10  }
0x3d5: {  	v17 =	vadd.f32 v7, v14;
	v14 =	vld [tilespmem:s20+$0xC740];
	(xrf2) =	vadd.scan.msk.f32 $0xffff, v12;
	v8 =	vmul.f32 v15, v15;
	v9 =	vmul.f32 v16, v16  }
0x3d6: {  	v12 =	vld [tilespmem:s20+$0x4670];
	(xrf2) =	vadd.scan.msk.f32 $0xffff, v3  }
0x3d7: {  	v18 =	vadd.f32 v2, v6;
	v2 =	vld [tilespmem:s20+$0x4660];
	v7 =	vmul.f32 v4, v4;
	v6 =	vadd.f32 v9, v8  }
0x3d8: {  	v8 =	vmul.f32 v17, v17;
	v3 =	vmul.f32 $1.562500000e-02, v13;
	v1 =	vadd.f32 v5, v1;
	v5 =	vld [tilespmem:s20+$0xC730];
	[tilespmem:$0x1FB10] =	vst v15  }
0x3d9: {  	v10 =	vperm.xlane v23, v57;
	[tilespmem:$0x1FB20] =	vst v16  }
0x3da: {  	v13 =	vmul.f32 v18, v18;
	v6 =	vadd.f32 v8, v6;
	[tilespmem:$0x1FB30] =	vst v17;
	v3 =	vsub.f32 v3, v7  }
0x3db: {  	v15 =	vadd.f32 v16, v15;
	[tilespmem:$0x1FB40] =	vst v18;
	v16 =	vadd.f32 v18, v17;
	v7 =	vmul.f32 v10, v48  }
0x3dc: {  	v9 =	vmul.f32 v10, v29;
	v17 =	vld [tilespmem:s20+$0x4680];
	v6 =	vadd.f32 v13, v6;
	v3 =	vadd.f32 $9.999999960e-13, v3  }
0x3dd: {  	v8 =	vmul.f32 v10, v30;
	v2 =	vadd.f32 v2, v11;
	v1 =	vadd.f32 v1, v7  }
0x3de: {  	v13 =	vshra.s32 v3, $0x1;
	v18 =	vmul.f32 $5.000000000e-01, v3;
	v3 =	vadd.f32 v16, v15  }
0x3df: {  	v10 =	vmul.f32 v10, v24;
	v2 =	vadd.f32 v2, v9;
	v5 =	vadd.f32 v12, v5;
	v7, _, _ =	vpop (xrf2);
	(xrf2) =	vadd.scan.msk.f32 $0xffff, v6  }
0x3e0: {  	v9 =	vmul.f32 v1, v1;
	v11 =	vsub.s32 $0x5F3759DF, v13;
	[tilespmem:s24+$0x18654] =	vst.msk vm0, v7;
	v7, _, _ =	vpop (xrf2);
	(xrf2) =	vadd.scan.msk.f32 $0xffff, v3  }
0x3e1: {  	v3 =	vadd.f32 v5, v8;
	v5 =	vadd.f32 v17, v14;
	[tilespmem:s24+$0x18764] =	vst.msk vm0, v7;
	v7 =	vmul.f32 v2, v2  }
0x3e2: {  	v6 =	vmul.f32 v11, v18  }
0x3e3: {  	v5 =	vadd.f32 v5, v10;
	v7 =	vadd.f32 v7, v9;
	v9 =	vmul.f32 v3, v3  }
0x3e4: {  	v6 =	vmul.f32 v11, v6  }
0x3e5: {  	v12 =	vld [tilespmem:s23+$0xC790];
	v7 =	vadd.f32 v9, v7;
	v9 =	vmul.f32 v5, v5  }
0x3e6: {  	v57 =	vimm.s32 $0x1;
	v10 =	vld [tilespmem:s23+$0x46D0];
	v6 =	vsub.f32 $1.500000000e+00, v6  }
0x3e7: {  	v23 =	vperm.xlane v4, v57;
	v14 =	vld [tilespmem:s23+$0xC7A0];
	v7 =	vadd.f32 v9, v7  }
0x3e8: {  	v15 =	vperm.xlane v4, v59;
	v6 =	vmul.f32 v11, v6;
	v11 =	vld [tilespmem:s23+$0x46E0]  }
0x3e9: {  	v8 =	vld [tilespmem:s23+$0xC7B0]  }
0x3ea: {  	v42 =	vsub.f32 v42, v23;
	v22 =	vsub.f32 v27, v15;
	v17 =	vld [tilespmem:s23+$0x46F0];
	v27, _, _ =	vpop (xrf2)  }
0x3eb: {  	v16 =	vadd.f32 v2, v1;
	v26 =	vsub.f32 v26, v15;
	v20 =	vld [tilespmem:s23+$0xC7C0];
	v9 =	vperm.xlane v41, v57;
	(xrf2) =	vadd.scan.msk.f32 $0xffff, v7;
	v7, _, _ =	vpop (xrf2)  }
0x3ec: {  	v13 =	vperm.xlane v40, v57;
	v25 =	vsub.f32 v25, v15;
	v36 =	vld [tilespmem:s23+$0x4700];
	v19 =	vadd.f32 v5, v3;
	[tilespmem:s24+$0x18650] =	vst.msk vm0, v7  }
0x3ed: {  	v7 =	vadd.f32 v10, v12;
	v10 =	vadd.f32 v11, v14;
	v11 =	vmul.f32 v9, v29;
	[tilespmem:s24+$0x18760] =	vst.msk vm0, v27  }
0x3ee: {  	v16 =	vadd.f32 v19, v16;
	v18 =	vmul.f32 v6, v18;
	v19 =	vmul.f32 v9, v48;
	v14 =	vld [tilespmem:s23+$0xC690]  }
0x3ef: {  	v8 =	vadd.f32 v17, v8;
	v12 =	vmul.f32 v9, v30;
	v57 =	vadd.f32 v10, v11;
	v11 =	vld [tilespmem:s23+$0x45D0]  }
0x3f0: {  	v18 =	vmul.f32 v18, v6;
	(xrf2) =	vadd.scan.msk.f32 $0xffff, v16;
	v27 =	vsub.f32 v56, v15;
	v59 =	vadd.f32 v7, v19;
	v15 =	vld [tilespmem:s23+$0xC6A0]  }
0x3f1: {  	v7 =	vmul.f32 v9, v24;
	v10 =	vadd.f32 v36, v20;
	v36 =	vadd.f32 v8, v12;
	v17 =	vld [tilespmem:s23+$0xC6B0]  }
0x3f2: {  	v9 =	vsub.f32 v44, v23;
	v19 =	vld [tilespmem:s23+$0x45F0];
	v8 =	vmul.f32 v59, v59;
	v12 =	vmul.f32 v57, v57  }
0x3f3: {  	v16 =	vmul.f32 v13, v48;
	v21 =	vadd.f32 v10, v7;
	v7 =	vld [tilespmem:s23+$0x45E0];
	v10 =	vsub.f32 $1.500000000e+00, v18;
	[tilespmem:$0x1FB50] =	vst v57  }
0x3f4: {  	v18 =	vmul.f32 v13, v29;
	[tilespmem:$0x1FB60] =	vst v59;
	v20 =	vadd.f32 v57, v59;
	v8 =	vadd.f32 v12, v8  }
0x3f5: {  	[tilespmem:$0x1FB70] =	vst v36;
	v12 =	vmul.f32 v36, v36;
	v36 =	vadd.f32 v21, v36;
	v57 =	vmul.f32 v10, v6  }
0x3f6: {  	v6 =	vld [tilespmem:s23+$0xC6C0];
	[tilespmem:$0x1FB80] =	vst v21;
	v10 =	vmul.f32 v21, v21;
	v21 =	vsub.f32 v43, v23;
	v23 =	vsub.f32 v28, v23  }
0x3f7: {  	v11 =	vadd.f32 v11, v14;
	v8 =	vadd.f32 v12, v8;
	v12 =	vmul.f32 v13, v30  }
0x3f8: {  	v43 =	vld [tilespmem:s23+$0x4600];
	v20 =	vadd.f32 v36, v20;
	v13 =	vmul.f32 v13, v24;
	v36 =	vimm.s32 $0x3  }
0x3f9: {  	v14, _, _ =	vpop (xrf2);
	v44 =	vperm.xlane v4, v36;
	v7 =	vadd.f32 v7, v15;
	v56 =	vperm.xlane v57, v36  }
0x3fa: {  	v36 =	vimm.s32 $0x3;
	v15 =	vadd.f32 v11, v16;
	v8 =	vadd.f32 v10, v8;
	v10, _, _ =	vpop (xrf2)  }
0x3fb: {  	(xrf2) =	vadd.scan.msk.f32 $0xffff, v20;
	v20 =	vimm.s32 $0x2;
	[tilespmem:s20+$0x18653] =	vst.msk vm0, v10;
	v16 =	vadd.f32 v7, v18  }
0x3fc: {  	v4 =	vperm.xlane v4, v20;
	v7 =	vadd.f32 v19, v17;
	v0 =	vsub.f32 v0, v44;
	(xrf2) =	vadd.scan.msk.f32 $0xffff, v8  }
0x3fd: {  	v11 =	vmul.f32 v15, v15;
	v19 =	vimm.s32 $0x0;
	[tilespmem:s20+$0x18763] =	vst.msk vm0, v14;
	v6 =	vadd.f32 v43, v6  }
0x3fe: {  	v8 =	vmul.f32 v56, v62;
	v10 =	vld [tilespmem:s20+$0x18650];
	v17 =	vadd.f32 v7, v12;
	v28 =	vsub.f32 v58, v4  }
0x3ff: {  	v14 =	vmul.f32 v16, v16;
	v43 =	vsub.f32 v31, v4;
	v49 =	vsub.f32 v49, v4  }
0x400: {  	v7 =	vperm.xlane v57, v19;
	v58 =	vsub.f32 v50, v4;
	v18 =	vadd.f32 v6, v13;
	v6 =	vld [tilespmem:s20+$0x18760]  }
0x401: {  	v0 =	vmul.f32 v8, v0;
	[tilespmem:$0x1FB90] =	vst v15;
	v8 =	vadd.f32 v14, v11;
	v11 =	vmul.f32 v17, v17  }
0x402: {  	[tilespmem:$0x1FBA0] =	vst v16;
	v13 =	vadd.f32 v16, v15;
	v12 =	vmul.f32 v7, v60;
	v4 =	vmul.f32 v7, v63  }
0x403: {  	[tilespmem:$0x1FBB0] =	vst v17;
	v14 =	vadd.f32 v18, v17;
	v15 =	vmul.f32 v18, v18;
	v16 =	vmul.f32 $1.562500000e-02, v10  }
0x404: {  	s8 =	simm.s32 $0xC;
	[tilespmem:$0x1FC50] =	vst v0;
	v17 =	vmul.f32 v7, v55;
	v0 =	vimm.s32 $0x1;
	v8 =	vadd.f32 v11, v8  }
0x405: {  	s18 =	sor.u32 $0x5, s8;
	[tilespmem:$0x1FBC0] =	vst v18;
	v10 =	vadd.f32 v14, v13;
	v6 =	vmul.f32 $1.562500000e-02, v6;
	v11, _, _ =	vpop (xrf2);
	v13 =	vmul.f32 v16, v16  }
0x406: {  	v12 =	vmul.f32 v12, v22;
	v8 =	vadd.f32 v15, v8;
	v15 =	vperm.xlane v16, v19;
	[tilespmem:s18+$0x18650] =	vst.msk vm0, v11;
	v11, _, _ =	vpop (xrf2)  }
0x407: {  	v25 =	vmul.f32 v4, v25;
	v18 =	vperm.xlane v16, v0;
	v6 =	vsub.f32 v6, v13;
	[tilespmem:s18+$0x18760] =	vst.msk vm0, v11  }
0x408: {  	v36 =	vperm.xlane v16, v36;
	v59 =	vsub.f32 v32, v15;
	v31 =	vsub.f32 v33, v15;
	v33 =	vld [tilespmem:s23+$0xC7F0]  }
0x409: {  	(xrf2) =	vadd.scan.msk.f32 $0xffff, v8;
	v32 =	vmul.f32 v7, v62;
	v11 =	vsub.f32 v35, v15;
	v35 =	vadd.f32 $9.999999960e-13, v6;
	v6 =	vld [tilespmem:$0x1FBD0]  }
0x40a: {  	v14 =	vsub.f32 v34, v15;
	v34 =	vperm.xlane v16, v20;
	(xrf2) =	vadd.scan.msk.f32 $0xffff, v10;
	v15 =	vsub.f32 v37, v18;
	v37 =	vld [tilespmem:s23+$0xC7D0]  }
0x40b: {  	v10 =	vsub.f32 v51, v18;
	v8 =	vsub.f32 v38, v18;
	v20 =	vmul.f32 v17, v26;
	v22 =	vld [tilespmem:s23+$0x4710]  }
0x40c: {  	v4 =	vsub.f32 v2, v36;
	v38 =	vld [tilespmem:s23+$0xC7E0];
	v17 =	vsub.f32 v54, v34;
	v54 =	vimm.s32 $0x2  }
0x40d: {  	v19 =	vsub.f32 v52, v34;
	v7 =	vsub.f32 v53, v34;
	v26 =	vld [tilespmem:s23+$0x4720];
	v2 =	vperm.xlane v41, v54  }
0x40e: {  	v16 =	vshra.s32 v35, $0x1;
	v13 =	vsub.f32 v6, v18;
	v6 =	vsub.f32 v39, v34;
	v34 =	vld [tilespmem:s23+$0x4730]  }
0x40f: {  	v50 =	vld [tilespmem:s23+$0xC800];
	v35 =	vmul.f32 $5.000000000e-01, v35;
	v53 =	vmul.f32 v2, v30;
	v18 =	vsub.f32 v1, v36  }
0x410: {  	v39 =	vsub.s32 $0x5F3759DF, v16;
	v1 =	vld [tilespmem:s23+$0x4740];
	v16 =	vsub.f32 v3, v36;
	v3 =	vsub.f32 v5, v36  }
0x411: {  	v22 =	vadd.f32 v22, v37;
	v36 =	vperm.xlane v57, v0;
	v5 =	vmul.f32 v39, v35  }
0x412: {  	v26 =	vadd.f32 v26, v38;
	[tilespmem:$0x1FBE0] =	vst v3;
	v3 =	vmul.f32 v32, v27;
	v27 =	vmul.f32 v2, v48  }
0x413: {  	v38 =	vmul.f32 v36, v63;
	v5 =	vmul.f32 v39, v5;
	v32 =	vadd.f32 v34, v33;
	v34, _, _ =	vpop (xrf2)  }
0x414: {  	v37 =	vadd.f32 v22, v27;
	v27 =	vperm.xlane v57, v54;
	v54 =	vmul.f32 v36, v60;
	v52, _, _ =	vpop (xrf2)  }
0x415: {  	v1 =	vadd.f32 v1, v50;
	v50 =	vmul.f32 v2, v29;
	[tilespmem:s24+$0x18651] =	vst.msk vm0, v52;
	v52 =	vsub.f32 v47, v44  }
0x416: {  	v57 =	vimm.s32 $0x2;
	v42 =	vmul.f32 v38, v42;
	v2 =	vmul.f32 v2, v24;
	[tilespmem:s24+$0x18761] =	vst.msk vm0, v34  }
0x417: {  	v5 =	vsub.f32 $1.500000000e+00, v5;
	v22 =	vmul.f32 v37, v37;
	v33 =	vadd.f32 v26, v50;
	[tilespmem:$0x1FBF0] =	vst v52  }
0x418: {  	v26 =	vmul.f32 v36, v55;
	v34 =	vadd.f32 v32, v53;
	v32 =	vadd.f32 v1, v2;
	v1 =	vld [tilespmem:s23+$0xC6D0]  }
0x419: {  	v5 =	vmul.f32 v39, v5;
	v50 =	vsub.f32 v45, v44;
	v2 =	vmul.f32 v54, v9;
	v9 =	vld [tilespmem:s23+$0x4610]  }
0x41a: {  	v52 =	vsub.f32 v46, v44;
	v21 =	vmul.f32 v26, v21;
	v26 =	vmul.f32 v33, v33;
	v38 =	vld [tilespmem:s23+$0xC6E0]  }
0x41b: {  	v53 =	vadd.f32 v33, v37;
	v35 =	vmul.f32 v5, v35;
	v54 =	vadd.f32 v32, v34;
	v51 =	vld [tilespmem:s23+$0x4620]  }
0x41c: {  	v46 =	vperm.xlane v40, v57;
	v22 =	vadd.f32 v26, v22;
	v26 =	vmul.f32 v36, v62  }
0x41d: {  	v47 =	vld [tilespmem:s23+$0xC6F0];
	v39 =	vadd.f32 v54, v53;
	v53 =	vmul.f32 v27, v60;
	v54 =	vmul.f32 v34, v34  }
0x41e: {  	v44 =	vld [tilespmem:s23+$0xC700];
	v45 =	vmul.f32 v32, v32;
	v1 =	vadd.f32 v9, v1;
	v9 =	vmul.f32 v35, v5  }
0x41f: {  	v23 =	vmul.f32 v26, v23;
	v22 =	vadd.f32 v54, v22;
	v26 =	vmul.f32 v53, v28;
	v28 =	vld [tilespmem:s23+$0x4630];
	[tilespmem:$0x1FC00] =	vst v32  }
0x420: {  	v32 =	vmul.f32 v27, v55;
	v36 =	vadd.f32 v51, v38;
	v51 =	vld [tilespmem:s23+$0x4640];
	v9 =	vsub.f32 $1.500000000e+00, v9  }
0x421: {  	v53 =	vmul.f32 v27, v63;
	v35 =	vmul.f32 v46, v48  }
0x422: {  	v22 =	vadd.f32 v45, v22;
	v5 =	vmul.f32 v9, v5;
	v9 =	vmul.f32 v46, v29  }
0x423: {  	v38 =	vmul.f32 v32, v43;
	v32 =	vmul.f32 v53, v49;
	v35 =	vadd.f32 v1, v35  }
0x424: {  	(xrf2) =	vadd.scan.msk.f32 $0xffff, v39;
	v1 =	vmul.f32 v46, v30;
	v53 =	vadd.f32 v28, v47;
	v36 =	vadd.f32 v36, v9  }
0x425: {  	(xrf2) =	vadd.scan.msk.f32 $0xffff, v22;
	v28 =	vmul.f32 v46, v24;
	v43 =	vmul.f32 v35, v35;
	v39 =	vadd.f32 v51, v44  }
0x426: {  	v9 =	vimm.s32 $0x0;
	v45 =	vadd.f32 v53, v1;
	v1 =	vmul.f32 v36, v36  }
0x427: {  	v27 =	vmul.f32 v27, v62;
	v9 =	vperm.xlane v5, v9  }
0x428: {  	v39 =	vadd.f32 v39, v28;
	v28 =	vmul.f32 v45, v45;
	v1 =	vadd.f32 v1, v43  }
0x429: {  	v0 =	vimm.s32 $0x1;
	v44 =	vmul.f32 v9, v60  }
0x42a: {  	v51 =	vmul.f32 v27, v58;
	v1 =	vadd.f32 v28, v1;
	v28 =	vmul.f32 v39, v39  }
0x42b: {  	[tilespmem:$0x1FC10] =	vst v35;
	v27 =	vmul.f32 v44, v59;
	v59 =	vperm.xlane v5, v0  }
0x42c: {  	[tilespmem:$0x1FC20] =	vst v36;
	v54 =	vmul.f32 v9, v55;
	v49 =	vmul.f32 v9, v63  }
0x42d: {  	[tilespmem:$0x1FC30] =	vst v45;
	v9 =	vmul.f32 v9, v62;
	v53 =	vmul.f32 v59, v60  }
0x42e: {  	s26 =	sor.u32 $0x6, s8;
	[tilespmem:$0x1FC40] =	vst v39;
	v1 =	vadd.f32 v28, v1;
	v28, _, _ =	vpop (xrf2)  }
0x42f: {  	v9 =	vmul.f32 v9, v11;
	v11 =	vmul.f32 v53, v15;
	[tilespmem:s26+$0x18650] =	vst.msk vm0, v28;
	v15, _, _ =	vpop (xrf2)  }
0x430: {  	v0 =	vld [tilespmem:$0x1FC50];
	[tilespmem:s26+$0x18760] =	vst.msk vm0, v15  }
0x431: {  	v58 =	vadd.f32 v36, v35;
	v36 =	vld [tilespmem:$0x1FF80];
	_ =	sdelay $0x3  }
0x432: {  	v0 =	vadd.f32 v0, v61  }
0x433: {  	v12 =	vadd.f32 v12, v36  }
0x434: {  	v45 =	vadd.f32 v39, v45;
	[tilespmem:s20+$0x14840] =	vst v0  }
0x435: {  	v22 =	vmul.f32 v54, v31;
	v31 =	vld [tilespmem:$0x1FF90];
	[tilespmem:s20+$0x14750] =	vst v12  }
0x436: {  	v43 =	vadd.f32 v45, v58;
	v58 =	vimm.s32 $0x3;
	v54 =	vmul.f32 v59, v55;
	v35 =	vld [tilespmem:$0x1FFA0]  }
0x437: {  	v14 =	vmul.f32 v49, v14;
	v40 =	vperm.xlane v40, v58  }
0x438: {  	v13 =	vmul.f32 v54, v13;
	v54 =	vimm.s32 $0x3;
	v28 =	vperm.xlane v5, v57  }
0x439: {  	v3 =	vadd.f32 v3, v61;
	v5 =	vperm.xlane v5, v58;
	v57 =	vperm.xlane v41, v54  }
0x43a: {  	v9 =	vadd.f32 v9, v61;
	(xrf2) =	vadd.scan.msk.f32 $0xffff, v1;
	v15 =	vmul.f32 v59, v63;
	v49 =	vmul.f32 v28, v55  }
0x43b: {  	v53 =	vld [tilespmem:s23+$0xC810];
	[tilespmem:s20+$0x14780] =	vst v3;
	v0 =	vadd.f32 v20, v31;
	v12 =	vadd.f32 v25, v35;
	v25 =	vmul.f32 v59, v62  }
0x43c: {  	v10 =	vmul.f32 v15, v10;
	v15 =	vld [tilespmem:s23+$0xC830];
	v11 =	vadd.f32 v11, v36;
	[tilespmem:s20+$0x14680] =	vst v9;
	v59 =	vmul.f32 v28, v60  }
0x43d: {  	(xrf2) =	vadd.scan.msk.f32 $0xffff, v43;
	v1 =	vmul.f32 v49, v7;
	v7 =	vld [tilespmem:s23+$0x4760];
	[tilespmem:s20+$0x14760] =	vst v0;
	v0 =	vmul.f32 v25, v8  }
0x43e: {  	v3 =	vadd.f32 v2, v36;
	[tilespmem:s20+$0x14690] =	vst v11;
	v8 =	vmul.f32 v28, v63;
	v2 =	vmul.f32 v59, v19;
	v19 =	vld [tilespmem:s23+$0xC820]  }
0x43f: {  	v21 =	vadd.f32 v21, v31;
	v9 =	vadd.f32 v13, v31;
	[tilespmem:s20+$0x14770] =	vst v12;
	v12 =	vld [tilespmem:s23+$0x4750];
	v25 =	vmul.f32 v28, v62  }
0x440: {  	[tilespmem:s20+$0x14790] =	vst v3;
	v11 =	vadd.f32 v38, v31;
	v28 =	vmul.f32 v5, v60;
	v3 =	vmul.f32 v8, v17;
	v8 =	vld [tilespmem:s23+$0x4770]  }
0x441: {  	v42 =	vadd.f32 v42, v35;
	v58 =	vmul.f32 v25, v6;
	v17 =	vadd.f32 v23, v61  }
0x442: {  	v20 =	vld [tilespmem:s23+$0xC840];
	[tilespmem:s20+$0x147A0] =	vst v21;
	v59 =	vmul.f32 v28, v18;
	v25 =	vmul.f32 v40, v48;
	v18 =	vadd.f32 v26, v36  }
0x443: {  	v6 =	vld [tilespmem:s23+$0x4780];
	v26 =	vmul.f32 v40, v29;
	[tilespmem:s20+$0x147C0] =	vst v17;
	v17 =	vadd.f32 v27, v36;
	v7 =	vadd.f32 v7, v19  }
0x444: {  	v28 =	vmul.f32 v56, v55;
	[tilespmem:s20+$0x147D0] =	vst v18;
	v18 =	vmul.f32 v5, v55;
	v12 =	vadd.f32 v12, v53  }
0x445: {  	[tilespmem:s20+$0x14650] =	vst v17;
	v17 =	vmul.f32 v57, v29;
	v8 =	vadd.f32 v8, v15;
	v15 =	vmul.f32 v57, v48  }
0x446: {  	v14 =	vadd.f32 v14, v35;
	[tilespmem:s20+$0x146A0] =	vst v9;
	v27 =	vmul.f32 v40, v30;
	v36 =	vmul.f32 v56, v63  }
0x447: {  	[tilespmem:s20+$0x147E0] =	vst v11;
	v45 =	vadd.f32 v7, v17;
	v44 =	vadd.f32 v12, v15;
	v12 =	vmul.f32 v57, v30;
	v7, _, _ =	vpop (xrf2)  }
0x448: {  	[tilespmem:s20+$0x14670] =	vst v14;
	v61 =	vmul.f32 v18, v4;
	v18 =	vmul.f32 v56, v60;
	v6 =	vadd.f32 v6, v20;
	v4, _, _ =	vpop (xrf2)  }
0x449: {  	v17 =	vmul.f32 v5, v62;
	v14 =	vadd.f32 v8, v12;
	[tilespmem:s24+$0x18652] =	vst.msk vm0, v4;
	v8 =	vmul.f32 v57, v24  }
0x44a: {  	v19 =	vadd.f32 v22, v31;
	v30 =	vmul.f32 v40, v24;
	v4 =	vmul.f32 v5, v63;
	[tilespmem:s24+$0x18762] =	vst.msk vm0, v7  }
0x44b: {  	[tilespmem:s20+$0x147B0] =	vst v42;
	v9 =	vmul.f32 v45, v45;
	v5 =	vadd.f32 v10, v35;
	v54 =	vadd.f32 v6, v8;
	v6 =	vld [tilespmem:s23+$0xC710]  }
0x44c: {  	s11 =	simm.s32 $0x1000;
	s9 =	simm.s32 $0x2;
	s4 =	simm.s32 $0x20;
	[tilespmem:s20+$0x14660] =	vst v19;
	v63 =	vimm.s32 $0x1;
	v16 =	vmul.f32 v4, v16;
	v7 =	vld [tilespmem:s23+$0x4650];
	v8 =	vmul.f32 v44, v44  }
.LBB2_7:
0x44d: {  	v4 =	vld [tilespmem:s23+$0xC720]  }
0x44e: {  	v12 =	vld [tilespmem:$0x1FBE0]  }
0x44f: {  	v20 =	vld [tilespmem:$0x1FFB0]  }
0x450: {  	v57 =	vld [tilespmem:$0x1FF80]  }
0x451: {  	v60 =	vld [tilespmem:$0x1FF90]  }
0x452: {  	v22 =	vld [tilespmem:$0x1FFA0]  }
0x453: {  	v46 =	vld [tilespmem:$0x1FFC0]  }
0x454: {  	v48 =	vld [tilespmem:$0x1FFD0]  }
0x455: {  	v56 =	vld [tilespmem:$0x1FFE0]  }
0x456: {  	s15 =	sshra.s32 s11, $0x2;
	v29 =	vld [tilespmem:$0x1FFF0]  }
0x457: {  	v10 =	vadd.f32 v45, v44;
	v11 =	vadd.f32 v54, v14;
	v13 =	vld [tilespmem:s15+$0xC780]  }
0x458: {  	s4 =	sadd.s32 $0x20, s4;
	v8 =	vadd.f32 v9, v8;
	v9 =	vmul.f32 v14, v14;
	[tilespmem:s20+$0x146B0] =	vst v5;
	v5 =	vld [tilespmem:$0x1FBF0]  }
0x459: {  	[tilespmem:$0x1F9E0] =	vst v14;
	v14 =	vld [tilespmem:s15+$0x46C0];
	s12 =	sshra.s32 s4, $0x2;
	v10 =	vadd.f32 v11, v10  }
0x45a: {  	v31 =	vld [tilespmem:s12+$0x404];
	v8 =	vadd.f32 v9, v8;
	v9 =	vmul.f32 v54, v54;
	v0 =	vadd.f32 v0, v20  }
0x45b: {  	v15 =	vmul.f32 v36, v52;
	v6 =	vadd.f32 v7, v6;
	v7 =	vld [tilespmem:s15+$0x4690];
	v2 =	vadd.f32 v2, v57  }
0x45c: {  	v12 =	vmul.f32 v17, v12;
	v17 =	vld [tilespmem:s15+$0xC770];
	v8 =	vadd.f32 v9, v8;
	[tilespmem:s20+$0x146C0] =	vst v0;
	v0 =	vadd.f32 v1, v60  }
0x45d: {  	v9 =	vadd.f32 v16, v22;
	v5 =	vmul.f32 v18, v5;
	v18 =	vld [tilespmem:s15+$0xC750];
	[tilespmem:s20+$0x146D0] =	vst v2;
	v1 =	vadd.f32 v3, v22  }
0x45e: {  	(xrf2) =	vadd.scan.msk.f32 $0xffff, v10;
	v19 =	vadd.f32 v51, v20;
	v2 =	vld [tilespmem:s15+$0xC760];
	v3 =	vadd.f32 v58, v20;
	[tilespmem:s20+$0x146E0] =	vst v0  }
0x45f: {  	v43 =	vadd.f32 v6, v25;
	v6 =	vadd.f32 v59, v57;
	(xrf2) =	vadd.scan.msk.f32 $0xffff, v8;
	v8 =	vld [tilespmem:s15+$0x46A0];
	[tilespmem:s20+$0x146F0] =	vst v1  }
0x460: {  	v11 =	vmul.f32 v28, v50;
	v10 =	vld [tilespmem:s15+$0x46B0];
	v1 =	vadd.f32 v61, v60;
	[tilespmem:s20+$0x14700] =	vst v3;
	v3 =	vadd.f32 v12, v20  }
0x461: {  	v24 =	vimm.s32 $0x0;
	v12 =	vadd.f32 v32, v22;
	v32 =	vmovc v20;
	v20 =	vadd.f32 v5, v57;
	v16 =	vld [tilespmem:s12+$0x400];
	[tilespmem:s20+$0x14710] =	vst v6  }
0x462: {  	v5 =	vperm.xlane v31, v24;
	v21 =	vld [tilespmem:s15+$0xC650];
	[tilespmem:s20+$0x14720] =	vst v1;
	v1 =	vadd.f32 v11, v60;
	v11 =	vadd.f32 v15, v22  }
0x463: {  	v6 =	vadd.f32 v7, v18;
	v7 =	vadd.f32 v14, v13;
	v15 =	vld [tilespmem:s15+$0x4590];
	[tilespmem:s20+$0x14730] =	vst v9  }
0x464: {  	v13 =	vmul.f32 v5, v46;
	v2 =	vadd.f32 v8, v2;
	v8 =	vmul.f32 v5, v48;
	v9 =	vld [tilespmem:s15+$0xC660];
	[tilespmem:s20+$0x14740] =	vst v3  }
0x465: {  	[tilespmem:$0x1F9C0] =	vst v45;
	v3 =	vadd.f32 v10, v17;
	v10 =	vmul.f32 v5, v56;
	v17 =	vmul.f32 v5, v29;
	v14 =	vld [tilespmem:s15+$0x45A0]  }
0x466: {  	[tilespmem:s20+$0x14800] =	vst v19;
	v5 =	vadd.f32 v6, v13;
	v42 =	vld [tilespmem:s15+$0xC670];
	v6 =	vadd.f32 v2, v8  }
0x467: {  	[tilespmem:s20+$0x147F0] =	vst v12;
	v8 =	vld [tilespmem:s15+$0x45B0];
	v12 =	vperm.xlane v16, v24;
	v2 =	vadd.f32 v3, v10;
	v3 =	vadd.f32 v7, v17  }
0x468: {  	s16 =	sor.u32 $0x7, s8;
	[tilespmem:s20+$0x14810] =	vst v20;
	v20 =	vld [tilespmem:s15+$0x45C0];
	v18, _, _ =	vpop (xrf2);
	v17 =	vmul.f32 v6, v6;
	v7 =	vadd.f32 v15, v21;
	v15 =	vmul.f32 v5, v5  }
0x469: {  	v10 =	vld [tilespmem:s15+$0xC680];
	[tilespmem:s16+$0x18650] =	vst.msk vm0, v18;
	v45 =	vadd.f32 v6, v5;
	v18, _, _ =	vpop (xrf2);
	v23 =	vadd.f32 v3, v2  }
0x46a: {  	v19 =	vmul.f32 v12, v46;
	[tilespmem:s16+$0x18760] =	vst.msk vm0, v18;
	v15 =	vadd.f32 v17, v15;
	v17 =	vmul.f32 v2, v2  }
0x46b: {  	v18 =	vmul.f32 v12, v48;
	v25 =	vld [tilespmem:s24+$0x18654];
	[tilespmem:s20+$0x14820] =	vst v1;
	v1 =	vadd.f32 v14, v9;
	v14 =	vadd.f32 v23, v45  }
0x46c: {  	[tilespmem:s20+$0x14830] =	vst v11;
	v50 =	vadd.f32 v7, v19;
	v7 =	vadd.f32 v17, v15  }
0x46d: {  	v9 =	vmul.f32 v12, v56;
	v15 =	vld [tilespmem:s24+$0x18764];
	v51 =	vadd.f32 v1, v18;
	v1 =	vadd.f32 v8, v42  }
0x46e: {  	v13 =	vperm.xlane v16, v63;
	v11 =	vmul.f32 v3, v3;
	v10 =	vadd.f32 v20, v10;
	(xrf2) =	vadd.scan.msk.f32 $0xffff, v14  }
0x46f: {  	v8 =	vmul.f32 v12, v29;
	v14 =	vmul.f32 v50, v50;
	v52 =	vadd.f32 v1, v9  }
0x470: {  	v11 =	vadd.f32 v11, v7;
	v1 =	vmul.f32 v51, v51;
	v7 =	vmul.f32 $1.562500000e-02, v25  }
0x471: {  	v21 =	vmul.f32 v13, v48;
	v39 =	vadd.f32 v10, v8;
	v19 =	vmul.f32 v52, v52  }
0x472: {  	(xrf2) =	vadd.scan.msk.f32 $0xffff, v11;
	v1 =	vadd.f32 v1, v14;
	v11 =	vmul.f32 $1.562500000e-02, v15;
	v14 =	vmul.f32 v7, v7  }
0x473: {  	v58 =	vimm.s32 $0x2;
	v20 =	vmul.f32 v13, v46;
	v18 =	vmul.f32 v13, v56  }
0x474: {  	v55 =	vmul.f32 v39, v39;
	v1 =	vadd.f32 v19, v1;
	v11 =	vsub.f32 v11, v14  }
0x475: {  	v47 =	vld [tilespmem:s23+$0x4660];
	s20 =	smov.u32 s23;
	v19 =	vmul.f32 v13, v29;
	v13 =	vperm.xlane v16, v58  }
0x476: {  	v12 =	vld [tilespmem:s20+$0xC730];
	v14 =	vimm.s32 $0x3;
	v1 =	vadd.f32 v55, v1;
	v11 =	vadd.f32 $9.999999960e-13, v11  }
0x477: {  	v17 =	vld [tilespmem:s20+$0x4670];
	v14 =	vperm.xlane v16, v14  }
0x478: {  	v16, _, _ =	vpop (xrf2);
	(xrf2) =	vadd.scan.msk.f32 $0xffff, v1;
	v1 =	vmul.f32 v13, v29;
	v61 =	vshra.s32 v11, $0x1;
	v11 =	vmul.f32 $5.000000000e-01, v11  }
0x479: {  	v22 =	vsub.s32 $0x5F3759DF, v61  }
0x47a: {  	v9 =	vld [tilespmem:s20+$0xC740];
	[tilespmem:$0x1FA40] =	vst v1;
	v1 =	vmul.f32 v22, v11  }
0x47b: {  	v4 =	vadd.f32 v47, v4;
	v10 =	vld [tilespmem:s20+$0x4680];
	v59 =	vmul.f32 v13, v46  }
0x47c: {  	v12 =	vadd.f32 v17, v12;
	v62 =	vmul.f32 v13, v48;
	v17 =	vmul.f32 v22, v1  }
0x47d: {  	v63 =	vmul.f32 v13, v56;
	v13 =	vmul.f32 v14, v48  }
0x47e: {  	[tilespmem:s12+$0x18654] =	vst.msk vm0, v16  }
0x47f: {  	v36 =	vmul.f32 v14, v46;
	v61 =	vadd.f32 v4, v26;
	[tilespmem:$0x1FA70] =	vst v13;
	v13 =	vmul.f32 v14, v56;
	v4, _, _ =	vpop (xrf2)  }
0x480: {  	[tilespmem:s12+$0x18764] =	vst.msk vm0, v4;
	v4 =	vadd.f32 v10, v9;
	v9 =	vmul.f32 v14, v29;
	v14 =	vsub.f32 $1.500000000e+00, v17;
	v17 =	vmovc v5  }
0x481: {  	v1 =	vmov v13  }
0x482: {  	[tilespmem:$0x1FA80] =	vst v1;
	v1 =	vadd.f32 v4, v30;
	v4 =	vld [tilespmem:$0x1FAE0]  }
0x483: {  	v8 =	vadd.f32 v51, v50;
	v15 =	vadd.f32 v39, v52;
	[tilespmem:$0x1FAE0] =	vst v17;
	v17 =	vmov v2;
	v2 =	vld [tilespmem:$0x1FB00];
	_ =	sdelay $0x1  }
0x484: {  	v8 =	vadd.f32 v15, v8  }
0x485: {  	s23 =	smov.u32 s15;
	v15 =	vperm.xlane v7, v24;
	v24 =	vmov v6;
	v6 =	vld [tilespmem:$0x1FAF0]  }
0x486: {  	v0 =	vmul.f32 v43, v43;
	[tilespmem:$0x1FA20] =	vst v62;
	(xrf2) =	vadd.scan.msk.f32 $0xffff, v8;
	v25 =	vld [tilespmem:s23+$0xC790]  }
0x487: {  	v62 =	vadd.f32 v12, v27;
	v8 =	vmul.f32 v61, v61;
	[tilespmem:$0x1FAF0] =	vst v17;
	v17 =	vsub.f32 v2, v15;
	v2 =	vld [tilespmem:$0x1FB60]  }
0x488: {  	v27 =	vld [tilespmem:s23+$0xC7A0]  }
0x489: {  	v35 =	vimm.s32 $0x1;
	v0 =	vadd.f32 v8, v0;
	v8 =	vmul.f32 v62, v62;
	v40 =	vld [tilespmem:s23+$0x46E0]  }
0x48a: {  	v49 =	vperm.xlane v7, v35;
	v5 =	vmov v9;
	v9 =	vld [tilespmem:s23+$0x46D0]  }
0x48b: {  	v0 =	vadd.f32 v8, v0;
	v14 =	vmul.f32 v22, v14;
	[tilespmem:$0x1FAA0] =	vst v5;
	v5 =	vld [tilespmem:$0x1FAD0]  }
0x48c: {  	v16 =	vld [tilespmem:s23+$0xC7C0];
	v26 =	vmul.f32 v1, v1;
	v2 =	vsub.f32 v2, v49  }
0x48d: {  	v6 =	vsub.f32 v6, v15;
	v12 =	vadd.f32 v61, v43;
	v10 =	vld [tilespmem:s23+$0x4700];
	[tilespmem:$0x1FAD0] =	vst v24;
	v11 =	vmul.f32 v14, v11  }
0x48e: {  	v30 =	vadd.f32 v1, v62;
	v28, _, _ =	vpop (xrf2);
	v24 =	vadd.f32 v26, v0;
	v26 =	vperm.xlane v31, v35;
	[tilespmem:$0x1F9D0] =	vst v2;
	v2 =	vld [tilespmem:$0x1FB70]  }
0x48f: {  	v38 =	vld [tilespmem:s23+$0x46F0];
	v53 =	vadd.f32 v40, v27;
	v0 =	vmovc v3;
	v4 =	vsub.f32 v4, v15;
	v11 =	vmul.f32 v11, v14  }
0x490: {  	v13 =	vld [tilespmem:s23+$0xC7B0];
	[tilespmem:$0x1FB00] =	vst v0;
	v9 =	vadd.f32 v9, v25;
	v25 =	vmul.f32 v26, v48;
	v5 =	vsub.f32 v5, v15;
	v15, _, _ =	vpop (xrf2)  }
0x491: {  	v0 =	vld [tilespmem:$0x1FB50];
	v11 =	vsub.f32 $1.500000000e+00, v11;
	[tilespmem:s12+$0x18650] =	vst.msk vm0, v15  }
0x492: {  	v12 =	vadd.f32 v30, v12;
	(xrf2) =	vadd.scan.msk.f32 $0xffff, v24;
	v24 =	vadd.f32 v53, v25;
	v53 =	vld [tilespmem:$0x1FF70];
	[tilespmem:s12+$0x18760] =	vst.msk vm0, v28  }
0x493: {  	v11 =	vmul.f32 v11, v14;
	v15 =	vmul.f32 v26, v46;
	v14 =	vld [tilespmem:s23+$0xC690];
	v2 =	vsub.f32 v2, v49  }
0x494: {  	v10 =	vadd.f32 v10, v16;
	v3 =	vmul.f32 v26, v29;
	(xrf2) =	vadd.scan.msk.f32 $0xffff, v12;
	v12 =	vld [tilespmem:s23+$0x45D0]  }
0x495: {  	v45 =	vmovc v44;
	v44 =	vmovc v31;
	v41 =	vmul.f32 v26, v56;
	v31 =	vadd.f32 v9, v15;
	v15 =	vld [tilespmem:s23+$0x45E0];
	[tilespmem:$0x1FA00] =	vst v2;
	v2 =	vimm.s32 $0x3  }
0x496: {  	v0 =	vsub.f32 v0, v49;
	v16 =	vperm.xlane v7, v2;
	v26 =	vperm.xlane v11, v2;
	v2 =	vld [tilespmem:$0x1FB80]  }
0x497: {  	[tilespmem:$0x1FA10] =	vst v59;
	v8 =	vperm.xlane v7, v58;
	v13 =	vadd.f32 v38, v13;
	v10 =	vadd.f32 v10, v3;
	v7 =	vld [tilespmem:s23+$0xC6A0]  }
0x498: {  	v38 =	vmul.f32 v24, v24;
	[tilespmem:$0x1F9F0] =	vst v0;
	v0 =	vimm.s32 $0x0;
	v25 =	vld [tilespmem:s23+$0xC6B0];
	v27 =	vmul.f32 v31, v31  }
0x499: {  	[tilespmem:$0x1FA30] =	vst v63;
	v30 =	vadd.f32 v13, v41;
	v59 =	vld [tilespmem:s23+$0x45F0];
	v9 =	vperm.xlane v11, v0;
	v63 =	vadd.f32 v24, v31  }
0x49a: {  	v42 =	vld [tilespmem:s23+$0x4600];
	v38 =	vadd.f32 v38, v27;
	v13 =	vsub.f32 v54, v16;
	v55 =	vmul.f32 v26, v53  }
0x49b: {  	v27 =	vmul.f32 v30, v30;
	v12 =	vadd.f32 v12, v14;
	v14 =	vld [tilespmem:s23+$0xC6C0];
	v3 =	vsub.f32 v2, v49;
	v2 =	vmovc v10  }
0x49c: {  	v13 =	vmul.f32 v55, v13;
	v55 =	vld [tilespmem:$0x1FF40];
	v7 =	vadd.f32 v15, v7;
	v41 =	vadd.f32 v2, v30  }
0x49d: {  	[tilespmem:$0x1FB50] =	vst v24;
	v28, _, _ =	vpop (xrf2);
	v15 =	vadd.f32 v27, v38;
	v27 =	vadd.f32 v12, v20;
	v20 =	vperm.xlane v11, v58;
	v49 =	vld [tilespmem:$0x1FF60]  }
0x49e: {  	v13 =	vadd.f32 v13, v32;
	[tilespmem:$0x1FB80] =	vst v2;
	v2 =	vmul.f32 v10, v2;
	v10, _, _ =	vpop (xrf2);
	v40 =	vadd.f32 v41, v63;
	v63 =	vld [tilespmem:$0x1FF50]  }
0x49f: {  	v54 =	vadd.f32 v7, v21;
	[tilespmem:s24+$0x18653] =	vst.msk vm0, v10;
	v41 =	vperm.xlane v11, v35;
	v11 =	vadd.f32 v59, v25  }
0x4a0: {  	v12 =	vmul.f32 v27, v27;
	v10 =	vadd.f32 v42, v14;
	[tilespmem:s20+$0x14840] =	vst v13;
	v7 =	vadd.f32 v2, v15  }
0x4a1: {  	[tilespmem:s24+$0x18763] =	vst.msk vm0, v28;
	v2 =	vmul.f32 v9, v53;
	v13 =	vmul.f32 v54, v54;
	v25 =	vadd.f32 v11, v18  }
0x4a2: {  	[tilespmem:$0x1FB70] =	vst v30;
	v21 =	vmul.f32 v9, v55;
	v30 =	vadd.f32 v10, v19;
	v10 =	vld [tilespmem:s24+$0x18650];
	v24 =	vmul.f32 v9, v49  }
0x4a3: {  	v11 =	vmul.f32 v25, v25;
	v22 =	vmul.f32 v9, v63;
	v9 =	vadd.f32 v13, v12;
	_ =	sdelay $0x1  }
0x4a4: {  	v47 =	vmul.f32 v30, v30;
	v59 =	vadd.f32 v11, v9;
	_ =	sdelay $0x1  }
0x4a5: {  	v32 =	vadd.f32 v47, v59;
	v47 =	vmul.f32 $1.562500000e-02, v10;
	_ =	sdelay $0x1  }
0x4a6: {  	v23 =	vperm.xlane v47, v0;
	v0 =	vld [tilespmem:$0x1FC00];
	_ =	sdelay $0x2  }
0x4a7: {  	[tilespmem:$0x1FB60] =	vst v31;
	(xrf2) =	vadd.scan.msk.f32 $0xffff, v40;
	v31 =	vmul.f32 v41, v55;
	v15 =	vmul.f32 v41, v49  }
0x4a8: {  	v40 =	vsub.f32 v33, v8;
	(xrf2) =	vadd.scan.msk.f32 $0xffff, v7;
	v7 =	vsub.f32 v37, v8;
	v14 =	vmul.f32 v41, v63  }
0x4a9: {  	v12 =	vmul.f32 v41, v53;
	v41 =	vsub.f32 v34, v8;
	v8 =	vsub.f32 v0, v8;
	v0 =	vld [tilespmem:$0x1FB10];
	_ =	sdelay $0x4  }
0x4aa: {  	v0 =	vsub.f32 v0, v23;
	_ =	sdelay $0x1  }
0x4ab: {  	[tilespmem:$0x1FA50] =	vst v0;
	v0 =	vld [tilespmem:$0x1FB20]  }
0x4ac: {  	v42 =	vadd.f32 v54, v27;
	v19 =	vadd.f32 v30, v25;
	_ =	sdelay $0x1  }
0x4ad: {  	s8 =	sadd.s32 $0x8, s8;
	v19 =	vadd.f32 v19, v42  }
0x4ae: {  	s18 =	sor.u32 $0x5, s8;
	v28, _, _ =	vpop (xrf2);
	(xrf2) =	vadd.scan.msk.f32 $0xffff, v32  }
0x4af: {  	[tilespmem:s18+$0x18650] =	vst.msk vm0, v28;
	v28, _, _ =	vpop (xrf2);
	(xrf2) =	vadd.scan.msk.f32 $0xffff, v19;
	v19 =	vsub.f32 v0, v23;
	v0 =	vld [tilespmem:$0x1FB30];
	_ =	sdelay $0x4  }
0x4b0: {  	v59 =	vsub.f32 v0, v23;
	v0 =	vmov v51  }
0x4b1: {  	[tilespmem:$0x1FB20] =	vst v0;
	v0 =	vld [tilespmem:$0x1FB40];
	_ =	sdelay $0x3  }
0x4b2: {  	v18 =	vld [tilespmem:s24+$0x18760]  }
0x4b3: {  	v13 =	vmul.f32 v20, v55;
	v23 =	vsub.f32 v0, v23;
	v0 =	vld [tilespmem:$0x1FB90]  }
0x4b4: {  	v11 =	vmul.f32 v20, v63;
	v9 =	vmul.f32 v20, v49  }
0x4b5: {  	v10 =	vmul.f32 v20, v53;
	v20 =	vmul.f32 v26, v55  }
0x4b6: {  	v33 =	vperm.xlane v47, v35  }
0x4b7: {  	[tilespmem:$0x1FAB0] =	vst v20;
	v35 =	vmul.f32 v21, v4;
	v4 =	vmov v50  }
0x4b8: {  	v18 =	vmul.f32 $1.562500000e-02, v18;
	v20 =	vmul.f32 v47, v47;
	[tilespmem:$0x1FB10] =	vst v4;
	v4 =	vsub.f32 v0, v33;
	v0 =	vmovc v52  }
0x4b9: {  	[tilespmem:$0x1FB30] =	vst v0;
	v0 =	vld [tilespmem:$0x1FBA0]  }
0x4ba: {  	v20 =	vsub.f32 v18, v20  }
0x4bb: {  	v42 =	vmul.f32 v22, v5  }
0x4bc: {  	v5 =	vmovc v39;
	v18 =	vmul.f32 v26, v49;
	[tilespmem:s18+$0x18760] =	vst.msk vm0, v28;
	v28 =	vmul.f32 v26, v63;
	v26 =	vadd.f32 $9.999999960e-13, v20  }
0x4bd: {  	[tilespmem:$0x1FB40] =	vst v5  }
0x4be: {  	v38 =	vmul.f32 $5.000000000e-01, v26;
	v5 =	vld [tilespmem:$0x1FBC0];
	[tilespmem:$0x1FA60] =	vst v4;
	v4 =	vshra.s32 v26, $0x1;
	v26 =	vsub.f32 v0, v33;
	v0 =	vmovc v27  }
0x4bf: {  	[tilespmem:$0x1FB90] =	vst v0;
	v0 =	vsub.s32 $0x5F3759DF, v4;
	v4 =	vld [tilespmem:$0x1FBB0]  }
0x4c0: {  	v39 =	vld [tilespmem:s23+$0x4710]  }
0x4c1: {  	v51 =	vmov v54;
	v54 =	vmov v30;
	v30 =	vld [tilespmem:s23+$0x4720]  }
0x4c2: {  	[tilespmem:$0x1FBC0] =	vst v54;
	v54 =	vld [tilespmem:$0x1FC40]  }
0x4c3: {  	v52 =	vld [tilespmem:s23+$0xC7D0]  }
0x4c4: {  	[tilespmem:$0x1FA90] =	vst v36;
	v36 =	vimm.s32 $0x3;
	v5 =	vsub.f32 v5, v33;
	v4 =	vsub.f32 v4, v33;
	v33 =	vld [tilespmem:s23+$0xC7E0]  }
0x4c5: {  	v34 =	vperm.xlane v47, v58;
	v32 =	vperm.xlane v47, v36;
	[tilespmem:$0x1FBA0] =	vst v51;
	v51 =	vld [tilespmem:$0x1FC30]  }
0x4c6: {  	v20 =	vmov v25  }
0x4c7: {  	v22 =	vsub.f32 v54, v34;
	v54 =	vsub.f32 v61, v32;
	v61 =	vperm.xlane v44, v58;
	[tilespmem:$0x1FBB0] =	vst v20;
	v20 =	vld [tilespmem:$0x1FC10]  }
0x4c8: {  	v17 =	vmul.f32 v2, v17;
	v2 =	vsub.f32 v45, v16;
	v37 =	vld [tilespmem:s23+$0xC800]  }
0x4c9: {  	v47 =	vld [tilespmem:s23+$0x4740];
	v39 =	vadd.f32 v39, v52;
	v52 =	vmul.f32 v61, v48;
	v30 =	vadd.f32 v30, v33  }
0x4ca: {  	[tilespmem:$0x1FBF0] =	vst v2;
	v2 =	vld [tilespmem:$0x1F9C0];
	v25 =	vsub.f32 v51, v34;
	v51, _, _ =	vpop (xrf2)  }
0x4cb: {  	s24 =	smov.u32 s12;
	v45, _, _ =	vpop (xrf2);
	v50 =	vmul.f32 v0, v38;
	v33 =	vadd.f32 v30, v52;
	v52 =	vld [tilespmem:$0x1F9E0]  }
0x4cc: {  	[tilespmem:s24+$0x18651] =	vst.msk vm0, v45;
	v27 =	vsub.f32 v20, v34;
	v20 =	vld [tilespmem:$0x1FC20]  }
0x4cd: {  	v1 =	vsub.f32 v1, v32;
	v36 =	vld [tilespmem:s23+$0xC7F0];
	[tilespmem:s24+$0x18761] =	vst.msk vm0, v51;
	v50 =	vmul.f32 v0, v50  }
0x4ce: {  	v51 =	vadd.f32 v47, v37;
	v47 =	vld [tilespmem:s23+$0xC6D0]  }
0x4cf: {  	[tilespmem:$0x1FBE0] =	vst v1;
	v1 =	vsub.f32 $1.500000000e+00, v50;
	v30 =	vld [tilespmem:s23+$0xC6E0]  }
0x4d0: {  	v50 =	vsub.f32 v2, v16;
	v52 =	vsub.f32 v52, v16;
	v16 =	vld [tilespmem:s23+$0x4620]  }
0x4d1: {  	v20 =	vsub.f32 v20, v34;
	v34 =	vld [tilespmem:s23+$0x4730]  }
0x4d2: {  	v21 =	vsub.f32 v43, v32;
	v2 =	vld [tilespmem:$0x1F9D0]  }
0x4d3: {  	v62 =	vsub.f32 v62, v32;
	v32 =	vmul.f32 v61, v46;
	v0 =	vmul.f32 v0, v1;
	v1 =	vld [tilespmem:s23+$0x4610]  }
0x4d4: {  	v24 =	vmul.f32 v24, v6;
	v6 =	vmov v44;
	v44 =	vmul.f32 v61, v29  }
0x4d5: {  	v3 =	vmul.f32 v12, v3;
	v37 =	vadd.f32 v39, v32;
	v12 =	vadd.f32 v16, v30;
	v16 =	vld [tilespmem:$0x1FA10]  }
0x4d6: {  	v43 =	vmul.f32 v61, v56;
	v32 =	vadd.f32 v51, v44;
	v51 =	vld [tilespmem:$0x1F9F0];
	v34 =	vadd.f32 v34, v36  }
0x4d7: {  	v2 =	vmul.f32 v31, v2;
	v31 =	vmul.f32 v37, v37  }
0x4d8: {  	v1 =	vadd.f32 v1, v47;
	v36 =	vmul.f32 v33, v33;
	v34 =	vadd.f32 v34, v43  }
0x4d9: {  	v45 =	vld [tilespmem:s23+$0x4630]  }
0x4da: {  	v31 =	vadd.f32 v36, v31;
	v36 =	vmul.f32 v34, v34;
	v16 =	vadd.f32 v1, v16;
	v1 =	vld [tilespmem:$0x1FA20]  }
0x4db: {  	v44 =	vld [tilespmem:s23+$0xC6F0];
	v38 =	vmul.f32 v0, v38;
	v14 =	vmul.f32 v14, v51;
	v39 =	vadd.f32 v33, v37  }
0x4dc: {  	v51 =	vmul.f32 v32, v32;
	v47 =	vld [tilespmem:s23+$0x4640];
	v61 =	vadd.f32 v32, v34;
	v31 =	vadd.f32 v36, v31  }
0x4dd: {  	v7 =	vmul.f32 v13, v7;
	v43 =	vld [tilespmem:s23+$0xC700]  }
0x4de: {  	v38 =	vmul.f32 v38, v0;
	v39 =	vadd.f32 v61, v39;
	v61 =	vld [tilespmem:$0x1FA00];
	v13 =	vadd.f32 v51, v31  }
0x4df: {  	v51 =	vmul.f32 v10, v8;
	v10 =	vadd.f32 v35, v57;
	v30 =	vadd.f32 v12, v1;
	v12 =	vld [tilespmem:$0x1FA30];
	_ =	sdelay $0x1  }
0x4e0: {  	v38 =	vsub.f32 $1.500000000e+00, v38;
	[tilespmem:s20+$0x14750] =	vst v10;
	v10 =	vld [tilespmem:$0x1FA40]  }
0x4e1: {  	v1 =	vadd.f32 v45, v44  }
0x4e2: {  	v0 =	vmul.f32 v38, v0  }
0x4e3: {  	(xrf2) =	vadd.scan.msk.f32 $0xffff, v39;
	v15 =	vmul.f32 v15, v61;
	v31 =	vadd.f32 v1, v12;
	v1 =	vadd.f32 v47, v43  }
0x4e4: {  	(xrf2) =	vadd.scan.msk.f32 $0xffff, v13;
	v61 =	vimm.s32 $0x0;
	v8 =	vmul.f32 v16, v16;
	v12 =	vmul.f32 v30, v30  }
0x4e5: {  	[tilespmem:$0x1FC00] =	vst v32;
	v32 =	vmul.f32 v9, v41;
	v9 =	vperm.xlane v0, v61;
	v61 =	vadd.f32 v1, v10  }
0x4e6: {  	v1 =	vadd.f32 v12, v8;
	v12 =	vadd.f32 v42, v60;
	v42 =	vld [tilespmem:$0x1FFA0];
	_ =	sdelay $0x1  }
0x4e7: {  	v8 =	vmul.f32 v31, v31  }
0x4e8: {  	[tilespmem:$0x1FAC0] =	vst v62;
	v44 =	vld [tilespmem:$0x1FFB0]  }
0x4e9: {  	v62 =	vimm.s32 $0x1;
	v13 =	vadd.f32 v30, v16;
	[tilespmem:$0x1FC30] =	vst v31;
	v1 =	vadd.f32 v8, v1  }
0x4ea: {  	v31 =	vadd.f32 v61, v31;
	[tilespmem:s20+$0x14760] =	vst v12;
	v12 =	vadd.f32 v24, v42  }
0x4eb: {  	[tilespmem:$0x1FC10] =	vst v16;
	v8 =	vmul.f32 v61, v61  }
0x4ec: {  	s26 =	sor.u32 $0x6, s8;
	v16 =	vperm.xlane v0, v62;
	v62, _, _ =	vpop (xrf2);
	v13 =	vadd.f32 v31, v13;
	[tilespmem:s20+$0x14770] =	vst v12  }
0x4ed: {  	v31 =	vadd.f32 v8, v1;
	v1, _, _ =	vpop (xrf2);
	v12 =	vadd.f32 v17, v44;
	[tilespmem:s26+$0x18650] =	vst.msk vm0, v62  }
0x4ee: {  	[tilespmem:s26+$0x18760] =	vst.msk vm0, v1  }
0x4ef: {  	v2 =	vadd.f32 v2, v57;
	v36 =	vmul.f32 v9, v63;
	v39 =	vld [tilespmem:s23+$0xC840];
	[tilespmem:s20+$0x14780] =	vst v12  }
0x4f0: {  	v45 =	vimm.s32 $0x3;
	[tilespmem:$0x1FC20] =	vst v30;
	v30 =	vperm.xlane v0, v58;
	v12 =	vadd.f32 v14, v60;
	v14 =	vld [tilespmem:s23+$0x4780]  }
0x4f1: {  	v38 =	vmul.f32 v9, v49;
	v0 =	vperm.xlane v0, v45;
	[tilespmem:$0x1FC40] =	vst v61;
	v61 =	vld [tilespmem:s23+$0xC830]  }
0x4f2: {  	v10 =	vmul.f32 v9, v55;
	v58 =	vmul.f32 v30, v49;
	[tilespmem:s20+$0x14790] =	vst v2;
	v2 =	vld [tilespmem:$0x1FA50]  }
0x4f3: {  	v41 =	vmul.f32 v0, v63;
	(xrf2) =	vadd.scan.msk.f32 $0xffff, v31;
	v31 =	vmul.f32 v16, v49  }
0x4f4: {  	v15 =	vadd.f32 v15, v42;
	v49 =	vmul.f32 v0, v49;
	(xrf2) =	vadd.scan.msk.f32 $0xffff, v13;
	v13 =	vmul.f32 v0, v55  }
0x4f5: {  	v17 =	vmul.f32 v0, v53;
	v0 =	vadd.f32 v3, v44;
	v3 =	vmul.f32 v36, v19;
	v36 =	vmovc v18;
	v18 =	vld [tilespmem:$0x1FA60]  }
0x4f6: {  	v35 =	vmul.f32 v30, v63;
	v8 =	vmul.f32 v9, v53;
	v62 =	vld [tilespmem:s23+$0xC810];
	[tilespmem:s20+$0x147A0] =	vst v12  }
0x4f7: {  	v7 =	vadd.f32 v7, v57;
	v9 =	vmul.f32 v16, v55;
	v2 =	vmul.f32 v10, v2;
	v10 =	vld [tilespmem:s23+$0x4750];
	[tilespmem:s20+$0x147B0] =	vst v15  }
0x4f8: {  	v24 =	vmul.f32 v16, v63;
	v16 =	vmul.f32 v16, v53;
	v15 =	vld [tilespmem:s23+$0xC820];
	[tilespmem:s20+$0x147C0] =	vst v0  }
0x4f9: {  	v8 =	vmul.f32 v8, v23;
	v12 =	vmul.f32 v38, v59;
	v19 =	vld [tilespmem:s23+$0x4760];
	[tilespmem:s20+$0x147D0] =	vst v7  }
0x4fa: {  	v1 =	vmul.f32 v30, v55;
	v55 =	vmovc v42;
	v3 =	vadd.f32 v3, v60;
	v0 =	vmul.f32 v16, v5;
	v5 =	vld [tilespmem:s23+$0x4770]  }
0x4fb: {  	v30 =	vmul.f32 v30, v53;
	v9 =	vmul.f32 v9, v18;
	v7 =	vadd.f32 v12, v55  }
0x4fc: {  	v11 =	vmul.f32 v11, v40;
	v8 =	vadd.f32 v8, v44;
	[tilespmem:s20+$0x14660] =	vst v3;
	v3 =	vmul.f32 v58, v25  }
0x4fd: {  	v58 =	vmul.f32 v30, v22;
	v12 =	vperm.xlane v6, v45;
	[tilespmem:s20+$0x14670] =	vst v7;
	v7 =	vadd.f32 v9, v57  }
0x4fe: {  	v18 =	vmul.f32 v24, v26;
	v59 =	vmul.f32 v13, v21;
	v2 =	vadd.f32 v2, v57  }
0x4ff: {  	v25 =	vld [tilespmem:$0x1FA90];
	v6 =	vmul.f32 v12, v46;
	[tilespmem:s20+$0x14690] =	vst v7;
	v7 =	vmul.f32 v12, v56;
	v5 =	vadd.f32 v5, v61  }
0x500: {  	s9 =	sadd.s32 $0x2, s9;
	v30 =	vld [tilespmem:$0x1FAA0];
	v9 =	vmul.f32 v12, v29;
	v10 =	vadd.f32 v10, v62;
	v13 =	vadd.f32 v19, v15  }
0x501: {  	p0 =	slt.u32 s9, $0x3E;
	[tilespmem:s20+$0x14680] =	vst v8;
	v16, _, _ =	vpop (xrf2);
	v15 =	vmul.f32 v12, v48;
	v12 =	vadd.f32 v14, v39;
	v14 =	vadd.f32 v5, v7;
	v5 =	vld [tilespmem:$0x1FAC0]  }
.Ltmp2:
0x502: {  	v11 =	vadd.f32 v11, v60;
	v26 =	vld [tilespmem:$0x1FA70];
	v8 =	vadd.f32 v18, v60;
	v18, _, _ =	vpop (xrf2);
	[tilespmem:s20+$0x14650] =	vst v2;
	(pc) =	sbr.rel @p0 .LBB2_7-.Ltmp2, $4  }
0x503: {  	v63 =	vimm.s32 $0x1;
	v2 =	vmul.f32 v1, v27;
	v27 =	vld [tilespmem:$0x1FA80];
	[tilespmem:s24+$0x18652] =	vst.msk vm0, v18;
	v44 =	vadd.f32 v10, v6  }
0x504: {  	v4 =	vmul.f32 v31, v4;
	v1 =	vmul.f32 v35, v20;
	v18 =	vld [tilespmem:$0x1FAB0];
	[tilespmem:s24+$0x18762] =	vst.msk vm0, v16;
	v45 =	vadd.f32 v13, v15  }
0x505: {  	v61 =	vmul.f32 v41, v54;
	v6 =	vld [tilespmem:s23+$0xC710];
	v54 =	vadd.f32 v12, v9;
	[tilespmem:s20+$0x146A0] =	vst v8;
	v8 =	vmul.f32 v44, v44  }
0x506: {  	s11 =	sadd.s32 $0x800, s11;
	[tilespmem:s20+$0x147E0] =	vst v11;
	v7 =	vld [tilespmem:s23+$0x4650];
	v9 =	vmul.f32 v45, v45;
	v16 =	vmul.f32 v49, v5;
	v5 =	vadd.f32 v4, v55  }
0x507: {  	v47 =	vld [tilespmem:s23+$0xC720]  }
0x508: {  	v42 =	vmul.f32 v14, v14;
	v48 =	vld [tilespmem:s23+$0x4660];
	v4 =	vadd.f32 v9, v8  }
0x509: {  	v43 =	vadd.f32 v45, v44;
	v10 =	vadd.f32 v54, v14;
	v49 =	vld [tilespmem:s23+$0xC730]  }
0x50a: {  	v46 =	vmul.f32 v54, v54;
	v53 =	vld [tilespmem:s23+$0x4670];
	v4 =	vadd.f32 v42, v4  }
0x50b: {  	v11 =	vld [tilespmem:s23+$0xC740];
	v9 =	vadd.f32 v10, v43  }
0x50c: {  	v55 =	vld [tilespmem:s23+$0x4680];
	v4 =	vadd.f32 v46, v4  }
0x50d: {  	(xrf2) =	vadd.scan.msk.f32 $0xffff, v9  }
0x50e: {  	v6 =	vadd.f32 v7, v6;
	(xrf2) =	vadd.scan.msk.f32 $0xffff, v4;
	v4 =	vadd.f32 v48, v47  }
0x50f: {  	v60 =	vadd.f32 v53, v49  }
0x510: {  	v6 =	vadd.f32 v6, v25;
	v4 =	vadd.f32 v4, v26  }
0x511: {  	v7 =	vadd.f32 v55, v11  }
0x512: {  	v8 =	vadd.f32 v60, v27;
	v62 =	vmul.f32 v6, v6;
	v20 =	vmul.f32 v4, v4;
	_ =	sdelay $0x1  }
0x513: {  	v7 =	vadd.f32 v7, v30;
	v21 =	vmul.f32 v8, v8;
	v9 =	vadd.f32 v20, v62;
	_ =	sdelay $0x1  }
0x514: {  	v22 =	vmul.f32 v7, v7;
	v9 =	vadd.f32 v21, v9  }
0x515: {  	v13 =	vadd.f32 v4, v6;
	v62 =	vmov v14;
	v14 =	vadd.f32 v7, v8  }
0x516: {  	v9 =	vadd.f32 v22, v9  }
0x517: {  	s4 =	sor.u32 $0x7, s8;
	v56, _, _ =	vpop (xrf2);
	v23 =	vadd.f32 v14, v13  }
0x518: {  	[tilespmem:s4+$0x18650] =	vst.msk vm0, v56;
	v57, _, _ =	vpop (xrf2);
	(xrf2) =	vadd.scan.msk.f32 $0xffff, v9  }
0x519: {  	[tilespmem:s4+$0x18760] =	vst.msk vm0, v57;
	(xrf2) =	vadd.scan.msk.f32 $0xffff, v23  }
0x51a: {  	v19 =	vld [tilespmem:s24+$0x18654];
	_ =	sdelay $0x1  }
0x51b: {  	v12 =	vld [tilespmem:s24+$0x18764];
	_ =	sdelay $0x2  }
0x51c: {  	v10 =	vmul.f32 $1.562500000e-02, v19;
	_ =	sdelay $0x1  }
0x51d: {  	v12 =	vmul.f32 $1.562500000e-02, v12;
	v15 =	vmul.f32 v10, v10  }
0x51e: {  	v13, _, _ =	vpop (xrf2)  }
0x51f: {  	v12 =	vsub.f32 v12, v15;
	v14, _, _ =	vpop (xrf2)  }
0x520: {  	[tilespmem:s24+$0x18653] =	vst.msk vm0, v14  }
0x521: {  	v24 =	vadd.f32 $9.999999960e-13, v12;
	[tilespmem:s24+$0x18763] =	vst.msk vm0, v13  }
0x522: {  	v60 =	vld [tilespmem:$0x1FFB0]  }
0x523: {  	v25 =	vshra.s32 v24, $0x1;
	v9 =	vmul.f32 $5.000000000e-01, v24;
	v27 =	vld [tilespmem:s24+$0x18650]  }
0x524: {  	v11 =	vsub.s32 $0x5F3759DF, v25;
	v13 =	vld [tilespmem:$0x1FBE0]  }
0x525: {  	v43 =	vld [tilespmem:$0x1FF80];
	v12 =	vmul.f32 v11, v9  }
0x526: {  	v38 =	vld [tilespmem:s24+$0x18760]  }
0x527: {  	v39 =	vld [tilespmem:$0x1FBF0];
	v12 =	vmul.f32 v11, v12  }
0x528: {  	v21 =	vld [tilespmem:$0x1FAE0]  }
0x529: {  	v23 =	vld [tilespmem:$0x1FAD0];
	v12 =	vsub.f32 $1.500000000e+00, v12  }
0x52a: {  	v55 =	vimm.s32 $0x0;
	v24 =	vld [tilespmem:$0x1FAF0]  }
0x52b: {  	v20 =	vmul.f32 v28, v50;
	v28 =	vimm.s32 $0x2;
	v40 =	vld [tilespmem:$0x1FB00];
	v11 =	vmul.f32 v11, v12  }
0x52c: {  	v35 =	vperm.xlane v10, v55;
	v48 =	vld [tilespmem:$0x1FF90];
	v13 =	vmul.f32 v17, v13;
	v14 =	vadd.f32 v2, v43  }
0x52d: {  	v56 =	vld [tilespmem:$0x1FFA0];
	v17 =	vmul.f32 v18, v39;
	v18 =	vadd.f32 v58, v60;
	v26 =	vmul.f32 v11, v9  }
0x52e: {  	v22 =	vperm.xlane v10, v63;
	v41 =	vld [tilespmem:$0x1FB60];
	v21 =	vsub.f32 v21, v35;
	v23 =	vsub.f32 v23, v35  }
0x52f: {  	v47 =	vld [tilespmem:$0x1FB50];
	v24 =	vsub.f32 v24, v35;
	v12 =	vadd.f32 v0, v60;
	v0 =	vmul.f32 v26, v11  }
0x530: {  	v29 =	vld [tilespmem:$0x1FB70];
	v25 =	vsub.f32 v40, v35;
	v42 =	vmul.f32 $1.562500000e-02, v38;
	v9 =	vmul.f32 $1.562500000e-02, v27  }
0x531: {  	v53 =	vld [tilespmem:$0x1FF70];
	v58 =	vimm.s32 $0x3;
	v35 =	vmul.f32 v36, v52;
	v0 =	vsub.f32 $1.500000000e+00, v0  }
0x532: {  	v50 =	vld [tilespmem:$0x1FB80];
	v15 =	vadd.f32 v1, v48;
	v57 =	vperm.xlane v10, v58;
	v46 =	vmul.f32 v9, v9  }
0x533: {  	v19 =	vadd.f32 v59, v43;
	v52 =	vld [tilespmem:$0x1FC00];
	v10 =	vperm.xlane v10, v28;
	v11 =	vmul.f32 v0, v11  }
0x534: {  	v49 =	vsub.f32 v54, v57;
	v54 =	vld [tilespmem:$0x1FB10];
	v1 =	vsub.f32 v42, v46  }
0x535: {  	v37 =	vsub.f32 v37, v10;
	v27 =	vsub.f32 v47, v22;
	v47 =	vld [tilespmem:$0x1FF40];
	v0 =	vperm.xlane v11, v58  }
0x536: {  	v26 =	vsub.f32 v41, v22;
	v41 =	vld [tilespmem:$0x1FB20];
	v1 =	vadd.f32 $9.999999960e-13, v1  }
0x537: {  	v33 =	vsub.f32 v33, v10;
	v2 =	vsub.f32 v34, v10;
	v42 =	vld [tilespmem:$0x1FB30];
	v31 =	vmul.f32 v0, v53  }
0x538: {  	v38 =	vperm.xlane v9, v55;
	v46 =	vld [tilespmem:$0x1FB40];
	v39 =	vshra.s32 v1, $0x1;
	v40 =	vmul.f32 $5.000000000e-01, v1  }
0x539: {  	v30 =	vperm.xlane v11, v55;
	v34 =	vsub.s32 $0x5F3759DF, v39;
	v31 =	vmul.f32 v31, v49;
	v49 =	vld [tilespmem:$0x1FF50];
	[tilespmem:s20+$0x146B0] =	vst v5  }
0x53a: {  	v1 =	vsub.f32 v52, v10;
	v10 =	vsub.f32 v54, v38;
	v59 =	vmul.f32 v34, v40;
	v54 =	vld [tilespmem:$0x1FB90]  }
0x53b: {  	v29 =	vsub.f32 v29, v22;
	[tilespmem:s20+$0x146C0] =	vst v12  }
0x53c: {  	v22 =	vsub.f32 v50, v22;
	v36 =	vmul.f32 v30, v47;
	v50 =	vmul.f32 v34, v59;
	v59 =	vld [tilespmem:$0x1FBA0];
	[tilespmem:s20+$0x146D0] =	vst v14  }
0x53d: {  	v39 =	vperm.xlane v9, v63;
	v14 =	vld [tilespmem:$0x1FBB0]  }
0x53e: {  	v5 =	vmul.f32 v36, v21;
	v21 =	vadd.f32 v61, v48;
	v61 =	vsub.f32 $1.500000000e+00, v50;
	v50 =	vld [tilespmem:$0x1FF60]  }
0x53f: {  	v36 =	vsub.f32 v54, v39;
	v54 =	vld [tilespmem:$0x1FBC0]  }
0x540: {  	v3 =	vadd.f32 v3, v56  }
0x541: {  	v51 =	vadd.f32 v51, v60;
	v13 =	vadd.f32 v13, v60;
	v52 =	vmul.f32 v30, v49;
	[tilespmem:s20+$0x146E0] =	vst v15  }
0x542: {  	v15 =	vadd.f32 v16, v56;
	v16 =	vmul.f32 v34, v61;
	v61 =	vperm.xlane v9, v28;
	[tilespmem:s20+$0x146F0] =	vst v3  }
0x543: {  	[tilespmem:s20+$0x14700] =	vst v18;
	v9 =	vperm.xlane v9, v58;
	v12 =	vmul.f32 v52, v23;
	v23 =	vsub.f32 v59, v39  }
0x544: {  	v14 =	vsub.f32 v14, v39;
	v59 =	vmul.f32 v30, v50;
	v39 =	vsub.f32 v54, v39;
	v54 =	vld [tilespmem:$0x1FC10];
	[tilespmem:s20+$0x14710] =	vst v19  }
0x545: {  	v41 =	vsub.f32 v41, v38;
	v42 =	vsub.f32 v42, v38;
	v40 =	vmul.f32 v16, v40;
	v19 =	vld [tilespmem:$0x1FC20]  }
0x546: {  	v38 =	vsub.f32 v46, v38;
	v6 =	vsub.f32 v6, v9;
	v3 =	vmul.f32 v59, v24;
	v59 =	vld [tilespmem:$0x1FC30];
	[tilespmem:s20+$0x14720] =	vst v21  }
0x547: {  	v4 =	vsub.f32 v4, v9;
	v8 =	vsub.f32 v8, v9;
	v40 =	vmul.f32 v40, v16;
	v21 =	vld [tilespmem:$0x1FC40]  }
0x548: {  	v7 =	vsub.f32 v7, v9;
	v24 =	vadd.f32 v32, v56;
	[tilespmem:s20+$0x14730] =	vst v15;
	v15 =	vmul.f32 v30, v53  }
0x549: {  	v30 =	vsub.f32 $1.500000000e+00, v40;
	v40 =	vadd.f32 v20, v48  }
0x54a: {  	v9 =	vmul.f32 v15, v25;
	v15 =	vadd.f32 v17, v43;
	v34 =	vsub.f32 v54, v61  }
0x54b: {  	[tilespmem:s20+$0x14740] =	vst v13;
	v16 =	vmul.f32 v30, v16;
	v19 =	vsub.f32 v19, v61;
	v46 =	vsub.f32 v59, v61  }
0x54c: {  	[tilespmem:s20+$0x14810] =	vst v15;
	v15 =	vadd.f32 v35, v56;
	v21 =	vsub.f32 v21, v61;
	v61 =	vperm.xlane v11, v63  }
0x54d: {  	[tilespmem:s20+$0x147F0] =	vst v24;
	v20 =	vsub.f32 v44, v57;
	v24 =	vsub.f32 v45, v57;
	v11 =	vperm.xlane v11, v28  }
0x54e: {  	[tilespmem:s20+$0x14830] =	vst v15;
	v15 =	vsub.f32 v62, v57;
	v57 =	vperm.xlane v16, v55;
	v13 =	vmul.f32 v61, v47  }
0x54f: {  	v12 =	vadd.f32 v12, v48;
	v52 =	vmul.f32 v61, v49;
	v54 =	vmul.f32 v61, v50  }
0x550: {  	v5 =	vadd.f32 v5, v43;
	[tilespmem:s20+$0x14800] =	vst v51;
	v59 =	vmul.f32 v61, v53;
	v61 =	vmul.f32 v11, v47  }
0x551: {  	v3 =	vadd.f32 v3, v56;
	[tilespmem:s23+$0x14760] =	vst v12;
	v55 =	vmul.f32 v11, v53;
	v12 =	vmul.f32 v57, v47  }
0x552: {  	[tilespmem:s23+$0x14750] =	vst v5;
	v62 =	vmul.f32 v57, v49;
	v32 =	vmul.f32 v57, v50  }
0x553: {  	v51 =	vadd.f32 v31, v60;
	[tilespmem:s23+$0x14770] =	vst v3;
	v18 =	vmul.f32 v57, v53;
	v13 =	vmul.f32 v13, v26  }
0x554: {  	[tilespmem:s20+$0x14820] =	vst v40;
	v9 =	vadd.f32 v9, v60;
	v57 =	vmul.f32 v0, v47;
	v17 =	vmul.f32 v52, v27  }
0x555: {  	[tilespmem:s23+$0x14840] =	vst v51;
	v25 =	vmul.f32 v54, v29;
	v22 =	vmul.f32 v59, v22;
	v13 =	vadd.f32 v13, v43  }
0x556: {  	[tilespmem:s23+$0x14780] =	vst v9;
	v5 =	vmul.f32 v61, v37;
	v37 =	vperm.xlane v16, v28;
	v27 =	vadd.f32 v17, v48  }
0x557: {  	v54 =	vmul.f32 v11, v50;
	v1 =	vmul.f32 v55, v1;
	v22 =	vadd.f32 v22, v60;
	[tilespmem:s23+$0x14790] =	vst v13  }
0x558: {  	v26 =	vmul.f32 v12, v10;
	v12 =	vperm.xlane v16, v63;
	v5 =	vadd.f32 v5, v43;
	[tilespmem:s23+$0x147A0] =	vst v27  }
0x559: {  	v3 =	vmul.f32 v62, v41;
	v18 =	vmul.f32 v18, v38;
	v1 =	vadd.f32 v1, v60;
	[tilespmem:s23+$0x147C0] =	vst v22  }
0x55a: {  	v16 =	vperm.xlane v16, v58;
	v58 =	vmul.f32 v0, v49;
	v9 =	vadd.f32 v26, v43;
	[tilespmem:s23+$0x147D0] =	vst v5  }
0x55b: {  	v0 =	vmul.f32 v0, v50;
	v17 =	vmul.f32 v32, v42;
	v3 =	vadd.f32 v3, v48;
	[tilespmem:s23+$0x14800] =	vst v1  }
0x55c: {  	v41 =	vmul.f32 v37, v49;
	v42 =	vmul.f32 v37, v53;
	v18 =	vadd.f32 v18, v60;
	[tilespmem:s23+$0x14650] =	vst v9  }
0x55d: {  	v2 =	vmul.f32 v54, v2;
	v35 =	vmul.f32 v12, v47;
	v13 =	vadd.f32 v25, v56;
	[tilespmem:s23+$0x14660] =	vst v3  }
0x55e: {  	v38 =	vmul.f32 v12, v50;
	v0 =	vmul.f32 v0, v15;
	v17 =	vadd.f32 v17, v56;
	[tilespmem:s23+$0x14680] =	vst v18  }
0x55f: {  	v2 =	vadd.f32 v2, v56;
	v10 =	vmul.f32 v35, v36;
	[tilespmem:s23+$0x147B0] =	vst v13;
	v13 =	vmul.f32 v12, v49  }
0x560: {  	v52 =	vmul.f32 v16, v53;
	v3 =	vmul.f32 v38, v14;
	v0 =	vadd.f32 v0, v56;
	[tilespmem:s23+$0x14670] =	vst v17  }
0x561: {  	v36 =	vmul.f32 v11, v49;
	[tilespmem:s23+$0x147F0] =	vst v2;
	v10 =	vadd.f32 v10, v43;
	v13 =	vmul.f32 v13, v23  }
0x562: {  	v7 =	vmul.f32 v52, v7;
	v12 =	vmul.f32 v12, v53;
	v3 =	vadd.f32 v3, v56;
	[tilespmem:s23+$0x14830] =	vst v0  }
0x563: {  	v45 =	vmul.f32 v16, v47;
	v5 =	vmul.f32 v36, v33;
	[tilespmem:s23+$0x14690] =	vst v10;
	v13 =	vadd.f32 v13, v48  }
0x564: {  	v51 =	vmul.f32 v16, v50;
	v59 =	vadd.f32 v7, v60;
	v12 =	vmul.f32 v12, v39;
	[tilespmem:s23+$0x146B0] =	vst v3  }
0x565: {  	v5 =	vadd.f32 v5, v48;
	v10 =	vmul.f32 v41, v19;
	[tilespmem:s23+$0x146A0] =	vst v13;
	v13 =	vmul.f32 v37, v50  }
0x566: {  	v3 =	vmul.f32 v45, v6;
	v6 =	vmul.f32 v51, v8;
	[tilespmem:s23+$0x14740] =	vst v59;
	v44 =	vadd.f32 v12, v60  }
0x567: {  	[tilespmem:s23+$0x147E0] =	vst v5;
	v10 =	vadd.f32 v10, v48;
	v12 =	vmul.f32 v13, v46;
	v46 =	vmul.f32 v16, v49  }
0x568: {  	v40 =	vmul.f32 v37, v47;
	v5 =	vmul.f32 v42, v21;
	v3 =	vadd.f32 v3, v43;
	[tilespmem:s23+$0x146C0] =	vst v44  }
0x569: {  	v6 =	vadd.f32 v6, v56;
	[tilespmem:s23+$0x146E0] =	vst v10;
	v4 =	vmul.f32 v46, v4  }
0x56a: {  	v14 =	vmul.f32 v40, v34;
	v5 =	vadd.f32 v5, v60;
	[tilespmem:s23+$0x14710] =	vst v3  }
0x56b: {  	v3 =	vmul.f32 v57, v20;
	[tilespmem:s23+$0x14730] =	vst v6;
	v4 =	vadd.f32 v4, v48  }
0x56c: {  	v13 =	vadd.f32 v14, v43;
	[tilespmem:s23+$0x14700] =	vst v5  }
0x56d: {  	v61 =	vadd.f32 v3, v43;
	[tilespmem:s23+$0x14720] =	vst v4;
	v4 =	vmul.f32 v58, v24  }
0x56e: {  	[tilespmem:s23+$0x146D0] =	vst v13;
	v12 =	vadd.f32 v12, v56  }
0x56f: {  	s19 =	sadd.s32 $0x1, s19;
	[tilespmem:s23+$0x14810] =	vst v61;
	v62 =	vadd.f32 v4, v48  }
0x570: {  	p0 =	sne.s32 s19, $0x20;
	[tilespmem:s23+$0x146F0] =	vst v12  }
.Ltmp3:
0x571: {  	[tilespmem:s23+$0x14820] =	vst v62;
	(pc) =	sbr.rel @p0 .LBB2_4-.Ltmp3, $4  }
0x572: {  	v42 =	vld [tilespmem:$0x1FFC0]  }
0x573: {  	s26 =	sshll.u32 s21, $0xB;
	v40 =	vld [tilespmem:$0x1FFD0]  }
0x574: {  	s4 =	sadd.s32 s26, s13;
	v41 =	vld [tilespmem:$0x1FFE0]  }
0x575: {  	v31 =	vimm.s32 $0x3;
	v13 =	vimm.s32 $0x2;
	[hbm4b:s4+s5] =	stream.linear.scatter [tilespmem:s3], [sflag:$0x4], $0x4000, $0x38;
	v59 =	vld [tilespmem:$0x1FFF0]  }
0x576: {  	s4 =	simm.s32 $0x3  }
0x577: {  	_ =	swait.ge [sflag:s4], $0x4000  }
0x578: {  	[sflag:s4] =	ssyncset.done $0x0  }
0x579: {  	s8 =	simm.s32 $0x4;
	[sflag:s4] =	ssyncadd.s32 $0xFFFFC000  }
0x57a: {  	_ =	swait.ge [sflag:s8], $0x4000  }
0x57b: {  	s9 =	rddreg [dreg:$0xc]  }
0x57c: {  	s26 =	rddreg [dreg:$0xb];
	s9 =	sadd.s32 $0x1, s9  }
0x57d: {  	p0 =	sne.s32 s9, s26  }
.Ltmp4:
0x57e: {  	_ = 	snop;
	(pc) =	sbr.rel @p0 .LBB2_1-.Ltmp4, $3  }
0x57f: {  	_ =	sdelay $0x1  }
0x580: {  	[sflag:s8] =	ssyncset.done $0x0  }
0x581: {  	[sflag:s8] =	ssyncadd.s32 $0xFFFFC000  }
0x582: {  	_ =	sfence.sel $0x180000  }
0x583: {  	[bflag:$0x0] =	sbarrier.arrive $0xFFFF  }
0x584: {  	_ =	strace $0x90000047  }
0x585: {  	s0 =	stileid.u32;
	[bflag:$0x2] =	sbarrier.arrive $0xFFFF  }
0x586: {  	p0 =	sne.s32 s0, $0x0;
	s0 =	rddreg [dreg:$0x6]  }
0x587: {  	s0 =	sadd.s32 @!p0 $0x100000, s0  }
0x588: {  	[sflag:s0] =	ssyncadd.tile.s32 @!p0 $0x1;
	_ =	shalt  }
.Lfunc_end2:
_tile_overlayer_lowered:
.L_overlay_start_2:
0x589: {  	(tag) =	ssettag $0x2  }
0x58a: {  	s0 =	rddreg [dreg:$0x0];
	s2 =	stileid.u32  }
0x58b: {  	s1 =	rddreg [dreg:$0x1];
	p0 =	sne.s32 s2, $0x0  }
0x58c: {  	s3 =	rddreg [dreg:$0x2];
	[bflag:$0x3] =	sbarrier.arrive $0xFFFF;
	s2 =	simm.s32 @!p0 $0x1C05  }
0x58d: {  	[timem:s3], [sflag:s2] =	dma.local @!p0 [hbm:s0], s1  }
0x58e: {  	s0 =	simm.s32 @!p0 $0x5  }
0x58f: {  	_ =	swait.ge @!p0 [sflag:s0], s1  }
0x590: {  	s1 =	ssub.s32 @!p0 $0x0, s1;
	[sflag:s0] =	ssyncset.done @!p0 $0x0  }
0x591: {  	[sflag:s0] =	ssyncadd.s32 @!p0 s1  }
0x592: {  	[bflag:$0x3] =	sbarrier.arrive $0xFFFF  }
0x593: {  	_ =	shalt  }

</sc_bundles>
